<compile_context>
chip_gen: v7x
topology: tpu7x:2x2x1
jax: 0.10.2.dev20260603
libtpu: 0.0.44.dev20260713+nightly
codegen_flags: <defaults>
</compile_context>

<pallas_src>
import jax
import jax.numpy as jnp
from jax import lax
from jax.experimental import pallas as pl
from jax.experimental.pallas import tpu as pltpu
from jax.experimental.pallas import tpu_sc as plsc

_NC = 2
_NS = 16
_NW = _NC * _NS

_CHUNK = 16
_LANES = 16


def _make_gather(bs, n_spans, seq_len, dim):
    spans_per_w = (bs * n_spans) // _NW
    n_chunks = spans_per_w // _CHUNK
    workers_per_batch = _NW // bs
    nbuf = 2
    mesh = plsc.VectorSubcoreMesh(core_axis_name="c", subcore_axis_name="s")

    def body(x_hbm, idx_hbm, out_hbm, idx_v, bufs, gsems, ssems):
        wid = lax.axis_index("s") * _NC + lax.axis_index("c")
        b = wid // workers_per_batch
        span0 = (wid % workers_per_batch) * spans_per_w
        offset = b * seq_len

        pltpu.sync_copy(idx_hbm.at[wid], idx_v)
        for r in range(n_chunks):
            for k in range(2):
                idx_v[r, k, :] = idx_v[r, k, :] + offset

        def gather(c):
            buf = bufs.at[c % nbuf]
            sem = gsems.at[c % nbuf]
            gb = pltpu.async_copy(
                x_hbm.at[idx_v.at[c, 0]], buf.at[:, pl.ds(0, dim)], sem)
            ge = pltpu.async_copy(
                x_hbm.at[idx_v.at[c, 1]], buf.at[:, pl.ds(dim, dim)], sem)
            return gb, ge

        def scatter(c):
            return pltpu.async_copy(
                bufs.at[c % nbuf],
                out_hbm.at[b, pl.ds(span0 + c * _CHUNK, _CHUNK)],
                ssems.at[c % nbuf])

        g = gather(0)
        scat = [None] * n_chunks
        for c in range(n_chunks):
            g_next = None
            if c + 1 < n_chunks:
                if c + 1 >= nbuf:
                    scat[c + 1 - nbuf].wait()
                g_next = gather(c + 1)
            g[0].wait()
            g[1].wait()
            scat[c] = scatter(c)
            g = g_next
        for c in range(max(0, n_chunks - nbuf), n_chunks):
            scat[c].wait()

    return pl.kernel(
        body,
        out_type=jax.ShapeDtypeStruct((bs, n_spans, 2 * dim), jnp.float32),
        mesh=mesh,
        scratch_types=[
            pltpu.VMEM((n_chunks, 2, _CHUNK), jnp.int32),
            pltpu.VMEM((nbuf, _CHUNK, 2 * dim), jnp.float32),
            pltpu.SemaphoreType.DMA((nbuf,)),
            pltpu.SemaphoreType.DMA((nbuf,)),
        ],
    )


def kernel(x, span_indices, W_width):
    bs, seq_len, dim = x.shape
    n_spans = span_indices.shape[1]
    spans_per_w = (bs * n_spans) // _NW
    n_chunks = spans_per_w // _CHUNK

    x_flat = x.reshape(bs * seq_len, dim)
    idx = span_indices.astype(jnp.int32).reshape(
        _NW, n_chunks, _CHUNK, 2).transpose(0, 1, 3, 2)

    out = _make_gather(bs, n_spans, seq_len, dim)(x_flat, idx)
    return out

# --- scband reference (transcript-rebuilt; emitter-appended) ---
"""Pipeline reference for scband-span-representation-32487132627583 (READ-ONLY COPY).

The authoritative reference and input builder live on the scoring server;
editing this copy changes nothing except your own understanding.
"""

import jax, jax.numpy as jnp
import numpy as np

BS, SEQ, DIM = 4, 2048, 1024
N_SPANS = 2048
WIDTH_BINS = 12  # len([0,1,2,3,4,5,7,8,9,10,11,12])
WIDTH_DIM = 64


def setup_inputs(seed: int = 0) -> dict:
    key = jax.random.key(seed)
    k1, k2, k3 = jax.random.split(key, 3)
    x = jax.random.normal(k1, (BS, SEQ, DIM), dtype=jnp.float32)
    # sorted along last axis so begin <= end (valid spans, widths >= 0)
    span_indices = jnp.sort(jax.random.randint(k2, (BS, N_SPANS, 2), 0, SEQ), axis=-1)
    W_width = jax.random.normal(k3, (WIDTH_BINS, WIDTH_DIM), dtype=jnp.float32) * 0.02
    return {"x": x, "span_indices": span_indices, "W_width": W_width}


def reference(x, span_indices, W_width):
    bs, seq_len, x_dim = x.shape
    begin_indices = span_indices[:, :, 0]
    end_indices = span_indices[:, :, 1]
    # torch.gather(x, dim=1, index=idx.unsqueeze(-1).repeat(1,1,x_dim))
    begin_idx = jnp.broadcast_to(begin_indices[:, :, None], (bs, begin_indices.shape[1], x_dim))
    end_idx = jnp.broadcast_to(end_indices[:, :, None], (bs, end_indices.shape[1], x_dim))
    begin_states = jnp.take_along_axis(x, begin_idx, axis=1)
    end_states = jnp.take_along_axis(x, end_idx, axis=1)
    widths = end_indices - begin_indices
    widths = jnp.where(widths > 10, 11, widths)
    width_emb = jnp.take(W_width, widths, axis=0)  # computed in original forward, not returned
    x_spans = jnp.concatenate([begin_states, end_states], axis=-1)
    return x_spans

if __name__ == "__main__":
    import jax
    _d = setup_inputs()
    print(jax.jit(kernel)(*tuple(_d.values())))

</pallas_src>

<mosaic_0001>
#map = affine_map<(d0, d1) -> (0, 0)>
#map1 = affine_map<(d0, d1) -> (0, 0, 0, 0)>
#map2 = affine_map<(d0, d1) -> (0, 0, 0)>
module attributes {stable_mosaic.version = 14 : i64} {
  func.func @body(%arg0: i32, %arg1: i32, %arg2: memref<8192x1024xf32, #tpu.memory_space<hbm>>, %arg3: memref<32x16x2x16xi32, #tpu.memory_space<hbm>>, %arg4: memref<4x2048x2048xf32, #tpu.memory_space<hbm>>, %arg5: memref<16x2x16xi32, #tpu.memory_space<vmem>>, %arg6: memref<2x16x2048xf32, #tpu.memory_space<vmem>>, %arg7: memref<2x!tpu.dma_semaphore, #tpu.memory_space<semaphore_mem>>, %arg8: memref<2x!tpu.dma_semaphore, #tpu.memory_space<semaphore_mem>>) attributes {dimension_semantics = [#tpu.dimension_semantics<core_parallel>, #tpu.dimension_semantics<subcore_parallel>], iteration_bounds = array<i64: 2, 16>, scalar_prefetch = 0 : i64, scratch_operands = 4 : i64, tpu.core_type = #tpu.core_type<sc_vector_subcore>, window_params = [{transform_indices = #map}, {transform_indices = #map1}, {transform_indices = #map2}]} {
    %mul3A = arith.constant 2 : i32
    %mul3A_0 = arith.muli %arg1, %mul3A : i32
    %add3A = arith.addi %mul3A_0, %arg0 : i32
    %jit3A = arith.constant 8 : i32
    %div3A = arith.divsi %add3A, %jit3A : i32
    %sign3A = arith.constant 0 : i32
    %sign3A_1 = arith.cmpi sgt, %add3A, %sign3A : i32
    %sign3A_2 = arith.extui %sign3A_1 : i1 to i32
    %sign3A_3 = arith.constant 0 : i32
    %sign3A_4 = arith.cmpi slt, %add3A, %sign3A_3 : i32
    %sign3A_5 = arith.extui %sign3A_4 : i1 to i32
    %sign3A_6 = arith.subi %sign3A_2, %sign3A_5 : i32
    %sign3A_7 = arith.constant 0 : i32
    %sign3A_8 = arith.cmpi sgt, %jit3A, %sign3A_7 : i32
    %sign3A_9 = arith.extui %sign3A_8 : i1 to i32
    %sign3A_10 = arith.constant 0 : i32
    %sign3A_11 = arith.cmpi slt, %jit3A, %sign3A_10 : i32
    %sign3A_12 = arith.extui %sign3A_11 : i1 to i32
    %sign3A_13 = arith.subi %sign3A_9, %sign3A_12 : i32
    %ne3A = arith.cmpi ne, %sign3A_6, %sign3A_13 : i32
    %rem3A = arith.remsi %add3A, %jit3A : i32
    %ne3A_14 = arith.constant 0 : i32
    %ne3A_15 = arith.cmpi ne, %rem3A, %ne3A_14 : i32
    %and3A = arith.andi %ne3A, %ne3A_15 : i1
    %sub3A = arith.constant 1 : i32
    %sub3A_16 = arith.subi %div3A, %sub3A : i32
    %select_n3A = arith.select %and3A, %sub3A_16, %div3A : i32
    %jit3A_17 = arith.constant 8 : i32
    %eq3A = arith.constant 0 : i32
    %eq3A_18 = arith.cmpi eq, %jit3A_17, %eq3A : i32
    %jit3A_19 = arith.constant 1 : i32
    %select_n3A_20 = arith.select %eq3A_18, %jit3A_19, %jit3A_17 : i32
    %rem3A_21 = arith.remsi %add3A, %select_n3A_20 : i32
    %ne3A_22 = arith.constant 0 : i32
    %ne3A_23 = arith.cmpi ne, %rem3A_21, %ne3A_22 : i32
    %lt3A = arith.constant 0 : i32
    %lt3A_24 = arith.cmpi slt, %rem3A_21, %lt3A : i32
    %lt3A_25 = arith.constant 0 : i32
    %lt3A_26 = arith.cmpi slt, %select_n3A_20, %lt3A_25 : i32
    %ne3A_27 = arith.xori %lt3A_24, %lt3A_26 : i1
    %and3A_28 = arith.andi %ne3A_27, %ne3A_23 : i1
    %add3A_29 = arith.addi %rem3A_21, %select_n3A_20 : i32
    %select_n3A_30 = arith.select %and3A_28, %add3A_29, %rem3A_21 : i32
    %mul3A_31 = arith.constant 256 : i32
    %mul3A_32 = arith.muli %select_n3A_30, %mul3A_31 : i32
    %mul3A_33 = arith.constant 2048 : i32
    %mul3A_34 = arith.muli %select_n3A, %mul3A_33 : i32
    "tpu.region"() ({
      %run_scoped3A = tpu.sem_alloc : memref<!tpu.dma_semaphore, #tpu.memory_space<semaphore_mem>>
      %dma_start3A_2399 = arith.constant 0 : i32
      %dma_start3A_2400 = arith.constant 0 : i32
      %dma_start3A_2401 = arith.constant 0 : i32
      %dma_start3A_2402 = tpu.memref_slice %arg3[%add3A, %dma_start3A_2399, %dma_start3A_2400, %dma_start3A_2401] : memref<32x16x2x16xi32, #tpu.memory_space<hbm>> -> memref<1x16x2x16xi32, #tpu.memory_space<hbm>>
      %dma_start3A_2403 = tpu.memref_squeeze %dma_start3A_2402 : memref<1x16x2x16xi32, #tpu.memory_space<hbm>> -> memref<16x2x16xi32, #tpu.memory_space<hbm>>
      %dma_start3A_2404 = arith.constant 0 : i32
      %dma_start3A_2405 = arith.constant 0 : i32
      %dma_start3A_2406 = arith.constant 0 : i32
      %dma_start3A_2407 = tpu.memref_slice %arg3[%add3A, %dma_start3A_2404, %dma_start3A_2405, %dma_start3A_2406] : memref<32x16x2x16xi32, #tpu.memory_space<hbm>> -> memref<1x16x2x16xi32, #tpu.memory_space<hbm>>
      %dma_start3A_2408 = tpu.memref_squeeze %dma_start3A_2407 : memref<1x16x2x16xi32, #tpu.memory_space<hbm>> -> memref<16x2x16xi32, #tpu.memory_space<hbm>>
      tpu.enqueue_dma source(%dma_start3A_2408 : memref<16x2x16xi32, #tpu.memory_space<hbm>>) target(%arg5 : memref<16x2x16xi32, #tpu.memory_space<vmem>>) target_semaphore(%run_scoped3A : memref<!tpu.dma_semaphore, #tpu.memory_space<semaphore_mem>>)
      %dma_wait3A_2409 = arith.constant 0 : i32
      %dma_wait3A_2410 = arith.constant 0 : i32
      %dma_wait3A_2411 = arith.constant 0 : i32
      %dma_wait3A_2412 = tpu.memref_slice %arg3[%add3A, %dma_wait3A_2409, %dma_wait3A_2410, %dma_wait3A_2411] : memref<32x16x2x16xi32, #tpu.memory_space<hbm>> -> memref<1x16x2x16xi32, #tpu.memory_space<hbm>>
      %dma_wait3A_2413 = tpu.memref_squeeze %dma_wait3A_2412 : memref<1x16x2x16xi32, #tpu.memory_space<hbm>> -> memref<16x2x16xi32, #tpu.memory_space<hbm>>
      %dma_wait3A_2414 = arith.constant 0 : i32
      %dma_wait3A_2415 = arith.constant 0 : i32
      %dma_wait3A_2416 = arith.constant 0 : i32
      %dma_wait3A_2417 = tpu.memref_slice %arg3[%add3A, %dma_wait3A_2414, %dma_wait3A_2415, %dma_wait3A_2416] : memref<32x16x2x16xi32, #tpu.memory_space<hbm>> -> memref<1x16x2x16xi32, #tpu.memory_space<hbm>>
      %dma_wait3A_2418 = tpu.memref_squeeze %dma_wait3A_2417 : memref<1x16x2x16xi32, #tpu.memory_space<hbm>> -> memref<16x2x16xi32, #tpu.memory_space<hbm>>
      tpu.wait_dma2 semaphore(%run_scoped3A : memref<!tpu.dma_semaphore, #tpu.memory_space<semaphore_mem>>) src(%dma_wait3A_2418 : memref<16x2x16xi32, #tpu.memory_space<hbm>>) dst(%arg5 : memref<16x2x16xi32, #tpu.memory_space<vmem>>)
      tpu.yield
    }) : () -> ()
    %get3A = arith.constant 0 : i32
    %get3A_35 = arith.constant 0 : i32
    %get3A_36 = arith.index_cast %get3A : i32 to index
    %get3A_37 = arith.index_cast %get3A_35 : i32 to index
    %get3A_38 = arith.constant 0 : index
    %get3A_39 = tpu.vector_load %arg5[%get3A_36, %get3A_37, %get3A_38] {strides = array<i32>} : memref<16x2x16xi32, #tpu.memory_space<vmem>>, vector<1x1x16xi32>,
    %get3A_40 = vector.shape_cast %get3A_39 : vector<1x1x16xi32> to vector<16xi32>
    %add3A_41 = vector.broadcast %mul3A_34 : i32 to vector<16xi32>
    %add3A_42 = arith.addi %get3A_40, %add3A_41 : vector<16xi32>
    %swap3A = arith.constant 0 : i32
    %swap3A_43 = arith.constant 0 : i32
    %swap3A_44 = arith.index_cast %swap3A : i32 to index
    %swap3A_45 = arith.index_cast %swap3A_43 : i32 to index
    %swap3A_46 = arith.constant 0 : index
    %swap3A_47 = tpu.vector_load %arg5[%swap3A_44, %swap3A_45, %swap3A_46] {strides = array<i32>} : memref<16x2x16xi32, #tpu.memory_space<vmem>>, vector<1x1x16xi32>,
    %swap3A_48 = vector.shape_cast %swap3A_47 : vector<1x1x16xi32> to vector<16xi32>
    %swap3A_49 = vector.shape_cast %add3A_42 : vector<16xi32> to vector<1x1x16xi32>
    tpu.vector_store %arg5[%swap3A_44, %swap3A_45, %swap3A_46], %swap3A_49 {strides = array<i32>} : memref<16x2x16xi32, #tpu.memory_space<vmem>>, vector<1x1x16xi32>,
    %get3A_50 = arith.constant 0 : i32
    %get3A_51 = arith.constant 1 : i32
    %get3A_52 = arith.index_cast %get3A_50 : i32 to index
    %get3A_53 = arith.index_cast %get3A_51 : i32 to index
    %get3A_54 = arith.constant 0 : index
    %get3A_55 = tpu.vector_load %arg5[%get3A_52, %get3A_53, %get3A_54] {strides = array<i32>} : memref<16x2x16xi32, #tpu.memory_space<vmem>>, vector<1x1x16xi32>,
    %get3A_56 = vector.shape_cast %get3A_55 : vector<1x1x16xi32> to vector<16xi32>
    %add3A_57 = vector.broadcast %mul3A_34 : i32 to vector<16xi32>
    %add3A_58 = arith.addi %get3A_56, %add3A_57 : vector<16xi32>
    %swap3A_59 = arith.constant 0 : i32
    %swap3A_60 = arith.constant 1 : i32
    %swap3A_61 = arith.index_cast %swap3A_59 : i32 to index
    %swap3A_62 = arith.index_cast %swap3A_60 : i32 to index
    %swap3A_63 = arith.constant 0 : index
    %swap3A_64 = tpu.vector_load %arg5[%swap3A_61, %swap3A_62, %swap3A_63] {strides = array<i32>} : memref<16x2x16xi32, #tpu.memory_space<vmem>>, vector<1x1x16xi32>,
    %swap3A_65 = vector.shape_cast %swap3A_64 : vector<1x1x16xi32> to vector<16xi32>
    %swap3A_66 = vector.shape_cast %add3A_58 : vector<16xi32> to vector<1x1x16xi32>
    tpu.vector_store %arg5[%swap3A_61, %swap3A_62, %swap3A_63], %swap3A_66 {strides = array<i32>} : memref<16x2x16xi32, #tpu.memory_space<vmem>>, vector<1x1x16xi32>,
    %get3A_67 = arith.constant 1 : i32
    %get3A_68 = arith.constant 0 : i32
    %get3A_69 = arith.index_cast %get3A_67 : i32 to index
    %get3A_70 = arith.index_cast %get3A_68 : i32 to index
    %get3A_71 = arith.constant 0 : index
    %get3A_72 = tpu.vector_load %arg5[%get3A_69, %get3A_70, %get3A_71] {strides = array<i32>} : memref<16x2x16xi32, #tpu.memory_space<vmem>>, vector<1x1x16xi32>,
    %get3A_73 = vector.shape_cast %get3A_72 : vector<1x1x16xi32> to vector<16xi32>
    %add3A_74 = vector.broadcast %mul3A_34 : i32 to vector<16xi32>
    %add3A_75 = arith.addi %get3A_73, %add3A_74 : vector<16xi32>
    %swap3A_76 = arith.constant 1 : i32
    %swap3A_77 = arith.constant 0 : i32
    %swap3A_78 = arith.index_cast %swap3A_76 : i32 to index
    %swap3A_79 = arith.index_cast %swap3A_77 : i32 to index
    %swap3A_80 = arith.constant 0 : index
    %swap3A_81 = tpu.vector_load %arg5[%swap3A_78, %swap3A_79, %swap3A_80] {strides = array<i32>} : memref<16x2x16xi32, #tpu.memory_space<vmem>>, vector<1x1x16xi32>,
    %swap3A_82 = vector.shape_cast %swap3A_81 : vector<1x1x16xi32> to vector<16xi32>
    %swap3A_83 = vector.shape_cast %add3A_75 : vector<16xi32> to vector<1x1x16xi32>
    tpu.vector_store %arg5[%swap3A_78, %swap3A_79, %swap3A_80], %swap3A_83 {strides = array<i32>} : memref<16x2x16xi32, #tpu.memory_space<vmem>>, vector<1x1x16xi32>,
    %get3A_84 = arith.constant 1 : i32
    %get3A_85 = arith.constant 1 : i32
    %get3A_86 = arith.index_cast %get3A_84 : i32 to index
    %get3A_87 = arith.index_cast %get3A_85 : i32 to index
    %get3A_88 = arith.constant 0 : index
    %get3A_89 = tpu.vector_load %arg5[%get3A_86, %get3A_87, %get3A_88] {strides = array<i32>} : memref<16x2x16xi32, #tpu.memory_space<vmem>>, vector<1x1x16xi32>,
    %get3A_90 = vector.shape_cast %get3A_89 : vector<1x1x16xi32> to vector<16xi32>
    %add3A_91 = vector.broadcast %mul3A_34 : i32 to vector<16xi32>
    %add3A_92 = arith.addi %get3A_90, %add3A_91 : vector<16xi32>
    %swap3A_93 = arith.constant 1 : i32
    %swap3A_94 = arith.constant 1 : i32
    %swap3A_95 = arith.index_cast %swap3A_93 : i32 to index
    %swap3A_96 = arith.index_cast %swap3A_94 : i32 to index
    %swap3A_97 = arith.constant 0 : index
    %swap3A_98 = tpu.vector_load %arg5[%swap3A_95, %swap3A_96, %swap3A_97] {strides = array<i32>} : memref<16x2x16xi32, #tpu.memory_space<vmem>>, vector<1x1x16xi32>,
    %swap3A_99 = vector.shape_cast %swap3A_98 : vector<1x1x16xi32> to vector<16xi32>
    %swap3A_100 = vector.shape_cast %add3A_92 : vector<16xi32> to vector<1x1x16xi32>
    tpu.vector_store %arg5[%swap3A_95, %swap3A_96, %swap3A_97], %swap3A_100 {strides = array<i32>} : memref<16x2x16xi32, #tpu.memory_space<vmem>>, vector<1x1x16xi32>,
    %get3A_101 = arith.constant 2 : i32
    %get3A_102 = arith.constant 0 : i32
    %get3A_103 = arith.index_cast %get3A_101 : i32 to index
    %get3A_104 = arith.index_cast %get3A_102 : i32 to index
    %get3A_105 = arith.constant 0 : index
    %get3A_106 = tpu.vector_load %arg5[%get3A_103, %get3A_104, %get3A_105] {strides = array<i32>} : memref<16x2x16xi32, #tpu.memory_space<vmem>>, vector<1x1x16xi32>,
    %get3A_107 = vector.shape_cast %get3A_106 : vector<1x1x16xi32> to vector<16xi32>
    %add3A_108 = vector.broadcast %mul3A_34 : i32 to vector<16xi32>
    %add3A_109 = arith.addi %get3A_107, %add3A_108 : vector<16xi32>
    %swap3A_110 = arith.constant 2 : i32
    %swap3A_111 = arith.constant 0 : i32
    %swap3A_112 = arith.index_cast %swap3A_110 : i32 to index
    %swap3A_113 = arith.index_cast %swap3A_111 : i32 to index
    %swap3A_114 = arith.constant 0 : index
    %swap3A_115 = tpu.vector_load %arg5[%swap3A_112, %swap3A_113, %swap3A_114] {strides = array<i32>} : memref<16x2x16xi32, #tpu.memory_space<vmem>>, vector<1x1x16xi32>,
    %swap3A_116 = vector.shape_cast %swap3A_115 : vector<1x1x16xi32> to vector<16xi32>
    %swap3A_117 = vector.shape_cast %add3A_109 : vector<16xi32> to vector<1x1x16xi32>
    tpu.vector_store %arg5[%swap3A_112, %swap3A_113, %swap3A_114], %swap3A_117 {strides = array<i32>} : memref<16x2x16xi32, #tpu.memory_space<vmem>>, vector<1x1x16xi32>,
    %get3A_118 = arith.constant 2 : i32
    %get3A_119 = arith.constant 1 : i32
    %get3A_120 = arith.index_cast %get3A_118 : i32 to index
    %get3A_121 = arith.index_cast %get3A_119 : i32 to index
    %get3A_122 = arith.constant 0 : index
    %get3A_123 = tpu.vector_load %arg5[%get3A_120, %get3A_121, %get3A_122] {strides = array<i32>} : memref<16x2x16xi32, #tpu.memory_space<vmem>>, vector<1x1x16xi32>,
    %get3A_124 = vector.shape_cast %get3A_123 : vector<1x1x16xi32> to vector<16xi32>
    %add3A_125 = vector.broadcast %mul3A_34 : i32 to vector<16xi32>
    %add3A_126 = arith.addi %get3A_124, %add3A_125 : vector<16xi32>
    %swap3A_127 = arith.constant 2 : i32
    %swap3A_128 = arith.constant 1 : i32
    %swap3A_129 = arith.index_cast %swap3A_127 : i32 to index
    %swap3A_130 = arith.index_cast %swap3A_128 : i32 to index
    %swap3A_131 = arith.constant 0 : index
    %swap3A_132 = tpu.vector_load %arg5[%swap3A_129, %swap3A_130, %swap3A_131] {strides = array<i32>} : memref<16x2x16xi32, #tpu.memory_space<vmem>>, vector<1x1x16xi32>,
    %swap3A_133 = vector.shape_cast %swap3A_132 : vector<1x1x16xi32> to vector<16xi32>
    %swap3A_134 = vector.shape_cast %add3A_126 : vector<16xi32> to vector<1x1x16xi32>
    tpu.vector_store %arg5[%swap3A_129, %swap3A_130, %swap3A_131], %swap3A_134 {strides = array<i32>} : memref<16x2x16xi32, #tpu.memory_space<vmem>>, vector<1x1x16xi32>,
    %get3A_135 = arith.constant 3 : i32
    %get3A_136 = arith.constant 0 : i32
    %get3A_137 = arith.index_cast %get3A_135 : i32 to index
    %get3A_138 = arith.index_cast %get3A_136 : i32 to index
    %get3A_139 = arith.constant 0 : index
    %get3A_140 = tpu.vector_load %arg5[%get3A_137, %get3A_138, %get3A_139] {strides = array<i32>} : memref<16x2x16xi32, #tpu.memory_space<vmem>>, vector<1x1x16xi32>,
    %get3A_141 = vector.shape_cast %get3A_140 : vector<1x1x16xi32> to vector<16xi32>
    %add3A_142 = vector.broadcast %mul3A_34 : i32 to vector<16xi32>
    %add3A_143 = arith.addi %get3A_141, %add3A_142 : vector<16xi32>
    %swap3A_144 = arith.constant 3 : i32
    %swap3A_145 = arith.constant 0 : i32
    %swap3A_146 = arith.index_cast %swap3A_144 : i32 to index
    %swap3A_147 = arith.index_cast %swap3A_145 : i32 to index
    %swap3A_148 = arith.constant 0 : index
    %swap3A_149 = tpu.vector_load %arg5[%swap3A_146, %swap3A_147, %swap3A_148] {strides = array<i32>} : memref<16x2x16xi32, #tpu.memory_space<vmem>>, vector<1x1x16xi32>,
    %swap3A_150 = vector.shape_cast %swap3A_149 : vector<1x1x16xi32> to vector<16xi32>
    %swap3A_151 = vector.shape_cast %add3A_143 : vector<16xi32> to vector<1x1x16xi32>
    tpu.vector_store %arg5[%swap3A_146, %swap3A_147, %swap3A_148], %swap3A_151 {strides = array<i32>} : memref<16x2x16xi32, #tpu.memory_space<vmem>>, vector<1x1x16xi32>,
    %get3A_152 = arith.constant 3 : i32
    %get3A_153 = arith.constant 1 : i32
    %get3A_154 = arith.index_cast %get3A_152 : i32 to index
    %get3A_155 = arith.index_cast %get3A_153 : i32 to index
    %get3A_156 = arith.constant 0 : index
    %get3A_157 = tpu.vector_load %arg5[%get3A_154, %get3A_155, %get3A_156] {strides = array<i32>} : memref<16x2x16xi32, #tpu.memory_space<vmem>>, vector<1x1x16xi32>,
    %get3A_158 = vector.shape_cast %get3A_157 : vector<1x1x16xi32> to vector<16xi32>
    %add3A_159 = vector.broadcast %mul3A_34 : i32 to vector<16xi32>
    %add3A_160 = arith.addi %get3A_158, %add3A_159 : vector<16xi32>
    %swap3A_161 = arith.constant 3 : i32
    %swap3A_162 = arith.constant 1 : i32
    %swap3A_163 = arith.index_cast %swap3A_161 : i32 to index
    %swap3A_164 = arith.index_cast %swap3A_162 : i32 to index
    %swap3A_165 = arith.constant 0 : index
    %swap3A_166 = tpu.vector_load %arg5[%swap3A_163, %swap3A_164, %swap3A_165] {strides = array<i32>} : memref<16x2x16xi32, #tpu.memory_space<vmem>>, vector<1x1x16xi32>,
    %swap3A_167 = vector.shape_cast %swap3A_166 : vector<1x1x16xi32> to vector<16xi32>
    %swap3A_168 = vector.shape_cast %add3A_160 : vector<16xi32> to vector<1x1x16xi32>
    tpu.vector_store %arg5[%swap3A_163, %swap3A_164, %swap3A_165], %swap3A_168 {strides = array<i32>} : memref<16x2x16xi32, #tpu.memory_space<vmem>>, vector<1x1x16xi32>,
    %get3A_169 = arith.constant 4 : i32
    %get3A_170 = arith.constant 0 : i32
    %get3A_171 = arith.index_cast %get3A_169 : i32 to index
    %get3A_172 = arith.index_cast %get3A_170 : i32 to index
    %get3A_173 = arith.constant 0 : index
    %get3A_174 = tpu.vector_load %arg5[%get3A_171, %get3A_172, %get3A_173] {strides = array<i32>} : memref<16x2x16xi32, #tpu.memory_space<vmem>>, vector<1x1x16xi32>,
    %get3A_175 = vector.shape_cast %get3A_174 : vector<1x1x16xi32> to vector<16xi32>
    %add3A_176 = vector.broadcast %mul3A_34 : i32 to vector<16xi32>
    %add3A_177 = arith.addi %get3A_175, %add3A_176 : vector<16xi32>
    %swap3A_178 = arith.constant 4 : i32
    %swap3A_179 = arith.constant 0 : i32
    %swap3A_180 = arith.index_cast %swap3A_178 : i32 to index
    %swap3A_181 = arith.index_cast %swap3A_179 : i32 to index
    %swap3A_182 = arith.constant 0 : index
    %swap3A_183 = tpu.vector_load %arg5[%swap3A_180, %swap3A_181, %swap3A_182] {strides = array<i32>} : memref<16x2x16xi32, #tpu.memory_space<vmem>>, vector<1x1x16xi32>,
    %swap3A_184 = vector.shape_cast %swap3A_183 : vector<1x1x16xi32> to vector<16xi32>
    %swap3A_185 = vector.shape_cast %add3A_177 : vector<16xi32> to vector<1x1x16xi32>
    tpu.vector_store %arg5[%swap3A_180, %swap3A_181, %swap3A_182], %swap3A_185 {strides = array<i32>} : memref<16x2x16xi32, #tpu.memory_space<vmem>>, vector<1x1x16xi32>,
    %get3A_186 = arith.constant 4 : i32
    %get3A_187 = arith.constant 1 : i32
    %get3A_188 = arith.index_cast %get3A_186 : i32 to index
    %get3A_189 = arith.index_cast %get3A_187 : i32 to index
    %get3A_190 = arith.constant 0 : index
    %get3A_191 = tpu.vector_load %arg5[%get3A_188, %get3A_189, %get3A_190] {strides = array<i32>} : memref<16x2x16xi32, #tpu.memory_space<vmem>>, vector<1x1x16xi32>,
    %get3A_192 = vector.shape_cast %get3A_191 : vector<1x1x16xi32> to vector<16xi32>
    %add3A_193 = vector.broadcast %mul3A_34 : i32 to vector<16xi32>
    %add3A_194 = arith.addi %get3A_192, %add3A_193 : vector<16xi32>
    %swap3A_195 = arith.constant 4 : i32
    %swap3A_196 = arith.constant 1 : i32
    %swap3A_197 = arith.index_cast %swap3A_195 : i32 to index
    %swap3A_198 = arith.index_cast %swap3A_196 : i32 to index
    %swap3A_199 = arith.constant 0 : index
    %swap3A_200 = tpu.vector_load %arg5[%swap3A_197, %swap3A_198, %swap3A_199] {strides = array<i32>} : memref<16x2x16xi32, #tpu.memory_space<vmem>>, vector<1x1x16xi32>,
    %swap3A_201 = vector.shape_cast %swap3A_200 : vector<1x1x16xi32> to vector<16xi32>
    %swap3A_202 = vector.shape_cast %add3A_194 : vector<16xi32> to vector<1x1x16xi32>
    tpu.vector_store %arg5[%swap3A_197, %swap3A_198, %swap3A_199], %swap3A_202 {strides = array<i32>} : memref<16x2x16xi32, #tpu.memory_space<vmem>>, vector<1x1x16xi32>,
    %get3A_203 = arith.constant 5 : i32
    %get3A_204 = arith.constant 0 : i32
    %get3A_205 = arith.index_cast %get3A_203 : i32 to index
    %get3A_206 = arith.index_cast %get3A_204 : i32 to index
    %get3A_207 = arith.constant 0 : index
    %get3A_208 = tpu.vector_load %arg5[%get3A_205, %get3A_206, %get3A_207] {strides = array<i32>} : memref<16x2x16xi32, #tpu.memory_space<vmem>>, vector<1x1x16xi32>,
    %get3A_209 = vector.shape_cast %get3A_208 : vector<1x1x16xi32> to vector<16xi32>
    %add3A_210 = vector.broadcast %mul3A_34 : i32 to vector<16xi32>
    %add3A_211 = arith.addi %get3A_209, %add3A_210 : vector<16xi32>
    %swap3A_212 = arith.constant 5 : i32
    %swap3A_213 = arith.constant 0 : i32
    %swap3A_214 = arith.index_cast %swap3A_212 : i32 to index
    %swap3A_215 = arith.index_cast %swap3A_213 : i32 to index
    %swap3A_216 = arith.constant 0 : index
    %swap3A_217 = tpu.vector_load %arg5[%swap3A_214, %swap3A_215, %swap3A_216] {strides = array<i32>} : memref<16x2x16xi32, #tpu.memory_space<vmem>>, vector<1x1x16xi32>,
    %swap3A_218 = vector.shape_cast %swap3A_217 : vector<1x1x16xi32> to vector<16xi32>
    %swap3A_219 = vector.shape_cast %add3A_211 : vector<16xi32> to vector<1x1x16xi32>
    tpu.vector_store %arg5[%swap3A_214, %swap3A_215, %swap3A_216], %swap3A_219 {strides = array<i32>} : memref<16x2x16xi32, #tpu.memory_space<vmem>>, vector<1x1x16xi32>,
    %get3A_220 = arith.constant 5 : i32
    %get3A_221 = arith.constant 1 : i32
    %get3A_222 = arith.index_cast %get3A_220 : i32 to index
    %get3A_223 = arith.index_cast %get3A_221 : i32 to index
    %get3A_224 = arith.constant 0 : index
    %get3A_225 = tpu.vector_load %arg5[%get3A_222, %get3A_223, %get3A_224] {strides = array<i32>} : memref<16x2x16xi32, #tpu.memory_space<vmem>>, vector<1x1x16xi32>,
    %get3A_226 = vector.shape_cast %get3A_225 : vector<1x1x16xi32> to vector<16xi32>
    %add3A_227 = vector.broadcast %mul3A_34 : i32 to vector<16xi32>
    %add3A_228 = arith.addi %get3A_226, %add3A_227 : vector<16xi32>
    %swap3A_229 = arith.constant 5 : i32
    %swap3A_230 = arith.constant 1 : i32
    %swap3A_231 = arith.index_cast %swap3A_229 : i32 to index
    %swap3A_232 = arith.index_cast %swap3A_230 : i32 to index
    %swap3A_233 = arith.constant 0 : index
    %swap3A_234 = tpu.vector_load %arg5[%swap3A_231, %swap3A_232, %swap3A_233] {strides = array<i32>} : memref<16x2x16xi32, #tpu.memory_space<vmem>>, vector<1x1x16xi32>,
    %swap3A_235 = vector.shape_cast %swap3A_234 : vector<1x1x16xi32> to vector<16xi32>
    %swap3A_236 = vector.shape_cast %add3A_228 : vector<16xi32> to vector<1x1x16xi32>
    tpu.vector_store %arg5[%swap3A_231, %swap3A_232, %swap3A_233], %swap3A_236 {strides = array<i32>} : memref<16x2x16xi32, #tpu.memory_space<vmem>>, vector<1x1x16xi32>,
    %get3A_237 = arith.constant 6 : i32
    %get3A_238 = arith.constant 0 : i32
    %get3A_239 = arith.index_cast %get3A_237 : i32 to index
    %get3A_240 = arith.index_cast %get3A_238 : i32 to index
    %get3A_241 = arith.constant 0 : index
    %get3A_242 = tpu.vector_load %arg5[%get3A_239, %get3A_240, %get3A_241] {strides = array<i32>} : memref<16x2x16xi32, #tpu.memory_space<vmem>>, vector<1x1x16xi32>,
    %get3A_243 = vector.shape_cast %get3A_242 : vector<1x1x16xi32> to vector<16xi32>
    %add3A_244 = vector.broadcast %mul3A_34 : i32 to vector<16xi32>
    %add3A_245 = arith.addi %get3A_243, %add3A_244 : vector<16xi32>
    %swap3A_246 = arith.constant 6 : i32
    %swap3A_247 = arith.constant 0 : i32
    %swap3A_248 = arith.index_cast %swap3A_246 : i32 to index
    %swap3A_249 = arith.index_cast %swap3A_247 : i32 to index
    %swap3A_250 = arith.constant 0 : index
    %swap3A_251 = tpu.vector_load %arg5[%swap3A_248, %swap3A_249, %swap3A_250] {strides = array<i32>} : memref<16x2x16xi32, #tpu.memory_space<vmem>>, vector<1x1x16xi32>,
    %swap3A_252 = vector.shape_cast %swap3A_251 : vector<1x1x16xi32> to vector<16xi32>
    %swap3A_253 = vector.shape_cast %add3A_245 : vector<16xi32> to vector<1x1x16xi32>
    tpu.vector_store %arg5[%swap3A_248, %swap3A_249, %swap3A_250], %swap3A_253 {strides = array<i32>} : memref<16x2x16xi32, #tpu.memory_space<vmem>>, vector<1x1x16xi32>,
    %get3A_254 = arith.constant 6 : i32
    %get3A_255 = arith.constant 1 : i32
    %get3A_256 = arith.index_cast %get3A_254 : i32 to index
    %get3A_257 = arith.index_cast %get3A_255 : i32 to index
    %get3A_258 = arith.constant 0 : index
    %get3A_259 = tpu.vector_load %arg5[%get3A_256, %get3A_257, %get3A_258] {strides = array<i32>} : memref<16x2x16xi32, #tpu.memory_space<vmem>>, vector<1x1x16xi32>,
    %get3A_260 = vector.shape_cast %get3A_259 : vector<1x1x16xi32> to vector<16xi32>
    %add3A_261 = vector.broadcast %mul3A_34 : i32 to vector<16xi32>
    %add3A_262 = arith.addi %get3A_260, %add3A_261 : vector<16xi32>
    %swap3A_263 = arith.constant 6 : i32
    %swap3A_264 = arith.constant 1 : i32
    %swap3A_265 = arith.index_cast %swap3A_263 : i32 to index
    %swap3A_266 = arith.index_cast %swap3A_264 : i32 to index
    %swap3A_267 = arith.constant 0 : index
    %swap3A_268 = tpu.vector_load %arg5[%swap3A_265, %swap3A_266, %swap3A_267] {strides = array<i32>} : memref<16x2x16xi32, #tpu.memory_space<vmem>>, vector<1x1x16xi32>,
    %swap3A_269 = vector.shape_cast %swap3A_268 : vector<1x1x16xi32> to vector<16xi32>
    %swap3A_270 = vector.shape_cast %add3A_262 : vector<16xi32> to vector<1x1x16xi32>
    tpu.vector_store %arg5[%swap3A_265, %swap3A_266, %swap3A_267], %swap3A_270 {strides = array<i32>} : memref<16x2x16xi32, #tpu.memory_space<vmem>>, vector<1x1x16xi32>,
    %get3A_271 = arith.constant 7 : i32
    %get3A_272 = arith.constant 0 : i32
    %get3A_273 = arith.index_cast %get3A_271 : i32 to index
    %get3A_274 = arith.index_cast %get3A_272 : i32 to index
    %get3A_275 = arith.constant 0 : index
    %get3A_276 = tpu.vector_load %arg5[%get3A_273, %get3A_274, %get3A_275] {strides = array<i32>} : memref<16x2x16xi32, #tpu.memory_space<vmem>>, vector<1x1x16xi32>,
    %get3A_277 = vector.shape_cast %get3A_276 : vector<1x1x16xi32> to vector<16xi32>
    %add3A_278 = vector.broadcast %mul3A_34 : i32 to vector<16xi32>
    %add3A_279 = arith.addi %get3A_277, %add3A_278 : vector<16xi32>
    %swap3A_280 = arith.constant 7 : i32
    %swap3A_281 = arith.constant 0 : i32
    %swap3A_282 = arith.index_cast %swap3A_280 : i32 to index
    %swap3A_283 = arith.index_cast %swap3A_281 : i32 to index
    %swap3A_284 = arith.constant 0 : index
    %swap3A_285 = tpu.vector_load %arg5[%swap3A_282, %swap3A_283, %swap3A_284] {strides = array<i32>} : memref<16x2x16xi32, #tpu.memory_space<vmem>>, vector<1x1x16xi32>,
    %swap3A_286 = vector.shape_cast %swap3A_285 : vector<1x1x16xi32> to vector<16xi32>
    %swap3A_287 = vector.shape_cast %add3A_279 : vector<16xi32> to vector<1x1x16xi32>
    tpu.vector_store %arg5[%swap3A_282, %swap3A_283, %swap3A_284], %swap3A_287 {strides = array<i32>} : memref<16x2x16xi32, #tpu.memory_space<vmem>>, vector<1x1x16xi32>,
    %get3A_288 = arith.constant 7 : i32
    %get3A_289 = arith.constant 1 : i32
    %get3A_290 = arith.index_cast %get3A_288 : i32 to index
    %get3A_291 = arith.index_cast %get3A_289 : i32 to index
    %get3A_292 = arith.constant 0 : index
    %get3A_293 = tpu.vector_load %arg5[%get3A_290, %get3A_291, %get3A_292] {strides = array<i32>} : memref<16x2x16xi32, #tpu.memory_space<vmem>>, vector<1x1x16xi32>,
    %get3A_294 = vector.shape_cast %get3A_293 : vector<1x1x16xi32> to vector<16xi32>
    %add3A_295 = vector.broadcast %mul3A_34 : i32 to vector<16xi32>
    %add3A_296 = arith.addi %get3A_294, %add3A_295 : vector<16xi32>
    %swap3A_297 = arith.constant 7 : i32
    %swap3A_298 = arith.constant 1 : i32
    %swap3A_299 = arith.index_cast %swap3A_297 : i32 to index
    %swap3A_300 = arith.index_cast %swap3A_298 : i32 to index
    %swap3A_301 = arith.constant 0 : index
    %swap3A_302 = tpu.vector_load %arg5[%swap3A_299, %swap3A_300, %swap3A_301] {strides = array<i32>} : memref<16x2x16xi32, #tpu.memory_space<vmem>>, vector<1x1x16xi32>,
    %swap3A_303 = vector.shape_cast %swap3A_302 : vector<1x1x16xi32> to vector<16xi32>
    %swap3A_304 = vector.shape_cast %add3A_296 : vector<16xi32> to vector<1x1x16xi32>
    tpu.vector_store %arg5[%swap3A_299, %swap3A_300, %swap3A_301], %swap3A_304 {strides = array<i32>} : memref<16x2x16xi32, #tpu.memory_space<vmem>>, vector<1x1x16xi32>,
    %get3A_305 = arith.constant 8 : i32
    %get3A_306 = arith.constant 0 : i32
    %get3A_307 = arith.index_cast %get3A_305 : i32 to index
    %get3A_308 = arith.index_cast %get3A_306 : i32 to index
    %get3A_309 = arith.constant 0 : index
    %get3A_310 = tpu.vector_load %arg5[%get3A_307, %get3A_308, %get3A_309] {strides = array<i32>} : memref<16x2x16xi32, #tpu.memory_space<vmem>>, vector<1x1x16xi32>,
    %get3A_311 = vector.shape_cast %get3A_310 : vector<1x1x16xi32> to vector<16xi32>
    %add3A_312 = vector.broadcast %mul3A_34 : i32 to vector<16xi32>
    %add3A_313 = arith.addi %get3A_311, %add3A_312 : vector<16xi32>
    %swap3A_314 = arith.constant 8 : i32
    %swap3A_315 = arith.constant 0 : i32
    %swap3A_316 = arith.index_cast %swap3A_314 : i32 to index
    %swap3A_317 = arith.index_cast %swap3A_315 : i32 to index
    %swap3A_318 = arith.constant 0 : index
    %swap3A_319 = tpu.vector_load %arg5[%swap3A_316, %swap3A_317, %swap3A_318] {strides = array<i32>} : memref<16x2x16xi32, #tpu.memory_space<vmem>>, vector<1x1x16xi32>,
    %swap3A_320 = vector.shape_cast %swap3A_319 : vector<1x1x16xi32> to vector<16xi32>
    %swap3A_321 = vector.shape_cast %add3A_313 : vector<16xi32> to vector<1x1x16xi32>
    tpu.vector_store %arg5[%swap3A_316, %swap3A_317, %swap3A_318], %swap3A_321 {strides = array<i32>} : memref<16x2x16xi32, #tpu.memory_space<vmem>>, vector<1x1x16xi32>,
    %get3A_322 = arith.constant 8 : i32
    %get3A_323 = arith.constant 1 : i32
    %get3A_324 = arith.index_cast %get3A_322 : i32 to index
    %get3A_325 = arith.index_cast %get3A_323 : i32 to index
    %get3A_326 = arith.constant 0 : index
    %get3A_327 = tpu.vector_load %arg5[%get3A_324, %get3A_325, %get3A_326] {strides = array<i32>} : memref<16x2x16xi32, #tpu.memory_space<vmem>>, vector<1x1x16xi32>,
    %get3A_328 = vector.shape_cast %get3A_327 : vector<1x1x16xi32> to vector<16xi32>
    %add3A_329 = vector.broadcast %mul3A_34 : i32 to vector<16xi32>
    %add3A_330 = arith.addi %get3A_328, %add3A_329 : vector<16xi32>
    %swap3A_331 = arith.constant 8 : i32
    %swap3A_332 = arith.constant 1 : i32
    %swap3A_333 = arith.index_cast %swap3A_331 : i32 to index
    %swap3A_334 = arith.index_cast %swap3A_332 : i32 to index
    %swap3A_335 = arith.constant 0 : index
    %swap3A_336 = tpu.vector_load %arg5[%swap3A_333, %swap3A_334, %swap3A_335] {strides = array<i32>} : memref<16x2x16xi32, #tpu.memory_space<vmem>>, vector<1x1x16xi32>,
    %swap3A_337 = vector.shape_cast %swap3A_336 : vector<1x1x16xi32> to vector<16xi32>
    %swap3A_338 = vector.shape_cast %add3A_330 : vector<16xi32> to vector<1x1x16xi32>
    tpu.vector_store %arg5[%swap3A_333, %swap3A_334, %swap3A_335], %swap3A_338 {strides = array<i32>} : memref<16x2x16xi32, #tpu.memory_space<vmem>>, vector<1x1x16xi32>,
    %get3A_339 = arith.constant 9 : i32
    %get3A_340 = arith.constant 0 : i32
    %get3A_341 = arith.index_cast %get3A_339 : i32 to index
    %get3A_342 = arith.index_cast %get3A_340 : i32 to index
    %get3A_343 = arith.constant 0 : index
    %get3A_344 = tpu.vector_load %arg5[%get3A_341, %get3A_342, %get3A_343] {strides = array<i32>} : memref<16x2x16xi32, #tpu.memory_space<vmem>>, vector<1x1x16xi32>,
    %get3A_345 = vector.shape_cast %get3A_344 : vector<1x1x16xi32> to vector<16xi32>
    %add3A_346 = vector.broadcast %mul3A_34 : i32 to vector<16xi32>
    %add3A_347 = arith.addi %get3A_345, %add3A_346 : vector<16xi32>
    %swap3A_348 = arith.constant 9 : i32
    %swap3A_349 = arith.constant 0 : i32
    %swap3A_350 = arith.index_cast %swap3A_348 : i32 to index
    %swap3A_351 = arith.index_cast %swap3A_349 : i32 to index
    %swap3A_352 = arith.constant 0 : index
    %swap3A_353 = tpu.vector_load %arg5[%swap3A_350, %swap3A_351, %swap3A_352] {strides = array<i32>} : memref<16x2x16xi32, #tpu.memory_space<vmem>>, vector<1x1x16xi32>,
    %swap3A_354 = vector.shape_cast %swap3A_353 : vector<1x1x16xi32> to vector<16xi32>
    %swap3A_355 = vector.shape_cast %add3A_347 : vector<16xi32> to vector<1x1x16xi32>
    tpu.vector_store %arg5[%swap3A_350, %swap3A_351, %swap3A_352], %swap3A_355 {strides = array<i32>} : memref<16x2x16xi32, #tpu.memory_space<vmem>>, vector<1x1x16xi32>,
    %get3A_356 = arith.constant 9 : i32
    %get3A_357 = arith.constant 1 : i32
    %get3A_358 = arith.index_cast %get3A_356 : i32 to index
    %get3A_359 = arith.index_cast %get3A_357 : i32 to index
    %get3A_360 = arith.constant 0 : index
    %get3A_361 = tpu.vector_load %arg5[%get3A_358, %get3A_359, %get3A_360] {strides = array<i32>} : memref<16x2x16xi32, #tpu.memory_space<vmem>>, vector<1x1x16xi32>,
    %get3A_362 = vector.shape_cast %get3A_361 : vector<1x1x16xi32> to vector<16xi32>
    %add3A_363 = vector.broadcast %mul3A_34 : i32 to vector<16xi32>
    %add3A_364 = arith.addi %get3A_362, %add3A_363 : vector<16xi32>
    %swap3A_365 = arith.constant 9 : i32
    %swap3A_366 = arith.constant 1 : i32
    %swap3A_367 = arith.index_cast %swap3A_365 : i32 to index
    %swap3A_368 = arith.index_cast %swap3A_366 : i32 to index
    %swap3A_369 = arith.constant 0 : index
    %swap3A_370 = tpu.vector_load %arg5[%swap3A_367, %swap3A_368, %swap3A_369] {strides = array<i32>} : memref<16x2x16xi32, #tpu.memory_space<vmem>>, vector<1x1x16xi32>,
    %swap3A_371 = vector.shape_cast %swap3A_370 : vector<1x1x16xi32> to vector<16xi32>
    %swap3A_372 = vector.shape_cast %add3A_364 : vector<16xi32> to vector<1x1x16xi32>
    tpu.vector_store %arg5[%swap3A_367, %swap3A_368, %swap3A_369], %swap3A_372 {strides = array<i32>} : memref<16x2x16xi32, #tpu.memory_space<vmem>>, vector<1x1x16xi32>,
    %get3A_373 = arith.constant 10 : i32
    %get3A_374 = arith.constant 0 : i32
    %get3A_375 = arith.index_cast %get3A_373 : i32 to index
    %get3A_376 = arith.index_cast %get3A_374 : i32 to index
    %get3A_377 = arith.constant 0 : index
    %get3A_378 = tpu.vector_load %arg5[%get3A_375, %get3A_376, %get3A_377] {strides = array<i32>} : memref<16x2x16xi32, #tpu.memory_space<vmem>>, vector<1x1x16xi32>,
    %get3A_379 = vector.shape_cast %get3A_378 : vector<1x1x16xi32> to vector<16xi32>
    %add3A_380 = vector.broadcast %mul3A_34 : i32 to vector<16xi32>
    %add3A_381 = arith.addi %get3A_379, %add3A_380 : vector<16xi32>
    %swap3A_382 = arith.constant 10 : i32
    %swap3A_383 = arith.constant 0 : i32
    %swap3A_384 = arith.index_cast %swap3A_382 : i32 to index
    %swap3A_385 = arith.index_cast %swap3A_383 : i32 to index
    %swap3A_386 = arith.constant 0 : index
    %swap3A_387 = tpu.vector_load %arg5[%swap3A_384, %swap3A_385, %swap3A_386] {strides = array<i32>} : memref<16x2x16xi32, #tpu.memory_space<vmem>>, vector<1x1x16xi32>,
    %swap3A_388 = vector.shape_cast %swap3A_387 : vector<1x1x16xi32> to vector<16xi32>
    %swap3A_389 = vector.shape_cast %add3A_381 : vector<16xi32> to vector<1x1x16xi32>
    tpu.vector_store %arg5[%swap3A_384, %swap3A_385, %swap3A_386], %swap3A_389 {strides = array<i32>} : memref<16x2x16xi32, #tpu.memory_space<vmem>>, vector<1x1x16xi32>,
    %get3A_390 = arith.constant 10 : i32
    %get3A_391 = arith.constant 1 : i32
    %get3A_392 = arith.index_cast %get3A_390 : i32 to index
    %get3A_393 = arith.index_cast %get3A_391 : i32 to index
    %get3A_394 = arith.constant 0 : index
    %get3A_395 = tpu.vector_load %arg5[%get3A_392, %get3A_393, %get3A_394] {strides = array<i32>} : memref<16x2x16xi32, #tpu.memory_space<vmem>>, vector<1x1x16xi32>,
    %get3A_396 = vector.shape_cast %get3A_395 : vector<1x1x16xi32> to vector<16xi32>
    %add3A_397 = vector.broadcast %mul3A_34 : i32 to vector<16xi32>
    %add3A_398 = arith.addi %get3A_396, %add3A_397 : vector<16xi32>
    %swap3A_399 = arith.constant 10 : i32
    %swap3A_400 = arith.constant 1 : i32
    %swap3A_401 = arith.index_cast %swap3A_399 : i32 to index
    %swap3A_402 = arith.index_cast %swap3A_400 : i32 to index
    %swap3A_403 = arith.constant 0 : index
    %swap3A_404 = tpu.vector_load %arg5[%swap3A_401, %swap3A_402, %swap3A_403] {strides = array<i32>} : memref<16x2x16xi32, #tpu.memory_space<vmem>>, vector<1x1x16xi32>,
    %swap3A_405 = vector.shape_cast %swap3A_404 : vector<1x1x16xi32> to vector<16xi32>
    %swap3A_406 = vector.shape_cast %add3A_398 : vector<16xi32> to vector<1x1x16xi32>
    tpu.vector_store %arg5[%swap3A_401, %swap3A_402, %swap3A_403], %swap3A_406 {strides = array<i32>} : memref<16x2x16xi32, #tpu.memory_space<vmem>>, vector<1x1x16xi32>,
    %get3A_407 = arith.constant 11 : i32
    %get3A_408 = arith.constant 0 : i32
    %get3A_409 = arith.index_cast %get3A_407 : i32 to index
    %get3A_410 = arith.index_cast %get3A_408 : i32 to index
    %get3A_411 = arith.constant 0 : index
    %get3A_412 = tpu.vector_load %arg5[%get3A_409, %get3A_410, %get3A_411] {strides = array<i32>} : memref<16x2x16xi32, #tpu.memory_space<vmem>>, vector<1x1x16xi32>,
    %get3A_413 = vector.shape_cast %get3A_412 : vector<1x1x16xi32> to vector<16xi32>
    %add3A_414 = vector.broadcast %mul3A_34 : i32 to vector<16xi32>
    %add3A_415 = arith.addi %get3A_413, %add3A_414 : vector<16xi32>
    %swap3A_416 = arith.constant 11 : i32
    %swap3A_417 = arith.constant 0 : i32
    %swap3A_418 = arith.index_cast %swap3A_416 : i32 to index
    %swap3A_419 = arith.index_cast %swap3A_417 : i32 to index
    %swap3A_420 = arith.constant 0 : index
    %swap3A_421 = tpu.vector_load %arg5[%swap3A_418, %swap3A_419, %swap3A_420] {strides = array<i32>} : memref<16x2x16xi32, #tpu.memory_space<vmem>>, vector<1x1x16xi32>,
    %swap3A_422 = vector.shape_cast %swap3A_421 : vector<1x1x16xi32> to vector<16xi32>
    %swap3A_423 = vector.shape_cast %add3A_415 : vector<16xi32> to vector<1x1x16xi32>
    tpu.vector_store %arg5[%swap3A_418, %swap3A_419, %swap3A_420], %swap3A_423 {strides = array<i32>} : memref<16x2x16xi32, #tpu.memory_space<vmem>>, vector<1x1x16xi32>,
    %get3A_424 = arith.constant 11 : i32
    %get3A_425 = arith.constant 1 : i32
    %get3A_426 = arith.index_cast %get3A_424 : i32 to index
    %get3A_427 = arith.index_cast %get3A_425 : i32 to index
    %get3A_428 = arith.constant 0 : index
    %get3A_429 = tpu.vector_load %arg5[%get3A_426, %get3A_427, %get3A_428] {strides = array<i32>} : memref<16x2x16xi32, #tpu.memory_space<vmem>>, vector<1x1x16xi32>,
    %get3A_430 = vector.shape_cast %get3A_429 : vector<1x1x16xi32> to vector<16xi32>
    %add3A_431 = vector.broadcast %mul3A_34 : i32 to vector<16xi32>
    %add3A_432 = arith.addi %get3A_430, %add3A_431 : vector<16xi32>
    %swap3A_433 = arith.constant 11 : i32
    %swap3A_434 = arith.constant 1 : i32
    %swap3A_435 = arith.index_cast %swap3A_433 : i32 to index
    %swap3A_436 = arith.index_cast %swap3A_434 : i32 to index
    %swap3A_437 = arith.constant 0 : index
    %swap3A_438 = tpu.vector_load %arg5[%swap3A_435, %swap3A_436, %swap3A_437] {strides = array<i32>} : memref<16x2x16xi32, #tpu.memory_space<vmem>>, vector<1x1x16xi32>,
    %swap3A_439 = vector.shape_cast %swap3A_438 : vector<1x1x16xi32> to vector<16xi32>
    %swap3A_440 = vector.shape_cast %add3A_432 : vector<16xi32> to vector<1x1x16xi32>
    tpu.vector_store %arg5[%swap3A_435, %swap3A_436, %swap3A_437], %swap3A_440 {strides = array<i32>} : memref<16x2x16xi32, #tpu.memory_space<vmem>>, vector<1x1x16xi32>,
    %get3A_441 = arith.constant 12 : i32
    %get3A_442 = arith.constant 0 : i32
    %get3A_443 = arith.index_cast %get3A_441 : i32 to index
    %get3A_444 = arith.index_cast %get3A_442 : i32 to index
    %get3A_445 = arith.constant 0 : index
    %get3A_446 = tpu.vector_load %arg5[%get3A_443, %get3A_444, %get3A_445] {strides = array<i32>} : memref<16x2x16xi32, #tpu.memory_space<vmem>>, vector<1x1x16xi32>,
    %get3A_447 = vector.shape_cast %get3A_446 : vector<1x1x16xi32> to vector<16xi32>
    %add3A_448 = vector.broadcast %mul3A_34 : i32 to vector<16xi32>
    %add3A_449 = arith.addi %get3A_447, %add3A_448 : vector<16xi32>
    %swap3A_450 = arith.constant 12 : i32
    %swap3A_451 = arith.constant 0 : i32
    %swap3A_452 = arith.index_cast %swap3A_450 : i32 to index
    %swap3A_453 = arith.index_cast %swap3A_451 : i32 to index
    %swap3A_454 = arith.constant 0 : index
    %swap3A_455 = tpu.vector_load %arg5[%swap3A_452, %swap3A_453, %swap3A_454] {strides = array<i32>} : memref<16x2x16xi32, #tpu.memory_space<vmem>>, vector<1x1x16xi32>,
    %swap3A_456 = vector.shape_cast %swap3A_455 : vector<1x1x16xi32> to vector<16xi32>
    %swap3A_457 = vector.shape_cast %add3A_449 : vector<16xi32> to vector<1x1x16xi32>
    tpu.vector_store %arg5[%swap3A_452, %swap3A_453, %swap3A_454], %swap3A_457 {strides = array<i32>} : memref<16x2x16xi32, #tpu.memory_space<vmem>>, vector<1x1x16xi32>,
    %get3A_458 = arith.constant 12 : i32
    %get3A_459 = arith.constant 1 : i32
    %get3A_460 = arith.index_cast %get3A_458 : i32 to index
    %get3A_461 = arith.index_cast %get3A_459 : i32 to index
    %get3A_462 = arith.constant 0 : index
    %get3A_463 = tpu.vector_load %arg5[%get3A_460, %get3A_461, %get3A_462] {strides = array<i32>} : memref<16x2x16xi32, #tpu.memory_space<vmem>>, vector<1x1x16xi32>,
    %get3A_464 = vector.shape_cast %get3A_463 : vector<1x1x16xi32> to vector<16xi32>
    %add3A_465 = vector.broadcast %mul3A_34 : i32 to vector<16xi32>
    %add3A_466 = arith.addi %get3A_464, %add3A_465 : vector<16xi32>
    %swap3A_467 = arith.constant 12 : i32
    %swap3A_468 = arith.constant 1 : i32
    %swap3A_469 = arith.index_cast %swap3A_467 : i32 to index
    %swap3A_470 = arith.index_cast %swap3A_468 : i32 to index
    %swap3A_471 = arith.constant 0 : index
    %swap3A_472 = tpu.vector_load %arg5[%swap3A_469, %swap3A_470, %swap3A_471] {strides = array<i32>} : memref<16x2x16xi32, #tpu.memory_space<vmem>>, vector<1x1x16xi32>,
    %swap3A_473 = vector.shape_cast %swap3A_472 : vector<1x1x16xi32> to vector<16xi32>
    %swap3A_474 = vector.shape_cast %add3A_466 : vector<16xi32> to vector<1x1x16xi32>
    tpu.vector_store %arg5[%swap3A_469, %swap3A_470, %swap3A_471], %swap3A_474 {strides = array<i32>} : memref<16x2x16xi32, #tpu.memory_space<vmem>>, vector<1x1x16xi32>,
    %get3A_475 = arith.constant 13 : i32
    %get3A_476 = arith.constant 0 : i32
    %get3A_477 = arith.index_cast %get3A_475 : i32 to index
    %get3A_478 = arith.index_cast %get3A_476 : i32 to index
    %get3A_479 = arith.constant 0 : index
    %get3A_480 = tpu.vector_load %arg5[%get3A_477, %get3A_478, %get3A_479] {strides = array<i32>} : memref<16x2x16xi32, #tpu.memory_space<vmem>>, vector<1x1x16xi32>,
    %get3A_481 = vector.shape_cast %get3A_480 : vector<1x1x16xi32> to vector<16xi32>
    %add3A_482 = vector.broadcast %mul3A_34 : i32 to vector<16xi32>
    %add3A_483 = arith.addi %get3A_481, %add3A_482 : vector<16xi32>
    %swap3A_484 = arith.constant 13 : i32
    %swap3A_485 = arith.constant 0 : i32
    %swap3A_486 = arith.index_cast %swap3A_484 : i32 to index
    %swap3A_487 = arith.index_cast %swap3A_485 : i32 to index
    %swap3A_488 = arith.constant 0 : index
    %swap3A_489 = tpu.vector_load %arg5[%swap3A_486, %swap3A_487, %swap3A_488] {strides = array<i32>} : memref<16x2x16xi32, #tpu.memory_space<vmem>>, vector<1x1x16xi32>,
    %swap3A_490 = vector.shape_cast %swap3A_489 : vector<1x1x16xi32> to vector<16xi32>
    %swap3A_491 = vector.shape_cast %add3A_483 : vector<16xi32> to vector<1x1x16xi32>
    tpu.vector_store %arg5[%swap3A_486, %swap3A_487, %swap3A_488], %swap3A_491 {strides = array<i32>} : memref<16x2x16xi32, #tpu.memory_space<vmem>>, vector<1x1x16xi32>,
    %get3A_492 = arith.constant 13 : i32
    %get3A_493 = arith.constant 1 : i32
    %get3A_494 = arith.index_cast %get3A_492 : i32 to index
    %get3A_495 = arith.index_cast %get3A_493 : i32 to index
    %get3A_496 = arith.constant 0 : index
    %get3A_497 = tpu.vector_load %arg5[%get3A_494, %get3A_495, %get3A_496] {strides = array<i32>} : memref<16x2x16xi32, #tpu.memory_space<vmem>>, vector<1x1x16xi32>,
    %get3A_498 = vector.shape_cast %get3A_497 : vector<1x1x16xi32> to vector<16xi32>
    %add3A_499 = vector.broadcast %mul3A_34 : i32 to vector<16xi32>
    %add3A_500 = arith.addi %get3A_498, %add3A_499 : vector<16xi32>
    %swap3A_501 = arith.constant 13 : i32
    %swap3A_502 = arith.constant 1 : i32
    %swap3A_503 = arith.index_cast %swap3A_501 : i32 to index
    %swap3A_504 = arith.index_cast %swap3A_502 : i32 to index
    %swap3A_505 = arith.constant 0 : index
    %swap3A_506 = tpu.vector_load %arg5[%swap3A_503, %swap3A_504, %swap3A_505] {strides = array<i32>} : memref<16x2x16xi32, #tpu.memory_space<vmem>>, vector<1x1x16xi32>,
    %swap3A_507 = vector.shape_cast %swap3A_506 : vector<1x1x16xi32> to vector<16xi32>
    %swap3A_508 = vector.shape_cast %add3A_500 : vector<16xi32> to vector<1x1x16xi32>
    tpu.vector_store %arg5[%swap3A_503, %swap3A_504, %swap3A_505], %swap3A_508 {strides = array<i32>} : memref<16x2x16xi32, #tpu.memory_space<vmem>>, vector<1x1x16xi32>,
    %get3A_509 = arith.constant 14 : i32
    %get3A_510 = arith.constant 0 : i32
    %get3A_511 = arith.index_cast %get3A_509 : i32 to index
    %get3A_512 = arith.index_cast %get3A_510 : i32 to index
    %get3A_513 = arith.constant 0 : index
    %get3A_514 = tpu.vector_load %arg5[%get3A_511, %get3A_512, %get3A_513] {strides = array<i32>} : memref<16x2x16xi32, #tpu.memory_space<vmem>>, vector<1x1x16xi32>,
    %get3A_515 = vector.shape_cast %get3A_514 : vector<1x1x16xi32> to vector<16xi32>
    %add3A_516 = vector.broadcast %mul3A_34 : i32 to vector<16xi32>
    %add3A_517 = arith.addi %get3A_515, %add3A_516 : vector<16xi32>
    %swap3A_518 = arith.constant 14 : i32
    %swap3A_519 = arith.constant 0 : i32
    %swap3A_520 = arith.index_cast %swap3A_518 : i32 to index
    %swap3A_521 = arith.index_cast %swap3A_519 : i32 to index
    %swap3A_522 = arith.constant 0 : index
    %swap3A_523 = tpu.vector_load %arg5[%swap3A_520, %swap3A_521, %swap3A_522] {strides = array<i32>} : memref<16x2x16xi32, #tpu.memory_space<vmem>>, vector<1x1x16xi32>,
    %swap3A_524 = vector.shape_cast %swap3A_523 : vector<1x1x16xi32> to vector<16xi32>
    %swap3A_525 = vector.shape_cast %add3A_517 : vector<16xi32> to vector<1x1x16xi32>
    tpu.vector_store %arg5[%swap3A_520, %swap3A_521, %swap3A_522], %swap3A_525 {strides = array<i32>} : memref<16x2x16xi32, #tpu.memory_space<vmem>>, vector<1x1x16xi32>,
    %get3A_526 = arith.constant 14 : i32
    %get3A_527 = arith.constant 1 : i32
    %get3A_528 = arith.index_cast %get3A_526 : i32 to index
    %get3A_529 = arith.index_cast %get3A_527 : i32 to index
    %get3A_530 = arith.constant 0 : index
    %get3A_531 = tpu.vector_load %arg5[%get3A_528, %get3A_529, %get3A_530] {strides = array<i32>} : memref<16x2x16xi32, #tpu.memory_space<vmem>>, vector<1x1x16xi32>,
    %get3A_532 = vector.shape_cast %get3A_531 : vector<1x1x16xi32> to vector<16xi32>
    %add3A_533 = vector.broadcast %mul3A_34 : i32 to vector<16xi32>
    %add3A_534 = arith.addi %get3A_532, %add3A_533 : vector<16xi32>
    %swap3A_535 = arith.constant 14 : i32
    %swap3A_536 = arith.constant 1 : i32
    %swap3A_537 = arith.index_cast %swap3A_535 : i32 to index
    %swap3A_538 = arith.index_cast %swap3A_536 : i32 to index
    %swap3A_539 = arith.constant 0 : index
    %swap3A_540 = tpu.vector_load %arg5[%swap3A_537, %swap3A_538, %swap3A_539] {strides = array<i32>} : memref<16x2x16xi32, #tpu.memory_space<vmem>>, vector<1x1x16xi32>,
    %swap3A_541 = vector.shape_cast %swap3A_540 : vector<1x1x16xi32> to vector<16xi32>
    %swap3A_542 = vector.shape_cast %add3A_534 : vector<16xi32> to vector<1x1x16xi32>
    tpu.vector_store %arg5[%swap3A_537, %swap3A_538, %swap3A_539], %swap3A_542 {strides = array<i32>} : memref<16x2x16xi32, #tpu.memory_space<vmem>>, vector<1x1x16xi32>,
    %get3A_543 = arith.constant 15 : i32
    %get3A_544 = arith.constant 0 : i32
    %get3A_545 = arith.index_cast %get3A_543 : i32 to index
    %get3A_546 = arith.index_cast %get3A_544 : i32 to index
    %get3A_547 = arith.constant 0 : index
    %get3A_548 = tpu.vector_load %arg5[%get3A_545, %get3A_546, %get3A_547] {strides = array<i32>} : memref<16x2x16xi32, #tpu.memory_space<vmem>>, vector<1x1x16xi32>,
    %get3A_549 = vector.shape_cast %get3A_548 : vector<1x1x16xi32> to vector<16xi32>
    %add3A_550 = vector.broadcast %mul3A_34 : i32 to vector<16xi32>
    %add3A_551 = arith.addi %get3A_549, %add3A_550 : vector<16xi32>
    %swap3A_552 = arith.constant 15 : i32
    %swap3A_553 = arith.constant 0 : i32
    %swap3A_554 = arith.index_cast %swap3A_552 : i32 to index
    %swap3A_555 = arith.index_cast %swap3A_553 : i32 to index
    %swap3A_556 = arith.constant 0 : index
    %swap3A_557 = tpu.vector_load %arg5[%swap3A_554, %swap3A_555, %swap3A_556] {strides = array<i32>} : memref<16x2x16xi32, #tpu.memory_space<vmem>>, vector<1x1x16xi32>,
    %swap3A_558 = vector.shape_cast %swap3A_557 : vector<1x1x16xi32> to vector<16xi32>
    %swap3A_559 = vector.shape_cast %add3A_551 : vector<16xi32> to vector<1x1x16xi32>
    tpu.vector_store %arg5[%swap3A_554, %swap3A_555, %swap3A_556], %swap3A_559 {strides = array<i32>} : memref<16x2x16xi32, #tpu.memory_space<vmem>>, vector<1x1x16xi32>,
    %get3A_560 = arith.constant 15 : i32
    %get3A_561 = arith.constant 1 : i32
    %get3A_562 = arith.index_cast %get3A_560 : i32 to index
    %get3A_563 = arith.index_cast %get3A_561 : i32 to index
    %get3A_564 = arith.constant 0 : index
    %get3A_565 = tpu.vector_load %arg5[%get3A_562, %get3A_563, %get3A_564] {strides = array<i32>} : memref<16x2x16xi32, #tpu.memory_space<vmem>>, vector<1x1x16xi32>,
    %get3A_566 = vector.shape_cast %get3A_565 : vector<1x1x16xi32> to vector<16xi32>
    %add3A_567 = vector.broadcast %mul3A_34 : i32 to vector<16xi32>
    %add3A_568 = arith.addi %get3A_566, %add3A_567 : vector<16xi32>
    %swap3A_569 = arith.constant 15 : i32
    %swap3A_570 = arith.constant 1 : i32
    %swap3A_571 = arith.index_cast %swap3A_569 : i32 to index
    %swap3A_572 = arith.index_cast %swap3A_570 : i32 to index
    %swap3A_573 = arith.constant 0 : index
    %swap3A_574 = tpu.vector_load %arg5[%swap3A_571, %swap3A_572, %swap3A_573] {strides = array<i32>} : memref<16x2x16xi32, #tpu.memory_space<vmem>>, vector<1x1x16xi32>,
    %swap3A_575 = vector.shape_cast %swap3A_574 : vector<1x1x16xi32> to vector<16xi32>
    %swap3A_576 = vector.shape_cast %add3A_568 : vector<16xi32> to vector<1x1x16xi32>
    tpu.vector_store %arg5[%swap3A_571, %swap3A_572, %swap3A_573], %swap3A_576 {strides = array<i32>} : memref<16x2x16xi32, #tpu.memory_space<vmem>>, vector<1x1x16xi32>,
    %dma_start3A = arith.constant 0 : i32
    %dma_start3A_577 = arith.constant 0 : i32
    %dma_start3A_578 = arith.constant 0 : i32
    %dma_start3A_579 = arith.constant 0 : i32
    %dma_start3A_580 = arith.constant 0 : i32
    %dma_start3A_581 = arith.constant 0 : i32
    %dma_start3A_582 = tpu.memref_slice %arg6[%dma_start3A_578, %dma_start3A_580, %dma_start3A_581] : memref<2x16x2048xf32, #tpu.memory_space<vmem>> -> memref<1x16x2048xf32, #tpu.memory_space<vmem>>
    %dma_start3A_583 = tpu.memref_squeeze %dma_start3A_582 : memref<1x16x2048xf32, #tpu.memory_space<vmem>> -> memref<16x2048xf32, #tpu.memory_space<vmem>>
    %dma_start3A_584 = arith.constant 0 : i32
    %dma_start3A_585 = arith.constant 0 : i32
    %dma_start3A_586 = tpu.memref_slice %dma_start3A_583[%dma_start3A_584, %dma_start3A_585] : memref<16x2048xf32, #tpu.memory_space<vmem>> -> memref<16x1024xf32, #tpu.memory_space<vmem>>
    %dma_start3A_587 = arith.constant 0 : i32
    %dma_start3A_588 = tpu.memref_slice %arg5[%dma_start3A, %dma_start3A_577, %dma_start3A_587] : memref<16x2x16xi32, #tpu.memory_space<vmem>> -> memref<1x1x16xi32, #tpu.memory_space<vmem>>
    %dma_start3A_589 = tpu.memref_squeeze %dma_start3A_588 : memref<1x1x16xi32, #tpu.memory_space<vmem>> -> memref<16xi32, #tpu.memory_space<vmem>>
    %dma_start3A_590 = arith.constant 0 : i32
    %dma_start3A_591 = arith.constant 0 : i32
    %dma_start3A_592 = tpu.memref_slice %arg2[%dma_start3A_590, %dma_start3A_591] : memref<8192x1024xf32, #tpu.memory_space<hbm>> -> memref<8192x1024xf32, #tpu.memory_space<hbm>>
    %dma_start3A_593 = tpu.memref_slice %arg7[%dma_start3A_579] : memref<2x!tpu.dma_semaphore, #tpu.memory_space<semaphore_mem>> -> memref<1x!tpu.dma_semaphore, #tpu.memory_space<semaphore_mem>>
    %dma_start3A_594 = tpu.memref_squeeze %dma_start3A_593 : memref<1x!tpu.dma_semaphore, #tpu.memory_space<semaphore_mem>> -> memref<!tpu.dma_semaphore, #tpu.memory_space<semaphore_mem>>
    tpu.enqueue_indirect_dma source(%dma_start3A_592 : memref<8192x1024xf32, #tpu.memory_space<hbm>>) target(%dma_start3A_586 : memref<16x1024xf32, #tpu.memory_space<vmem>>) offsets(%dma_start3A_589 : memref<16xi32, #tpu.memory_space<vmem>>) semaphore(%dma_start3A_594 : memref<!tpu.dma_semaphore, #tpu.memory_space<semaphore_mem>>)
    %dma_start3A_595 = arith.constant 0 : i32
    %dma_start3A_596 = arith.constant 1 : i32
    %dma_start3A_597 = arith.constant 0 : i32
    %dma_start3A_598 = arith.constant 0 : i32
    %dma_start3A_599 = arith.constant 0 : i32
    %dma_start3A_600 = arith.constant 0 : i32
    %dma_start3A_601 = tpu.memref_slice %arg6[%dma_start3A_597, %dma_start3A_599, %dma_start3A_600] : memref<2x16x2048xf32, #tpu.memory_space<vmem>> -> memref<1x16x2048xf32, #tpu.memory_space<vmem>>
    %dma_start3A_602 = tpu.memref_squeeze %dma_start3A_601 : memref<1x16x2048xf32, #tpu.memory_space<vmem>> -> memref<16x2048xf32, #tpu.memory_space<vmem>>
    %dma_start3A_603 = arith.constant 0 : i32
    %dma_start3A_604 = arith.constant 1024 : i32
    %dma_start3A_605 = tpu.memref_slice %dma_start3A_602[%dma_start3A_603, %dma_start3A_604] : memref<16x2048xf32, #tpu.memory_space<vmem>> -> memref<16x1024xf32, #tpu.memory_space<vmem>>
    %dma_start3A_606 = arith.constant 0 : i32
    %dma_start3A_607 = tpu.memref_slice %arg5[%dma_start3A_595, %dma_start3A_596, %dma_start3A_606] : memref<16x2x16xi32, #tpu.memory_space<vmem>> -> memref<1x1x16xi32, #tpu.memory_space<vmem>>
    %dma_start3A_608 = tpu.memref_squeeze %dma_start3A_607 : memref<1x1x16xi32, #tpu.memory_space<vmem>> -> memref<16xi32, #tpu.memory_space<vmem>>
    %dma_start3A_609 = arith.constant 0 : i32
    %dma_start3A_610 = arith.constant 0 : i32
    %dma_start3A_611 = tpu.memref_slice %arg2[%dma_start3A_609, %dma_start3A_610] : memref<8192x1024xf32, #tpu.memory_space<hbm>> -> memref<8192x1024xf32, #tpu.memory_space<hbm>>
    %dma_start3A_612 = tpu.memref_slice %arg7[%dma_start3A_598] : memref<2x!tpu.dma_semaphore, #tpu.memory_space<semaphore_mem>> -> memref<1x!tpu.dma_semaphore, #tpu.memory_space<semaphore_mem>>
    %dma_start3A_613 = tpu.memref_squeeze %dma_start3A_612 : memref<1x!tpu.dma_semaphore, #tpu.memory_space<semaphore_mem>> -> memref<!tpu.dma_semaphore, #tpu.memory_space<semaphore_mem>>
    tpu.enqueue_indirect_dma source(%dma_start3A_611 : memref<8192x1024xf32, #tpu.memory_space<hbm>>) target(%dma_start3A_605 : memref<16x1024xf32, #tpu.memory_space<vmem>>) offsets(%dma_start3A_608 : memref<16xi32, #tpu.memory_space<vmem>>) semaphore(%dma_start3A_613 : memref<!tpu.dma_semaphore, #tpu.memory_space<semaphore_mem>>)
    %dma_start3A_614 = arith.constant 1 : i32
    %dma_start3A_615 = arith.constant 0 : i32
    %dma_start3A_616 = arith.constant 1 : i32
    %dma_start3A_617 = arith.constant 1 : i32
    %dma_start3A_618 = arith.constant 0 : i32
    %dma_start3A_619 = arith.constant 0 : i32
    %dma_start3A_620 = tpu.memref_slice %arg6[%dma_start3A_616, %dma_start3A_618, %dma_start3A_619] : memref<2x16x2048xf32, #tpu.memory_space<vmem>> -> memref<1x16x2048xf32, #tpu.memory_space<vmem>>
    %dma_start3A_621 = tpu.memref_squeeze %dma_start3A_620 : memref<1x16x2048xf32, #tpu.memory_space<vmem>> -> memref<16x2048xf32, #tpu.memory_space<vmem>>
    %dma_start3A_622 = arith.constant 0 : i32
    %dma_start3A_623 = arith.constant 0 : i32
    %dma_start3A_624 = tpu.memref_slice %dma_start3A_621[%dma_start3A_622, %dma_start3A_623] : memref<16x2048xf32, #tpu.memory_space<vmem>> -> memref<16x1024xf32, #tpu.memory_space<vmem>>
    %dma_start3A_625 = arith.constant 0 : i32
    %dma_start3A_626 = tpu.memref_slice %arg5[%dma_start3A_614, %dma_start3A_615, %dma_start3A_625] : memref<16x2x16xi32, #tpu.memory_space<vmem>> -> memref<1x1x16xi32, #tpu.memory_space<vmem>>
    %dma_start3A_627 = tpu.memref_squeeze %dma_start3A_626 : memref<1x1x16xi32, #tpu.memory_space<vmem>> -> memref<16xi32, #tpu.memory_space<vmem>>
    %dma_start3A_628 = arith.constant 0 : i32
    %dma_start3A_629 = arith.constant 0 : i32
    %dma_start3A_630 = tpu.memref_slice %arg2[%dma_start3A_628, %dma_start3A_629] : memref<8192x1024xf32, #tpu.memory_space<hbm>> -> memref<8192x1024xf32, #tpu.memory_space<hbm>>
    %dma_start3A_631 = tpu.memref_slice %arg7[%dma_start3A_617] : memref<2x!tpu.dma_semaphore, #tpu.memory_space<semaphore_mem>> -> memref<1x!tpu.dma_semaphore, #tpu.memory_space<semaphore_mem>>
    %dma_start3A_632 = tpu.memref_squeeze %dma_start3A_631 : memref<1x!tpu.dma_semaphore, #tpu.memory_space<semaphore_mem>> -> memref<!tpu.dma_semaphore, #tpu.memory_space<semaphore_mem>>
    tpu.enqueue_indirect_dma source(%dma_start3A_630 : memref<8192x1024xf32, #tpu.memory_space<hbm>>) target(%dma_start3A_624 : memref<16x1024xf32, #tpu.memory_space<vmem>>) offsets(%dma_start3A_627 : memref<16xi32, #tpu.memory_space<vmem>>) semaphore(%dma_start3A_632 : memref<!tpu.dma_semaphore, #tpu.memory_space<semaphore_mem>>)
    %dma_start3A_633 = arith.constant 1 : i32
    %dma_start3A_634 = arith.constant 1 : i32
    %dma_start3A_635 = arith.constant 1 : i32
    %dma_start3A_636 = arith.constant 1 : i32
    %dma_start3A_637 = arith.constant 0 : i32
    %dma_start3A_638 = arith.constant 0 : i32
    %dma_start3A_639 = tpu.memref_slice %arg6[%dma_start3A_635, %dma_start3A_637, %dma_start3A_638] : memref<2x16x2048xf32, #tpu.memory_space<vmem>> -> memref<1x16x2048xf32, #tpu.memory_space<vmem>>
    %dma_start3A_640 = tpu.memref_squeeze %dma_start3A_639 : memref<1x16x2048xf32, #tpu.memory_space<vmem>> -> memref<16x2048xf32, #tpu.memory_space<vmem>>
    %dma_start3A_641 = arith.constant 0 : i32
    %dma_start3A_642 = arith.constant 1024 : i32
    %dma_start3A_643 = tpu.memref_slice %dma_start3A_640[%dma_start3A_641, %dma_start3A_642] : memref<16x2048xf32, #tpu.memory_space<vmem>> -> memref<16x1024xf32, #tpu.memory_space<vmem>>
    %dma_start3A_644 = arith.constant 0 : i32
    %dma_start3A_645 = tpu.memref_slice %arg5[%dma_start3A_633, %dma_start3A_634, %dma_start3A_644] : memref<16x2x16xi32, #tpu.memory_space<vmem>> -> memref<1x1x16xi32, #tpu.memory_space<vmem>>
    %dma_start3A_646 = tpu.memref_squeeze %dma_start3A_645 : memref<1x1x16xi32, #tpu.memory_space<vmem>> -> memref<16xi32, #tpu.memory_space<vmem>>
    %dma_start3A_647 = arith.constant 0 : i32
    %dma_start3A_648 = arith.constant 0 : i32
    %dma_start3A_649 = tpu.memref_slice %arg2[%dma_start3A_647, %dma_start3A_648] : memref<8192x1024xf32, #tpu.memory_space<hbm>> -> memref<8192x1024xf32, #tpu.memory_space<hbm>>
    %dma_start3A_650 = tpu.memref_slice %arg7[%dma_start3A_636] : memref<2x!tpu.dma_semaphore, #tpu.memory_space<semaphore_mem>> -> memref<1x!tpu.dma_semaphore, #tpu.memory_space<semaphore_mem>>
    %dma_start3A_651 = tpu.memref_squeeze %dma_start3A_650 : memref<1x!tpu.dma_semaphore, #tpu.memory_space<semaphore_mem>> -> memref<!tpu.dma_semaphore, #tpu.memory_space<semaphore_mem>>
    tpu.enqueue_indirect_dma source(%dma_start3A_649 : memref<8192x1024xf32, #tpu.memory_space<hbm>>) target(%dma_start3A_643 : memref<16x1024xf32, #tpu.memory_space<vmem>>) offsets(%dma_start3A_646 : memref<16xi32, #tpu.memory_space<vmem>>) semaphore(%dma_start3A_651 : memref<!tpu.dma_semaphore, #tpu.memory_space<semaphore_mem>>)
    %dma_wait3A = arith.constant 0 : i32
    %dma_wait3A_652 = arith.constant 0 : i32
    %dma_wait3A_653 = arith.constant 0 : i32
    %dma_wait3A_654 = arith.constant 0 : i32
    %dma_wait3A_655 = arith.constant 0 : i32
    %dma_wait3A_656 = arith.constant 0 : i32
    %dma_wait3A_657 = tpu.memref_slice %arg6[%dma_wait3A_653, %dma_wait3A_655, %dma_wait3A_656] : memref<2x16x2048xf32, #tpu.memory_space<vmem>> -> memref<1x16x2048xf32, #tpu.memory_space<vmem>>
    %dma_wait3A_658 = tpu.memref_squeeze %dma_wait3A_657 : memref<1x16x2048xf32, #tpu.memory_space<vmem>> -> memref<16x2048xf32, #tpu.memory_space<vmem>>
    %dma_wait3A_659 = arith.constant 0 : i32
    %dma_wait3A_660 = arith.constant 0 : i32
    %dma_wait3A_661 = tpu.memref_slice %dma_wait3A_658[%dma_wait3A_659, %dma_wait3A_660] : memref<16x2048xf32, #tpu.memory_space<vmem>> -> memref<16x1024xf32, #tpu.memory_space<vmem>>
    %dma_wait3A_662 = arith.constant 0 : i32
    %dma_wait3A_663 = tpu.memref_slice %arg5[%dma_wait3A, %dma_wait3A_652, %dma_wait3A_662] : memref<16x2x16xi32, #tpu.memory_space<vmem>> -> memref<1x1x16xi32, #tpu.memory_space<vmem>>
    %dma_wait3A_664 = tpu.memref_squeeze %dma_wait3A_663 : memref<1x1x16xi32, #tpu.memory_space<vmem>> -> memref<16xi32, #tpu.memory_space<vmem>>
    %dma_wait3A_665 = arith.constant 0 : i32
    %dma_wait3A_666 = arith.constant 0 : i32
    %dma_wait3A_667 = tpu.memref_slice %arg2[%dma_wait3A_665, %dma_wait3A_666] : memref<8192x1024xf32, #tpu.memory_space<hbm>> -> memref<8192x1024xf32, #tpu.memory_space<hbm>>
    %dma_wait3A_668 = tpu.memref_slice %arg7[%dma_wait3A_654] : memref<2x!tpu.dma_semaphore, #tpu.memory_space<semaphore_mem>> -> memref<1x!tpu.dma_semaphore, #tpu.memory_space<semaphore_mem>>
    %dma_wait3A_669 = tpu.memref_squeeze %dma_wait3A_668 : memref<1x!tpu.dma_semaphore, #tpu.memory_space<semaphore_mem>> -> memref<!tpu.dma_semaphore, #tpu.memory_space<semaphore_mem>>
    tpu.wait_indirect_dma semaphore(%dma_wait3A_669 : memref<!tpu.dma_semaphore, #tpu.memory_space<semaphore_mem>>) src(%dma_wait3A_667 : memref<8192x1024xf32, #tpu.memory_space<hbm>>) dst(%dma_wait3A_661 : memref<16x1024xf32, #tpu.memory_space<vmem>>)
    %dma_wait3A_670 = arith.constant 0 : i32
    %dma_wait3A_671 = arith.constant 1 : i32
    %dma_wait3A_672 = arith.constant 0 : i32
    %dma_wait3A_673 = arith.constant 0 : i32
    %dma_wait3A_674 = arith.constant 0 : i32
    %dma_wait3A_675 = arith.constant 0 : i32
    %dma_wait3A_676 = tpu.memref_slice %arg6[%dma_wait3A_672, %dma_wait3A_674, %dma_wait3A_675] : memref<2x16x2048xf32, #tpu.memory_space<vmem>> -> memref<1x16x2048xf32, #tpu.memory_space<vmem>>
    %dma_wait3A_677 = tpu.memref_squeeze %dma_wait3A_676 : memref<1x16x2048xf32, #tpu.memory_space<vmem>> -> memref<16x2048xf32, #tpu.memory_space<vmem>>
    %dma_wait3A_678 = arith.constant 0 : i32
    %dma_wait3A_679 = arith.constant 1024 : i32
    %dma_wait3A_680 = tpu.memref_slice %dma_wait3A_677[%dma_wait3A_678, %dma_wait3A_679] : memref<16x2048xf32, #tpu.memory_space<vmem>> -> memref<16x1024xf32, #tpu.memory_space<vmem>>
    %dma_wait3A_681 = arith.constant 0 : i32
    %dma_wait3A_682 = tpu.memref_slice %arg5[%dma_wait3A_670, %dma_wait3A_671, %dma_wait3A_681] : memref<16x2x16xi32, #tpu.memory_space<vmem>> -> memref<1x1x16xi32, #tpu.memory_space<vmem>>
    %dma_wait3A_683 = tpu.memref_squeeze %dma_wait3A_682 : memref<1x1x16xi32, #tpu.memory_space<vmem>> -> memref<16xi32, #tpu.memory_space<vmem>>
    %dma_wait3A_684 = arith.constant 0 : i32
    %dma_wait3A_685 = arith.constant 0 : i32
    %dma_wait3A_686 = tpu.memref_slice %arg2[%dma_wait3A_684, %dma_wait3A_685] : memref<8192x1024xf32, #tpu.memory_space<hbm>> -> memref<8192x1024xf32, #tpu.memory_space<hbm>>
    %dma_wait3A_687 = tpu.memref_slice %arg7[%dma_wait3A_673] : memref<2x!tpu.dma_semaphore, #tpu.memory_space<semaphore_mem>> -> memref<1x!tpu.dma_semaphore, #tpu.memory_space<semaphore_mem>>
    %dma_wait3A_688 = tpu.memref_squeeze %dma_wait3A_687 : memref<1x!tpu.dma_semaphore, #tpu.memory_space<semaphore_mem>> -> memref<!tpu.dma_semaphore, #tpu.memory_space<semaphore_mem>>
    tpu.wait_indirect_dma semaphore(%dma_wait3A_688 : memref<!tpu.dma_semaphore, #tpu.memory_space<semaphore_mem>>) src(%dma_wait3A_686 : memref<8192x1024xf32, #tpu.memory_space<hbm>>) dst(%dma_wait3A_680 : memref<16x1024xf32, #tpu.memory_space<vmem>>)
    %add3A_689 = arith.constant 0 : i32
    %add3A_690 = arith.addi %mul3A_32, %add3A_689 : i32
    %dma_start3A_691 = arith.constant 0 : i32
    %dma_start3A_692 = arith.constant 0 : i32
    %dma_start3A_693 = arith.constant 0 : i32
    %dma_start3A_694 = arith.constant 0 : i32
    %dma_start3A_695 = tpu.memref_slice %arg6[%dma_start3A_691, %dma_start3A_693, %dma_start3A_694] : memref<2x16x2048xf32, #tpu.memory_space<vmem>> -> memref<1x16x2048xf32, #tpu.memory_space<vmem>>
    %dma_start3A_696 = tpu.memref_squeeze %dma_start3A_695 : memref<1x16x2048xf32, #tpu.memory_space<vmem>> -> memref<16x2048xf32, #tpu.memory_space<vmem>>
    %dma_start3A_697 = arith.constant 0 : i32
    %dma_start3A_698 = tpu.memref_slice %arg4[%select_n3A, %add3A_690, %dma_start3A_697] : memref<4x2048x2048xf32, #tpu.memory_space<hbm>> -> memref<1x16x2048xf32, #tpu.memory_space<hbm>>
    %dma_start3A_699 = tpu.memref_squeeze %dma_start3A_698 : memref<1x16x2048xf32, #tpu.memory_space<hbm>> -> memref<16x2048xf32, #tpu.memory_space<hbm>>
    %dma_start3A_700 = tpu.memref_slice %arg8[%dma_start3A_692] : memref<2x!tpu.dma_semaphore, #tpu.memory_space<semaphore_mem>> -> memref<1x!tpu.dma_semaphore, #tpu.memory_space<semaphore_mem>>
    %dma_start3A_701 = tpu.memref_squeeze %dma_start3A_700 : memref<1x!tpu.dma_semaphore, #tpu.memory_space<semaphore_mem>> -> memref<!tpu.dma_semaphore, #tpu.memory_space<semaphore_mem>>
    %dma_start3A_702 = arith.constant 0 : i32
    %dma_start3A_703 = tpu.memref_slice %arg4[%select_n3A, %add3A_690, %dma_start3A_702] : memref<4x2048x2048xf32, #tpu.memory_space<hbm>> -> memref<1x16x2048xf32, #tpu.memory_space<hbm>>
    %dma_start3A_704 = tpu.memref_squeeze %dma_start3A_703 : memref<1x16x2048xf32, #tpu.memory_space<hbm>> -> memref<16x2048xf32, #tpu.memory_space<hbm>>
    %dma_start3A_705 = arith.constant 0 : i32
    %dma_start3A_706 = arith.constant 0 : i32
    %dma_start3A_707 = tpu.memref_slice %arg6[%dma_start3A_691, %dma_start3A_705, %dma_start3A_706] : memref<2x16x2048xf32, #tpu.memory_space<vmem>> -> memref<1x16x2048xf32, #tpu.memory_space<vmem>>
    %dma_start3A_708 = tpu.memref_squeeze %dma_start3A_707 : memref<1x16x2048xf32, #tpu.memory_space<vmem>> -> memref<16x2048xf32, #tpu.memory_space<vmem>>
    tpu.enqueue_dma source(%dma_start3A_708 : memref<16x2048xf32, #tpu.memory_space<vmem>>) target(%dma_start3A_704 : memref<16x2048xf32, #tpu.memory_space<hbm>>) target_semaphore(%dma_start3A_701 : memref<!tpu.dma_semaphore, #tpu.memory_space<semaphore_mem>>)
    %dma_wait3A_709 = arith.constant 0 : i32
    %dma_wait3A_710 = arith.constant 0 : i32
    %dma_wait3A_711 = arith.constant 0 : i32
    %dma_wait3A_712 = arith.constant 0 : i32
    %dma_wait3A_713 = tpu.memref_slice %arg6[%dma_wait3A_709, %dma_wait3A_711, %dma_wait3A_712] : memref<2x16x2048xf32, #tpu.memory_space<vmem>> -> memref<1x16x2048xf32, #tpu.memory_space<vmem>>
    %dma_wait3A_714 = tpu.memref_squeeze %dma_wait3A_713 : memref<1x16x2048xf32, #tpu.memory_space<vmem>> -> memref<16x2048xf32, #tpu.memory_space<vmem>>
    %dma_wait3A_715 = arith.constant 0 : i32
    %dma_wait3A_716 = tpu.memref_slice %arg4[%select_n3A, %add3A_690, %dma_wait3A_715] : memref<4x2048x2048xf32, #tpu.memory_space<hbm>> -> memref<1x16x2048xf32, #tpu.memory_space<hbm>>
    %dma_wait3A_717 = tpu.memref_squeeze %dma_wait3A_716 : memref<1x16x2048xf32, #tpu.memory_space<hbm>> -> memref<16x2048xf32, #tpu.memory_space<hbm>>
    %dma_wait3A_718 = tpu.memref_slice %arg8[%dma_wait3A_710] : memref<2x!tpu.dma_semaphore, #tpu.memory_space<semaphore_mem>> -> memref<1x!tpu.dma_semaphore, #tpu.memory_space<semaphore_mem>>
    %dma_wait3A_719 = tpu.memref_squeeze %dma_wait3A_718 : memref<1x!tpu.dma_semaphore, #tpu.memory_space<semaphore_mem>> -> memref<!tpu.dma_semaphore, #tpu.memory_space<semaphore_mem>>
    %dma_wait3A_720 = arith.constant 0 : i32
    %dma_wait3A_721 = tpu.memref_slice %arg4[%select_n3A, %add3A_690, %dma_wait3A_720] : memref<4x2048x2048xf32, #tpu.memory_space<hbm>> -> memref<1x16x2048xf32, #tpu.memory_space<hbm>>
    %dma_wait3A_722 = tpu.memref_squeeze %dma_wait3A_721 : memref<1x16x2048xf32, #tpu.memory_space<hbm>> -> memref<16x2048xf32, #tpu.memory_space<hbm>>
    %dma_wait3A_723 = arith.constant 0 : i32
    %dma_wait3A_724 = arith.constant 0 : i32
    %dma_wait3A_725 = tpu.memref_slice %arg6[%dma_wait3A_709, %dma_wait3A_723, %dma_wait3A_724] : memref<2x16x2048xf32, #tpu.memory_space<vmem>> -> memref<1x16x2048xf32, #tpu.memory_space<vmem>>
    %dma_wait3A_726 = tpu.memref_squeeze %dma_wait3A_725 : memref<1x16x2048xf32, #tpu.memory_space<vmem>> -> memref<16x2048xf32, #tpu.memory_space<vmem>>
    tpu.wait_dma2 semaphore(%dma_wait3A_719 : memref<!tpu.dma_semaphore, #tpu.memory_space<semaphore_mem>>) src(%dma_wait3A_726 : memref<16x2048xf32, #tpu.memory_space<vmem>>) dst(%dma_wait3A_722 : memref<16x2048xf32, #tpu.memory_space<hbm>>)
    %dma_start3A_727 = arith.constant 2 : i32
    %dma_start3A_728 = arith.constant 0 : i32
    %dma_start3A_729 = arith.constant 0 : i32
    %dma_start3A_730 = arith.constant 0 : i32
    %dma_start3A_731 = arith.constant 0 : i32
    %dma_start3A_732 = arith.constant 0 : i32
    %dma_start3A_733 = tpu.memref_slice %arg6[%dma_start3A_729, %dma_start3A_731, %dma_start3A_732] : memref<2x16x2048xf32, #tpu.memory_space<vmem>> -> memref<1x16x2048xf32, #tpu.memory_space<vmem>>
    %dma_start3A_734 = tpu.memref_squeeze %dma_start3A_733 : memref<1x16x2048xf32, #tpu.memory_space<vmem>> -> memref<16x2048xf32, #tpu.memory_space<vmem>>
    %dma_start3A_735 = arith.constant 0 : i32
    %dma_start3A_736 = arith.constant 0 : i32
    %dma_start3A_737 = tpu.memref_slice %dma_start3A_734[%dma_start3A_735, %dma_start3A_736] : memref<16x2048xf32, #tpu.memory_space<vmem>> -> memref<16x1024xf32, #tpu.memory_space<vmem>>
    %dma_start3A_738 = arith.constant 0 : i32
    %dma_start3A_739 = tpu.memref_slice %arg5[%dma_start3A_727, %dma_start3A_728, %dma_start3A_738] : memref<16x2x16xi32, #tpu.memory_space<vmem>> -> memref<1x1x16xi32, #tpu.memory_space<vmem>>
    %dma_start3A_740 = tpu.memref_squeeze %dma_start3A_739 : memref<1x1x16xi32, #tpu.memory_space<vmem>> -> memref<16xi32, #tpu.memory_space<vmem>>
    %dma_start3A_741 = arith.constant 0 : i32
    %dma_start3A_742 = arith.constant 0 : i32
    %dma_start3A_743 = tpu.memref_slice %arg2[%dma_start3A_741, %dma_start3A_742] : memref<8192x1024xf32, #tpu.memory_space<hbm>> -> memref<8192x1024xf32, #tpu.memory_space<hbm>>
    %dma_start3A_744 = tpu.memref_slice %arg7[%dma_start3A_730] : memref<2x!tpu.dma_semaphore, #tpu.memory_space<semaphore_mem>> -> memref<1x!tpu.dma_semaphore, #tpu.memory_space<semaphore_mem>>
    %dma_start3A_745 = tpu.memref_squeeze %dma_start3A_744 : memref<1x!tpu.dma_semaphore, #tpu.memory_space<semaphore_mem>> -> memref<!tpu.dma_semaphore, #tpu.memory_space<semaphore_mem>>
    tpu.enqueue_indirect_dma source(%dma_start3A_743 : memref<8192x1024xf32, #tpu.memory_space<hbm>>) target(%dma_start3A_737 : memref<16x1024xf32, #tpu.memory_space<vmem>>) offsets(%dma_start3A_740 : memref<16xi32, #tpu.memory_space<vmem>>) semaphore(%dma_start3A_745 : memref<!tpu.dma_semaphore, #tpu.memory_space<semaphore_mem>>)
    %dma_start3A_746 = arith.constant 2 : i32
    %dma_start3A_747 = arith.constant 1 : i32
    %dma_start3A_748 = arith.constant 0 : i32
    %dma_start3A_749 = arith.constant 0 : i32
    %dma_start3A_750 = arith.constant 0 : i32
    %dma_start3A_751 = arith.constant 0 : i32
    %dma_start3A_752 = tpu.memref_slice %arg6[%dma_start3A_748, %dma_start3A_750, %dma_start3A_751] : memref<2x16x2048xf32, #tpu.memory_space<vmem>> -> memref<1x16x2048xf32, #tpu.memory_space<vmem>>
    %dma_start3A_753 = tpu.memref_squeeze %dma_start3A_752 : memref<1x16x2048xf32, #tpu.memory_space<vmem>> -> memref<16x2048xf32, #tpu.memory_space<vmem>>
    %dma_start3A_754 = arith.constant 0 : i32
    %dma_start3A_755 = arith.constant 1024 : i32
    %dma_start3A_756 = tpu.memref_slice %dma_start3A_753[%dma_start3A_754, %dma_start3A_755] : memref<16x2048xf32, #tpu.memory_space<vmem>> -> memref<16x1024xf32, #tpu.memory_space<vmem>>
    %dma_start3A_757 = arith.constant 0 : i32
    %dma_start3A_758 = tpu.memref_slice %arg5[%dma_start3A_746, %dma_start3A_747, %dma_start3A_757] : memref<16x2x16xi32, #tpu.memory_space<vmem>> -> memref<1x1x16xi32, #tpu.memory_space<vmem>>
    %dma_start3A_759 = tpu.memref_squeeze %dma_start3A_758 : memref<1x1x16xi32, #tpu.memory_space<vmem>> -> memref<16xi32, #tpu.memory_space<vmem>>
    %dma_start3A_760 = arith.constant 0 : i32
    %dma_start3A_761 = arith.constant 0 : i32
    %dma_start3A_762 = tpu.memref_slice %arg2[%dma_start3A_760, %dma_start3A_761] : memref<8192x1024xf32, #tpu.memory_space<hbm>> -> memref<8192x1024xf32, #tpu.memory_space<hbm>>
    %dma_start3A_763 = tpu.memref_slice %arg7[%dma_start3A_749] : memref<2x!tpu.dma_semaphore, #tpu.memory_space<semaphore_mem>> -> memref<1x!tpu.dma_semaphore, #tpu.memory_space<semaphore_mem>>
    %dma_start3A_764 = tpu.memref_squeeze %dma_start3A_763 : memref<1x!tpu.dma_semaphore, #tpu.memory_space<semaphore_mem>> -> memref<!tpu.dma_semaphore, #tpu.memory_space<semaphore_mem>>
    tpu.enqueue_indirect_dma source(%dma_start3A_762 : memref<8192x1024xf32, #tpu.memory_space<hbm>>) target(%dma_start3A_756 : memref<16x1024xf32, #tpu.memory_space<vmem>>) offsets(%dma_start3A_759 : memref<16xi32, #tpu.memory_space<vmem>>) semaphore(%dma_start3A_764 : memref<!tpu.dma_semaphore, #tpu.memory_space<semaphore_mem>>)
    %dma_wait3A_765 = arith.constant 1 : i32
    %dma_wait3A_766 = arith.constant 0 : i32
    %dma_wait3A_767 = arith.constant 1 : i32
    %dma_wait3A_768 = arith.constant 1 : i32
    %dma_wait3A_769 = arith.constant 0 : i32
    %dma_wait3A_770 = arith.constant 0 : i32
    %dma_wait3A_771 = tpu.memref_slice %arg6[%dma_wait3A_767, %dma_wait3A_769, %dma_wait3A_770] : memref<2x16x2048xf32, #tpu.memory_space<vmem>> -> memref<1x16x2048xf32, #tpu.memory_space<vmem>>
    %dma_wait3A_772 = tpu.memref_squeeze %dma_wait3A_771 : memref<1x16x2048xf32, #tpu.memory_space<vmem>> -> memref<16x2048xf32, #tpu.memory_space<vmem>>
    %dma_wait3A_773 = arith.constant 0 : i32
    %dma_wait3A_774 = arith.constant 0 : i32
    %dma_wait3A_775 = tpu.memref_slice %dma_wait3A_772[%dma_wait3A_773, %dma_wait3A_774] : memref<16x2048xf32, #tpu.memory_space<vmem>> -> memref<16x1024xf32, #tpu.memory_space<vmem>>
    %dma_wait3A_776 = arith.constant 0 : i32
    %dma_wait3A_777 = tpu.memref_slice %arg5[%dma_wait3A_765, %dma_wait3A_766, %dma_wait3A_776] : memref<16x2x16xi32, #tpu.memory_space<vmem>> -> memref<1x1x16xi32, #tpu.memory_space<vmem>>
    %dma_wait3A_778 = tpu.memref_squeeze %dma_wait3A_777 : memref<1x1x16xi32, #tpu.memory_space<vmem>> -> memref<16xi32, #tpu.memory_space<vmem>>
    %dma_wait3A_779 = arith.constant 0 : i32
    %dma_wait3A_780 = arith.constant 0 : i32
    %dma_wait3A_781 = tpu.memref_slice %arg2[%dma_wait3A_779, %dma_wait3A_780] : memref<8192x1024xf32, #tpu.memory_space<hbm>> -> memref<8192x1024xf32, #tpu.memory_space<hbm>>
    %dma_wait3A_782 = tpu.memref_slice %arg7[%dma_wait3A_768] : memref<2x!tpu.dma_semaphore, #tpu.memory_space<semaphore_mem>> -> memref<1x!tpu.dma_semaphore, #tpu.memory_space<semaphore_mem>>
    %dma_wait3A_783 = tpu.memref_squeeze %dma_wait3A_782 : memref<1x!tpu.dma_semaphore, #tpu.memory_space<semaphore_mem>> -> memref<!tpu.dma_semaphore, #tpu.memory_space<semaphore_mem>>
    tpu.wait_indirect_dma semaphore(%dma_wait3A_783 : memref<!tpu.dma_semaphore, #tpu.memory_space<semaphore_mem>>) src(%dma_wait3A_781 : memref<8192x1024xf32, #tpu.memory_space<hbm>>) dst(%dma_wait3A_775 : memref<16x1024xf32, #tpu.memory_space<vmem>>)
    %dma_wait3A_784 = arith.constant 1 : i32
    %dma_wait3A_785 = arith.constant 1 : i32
    %dma_wait3A_786 = arith.constant 1 : i32
    %dma_wait3A_787 = arith.constant 1 : i32
    %dma_wait3A_788 = arith.constant 0 : i32
    %dma_wait3A_789 = arith.constant 0 : i32
    %dma_wait3A_790 = tpu.memref_slice %arg6[%dma_wait3A_786, %dma_wait3A_788, %dma_wait3A_789] : memref<2x16x2048xf32, #tpu.memory_space<vmem>> -> memref<1x16x2048xf32, #tpu.memory_space<vmem>>
    %dma_wait3A_791 = tpu.memref_squeeze %dma_wait3A_790 : memref<1x16x2048xf32, #tpu.memory_space<vmem>> -> memref<16x2048xf32, #tpu.memory_space<vmem>>
    %dma_wait3A_792 = arith.constant 0 : i32
    %dma_wait3A_793 = arith.constant 1024 : i32
    %dma_wait3A_794 = tpu.memref_slice %dma_wait3A_791[%dma_wait3A_792, %dma_wait3A_793] : memref<16x2048xf32, #tpu.memory_space<vmem>> -> memref<16x1024xf32, #tpu.memory_space<vmem>>
    %dma_wait3A_795 = arith.constant 0 : i32
    %dma_wait3A_796 = tpu.memref_slice %arg5[%dma_wait3A_784, %dma_wait3A_785, %dma_wait3A_795] : memref<16x2x16xi32, #tpu.memory_space<vmem>> -> memref<1x1x16xi32, #tpu.memory_space<vmem>>
    %dma_wait3A_797 = tpu.memref_squeeze %dma_wait3A_796 : memref<1x1x16xi32, #tpu.memory_space<vmem>> -> memref<16xi32, #tpu.memory_space<vmem>>
    %dma_wait3A_798 = arith.constant 0 : i32
    %dma_wait3A_799 = arith.constant 0 : i32
    %dma_wait3A_800 = tpu.memref_slice %arg2[%dma_wait3A_798, %dma_wait3A_799] : memref<8192x1024xf32, #tpu.memory_space<hbm>> -> memref<8192x1024xf32, #tpu.memory_space<hbm>>
    %dma_wait3A_801 = tpu.memref_slice %arg7[%dma_wait3A_787] : memref<2x!tpu.dma_semaphore, #tpu.memory_space<semaphore_mem>> -> memref<1x!tpu.dma_semaphore, #tpu.memory_space<semaphore_mem>>
    %dma_wait3A_802 = tpu.memref_squeeze %dma_wait3A_801 : memref<1x!tpu.dma_semaphore, #tpu.memory_space<semaphore_mem>> -> memref<!tpu.dma_semaphore, #tpu.memory_space<semaphore_mem>>
    tpu.wait_indirect_dma semaphore(%dma_wait3A_802 : memref<!tpu.dma_semaphore, #tpu.memory_space<semaphore_mem>>) src(%dma_wait3A_800 : memref<8192x1024xf32, #tpu.memory_space<hbm>>) dst(%dma_wait3A_794 : memref<16x1024xf32, #tpu.memory_space<vmem>>)
    %add3A_803 = arith.constant 16 : i32
    %add3A_804 = arith.addi %mul3A_32, %add3A_803 : i32
    %dma_start3A_805 = arith.constant 1 : i32
    %dma_start3A_806 = arith.constant 1 : i32
    %dma_start3A_807 = arith.constant 0 : i32
    %dma_start3A_808 = arith.constant 0 : i32
    %dma_start3A_809 = tpu.memref_slice %arg6[%dma_start3A_805, %dma_start3A_807, %dma_start3A_808] : memref<2x16x2048xf32, #tpu.memory_space<vmem>> -> memref<1x16x2048xf32, #tpu.memory_space<vmem>>
    %dma_start3A_810 = tpu.memref_squeeze %dma_start3A_809 : memref<1x16x2048xf32, #tpu.memory_space<vmem>> -> memref<16x2048xf32, #tpu.memory_space<vmem>>
    %dma_start3A_811 = arith.constant 0 : i32
    %dma_start3A_812 = tpu.memref_slice %arg4[%select_n3A, %add3A_804, %dma_start3A_811] : memref<4x2048x2048xf32, #tpu.memory_space<hbm>> -> memref<1x16x2048xf32, #tpu.memory_space<hbm>>
    %dma_start3A_813 = tpu.memref_squeeze %dma_start3A_812 : memref<1x16x2048xf32, #tpu.memory_space<hbm>> -> memref<16x2048xf32, #tpu.memory_space<hbm>>
    %dma_start3A_814 = tpu.memref_slice %arg8[%dma_start3A_806] : memref<2x!tpu.dma_semaphore, #tpu.memory_space<semaphore_mem>> -> memref<1x!tpu.dma_semaphore, #tpu.memory_space<semaphore_mem>>
    %dma_start3A_815 = tpu.memref_squeeze %dma_start3A_814 : memref<1x!tpu.dma_semaphore, #tpu.memory_space<semaphore_mem>> -> memref<!tpu.dma_semaphore, #tpu.memory_space<semaphore_mem>>
    %dma_start3A_816 = arith.constant 0 : i32
    %dma_start3A_817 = tpu.memref_slice %arg4[%select_n3A, %add3A_804, %dma_start3A_816] : memref<4x2048x2048xf32, #tpu.memory_space<hbm>> -> memref<1x16x2048xf32, #tpu.memory_space<hbm>>
    %dma_start3A_818 = tpu.memref_squeeze %dma_start3A_817 : memref<1x16x2048xf32, #tpu.memory_space<hbm>> -> memref<16x2048xf32, #tpu.memory_space<hbm>>
    %dma_start3A_819 = arith.constant 0 : i32
    %dma_start3A_820 = arith.constant 0 : i32
    %dma_start3A_821 = tpu.memref_slice %arg6[%dma_start3A_805, %dma_start3A_819, %dma_start3A_820] : memref<2x16x2048xf32, #tpu.memory_space<vmem>> -> memref<1x16x2048xf32, #tpu.memory_space<vmem>>
    %dma_start3A_822 = tpu.memref_squeeze %dma_start3A_821 : memref<1x16x2048xf32, #tpu.memory_space<vmem>> -> memref<16x2048xf32, #tpu.memory_space<vmem>>
    tpu.enqueue_dma source(%dma_start3A_822 : memref<16x2048xf32, #tpu.memory_space<vmem>>) target(%dma_start3A_818 : memref<16x2048xf32, #tpu.memory_space<hbm>>) target_semaphore(%dma_start3A_815 : memref<!tpu.dma_semaphore, #tpu.memory_space<semaphore_mem>>)
    %dma_wait3A_823 = arith.constant 1 : i32
    %dma_wait3A_824 = arith.constant 1 : i32
    %dma_wait3A_825 = arith.constant 0 : i32
    %dma_wait3A_826 = arith.constant 0 : i32
    %dma_wait3A_827 = tpu.memref_slice %arg6[%dma_wait3A_823, %dma_wait3A_825, %dma_wait3A_826] : memref<2x16x2048xf32, #tpu.memory_space<vmem>> -> memref<1x16x2048xf32, #tpu.memory_space<vmem>>
    %dma_wait3A_828 = tpu.memref_squeeze %dma_wait3A_827 : memref<1x16x2048xf32, #tpu.memory_space<vmem>> -> memref<16x2048xf32, #tpu.memory_space<vmem>>
    %dma_wait3A_829 = arith.constant 0 : i32
    %dma_wait3A_830 = tpu.memref_slice %arg4[%select_n3A, %add3A_804, %dma_wait3A_829] : memref<4x2048x2048xf32, #tpu.memory_space<hbm>> -> memref<1x16x2048xf32, #tpu.memory_space<hbm>>
    %dma_wait3A_831 = tpu.memref_squeeze %dma_wait3A_830 : memref<1x16x2048xf32, #tpu.memory_space<hbm>> -> memref<16x2048xf32, #tpu.memory_space<hbm>>
    %dma_wait3A_832 = tpu.memref_slice %arg8[%dma_wait3A_824] : memref<2x!tpu.dma_semaphore, #tpu.memory_space<semaphore_mem>> -> memref<1x!tpu.dma_semaphore, #tpu.memory_space<semaphore_mem>>
    %dma_wait3A_833 = tpu.memref_squeeze %dma_wait3A_832 : memref<1x!tpu.dma_semaphore, #tpu.memory_space<semaphore_mem>> -> memref<!tpu.dma_semaphore, #tpu.memory_space<semaphore_mem>>
    %dma_wait3A_834 = arith.constant 0 : i32
    %dma_wait3A_835 = tpu.memref_slice %arg4[%select_n3A, %add3A_804, %dma_wait3A_834] : memref<4x2048x2048xf32, #tpu.memory_space<hbm>> -> memref<1x16x2048xf32, #tpu.memory_space<hbm>>
    %dma_wait3A_836 = tpu.memref_squeeze %dma_wait3A_835 : memref<1x16x2048xf32, #tpu.memory_space<hbm>> -> memref<16x2048xf32, #tpu.memory_space<hbm>>
    %dma_wait3A_837 = arith.constant 0 : i32
    %dma_wait3A_838 = arith.constant 0 : i32
    %dma_wait3A_839 = tpu.memref_slice %arg6[%dma_wait3A_823, %dma_wait3A_837, %dma_wait3A_838] : memref<2x16x2048xf32, #tpu.memory_space<vmem>> -> memref<1x16x2048xf32, #tpu.memory_space<vmem>>
    %dma_wait3A_840 = tpu.memref_squeeze %dma_wait3A_839 : memref<1x16x2048xf32, #tpu.memory_space<vmem>> -> memref<16x2048xf32, #tpu.memory_space<vmem>>
    tpu.wait_dma2 semaphore(%dma_wait3A_833 : memref<!tpu.dma_semaphore, #tpu.memory_space<semaphore_mem>>) src(%dma_wait3A_840 : memref<16x2048xf32, #tpu.memory_space<vmem>>) dst(%dma_wait3A_836 : memref<16x2048xf32, #tpu.memory_space<hbm>>)
    %dma_start3A_841 = arith.constant 3 : i32
    %dma_start3A_842 = arith.constant 0 : i32
    %dma_start3A_843 = arith.constant 1 : i32
    %dma_start3A_844 = arith.constant 1 : i32
    %dma_start3A_845 = arith.constant 0 : i32
    %dma_start3A_846 = arith.constant 0 : i32
    %dma_start3A_847 = tpu.memref_slice %arg6[%dma_start3A_843, %dma_start3A_845, %dma_start3A_846] : memref<2x16x2048xf32, #tpu.memory_space<vmem>> -> memref<1x16x2048xf32, #tpu.memory_space<vmem>>
    %dma_start3A_848 = tpu.memref_squeeze %dma_start3A_847 : memref<1x16x2048xf32, #tpu.memory_space<vmem>> -> memref<16x2048xf32, #tpu.memory_space<vmem>>
    %dma_start3A_849 = arith.constant 0 : i32
    %dma_start3A_850 = arith.constant 0 : i32
    %dma_start3A_851 = tpu.memref_slice %dma_start3A_848[%dma_start3A_849, %dma_start3A_850] : memref<16x2048xf32, #tpu.memory_space<vmem>> -> memref<16x1024xf32, #tpu.memory_space<vmem>>
    %dma_start3A_852 = arith.constant 0 : i32
    %dma_start3A_853 = tpu.memref_slice %arg5[%dma_start3A_841, %dma_start3A_842, %dma_start3A_852] : memref<16x2x16xi32, #tpu.memory_space<vmem>> -> memref<1x1x16xi32, #tpu.memory_space<vmem>>
    %dma_start3A_854 = tpu.memref_squeeze %dma_start3A_853 : memref<1x1x16xi32, #tpu.memory_space<vmem>> -> memref<16xi32, #tpu.memory_space<vmem>>
    %dma_start3A_855 = arith.constant 0 : i32
    %dma_start3A_856 = arith.constant 0 : i32
    %dma_start3A_857 = tpu.memref_slice %arg2[%dma_start3A_855, %dma_start3A_856] : memref<8192x1024xf32, #tpu.memory_space<hbm>> -> memref<8192x1024xf32, #tpu.memory_space<hbm>>
    %dma_start3A_858 = tpu.memref_slice %arg7[%dma_start3A_844] : memref<2x!tpu.dma_semaphore, #tpu.memory_space<semaphore_mem>> -> memref<1x!tpu.dma_semaphore, #tpu.memory_space<semaphore_mem>>
    %dma_start3A_859 = tpu.memref_squeeze %dma_start3A_858 : memref<1x!tpu.dma_semaphore, #tpu.memory_space<semaphore_mem>> -> memref<!tpu.dma_semaphore, #tpu.memory_space<semaphore_mem>>
    tpu.enqueue_indirect_dma source(%dma_start3A_857 : memref<8192x1024xf32, #tpu.memory_space<hbm>>) target(%dma_start3A_851 : memref<16x1024xf32, #tpu.memory_space<vmem>>) offsets(%dma_start3A_854 : memref<16xi32, #tpu.memory_space<vmem>>) semaphore(%dma_start3A_859 : memref<!tpu.dma_semaphore, #tpu.memory_space<semaphore_mem>>)
    %dma_start3A_860 = arith.constant 3 : i32
    %dma_start3A_861 = arith.constant 1 : i32
    %dma_start3A_862 = arith.constant 1 : i32
    %dma_start3A_863 = arith.constant 1 : i32
    %dma_start3A_864 = arith.constant 0 : i32
    %dma_start3A_865 = arith.constant 0 : i32
    %dma_start3A_866 = tpu.memref_slice %arg6[%dma_start3A_862, %dma_start3A_864, %dma_start3A_865] : memref<2x16x2048xf32, #tpu.memory_space<vmem>> -> memref<1x16x2048xf32, #tpu.memory_space<vmem>>
    %dma_start3A_867 = tpu.memref_squeeze %dma_start3A_866 : memref<1x16x2048xf32, #tpu.memory_space<vmem>> -> memref<16x2048xf32, #tpu.memory_space<vmem>>
    %dma_start3A_868 = arith.constant 0 : i32
    %dma_start3A_869 = arith.constant 1024 : i32
    %dma_start3A_870 = tpu.memref_slice %dma_start3A_867[%dma_start3A_868, %dma_start3A_869] : memref<16x2048xf32, #tpu.memory_space<vmem>> -> memref<16x1024xf32, #tpu.memory_space<vmem>>
    %dma_start3A_871 = arith.constant 0 : i32
    %dma_start3A_872 = tpu.memref_slice %arg5[%dma_start3A_860, %dma_start3A_861, %dma_start3A_871] : memref<16x2x16xi32, #tpu.memory_space<vmem>> -> memref<1x1x16xi32, #tpu.memory_space<vmem>>
    %dma_start3A_873 = tpu.memref_squeeze %dma_start3A_872 : memref<1x1x16xi32, #tpu.memory_space<vmem>> -> memref<16xi32, #tpu.memory_space<vmem>>
    %dma_start3A_874 = arith.constant 0 : i32
    %dma_start3A_875 = arith.constant 0 : i32
    %dma_start3A_876 = tpu.memref_slice %arg2[%dma_start3A_874, %dma_start3A_875] : memref<8192x1024xf32, #tpu.memory_space<hbm>> -> memref<8192x1024xf32, #tpu.memory_space<hbm>>
    %dma_start3A_877 = tpu.memref_slice %arg7[%dma_start3A_863] : memref<2x!tpu.dma_semaphore, #tpu.memory_space<semaphore_mem>> -> memref<1x!tpu.dma_semaphore, #tpu.memory_space<semaphore_mem>>
    %dma_start3A_878 = tpu.memref_squeeze %dma_start3A_877 : memref<1x!tpu.dma_semaphore, #tpu.memory_space<semaphore_mem>> -> memref<!tpu.dma_semaphore, #tpu.memory_space<semaphore_mem>>
    tpu.enqueue_indirect_dma source(%dma_start3A_876 : memref<8192x1024xf32, #tpu.memory_space<hbm>>) target(%dma_start3A_870 : memref<16x1024xf32, #tpu.memory_space<vmem>>) offsets(%dma_start3A_873 : memref<16xi32, #tpu.memory_space<vmem>>) semaphore(%dma_start3A_878 : memref<!tpu.dma_semaphore, #tpu.memory_space<semaphore_mem>>)
    %dma_wait3A_879 = arith.constant 2 : i32
    %dma_wait3A_880 = arith.constant 0 : i32
    %dma_wait3A_881 = arith.constant 0 : i32
    %dma_wait3A_882 = arith.constant 0 : i32
    %dma_wait3A_883 = arith.constant 0 : i32
    %dma_wait3A_884 = arith.constant 0 : i32
    %dma_wait3A_885 = tpu.memref_slice %arg6[%dma_wait3A_881, %dma_wait3A_883, %dma_wait3A_884] : memref<2x16x2048xf32, #tpu.memory_space<vmem>> -> memref<1x16x2048xf32, #tpu.memory_space<vmem>>
    %dma_wait3A_886 = tpu.memref_squeeze %dma_wait3A_885 : memref<1x16x2048xf32, #tpu.memory_space<vmem>> -> memref<16x2048xf32, #tpu.memory_space<vmem>>
    %dma_wait3A_887 = arith.constant 0 : i32
    %dma_wait3A_888 = arith.constant 0 : i32
    %dma_wait3A_889 = tpu.memref_slice %dma_wait3A_886[%dma_wait3A_887, %dma_wait3A_888] : memref<16x2048xf32, #tpu.memory_space<vmem>> -> memref<16x1024xf32, #tpu.memory_space<vmem>>
    %dma_wait3A_890 = arith.constant 0 : i32
    %dma_wait3A_891 = tpu.memref_slice %arg5[%dma_wait3A_879, %dma_wait3A_880, %dma_wait3A_890] : memref<16x2x16xi32, #tpu.memory_space<vmem>> -> memref<1x1x16xi32, #tpu.memory_space<vmem>>
    %dma_wait3A_892 = tpu.memref_squeeze %dma_wait3A_891 : memref<1x1x16xi32, #tpu.memory_space<vmem>> -> memref<16xi32, #tpu.memory_space<vmem>>
    %dma_wait3A_893 = arith.constant 0 : i32
    %dma_wait3A_894 = arith.constant 0 : i32
    %dma_wait3A_895 = tpu.memref_slice %arg2[%dma_wait3A_893, %dma_wait3A_894] : memref<8192x1024xf32, #tpu.memory_space<hbm>> -> memref<8192x1024xf32, #tpu.memory_space<hbm>>
    %dma_wait3A_896 = tpu.memref_slice %arg7[%dma_wait3A_882] : memref<2x!tpu.dma_semaphore, #tpu.memory_space<semaphore_mem>> -> memref<1x!tpu.dma_semaphore, #tpu.memory_space<semaphore_mem>>
    %dma_wait3A_897 = tpu.memref_squeeze %dma_wait3A_896 : memref<1x!tpu.dma_semaphore, #tpu.memory_space<semaphore_mem>> -> memref<!tpu.dma_semaphore, #tpu.memory_space<semaphore_mem>>
    tpu.wait_indirect_dma semaphore(%dma_wait3A_897 : memref<!tpu.dma_semaphore, #tpu.memory_space<semaphore_mem>>) src(%dma_wait3A_895 : memref<8192x1024xf32, #tpu.memory_space<hbm>>) dst(%dma_wait3A_889 : memref<16x1024xf32, #tpu.memory_space<vmem>>)
    %dma_wait3A_898 = arith.constant 2 : i32
    %dma_wait3A_899 = arith.constant 1 : i32
    %dma_wait3A_900 = arith.constant 0 : i32
    %dma_wait3A_901 = arith.constant 0 : i32
    %dma_wait3A_902 = arith.constant 0 : i32
    %dma_wait3A_903 = arith.constant 0 : i32
    %dma_wait3A_904 = tpu.memref_slice %arg6[%dma_wait3A_900, %dma_wait3A_902, %dma_wait3A_903] : memref<2x16x2048xf32, #tpu.memory_space<vmem>> -> memref<1x16x2048xf32, #tpu.memory_space<vmem>>
    %dma_wait3A_905 = tpu.memref_squeeze %dma_wait3A_904 : memref<1x16x2048xf32, #tpu.memory_space<vmem>> -> memref<16x2048xf32, #tpu.memory_space<vmem>>
    %dma_wait3A_906 = arith.constant 0 : i32
    %dma_wait3A_907 = arith.constant 1024 : i32
    %dma_wait3A_908 = tpu.memref_slice %dma_wait3A_905[%dma_wait3A_906, %dma_wait3A_907] : memref<16x2048xf32, #tpu.memory_space<vmem>> -> memref<16x1024xf32, #tpu.memory_space<vmem>>
    %dma_wait3A_909 = arith.constant 0 : i32
    %dma_wait3A_910 = tpu.memref_slice %arg5[%dma_wait3A_898, %dma_wait3A_899, %dma_wait3A_909] : memref<16x2x16xi32, #tpu.memory_space<vmem>> -> memref<1x1x16xi32, #tpu.memory_space<vmem>>
    %dma_wait3A_911 = tpu.memref_squeeze %dma_wait3A_910 : memref<1x1x16xi32, #tpu.memory_space<vmem>> -> memref<16xi32, #tpu.memory_space<vmem>>
    %dma_wait3A_912 = arith.constant 0 : i32
    %dma_wait3A_913 = arith.constant 0 : i32
    %dma_wait3A_914 = tpu.memref_slice %arg2[%dma_wait3A_912, %dma_wait3A_913] : memref<8192x1024xf32, #tpu.memory_space<hbm>> -> memref<8192x1024xf32, #tpu.memory_space<hbm>>
    %dma_wait3A_915 = tpu.memref_slice %arg7[%dma_wait3A_901] : memref<2x!tpu.dma_semaphore, #tpu.memory_space<semaphore_mem>> -> memref<1x!tpu.dma_semaphore, #tpu.memory_space<semaphore_mem>>
    %dma_wait3A_916 = tpu.memref_squeeze %dma_wait3A_915 : memref<1x!tpu.dma_semaphore, #tpu.memory_space<semaphore_mem>> -> memref<!tpu.dma_semaphore, #tpu.memory_space<semaphore_mem>>
    tpu.wait_indirect_dma semaphore(%dma_wait3A_916 : memref<!tpu.dma_semaphore, #tpu.memory_space<semaphore_mem>>) src(%dma_wait3A_914 : memref<8192x1024xf32, #tpu.memory_space<hbm>>) dst(%dma_wait3A_908 : memref<16x1024xf32, #tpu.memory_space<vmem>>)
    %add3A_917 = arith.constant 32 : i32
    %add3A_918 = arith.addi %mul3A_32, %add3A_917 : i32
    %dma_start3A_919 = arith.constant 0 : i32
    %dma_start3A_920 = arith.constant 0 : i32
    %dma_start3A_921 = arith.constant 0 : i32
    %dma_start3A_922 = arith.constant 0 : i32
    %dma_start3A_923 = tpu.memref_slice %arg6[%dma_start3A_919, %dma_start3A_921, %dma_start3A_922] : memref<2x16x2048xf32, #tpu.memory_space<vmem>> -> memref<1x16x2048xf32, #tpu.memory_space<vmem>>
    %dma_start3A_924 = tpu.memref_squeeze %dma_start3A_923 : memref<1x16x2048xf32, #tpu.memory_space<vmem>> -> memref<16x2048xf32, #tpu.memory_space<vmem>>
    %dma_start3A_925 = arith.constant 0 : i32
    %dma_start3A_926 = tpu.memref_slice %arg4[%select_n3A, %add3A_918, %dma_start3A_925] : memref<4x2048x2048xf32, #tpu.memory_space<hbm>> -> memref<1x16x2048xf32, #tpu.memory_space<hbm>>
    %dma_start3A_927 = tpu.memref_squeeze %dma_start3A_926 : memref<1x16x2048xf32, #tpu.memory_space<hbm>> -> memref<16x2048xf32, #tpu.memory_space<hbm>>
    %dma_start3A_928 = tpu.memref_slice %arg8[%dma_start3A_920] : memref<2x!tpu.dma_semaphore, #tpu.memory_space<semaphore_mem>> -> memref<1x!tpu.dma_semaphore, #tpu.memory_space<semaphore_mem>>
    %dma_start3A_929 = tpu.memref_squeeze %dma_start3A_928 : memref<1x!tpu.dma_semaphore, #tpu.memory_space<semaphore_mem>> -> memref<!tpu.dma_semaphore, #tpu.memory_space<semaphore_mem>>
    %dma_start3A_930 = arith.constant 0 : i32
    %dma_start3A_931 = tpu.memref_slice %arg4[%select_n3A, %add3A_918, %dma_start3A_930] : memref<4x2048x2048xf32, #tpu.memory_space<hbm>> -> memref<1x16x2048xf32, #tpu.memory_space<hbm>>
    %dma_start3A_932 = tpu.memref_squeeze %dma_start3A_931 : memref<1x16x2048xf32, #tpu.memory_space<hbm>> -> memref<16x2048xf32, #tpu.memory_space<hbm>>
    %dma_start3A_933 = arith.constant 0 : i32
    %dma_start3A_934 = arith.constant 0 : i32
    %dma_start3A_935 = tpu.memref_slice %arg6[%dma_start3A_919, %dma_start3A_933, %dma_start3A_934] : memref<2x16x2048xf32, #tpu.memory_space<vmem>> -> memref<1x16x2048xf32, #tpu.memory_space<vmem>>
    %dma_start3A_936 = tpu.memref_squeeze %dma_start3A_935 : memref<1x16x2048xf32, #tpu.memory_space<vmem>> -> memref<16x2048xf32, #tpu.memory_space<vmem>>
    tpu.enqueue_dma source(%dma_start3A_936 : memref<16x2048xf32, #tpu.memory_space<vmem>>) target(%dma_start3A_932 : memref<16x2048xf32, #tpu.memory_space<hbm>>) target_semaphore(%dma_start3A_929 : memref<!tpu.dma_semaphore, #tpu.memory_space<semaphore_mem>>)
    %dma_wait3A_937 = arith.constant 0 : i32
    %dma_wait3A_938 = arith.constant 0 : i32
    %dma_wait3A_939 = arith.constant 0 : i32
    %dma_wait3A_940 = arith.constant 0 : i32
    %dma_wait3A_941 = tpu.memref_slice %arg6[%dma_wait3A_937, %dma_wait3A_939, %dma_wait3A_940] : memref<2x16x2048xf32, #tpu.memory_space<vmem>> -> memref<1x16x2048xf32, #tpu.memory_space<vmem>>
    %dma_wait3A_942 = tpu.memref_squeeze %dma_wait3A_941 : memref<1x16x2048xf32, #tpu.memory_space<vmem>> -> memref<16x2048xf32, #tpu.memory_space<vmem>>
    %dma_wait3A_943 = arith.constant 0 : i32
    %dma_wait3A_944 = tpu.memref_slice %arg4[%select_n3A, %add3A_918, %dma_wait3A_943] : memref<4x2048x2048xf32, #tpu.memory_space<hbm>> -> memref<1x16x2048xf32, #tpu.memory_space<hbm>>
    %dma_wait3A_945 = tpu.memref_squeeze %dma_wait3A_944 : memref<1x16x2048xf32, #tpu.memory_space<hbm>> -> memref<16x2048xf32, #tpu.memory_space<hbm>>
    %dma_wait3A_946 = tpu.memref_slice %arg8[%dma_wait3A_938] : memref<2x!tpu.dma_semaphore, #tpu.memory_space<semaphore_mem>> -> memref<1x!tpu.dma_semaphore, #tpu.memory_space<semaphore_mem>>
    %dma_wait3A_947 = tpu.memref_squeeze %dma_wait3A_946 : memref<1x!tpu.dma_semaphore, #tpu.memory_space<semaphore_mem>> -> memref<!tpu.dma_semaphore, #tpu.memory_space<semaphore_mem>>
    %dma_wait3A_948 = arith.constant 0 : i32
    %dma_wait3A_949 = tpu.memref_slice %arg4[%select_n3A, %add3A_918, %dma_wait3A_948] : memref<4x2048x2048xf32, #tpu.memory_space<hbm>> -> memref<1x16x2048xf32, #tpu.memory_space<hbm>>
    %dma_wait3A_950 = tpu.memref_squeeze %dma_wait3A_949 : memref<1x16x2048xf32, #tpu.memory_space<hbm>> -> memref<16x2048xf32, #tpu.memory_space<hbm>>
    %dma_wait3A_951 = arith.constant 0 : i32
    %dma_wait3A_952 = arith.constant 0 : i32
    %dma_wait3A_953 = tpu.memref_slice %arg6[%dma_wait3A_937, %dma_wait3A_951, %dma_wait3A_952] : memref<2x16x2048xf32, #tpu.memory_space<vmem>> -> memref<1x16x2048xf32, #tpu.memory_space<vmem>>
    %dma_wait3A_954 = tpu.memref_squeeze %dma_wait3A_953 : memref<1x16x2048xf32, #tpu.memory_space<vmem>> -> memref<16x2048xf32, #tpu.memory_space<vmem>>
    tpu.wait_dma2 semaphore(%dma_wait3A_947 : memref<!tpu.dma_semaphore, #tpu.memory_space<semaphore_mem>>) src(%dma_wait3A_954 : memref<16x2048xf32, #tpu.memory_space<vmem>>) dst(%dma_wait3A_950 : memref<16x2048xf32, #tpu.memory_space<hbm>>)
    %dma_start3A_955 = arith.constant 4 : i32
    %dma_start3A_956 = arith.constant 0 : i32
    %dma_start3A_957 = arith.constant 0 : i32
    %dma_start3A_958 = arith.constant 0 : i32
    %dma_start3A_959 = arith.constant 0 : i32
    %dma_start3A_960 = arith.constant 0 : i32
    %dma_start3A_961 = tpu.memref_slice %arg6[%dma_start3A_957, %dma_start3A_959, %dma_start3A_960] : memref<2x16x2048xf32, #tpu.memory_space<vmem>> -> memref<1x16x2048xf32, #tpu.memory_space<vmem>>
    %dma_start3A_962 = tpu.memref_squeeze %dma_start3A_961 : memref<1x16x2048xf32, #tpu.memory_space<vmem>> -> memref<16x2048xf32, #tpu.memory_space<vmem>>
    %dma_start3A_963 = arith.constant 0 : i32
    %dma_start3A_964 = arith.constant 0 : i32
    %dma_start3A_965 = tpu.memref_slice %dma_start3A_962[%dma_start3A_963, %dma_start3A_964] : memref<16x2048xf32, #tpu.memory_space<vmem>> -> memref<16x1024xf32, #tpu.memory_space<vmem>>
    %dma_start3A_966 = arith.constant 0 : i32
    %dma_start3A_967 = tpu.memref_slice %arg5[%dma_start3A_955, %dma_start3A_956, %dma_start3A_966] : memref<16x2x16xi32, #tpu.memory_space<vmem>> -> memref<1x1x16xi32, #tpu.memory_space<vmem>>
    %dma_start3A_968 = tpu.memref_squeeze %dma_start3A_967 : memref<1x1x16xi32, #tpu.memory_space<vmem>> -> memref<16xi32, #tpu.memory_space<vmem>>
    %dma_start3A_969 = arith.constant 0 : i32
    %dma_start3A_970 = arith.constant 0 : i32
    %dma_start3A_971 = tpu.memref_slice %arg2[%dma_start3A_969, %dma_start3A_970] : memref<8192x1024xf32, #tpu.memory_space<hbm>> -> memref<8192x1024xf32, #tpu.memory_space<hbm>>
    %dma_start3A_972 = tpu.memref_slice %arg7[%dma_start3A_958] : memref<2x!tpu.dma_semaphore, #tpu.memory_space<semaphore_mem>> -> memref<1x!tpu.dma_semaphore, #tpu.memory_space<semaphore_mem>>
    %dma_start3A_973 = tpu.memref_squeeze %dma_start3A_972 : memref<1x!tpu.dma_semaphore, #tpu.memory_space<semaphore_mem>> -> memref<!tpu.dma_semaphore, #tpu.memory_space<semaphore_mem>>
    tpu.enqueue_indirect_dma source(%dma_start3A_971 : memref<8192x1024xf32, #tpu.memory_space<hbm>>) target(%dma_start3A_965 : memref<16x1024xf32, #tpu.memory_space<vmem>>) offsets(%dma_start3A_968 : memref<16xi32, #tpu.memory_space<vmem>>) semaphore(%dma_start3A_973 : memref<!tpu.dma_semaphore, #tpu.memory_space<semaphore_mem>>)
    %dma_start3A_974 = arith.constant 4 : i32
    %dma_start3A_975 = arith.constant 1 : i32
    %dma_start3A_976 = arith.constant 0 : i32
    %dma_start3A_977 = arith.constant 0 : i32
    %dma_start3A_978 = arith.constant 0 : i32
    %dma_start3A_979 = arith.constant 0 : i32
    %dma_start3A_980 = tpu.memref_slice %arg6[%dma_start3A_976, %dma_start3A_978, %dma_start3A_979] : memref<2x16x2048xf32, #tpu.memory_space<vmem>> -> memref<1x16x2048xf32, #tpu.memory_space<vmem>>
    %dma_start3A_981 = tpu.memref_squeeze %dma_start3A_980 : memref<1x16x2048xf32, #tpu.memory_space<vmem>> -> memref<16x2048xf32, #tpu.memory_space<vmem>>
    %dma_start3A_982 = arith.constant 0 : i32
    %dma_start3A_983 = arith.constant 1024 : i32
    %dma_start3A_984 = tpu.memref_slice %dma_start3A_981[%dma_start3A_982, %dma_start3A_983] : memref<16x2048xf32, #tpu.memory_space<vmem>> -> memref<16x1024xf32, #tpu.memory_space<vmem>>
    %dma_start3A_985 = arith.constant 0 : i32
    %dma_start3A_986 = tpu.memref_slice %arg5[%dma_start3A_974, %dma_start3A_975, %dma_start3A_985] : memref<16x2x16xi32, #tpu.memory_space<vmem>> -> memref<1x1x16xi32, #tpu.memory_space<vmem>>
    %dma_start3A_987 = tpu.memref_squeeze %dma_start3A_986 : memref<1x1x16xi32, #tpu.memory_space<vmem>> -> memref<16xi32, #tpu.memory_space<vmem>>
    %dma_start3A_988 = arith.constant 0 : i32
    %dma_start3A_989 = arith.constant 0 : i32
    %dma_start3A_990 = tpu.memref_slice %arg2[%dma_start3A_988, %dma_start3A_989] : memref<8192x1024xf32, #tpu.memory_space<hbm>> -> memref<8192x1024xf32, #tpu.memory_space<hbm>>
    %dma_start3A_991 = tpu.memref_slice %arg7[%dma_start3A_977] : memref<2x!tpu.dma_semaphore, #tpu.memory_space<semaphore_mem>> -> memref<1x!tpu.dma_semaphore, #tpu.memory_space<semaphore_mem>>
    %dma_start3A_992 = tpu.memref_squeeze %dma_start3A_991 : memref<1x!tpu.dma_semaphore, #tpu.memory_space<semaphore_mem>> -> memref<!tpu.dma_semaphore, #tpu.memory_space<semaphore_mem>>
    tpu.enqueue_indirect_dma source(%dma_start3A_990 : memref<8192x1024xf32, #tpu.memory_space<hbm>>) target(%dma_start3A_984 : memref<16x1024xf32, #tpu.memory_space<vmem>>) offsets(%dma_start3A_987 : memref<16xi32, #tpu.memory_space<vmem>>) semaphore(%dma_start3A_992 : memref<!tpu.dma_semaphore, #tpu.memory_space<semaphore_mem>>)
    %dma_wait3A_993 = arith.constant 3 : i32
    %dma_wait3A_994 = arith.constant 0 : i32
    %dma_wait3A_995 = arith.constant 1 : i32
    %dma_wait3A_996 = arith.constant 1 : i32
    %dma_wait3A_997 = arith.constant 0 : i32
    %dma_wait3A_998 = arith.constant 0 : i32
    %dma_wait3A_999 = tpu.memref_slice %arg6[%dma_wait3A_995, %dma_wait3A_997, %dma_wait3A_998] : memref<2x16x2048xf32, #tpu.memory_space<vmem>> -> memref<1x16x2048xf32, #tpu.memory_space<vmem>>
    %dma_wait3A_1000 = tpu.memref_squeeze %dma_wait3A_999 : memref<1x16x2048xf32, #tpu.memory_space<vmem>> -> memref<16x2048xf32, #tpu.memory_space<vmem>>
    %dma_wait3A_1001 = arith.constant 0 : i32
    %dma_wait3A_1002 = arith.constant 0 : i32
    %dma_wait3A_1003 = tpu.memref_slice %dma_wait3A_1000[%dma_wait3A_1001, %dma_wait3A_1002] : memref<16x2048xf32, #tpu.memory_space<vmem>> -> memref<16x1024xf32, #tpu.memory_space<vmem>>
    %dma_wait3A_1004 = arith.constant 0 : i32
    %dma_wait3A_1005 = tpu.memref_slice %arg5[%dma_wait3A_993, %dma_wait3A_994, %dma_wait3A_1004] : memref<16x2x16xi32, #tpu.memory_space<vmem>> -> memref<1x1x16xi32, #tpu.memory_space<vmem>>
    %dma_wait3A_1006 = tpu.memref_squeeze %dma_wait3A_1005 : memref<1x1x16xi32, #tpu.memory_space<vmem>> -> memref<16xi32, #tpu.memory_space<vmem>>
    %dma_wait3A_1007 = arith.constant 0 : i32
    %dma_wait3A_1008 = arith.constant 0 : i32
    %dma_wait3A_1009 = tpu.memref_slice %arg2[%dma_wait3A_1007, %dma_wait3A_1008] : memref<8192x1024xf32, #tpu.memory_space<hbm>> -> memref<8192x1024xf32, #tpu.memory_space<hbm>>
    %dma_wait3A_1010 = tpu.memref_slice %arg7[%dma_wait3A_996] : memref<2x!tpu.dma_semaphore, #tpu.memory_space<semaphore_mem>> -> memref<1x!tpu.dma_semaphore, #tpu.memory_space<semaphore_mem>>
    %dma_wait3A_1011 = tpu.memref_squeeze %dma_wait3A_1010 : memref<1x!tpu.dma_semaphore, #tpu.memory_space<semaphore_mem>> -> memref<!tpu.dma_semaphore, #tpu.memory_space<semaphore_mem>>
    tpu.wait_indirect_dma semaphore(%dma_wait3A_1011 : memref<!tpu.dma_semaphore, #tpu.memory_space<semaphore_mem>>) src(%dma_wait3A_1009 : memref<8192x1024xf32, #tpu.memory_space<hbm>>) dst(%dma_wait3A_1003 : memref<16x1024xf32, #tpu.memory_space<vmem>>)
    %dma_wait3A_1012 = arith.constant 3 : i32
    %dma_wait3A_1013 = arith.constant 1 : i32
    %dma_wait3A_1014 = arith.constant 1 : i32
    %dma_wait3A_1015 = arith.constant 1 : i32
    %dma_wait3A_1016 = arith.constant 0 : i32
    %dma_wait3A_1017 = arith.constant 0 : i32
    %dma_wait3A_1018 = tpu.memref_slice %arg6[%dma_wait3A_1014, %dma_wait3A_1016, %dma_wait3A_1017] : memref<2x16x2048xf32, #tpu.memory_space<vmem>> -> memref<1x16x2048xf32, #tpu.memory_space<vmem>>
    %dma_wait3A_1019 = tpu.memref_squeeze %dma_wait3A_1018 : memref<1x16x2048xf32, #tpu.memory_space<vmem>> -> memref<16x2048xf32, #tpu.memory_space<vmem>>
    %dma_wait3A_1020 = arith.constant 0 : i32
    %dma_wait3A_1021 = arith.constant 1024 : i32
    %dma_wait3A_1022 = tpu.memref_slice %dma_wait3A_1019[%dma_wait3A_1020, %dma_wait3A_1021] : memref<16x2048xf32, #tpu.memory_space<vmem>> -> memref<16x1024xf32, #tpu.memory_space<vmem>>
    %dma_wait3A_1023 = arith.constant 0 : i32
    %dma_wait3A_1024 = tpu.memref_slice %arg5[%dma_wait3A_1012, %dma_wait3A_1013, %dma_wait3A_1023] : memref<16x2x16xi32, #tpu.memory_space<vmem>> -> memref<1x1x16xi32, #tpu.memory_space<vmem>>
    %dma_wait3A_1025 = tpu.memref_squeeze %dma_wait3A_1024 : memref<1x1x16xi32, #tpu.memory_space<vmem>> -> memref<16xi32, #tpu.memory_space<vmem>>
    %dma_wait3A_1026 = arith.constant 0 : i32
    %dma_wait3A_1027 = arith.constant 0 : i32
    %dma_wait3A_1028 = tpu.memref_slice %arg2[%dma_wait3A_1026, %dma_wait3A_1027] : memref<8192x1024xf32, #tpu.memory_space<hbm>> -> memref<8192x1024xf32, #tpu.memory_space<hbm>>
    %dma_wait3A_1029 = tpu.memref_slice %arg7[%dma_wait3A_1015] : memref<2x!tpu.dma_semaphore, #tpu.memory_space<semaphore_mem>> -> memref<1x!tpu.dma_semaphore, #tpu.memory_space<semaphore_mem>>
    %dma_wait3A_1030 = tpu.memref_squeeze %dma_wait3A_1029 : memref<1x!tpu.dma_semaphore, #tpu.memory_space<semaphore_mem>> -> memref<!tpu.dma_semaphore, #tpu.memory_space<semaphore_mem>>
    tpu.wait_indirect_dma semaphore(%dma_wait3A_1030 : memref<!tpu.dma_semaphore, #tpu.memory_space<semaphore_mem>>) src(%dma_wait3A_1028 : memref<8192x1024xf32, #tpu.memory_space<hbm>>) dst(%dma_wait3A_1022 : memref<16x1024xf32, #tpu.memory_space<vmem>>)
    %add3A_1031 = arith.constant 48 : i32
    %add3A_1032 = arith.addi %mul3A_32, %add3A_1031 : i32
    %dma_start3A_1033 = arith.constant 1 : i32
    %dma_start3A_1034 = arith.constant 1 : i32
    %dma_start3A_1035 = arith.constant 0 : i32
    %dma_start3A_1036 = arith.constant 0 : i32
    %dma_start3A_1037 = tpu.memref_slice %arg6[%dma_start3A_1033, %dma_start3A_1035, %dma_start3A_1036] : memref<2x16x2048xf32, #tpu.memory_space<vmem>> -> memref<1x16x2048xf32, #tpu.memory_space<vmem>>
    %dma_start3A_1038 = tpu.memref_squeeze %dma_start3A_1037 : memref<1x16x2048xf32, #tpu.memory_space<vmem>> -> memref<16x2048xf32, #tpu.memory_space<vmem>>
    %dma_start3A_1039 = arith.constant 0 : i32
    %dma_start3A_1040 = tpu.memref_slice %arg4[%select_n3A, %add3A_1032, %dma_start3A_1039] : memref<4x2048x2048xf32, #tpu.memory_space<hbm>> -> memref<1x16x2048xf32, #tpu.memory_space<hbm>>
    %dma_start3A_1041 = tpu.memref_squeeze %dma_start3A_1040 : memref<1x16x2048xf32, #tpu.memory_space<hbm>> -> memref<16x2048xf32, #tpu.memory_space<hbm>>
    %dma_start3A_1042 = tpu.memref_slice %arg8[%dma_start3A_1034] : memref<2x!tpu.dma_semaphore, #tpu.memory_space<semaphore_mem>> -> memref<1x!tpu.dma_semaphore, #tpu.memory_space<semaphore_mem>>
    %dma_start3A_1043 = tpu.memref_squeeze %dma_start3A_1042 : memref<1x!tpu.dma_semaphore, #tpu.memory_space<semaphore_mem>> -> memref<!tpu.dma_semaphore, #tpu.memory_space<semaphore_mem>>
    %dma_start3A_1044 = arith.constant 0 : i32
    %dma_start3A_1045 = tpu.memref_slice %arg4[%select_n3A, %add3A_1032, %dma_start3A_1044] : memref<4x2048x2048xf32, #tpu.memory_space<hbm>> -> memref<1x16x2048xf32, #tpu.memory_space<hbm>>
    %dma_start3A_1046 = tpu.memref_squeeze %dma_start3A_1045 : memref<1x16x2048xf32, #tpu.memory_space<hbm>> -> memref<16x2048xf32, #tpu.memory_space<hbm>>
    %dma_start3A_1047 = arith.constant 0 : i32
    %dma_start3A_1048 = arith.constant 0 : i32
    %dma_start3A_1049 = tpu.memref_slice %arg6[%dma_start3A_1033, %dma_start3A_1047, %dma_start3A_1048] : memref<2x16x2048xf32, #tpu.memory_space<vmem>> -> memref<1x16x2048xf32, #tpu.memory_space<vmem>>
    %dma_start3A_1050 = tpu.memref_squeeze %dma_start3A_1049 : memref<1x16x2048xf32, #tpu.memory_space<vmem>> -> memref<16x2048xf32, #tpu.memory_space<vmem>>
    tpu.enqueue_dma source(%dma_start3A_1050 : memref<16x2048xf32, #tpu.memory_space<vmem>>) target(%dma_start3A_1046 : memref<16x2048xf32, #tpu.memory_space<hbm>>) target_semaphore(%dma_start3A_1043 : memref<!tpu.dma_semaphore, #tpu.memory_space<semaphore_mem>>)
    %dma_wait3A_1051 = arith.constant 1 : i32
    %dma_wait3A_1052 = arith.constant 1 : i32
    %dma_wait3A_1053 = arith.constant 0 : i32
    %dma_wait3A_1054 = arith.constant 0 : i32
    %dma_wait3A_1055 = tpu.memref_slice %arg6[%dma_wait3A_1051, %dma_wait3A_1053, %dma_wait3A_1054] : memref<2x16x2048xf32, #tpu.memory_space<vmem>> -> memref<1x16x2048xf32, #tpu.memory_space<vmem>>
    %dma_wait3A_1056 = tpu.memref_squeeze %dma_wait3A_1055 : memref<1x16x2048xf32, #tpu.memory_space<vmem>> -> memref<16x2048xf32, #tpu.memory_space<vmem>>
    %dma_wait3A_1057 = arith.constant 0 : i32
    %dma_wait3A_1058 = tpu.memref_slice %arg4[%select_n3A, %add3A_1032, %dma_wait3A_1057] : memref<4x2048x2048xf32, #tpu.memory_space<hbm>> -> memref<1x16x2048xf32, #tpu.memory_space<hbm>>
    %dma_wait3A_1059 = tpu.memref_squeeze %dma_wait3A_1058 : memref<1x16x2048xf32, #tpu.memory_space<hbm>> -> memref<16x2048xf32, #tpu.memory_space<hbm>>
    %dma_wait3A_1060 = tpu.memref_slice %arg8[%dma_wait3A_1052] : memref<2x!tpu.dma_semaphore, #tpu.memory_space<semaphore_mem>> -> memref<1x!tpu.dma_semaphore, #tpu.memory_space<semaphore_mem>>
    %dma_wait3A_1061 = tpu.memref_squeeze %dma_wait3A_1060 : memref<1x!tpu.dma_semaphore, #tpu.memory_space<semaphore_mem>> -> memref<!tpu.dma_semaphore, #tpu.memory_space<semaphore_mem>>
    %dma_wait3A_1062 = arith.constant 0 : i32
    %dma_wait3A_1063 = tpu.memref_slice %arg4[%select_n3A, %add3A_1032, %dma_wait3A_1062] : memref<4x2048x2048xf32, #tpu.memory_space<hbm>> -> memref<1x16x2048xf32, #tpu.memory_space<hbm>>
    %dma_wait3A_1064 = tpu.memref_squeeze %dma_wait3A_1063 : memref<1x16x2048xf32, #tpu.memory_space<hbm>> -> memref<16x2048xf32, #tpu.memory_space<hbm>>
    %dma_wait3A_1065 = arith.constant 0 : i32
    %dma_wait3A_1066 = arith.constant 0 : i32
    %dma_wait3A_1067 = tpu.memref_slice %arg6[%dma_wait3A_1051, %dma_wait3A_1065, %dma_wait3A_1066] : memref<2x16x2048xf32, #tpu.memory_space<vmem>> -> memref<1x16x2048xf32, #tpu.memory_space<vmem>>
    %dma_wait3A_1068 = tpu.memref_squeeze %dma_wait3A_1067 : memref<1x16x2048xf32, #tpu.memory_space<vmem>> -> memref<16x2048xf32, #tpu.memory_space<vmem>>
    tpu.wait_dma2 semaphore(%dma_wait3A_1061 : memref<!tpu.dma_semaphore, #tpu.memory_space<semaphore_mem>>) src(%dma_wait3A_1068 : memref<16x2048xf32, #tpu.memory_space<vmem>>) dst(%dma_wait3A_1064 : memref<16x2048xf32, #tpu.memory_space<hbm>>)
    %dma_start3A_1069 = arith.constant 5 : i32
    %dma_start3A_1070 = arith.constant 0 : i32
    %dma_start3A_1071 = arith.constant 1 : i32
    %dma_start3A_1072 = arith.constant 1 : i32
    %dma_start3A_1073 = arith.constant 0 : i32
    %dma_start3A_1074 = arith.constant 0 : i32
    %dma_start3A_1075 = tpu.memref_slice %arg6[%dma_start3A_1071, %dma_start3A_1073, %dma_start3A_1074] : memref<2x16x2048xf32, #tpu.memory_space<vmem>> -> memref<1x16x2048xf32, #tpu.memory_space<vmem>>
    %dma_start3A_1076 = tpu.memref_squeeze %dma_start3A_1075 : memref<1x16x2048xf32, #tpu.memory_space<vmem>> -> memref<16x2048xf32, #tpu.memory_space<vmem>>
    %dma_start3A_1077 = arith.constant 0 : i32
    %dma_start3A_1078 = arith.constant 0 : i32
    %dma_start3A_1079 = tpu.memref_slice %dma_start3A_1076[%dma_start3A_1077, %dma_start3A_1078] : memref<16x2048xf32, #tpu.memory_space<vmem>> -> memref<16x1024xf32, #tpu.memory_space<vmem>>
    %dma_start3A_1080 = arith.constant 0 : i32
    %dma_start3A_1081 = tpu.memref_slice %arg5[%dma_start3A_1069, %dma_start3A_1070, %dma_start3A_1080] : memref<16x2x16xi32, #tpu.memory_space<vmem>> -> memref<1x1x16xi32, #tpu.memory_space<vmem>>
    %dma_start3A_1082 = tpu.memref_squeeze %dma_start3A_1081 : memref<1x1x16xi32, #tpu.memory_space<vmem>> -> memref<16xi32, #tpu.memory_space<vmem>>
    %dma_start3A_1083 = arith.constant 0 : i32
    %dma_start3A_1084 = arith.constant 0 : i32
    %dma_start3A_1085 = tpu.memref_slice %arg2[%dma_start3A_1083, %dma_start3A_1084] : memref<8192x1024xf32, #tpu.memory_space<hbm>> -> memref<8192x1024xf32, #tpu.memory_space<hbm>>
    %dma_start3A_1086 = tpu.memref_slice %arg7[%dma_start3A_1072] : memref<2x!tpu.dma_semaphore, #tpu.memory_space<semaphore_mem>> -> memref<1x!tpu.dma_semaphore, #tpu.memory_space<semaphore_mem>>
    %dma_start3A_1087 = tpu.memref_squeeze %dma_start3A_1086 : memref<1x!tpu.dma_semaphore, #tpu.memory_space<semaphore_mem>> -> memref<!tpu.dma_semaphore, #tpu.memory_space<semaphore_mem>>
    tpu.enqueue_indirect_dma source(%dma_start3A_1085 : memref<8192x1024xf32, #tpu.memory_space<hbm>>) target(%dma_start3A_1079 : memref<16x1024xf32, #tpu.memory_space<vmem>>) offsets(%dma_start3A_1082 : memref<16xi32, #tpu.memory_space<vmem>>) semaphore(%dma_start3A_1087 : memref<!tpu.dma_semaphore, #tpu.memory_space<semaphore_mem>>)
    %dma_start3A_1088 = arith.constant 5 : i32
    %dma_start3A_1089 = arith.constant 1 : i32
    %dma_start3A_1090 = arith.constant 1 : i32
    %dma_start3A_1091 = arith.constant 1 : i32
    %dma_start3A_1092 = arith.constant 0 : i32
    %dma_start3A_1093 = arith.constant 0 : i32
    %dma_start3A_1094 = tpu.memref_slice %arg6[%dma_start3A_1090, %dma_start3A_1092, %dma_start3A_1093] : memref<2x16x2048xf32, #tpu.memory_space<vmem>> -> memref<1x16x2048xf32, #tpu.memory_space<vmem>>
    %dma_start3A_1095 = tpu.memref_squeeze %dma_start3A_1094 : memref<1x16x2048xf32, #tpu.memory_space<vmem>> -> memref<16x2048xf32, #tpu.memory_space<vmem>>
    %dma_start3A_1096 = arith.constant 0 : i32
    %dma_start3A_1097 = arith.constant 1024 : i32
    %dma_start3A_1098 = tpu.memref_slice %dma_start3A_1095[%dma_start3A_1096, %dma_start3A_1097] : memref<16x2048xf32, #tpu.memory_space<vmem>> -> memref<16x1024xf32, #tpu.memory_space<vmem>>
    %dma_start3A_1099 = arith.constant 0 : i32
    %dma_start3A_1100 = tpu.memref_slice %arg5[%dma_start3A_1088, %dma_start3A_1089, %dma_start3A_1099] : memref<16x2x16xi32, #tpu.memory_space<vmem>> -> memref<1x1x16xi32, #tpu.memory_space<vmem>>
    %dma_start3A_1101 = tpu.memref_squeeze %dma_start3A_1100 : memref<1x1x16xi32, #tpu.memory_space<vmem>> -> memref<16xi32, #tpu.memory_space<vmem>>
    %dma_start3A_1102 = arith.constant 0 : i32
    %dma_start3A_1103 = arith.constant 0 : i32
    %dma_start3A_1104 = tpu.memref_slice %arg2[%dma_start3A_1102, %dma_start3A_1103] : memref<8192x1024xf32, #tpu.memory_space<hbm>> -> memref<8192x1024xf32, #tpu.memory_space<hbm>>
    %dma_start3A_1105 = tpu.memref_slice %arg7[%dma_start3A_1091] : memref<2x!tpu.dma_semaphore, #tpu.memory_space<semaphore_mem>> -> memref<1x!tpu.dma_semaphore, #tpu.memory_space<semaphore_mem>>
    %dma_start3A_1106 = tpu.memref_squeeze %dma_start3A_1105 : memref<1x!tpu.dma_semaphore, #tpu.memory_space<semaphore_mem>> -> memref<!tpu.dma_semaphore, #tpu.memory_space<semaphore_mem>>
    tpu.enqueue_indirect_dma source(%dma_start3A_1104 : memref<8192x1024xf32, #tpu.memory_space<hbm>>) target(%dma_start3A_1098 : memref<16x1024xf32, #tpu.memory_space<vmem>>) offsets(%dma_start3A_1101 : memref<16xi32, #tpu.memory_space<vmem>>) semaphore(%dma_start3A_1106 : memref<!tpu.dma_semaphore, #tpu.memory_space<semaphore_mem>>)
    %dma_wait3A_1107 = arith.constant 4 : i32
    %dma_wait3A_1108 = arith.constant 0 : i32
    %dma_wait3A_1109 = arith.constant 0 : i32
    %dma_wait3A_1110 = arith.constant 0 : i32
    %dma_wait3A_1111 = arith.constant 0 : i32
    %dma_wait3A_1112 = arith.constant 0 : i32
    %dma_wait3A_1113 = tpu.memref_slice %arg6[%dma_wait3A_1109, %dma_wait3A_1111, %dma_wait3A_1112] : memref<2x16x2048xf32, #tpu.memory_space<vmem>> -> memref<1x16x2048xf32, #tpu.memory_space<vmem>>
    %dma_wait3A_1114 = tpu.memref_squeeze %dma_wait3A_1113 : memref<1x16x2048xf32, #tpu.memory_space<vmem>> -> memref<16x2048xf32, #tpu.memory_space<vmem>>
    %dma_wait3A_1115 = arith.constant 0 : i32
    %dma_wait3A_1116 = arith.constant 0 : i32
    %dma_wait3A_1117 = tpu.memref_slice %dma_wait3A_1114[%dma_wait3A_1115, %dma_wait3A_1116] : memref<16x2048xf32, #tpu.memory_space<vmem>> -> memref<16x1024xf32, #tpu.memory_space<vmem>>
    %dma_wait3A_1118 = arith.constant 0 : i32
    %dma_wait3A_1119 = tpu.memref_slice %arg5[%dma_wait3A_1107, %dma_wait3A_1108, %dma_wait3A_1118] : memref<16x2x16xi32, #tpu.memory_space<vmem>> -> memref<1x1x16xi32, #tpu.memory_space<vmem>>
    %dma_wait3A_1120 = tpu.memref_squeeze %dma_wait3A_1119 : memref<1x1x16xi32, #tpu.memory_space<vmem>> -> memref<16xi32, #tpu.memory_space<vmem>>
    %dma_wait3A_1121 = arith.constant 0 : i32
    %dma_wait3A_1122 = arith.constant 0 : i32
    %dma_wait3A_1123 = tpu.memref_slice %arg2[%dma_wait3A_1121, %dma_wait3A_1122] : memref<8192x1024xf32, #tpu.memory_space<hbm>> -> memref<8192x1024xf32, #tpu.memory_space<hbm>>
    %dma_wait3A_1124 = tpu.memref_slice %arg7[%dma_wait3A_1110] : memref<2x!tpu.dma_semaphore, #tpu.memory_space<semaphore_mem>> -> memref<1x!tpu.dma_semaphore, #tpu.memory_space<semaphore_mem>>
    %dma_wait3A_1125 = tpu.memref_squeeze %dma_wait3A_1124 : memref<1x!tpu.dma_semaphore, #tpu.memory_space<semaphore_mem>> -> memref<!tpu.dma_semaphore, #tpu.memory_space<semaphore_mem>>
    tpu.wait_indirect_dma semaphore(%dma_wait3A_1125 : memref<!tpu.dma_semaphore, #tpu.memory_space<semaphore_mem>>) src(%dma_wait3A_1123 : memref<8192x1024xf32, #tpu.memory_space<hbm>>) dst(%dma_wait3A_1117 : memref<16x1024xf32, #tpu.memory_space<vmem>>)
    %dma_wait3A_1126 = arith.constant 4 : i32
    %dma_wait3A_1127 = arith.constant 1 : i32
    %dma_wait3A_1128 = arith.constant 0 : i32
    %dma_wait3A_1129 = arith.constant 0 : i32
    %dma_wait3A_1130 = arith.constant 0 : i32
    %dma_wait3A_1131 = arith.constant 0 : i32
    %dma_wait3A_1132 = tpu.memref_slice %arg6[%dma_wait3A_1128, %dma_wait3A_1130, %dma_wait3A_1131] : memref<2x16x2048xf32, #tpu.memory_space<vmem>> -> memref<1x16x2048xf32, #tpu.memory_space<vmem>>
    %dma_wait3A_1133 = tpu.memref_squeeze %dma_wait3A_1132 : memref<1x16x2048xf32, #tpu.memory_space<vmem>> -> memref<16x2048xf32, #tpu.memory_space<vmem>>
    %dma_wait3A_1134 = arith.constant 0 : i32
    %dma_wait3A_1135 = arith.constant 1024 : i32
    %dma_wait3A_1136 = tpu.memref_slice %dma_wait3A_1133[%dma_wait3A_1134, %dma_wait3A_1135] : memref<16x2048xf32, #tpu.memory_space<vmem>> -> memref<16x1024xf32, #tpu.memory_space<vmem>>
    %dma_wait3A_1137 = arith.constant 0 : i32
    %dma_wait3A_1138 = tpu.memref_slice %arg5[%dma_wait3A_1126, %dma_wait3A_1127, %dma_wait3A_1137] : memref<16x2x16xi32, #tpu.memory_space<vmem>> -> memref<1x1x16xi32, #tpu.memory_space<vmem>>
    %dma_wait3A_1139 = tpu.memref_squeeze %dma_wait3A_1138 : memref<1x1x16xi32, #tpu.memory_space<vmem>> -> memref<16xi32, #tpu.memory_space<vmem>>
    %dma_wait3A_1140 = arith.constant 0 : i32
    %dma_wait3A_1141 = arith.constant 0 : i32
    %dma_wait3A_1142 = tpu.memref_slice %arg2[%dma_wait3A_1140, %dma_wait3A_1141] : memref<8192x1024xf32, #tpu.memory_space<hbm>> -> memref<8192x1024xf32, #tpu.memory_space<hbm>>
    %dma_wait3A_1143 = tpu.memref_slice %arg7[%dma_wait3A_1129] : memref<2x!tpu.dma_semaphore, #tpu.memory_space<semaphore_mem>> -> memref<1x!tpu.dma_semaphore, #tpu.memory_space<semaphore_mem>>
    %dma_wait3A_1144 = tpu.memref_squeeze %dma_wait3A_1143 : memref<1x!tpu.dma_semaphore, #tpu.memory_space<semaphore_mem>> -> memref<!tpu.dma_semaphore, #tpu.memory_space<semaphore_mem>>
    tpu.wait_indirect_dma semaphore(%dma_wait3A_1144 : memref<!tpu.dma_semaphore, #tpu.memory_space<semaphore_mem>>) src(%dma_wait3A_1142 : memref<8192x1024xf32, #tpu.memory_space<hbm>>) dst(%dma_wait3A_1136 : memref<16x1024xf32, #tpu.memory_space<vmem>>)
    %add3A_1145 = arith.constant 64 : i32
    %add3A_1146 = arith.addi %mul3A_32, %add3A_1145 : i32
    %dma_start3A_1147 = arith.constant 0 : i32
    %dma_start3A_1148 = arith.constant 0 : i32
    %dma_start3A_1149 = arith.constant 0 : i32
    %dma_start3A_1150 = arith.constant 0 : i32
    %dma_start3A_1151 = tpu.memref_slice %arg6[%dma_start3A_1147, %dma_start3A_1149, %dma_start3A_1150] : memref<2x16x2048xf32, #tpu.memory_space<vmem>> -> memref<1x16x2048xf32, #tpu.memory_space<vmem>>
    %dma_start3A_1152 = tpu.memref_squeeze %dma_start3A_1151 : memref<1x16x2048xf32, #tpu.memory_space<vmem>> -> memref<16x2048xf32, #tpu.memory_space<vmem>>
    %dma_start3A_1153 = arith.constant 0 : i32
    %dma_start3A_1154 = tpu.memref_slice %arg4[%select_n3A, %add3A_1146, %dma_start3A_1153] : memref<4x2048x2048xf32, #tpu.memory_space<hbm>> -> memref<1x16x2048xf32, #tpu.memory_space<hbm>>
    %dma_start3A_1155 = tpu.memref_squeeze %dma_start3A_1154 : memref<1x16x2048xf32, #tpu.memory_space<hbm>> -> memref<16x2048xf32, #tpu.memory_space<hbm>>
    %dma_start3A_1156 = tpu.memref_slice %arg8[%dma_start3A_1148] : memref<2x!tpu.dma_semaphore, #tpu.memory_space<semaphore_mem>> -> memref<1x!tpu.dma_semaphore, #tpu.memory_space<semaphore_mem>>
    %dma_start3A_1157 = tpu.memref_squeeze %dma_start3A_1156 : memref<1x!tpu.dma_semaphore, #tpu.memory_space<semaphore_mem>> -> memref<!tpu.dma_semaphore, #tpu.memory_space<semaphore_mem>>
    %dma_start3A_1158 = arith.constant 0 : i32
    %dma_start3A_1159 = tpu.memref_slice %arg4[%select_n3A, %add3A_1146, %dma_start3A_1158] : memref<4x2048x2048xf32, #tpu.memory_space<hbm>> -> memref<1x16x2048xf32, #tpu.memory_space<hbm>>
    %dma_start3A_1160 = tpu.memref_squeeze %dma_start3A_1159 : memref<1x16x2048xf32, #tpu.memory_space<hbm>> -> memref<16x2048xf32, #tpu.memory_space<hbm>>
    %dma_start3A_1161 = arith.constant 0 : i32
    %dma_start3A_1162 = arith.constant 0 : i32
    %dma_start3A_1163 = tpu.memref_slice %arg6[%dma_start3A_1147, %dma_start3A_1161, %dma_start3A_1162] : memref<2x16x2048xf32, #tpu.memory_space<vmem>> -> memref<1x16x2048xf32, #tpu.memory_space<vmem>>
    %dma_start3A_1164 = tpu.memref_squeeze %dma_start3A_1163 : memref<1x16x2048xf32, #tpu.memory_space<vmem>> -> memref<16x2048xf32, #tpu.memory_space<vmem>>
    tpu.enqueue_dma source(%dma_start3A_1164 : memref<16x2048xf32, #tpu.memory_space<vmem>>) target(%dma_start3A_1160 : memref<16x2048xf32, #tpu.memory_space<hbm>>) target_semaphore(%dma_start3A_1157 : memref<!tpu.dma_semaphore, #tpu.memory_space<semaphore_mem>>)
    %dma_wait3A_1165 = arith.constant 0 : i32
    %dma_wait3A_1166 = arith.constant 0 : i32
    %dma_wait3A_1167 = arith.constant 0 : i32
    %dma_wait3A_1168 = arith.constant 0 : i32
    %dma_wait3A_1169 = tpu.memref_slice %arg6[%dma_wait3A_1165, %dma_wait3A_1167, %dma_wait3A_1168] : memref<2x16x2048xf32, #tpu.memory_space<vmem>> -> memref<1x16x2048xf32, #tpu.memory_space<vmem>>
    %dma_wait3A_1170 = tpu.memref_squeeze %dma_wait3A_1169 : memref<1x16x2048xf32, #tpu.memory_space<vmem>> -> memref<16x2048xf32, #tpu.memory_space<vmem>>
    %dma_wait3A_1171 = arith.constant 0 : i32
    %dma_wait3A_1172 = tpu.memref_slice %arg4[%select_n3A, %add3A_1146, %dma_wait3A_1171] : memref<4x2048x2048xf32, #tpu.memory_space<hbm>> -> memref<1x16x2048xf32, #tpu.memory_space<hbm>>
    %dma_wait3A_1173 = tpu.memref_squeeze %dma_wait3A_1172 : memref<1x16x2048xf32, #tpu.memory_space<hbm>> -> memref<16x2048xf32, #tpu.memory_space<hbm>>
    %dma_wait3A_1174 = tpu.memref_slice %arg8[%dma_wait3A_1166] : memref<2x!tpu.dma_semaphore, #tpu.memory_space<semaphore_mem>> -> memref<1x!tpu.dma_semaphore, #tpu.memory_space<semaphore_mem>>
    %dma_wait3A_1175 = tpu.memref_squeeze %dma_wait3A_1174 : memref<1x!tpu.dma_semaphore, #tpu.memory_space<semaphore_mem>> -> memref<!tpu.dma_semaphore, #tpu.memory_space<semaphore_mem>>
    %dma_wait3A_1176 = arith.constant 0 : i32
    %dma_wait3A_1177 = tpu.memref_slice %arg4[%select_n3A, %add3A_1146, %dma_wait3A_1176] : memref<4x2048x2048xf32, #tpu.memory_space<hbm>> -> memref<1x16x2048xf32, #tpu.memory_space<hbm>>
    %dma_wait3A_1178 = tpu.memref_squeeze %dma_wait3A_1177 : memref<1x16x2048xf32, #tpu.memory_space<hbm>> -> memref<16x2048xf32, #tpu.memory_space<hbm>>
    %dma_wait3A_1179 = arith.constant 0 : i32
    %dma_wait3A_1180 = arith.constant 0 : i32
    %dma_wait3A_1181 = tpu.memref_slice %arg6[%dma_wait3A_1165, %dma_wait3A_1179, %dma_wait3A_1180] : memref<2x16x2048xf32, #tpu.memory_space<vmem>> -> memref<1x16x2048xf32, #tpu.memory_space<vmem>>
    %dma_wait3A_1182 = tpu.memref_squeeze %dma_wait3A_1181 : memref<1x16x2048xf32, #tpu.memory_space<vmem>> -> memref<16x2048xf32, #tpu.memory_space<vmem>>
    tpu.wait_dma2 semaphore(%dma_wait3A_1175 : memref<!tpu.dma_semaphore, #tpu.memory_space<semaphore_mem>>) src(%dma_wait3A_1182 : memref<16x2048xf32, #tpu.memory_space<vmem>>) dst(%dma_wait3A_1178 : memref<16x2048xf32, #tpu.memory_space<hbm>>)
    %dma_start3A_1183 = arith.constant 6 : i32
    %dma_start3A_1184 = arith.constant 0 : i32
    %dma_start3A_1185 = arith.constant 0 : i32
    %dma_start3A_1186 = arith.constant 0 : i32
    %dma_start3A_1187 = arith.constant 0 : i32
    %dma_start3A_1188 = arith.constant 0 : i32
    %dma_start3A_1189 = tpu.memref_slice %arg6[%dma_start3A_1185, %dma_start3A_1187, %dma_start3A_1188] : memref<2x16x2048xf32, #tpu.memory_space<vmem>> -> memref<1x16x2048xf32, #tpu.memory_space<vmem>>
    %dma_start3A_1190 = tpu.memref_squeeze %dma_start3A_1189 : memref<1x16x2048xf32, #tpu.memory_space<vmem>> -> memref<16x2048xf32, #tpu.memory_space<vmem>>
    %dma_start3A_1191 = arith.constant 0 : i32
    %dma_start3A_1192 = arith.constant 0 : i32
    %dma_start3A_1193 = tpu.memref_slice %dma_start3A_1190[%dma_start3A_1191, %dma_start3A_1192] : memref<16x2048xf32, #tpu.memory_space<vmem>> -> memref<16x1024xf32, #tpu.memory_space<vmem>>
    %dma_start3A_1194 = arith.constant 0 : i32
    %dma_start3A_1195 = tpu.memref_slice %arg5[%dma_start3A_1183, %dma_start3A_1184, %dma_start3A_1194] : memref<16x2x16xi32, #tpu.memory_space<vmem>> -> memref<1x1x16xi32, #tpu.memory_space<vmem>>
    %dma_start3A_1196 = tpu.memref_squeeze %dma_start3A_1195 : memref<1x1x16xi32, #tpu.memory_space<vmem>> -> memref<16xi32, #tpu.memory_space<vmem>>
    %dma_start3A_1197 = arith.constant 0 : i32
    %dma_start3A_1198 = arith.constant 0 : i32
    %dma_start3A_1199 = tpu.memref_slice %arg2[%dma_start3A_1197, %dma_start3A_1198] : memref<8192x1024xf32, #tpu.memory_space<hbm>> -> memref<8192x1024xf32, #tpu.memory_space<hbm>>
    %dma_start3A_1200 = tpu.memref_slice %arg7[%dma_start3A_1186] : memref<2x!tpu.dma_semaphore, #tpu.memory_space<semaphore_mem>> -> memref<1x!tpu.dma_semaphore, #tpu.memory_space<semaphore_mem>>
    %dma_start3A_1201 = tpu.memref_squeeze %dma_start3A_1200 : memref<1x!tpu.dma_semaphore, #tpu.memory_space<semaphore_mem>> -> memref<!tpu.dma_semaphore, #tpu.memory_space<semaphore_mem>>
    tpu.enqueue_indirect_dma source(%dma_start3A_1199 : memref<8192x1024xf32, #tpu.memory_space<hbm>>) target(%dma_start3A_1193 : memref<16x1024xf32, #tpu.memory_space<vmem>>) offsets(%dma_start3A_1196 : memref<16xi32, #tpu.memory_space<vmem>>) semaphore(%dma_start3A_1201 : memref<!tpu.dma_semaphore, #tpu.memory_space<semaphore_mem>>)
    %dma_start3A_1202 = arith.constant 6 : i32
    %dma_start3A_1203 = arith.constant 1 : i32
    %dma_start3A_1204 = arith.constant 0 : i32
    %dma_start3A_1205 = arith.constant 0 : i32
    %dma_start3A_1206 = arith.constant 0 : i32
    %dma_start3A_1207 = arith.constant 0 : i32
    %dma_start3A_1208 = tpu.memref_slice %arg6[%dma_start3A_1204, %dma_start3A_1206, %dma_start3A_1207] : memref<2x16x2048xf32, #tpu.memory_space<vmem>> -> memref<1x16x2048xf32, #tpu.memory_space<vmem>>
    %dma_start3A_1209 = tpu.memref_squeeze %dma_start3A_1208 : memref<1x16x2048xf32, #tpu.memory_space<vmem>> -> memref<16x2048xf32, #tpu.memory_space<vmem>>
    %dma_start3A_1210 = arith.constant 0 : i32
    %dma_start3A_1211 = arith.constant 1024 : i32
    %dma_start3A_1212 = tpu.memref_slice %dma_start3A_1209[%dma_start3A_1210, %dma_start3A_1211] : memref<16x2048xf32, #tpu.memory_space<vmem>> -> memref<16x1024xf32, #tpu.memory_space<vmem>>
    %dma_start3A_1213 = arith.constant 0 : i32
    %dma_start3A_1214 = tpu.memref_slice %arg5[%dma_start3A_1202, %dma_start3A_1203, %dma_start3A_1213] : memref<16x2x16xi32, #tpu.memory_space<vmem>> -> memref<1x1x16xi32, #tpu.memory_space<vmem>>
    %dma_start3A_1215 = tpu.memref_squeeze %dma_start3A_1214 : memref<1x1x16xi32, #tpu.memory_space<vmem>> -> memref<16xi32, #tpu.memory_space<vmem>>
    %dma_start3A_1216 = arith.constant 0 : i32
    %dma_start3A_1217 = arith.constant 0 : i32
    %dma_start3A_1218 = tpu.memref_slice %arg2[%dma_start3A_1216, %dma_start3A_1217] : memref<8192x1024xf32, #tpu.memory_space<hbm>> -> memref<8192x1024xf32, #tpu.memory_space<hbm>>
    %dma_start3A_1219 = tpu.memref_slice %arg7[%dma_start3A_1205] : memref<2x!tpu.dma_semaphore, #tpu.memory_space<semaphore_mem>> -> memref<1x!tpu.dma_semaphore, #tpu.memory_space<semaphore_mem>>
    %dma_start3A_1220 = tpu.memref_squeeze %dma_start3A_1219 : memref<1x!tpu.dma_semaphore, #tpu.memory_space<semaphore_mem>> -> memref<!tpu.dma_semaphore, #tpu.memory_space<semaphore_mem>>
    tpu.enqueue_indirect_dma source(%dma_start3A_1218 : memref<8192x1024xf32, #tpu.memory_space<hbm>>) target(%dma_start3A_1212 : memref<16x1024xf32, #tpu.memory_space<vmem>>) offsets(%dma_start3A_1215 : memref<16xi32, #tpu.memory_space<vmem>>) semaphore(%dma_start3A_1220 : memref<!tpu.dma_semaphore, #tpu.memory_space<semaphore_mem>>)
    %dma_wait3A_1221 = arith.constant 5 : i32
    %dma_wait3A_1222 = arith.constant 0 : i32
    %dma_wait3A_1223 = arith.constant 1 : i32
    %dma_wait3A_1224 = arith.constant 1 : i32
    %dma_wait3A_1225 = arith.constant 0 : i32
    %dma_wait3A_1226 = arith.constant 0 : i32
    %dma_wait3A_1227 = tpu.memref_slice %arg6[%dma_wait3A_1223, %dma_wait3A_1225, %dma_wait3A_1226] : memref<2x16x2048xf32, #tpu.memory_space<vmem>> -> memref<1x16x2048xf32, #tpu.memory_space<vmem>>
    %dma_wait3A_1228 = tpu.memref_squeeze %dma_wait3A_1227 : memref<1x16x2048xf32, #tpu.memory_space<vmem>> -> memref<16x2048xf32, #tpu.memory_space<vmem>>
    %dma_wait3A_1229 = arith.constant 0 : i32
    %dma_wait3A_1230 = arith.constant 0 : i32
    %dma_wait3A_1231 = tpu.memref_slice %dma_wait3A_1228[%dma_wait3A_1229, %dma_wait3A_1230] : memref<16x2048xf32, #tpu.memory_space<vmem>> -> memref<16x1024xf32, #tpu.memory_space<vmem>>
    %dma_wait3A_1232 = arith.constant 0 : i32
    %dma_wait3A_1233 = tpu.memref_slice %arg5[%dma_wait3A_1221, %dma_wait3A_1222, %dma_wait3A_1232] : memref<16x2x16xi32, #tpu.memory_space<vmem>> -> memref<1x1x16xi32, #tpu.memory_space<vmem>>
    %dma_wait3A_1234 = tpu.memref_squeeze %dma_wait3A_1233 : memref<1x1x16xi32, #tpu.memory_space<vmem>> -> memref<16xi32, #tpu.memory_space<vmem>>
    %dma_wait3A_1235 = arith.constant 0 : i32
    %dma_wait3A_1236 = arith.constant 0 : i32
    %dma_wait3A_1237 = tpu.memref_slice %arg2[%dma_wait3A_1235, %dma_wait3A_1236] : memref<8192x1024xf32, #tpu.memory_space<hbm>> -> memref<8192x1024xf32, #tpu.memory_space<hbm>>
    %dma_wait3A_1238 = tpu.memref_slice %arg7[%dma_wait3A_1224] : memref<2x!tpu.dma_semaphore, #tpu.memory_space<semaphore_mem>> -> memref<1x!tpu.dma_semaphore, #tpu.memory_space<semaphore_mem>>
    %dma_wait3A_1239 = tpu.memref_squeeze %dma_wait3A_1238 : memref<1x!tpu.dma_semaphore, #tpu.memory_space<semaphore_mem>> -> memref<!tpu.dma_semaphore, #tpu.memory_space<semaphore_mem>>
    tpu.wait_indirect_dma semaphore(%dma_wait3A_1239 : memref<!tpu.dma_semaphore, #tpu.memory_space<semaphore_mem>>) src(%dma_wait3A_1237 : memref<8192x1024xf32, #tpu.memory_space<hbm>>) dst(%dma_wait3A_1231 : memref<16x1024xf32, #tpu.memory_space<vmem>>)
    %dma_wait3A_1240 = arith.constant 5 : i32
    %dma_wait3A_1241 = arith.constant 1 : i32
    %dma_wait3A_1242 = arith.constant 1 : i32
    %dma_wait3A_1243 = arith.constant 1 : i32
    %dma_wait3A_1244 = arith.constant 0 : i32
    %dma_wait3A_1245 = arith.constant 0 : i32
    %dma_wait3A_1246 = tpu.memref_slice %arg6[%dma_wait3A_1242, %dma_wait3A_1244, %dma_wait3A_1245] : memref<2x16x2048xf32, #tpu.memory_space<vmem>> -> memref<1x16x2048xf32, #tpu.memory_space<vmem>>
    %dma_wait3A_1247 = tpu.memref_squeeze %dma_wait3A_1246 : memref<1x16x2048xf32, #tpu.memory_space<vmem>> -> memref<16x2048xf32, #tpu.memory_space<vmem>>
    %dma_wait3A_1248 = arith.constant 0 : i32
    %dma_wait3A_1249 = arith.constant 1024 : i32
    %dma_wait3A_1250 = tpu.memref_slice %dma_wait3A_1247[%dma_wait3A_1248, %dma_wait3A_1249] : memref<16x2048xf32, #tpu.memory_space<vmem>> -> memref<16x1024xf32, #tpu.memory_space<vmem>>
    %dma_wait3A_1251 = arith.constant 0 : i32
    %dma_wait3A_1252 = tpu.memref_slice %arg5[%dma_wait3A_1240, %dma_wait3A_1241, %dma_wait3A_1251] : memref<16x2x16xi32, #tpu.memory_space<vmem>> -> memref<1x1x16xi32, #tpu.memory_space<vmem>>
    %dma_wait3A_1253 = tpu.memref_squeeze %dma_wait3A_1252 : memref<1x1x16xi32, #tpu.memory_space<vmem>> -> memref<16xi32, #tpu.memory_space<vmem>>
    %dma_wait3A_1254 = arith.constant 0 : i32
    %dma_wait3A_1255 = arith.constant 0 : i32
    %dma_wait3A_1256 = tpu.memref_slice %arg2[%dma_wait3A_1254, %dma_wait3A_1255] : memref<8192x1024xf32, #tpu.memory_space<hbm>> -> memref<8192x1024xf32, #tpu.memory_space<hbm>>
    %dma_wait3A_1257 = tpu.memref_slice %arg7[%dma_wait3A_1243] : memref<2x!tpu.dma_semaphore, #tpu.memory_space<semaphore_mem>> -> memref<1x!tpu.dma_semaphore, #tpu.memory_space<semaphore_mem>>
    %dma_wait3A_1258 = tpu.memref_squeeze %dma_wait3A_1257 : memref<1x!tpu.dma_semaphore, #tpu.memory_space<semaphore_mem>> -> memref<!tpu.dma_semaphore, #tpu.memory_space<semaphore_mem>>
    tpu.wait_indirect_dma semaphore(%dma_wait3A_1258 : memref<!tpu.dma_semaphore, #tpu.memory_space<semaphore_mem>>) src(%dma_wait3A_1256 : memref<8192x1024xf32, #tpu.memory_space<hbm>>) dst(%dma_wait3A_1250 : memref<16x1024xf32, #tpu.memory_space<vmem>>)
    %add3A_1259 = arith.constant 80 : i32
    %add3A_1260 = arith.addi %mul3A_32, %add3A_1259 : i32
    %dma_start3A_1261 = arith.constant 1 : i32
    %dma_start3A_1262 = arith.constant 1 : i32
    %dma_start3A_1263 = arith.constant 0 : i32
    %dma_start3A_1264 = arith.constant 0 : i32
    %dma_start3A_1265 = tpu.memref_slice %arg6[%dma_start3A_1261, %dma_start3A_1263, %dma_start3A_1264] : memref<2x16x2048xf32, #tpu.memory_space<vmem>> -> memref<1x16x2048xf32, #tpu.memory_space<vmem>>
    %dma_start3A_1266 = tpu.memref_squeeze %dma_start3A_1265 : memref<1x16x2048xf32, #tpu.memory_space<vmem>> -> memref<16x2048xf32, #tpu.memory_space<vmem>>
    %dma_start3A_1267 = arith.constant 0 : i32
    %dma_start3A_1268 = tpu.memref_slice %arg4[%select_n3A, %add3A_1260, %dma_start3A_1267] : memref<4x2048x2048xf32, #tpu.memory_space<hbm>> -> memref<1x16x2048xf32, #tpu.memory_space<hbm>>
    %dma_start3A_1269 = tpu.memref_squeeze %dma_start3A_1268 : memref<1x16x2048xf32, #tpu.memory_space<hbm>> -> memref<16x2048xf32, #tpu.memory_space<hbm>>
    %dma_start3A_1270 = tpu.memref_slice %arg8[%dma_start3A_1262] : memref<2x!tpu.dma_semaphore, #tpu.memory_space<semaphore_mem>> -> memref<1x!tpu.dma_semaphore, #tpu.memory_space<semaphore_mem>>
    %dma_start3A_1271 = tpu.memref_squeeze %dma_start3A_1270 : memref<1x!tpu.dma_semaphore, #tpu.memory_space<semaphore_mem>> -> memref<!tpu.dma_semaphore, #tpu.memory_space<semaphore_mem>>
    %dma_start3A_1272 = arith.constant 0 : i32
    %dma_start3A_1273 = tpu.memref_slice %arg4[%select_n3A, %add3A_1260, %dma_start3A_1272] : memref<4x2048x2048xf32, #tpu.memory_space<hbm>> -> memref<1x16x2048xf32, #tpu.memory_space<hbm>>
    %dma_start3A_1274 = tpu.memref_squeeze %dma_start3A_1273 : memref<1x16x2048xf32, #tpu.memory_space<hbm>> -> memref<16x2048xf32, #tpu.memory_space<hbm>>
    %dma_start3A_1275 = arith.constant 0 : i32
    %dma_start3A_1276 = arith.constant 0 : i32
    %dma_start3A_1277 = tpu.memref_slice %arg6[%dma_start3A_1261, %dma_start3A_1275, %dma_start3A_1276] : memref<2x16x2048xf32, #tpu.memory_space<vmem>> -> memref<1x16x2048xf32, #tpu.memory_space<vmem>>
    %dma_start3A_1278 = tpu.memref_squeeze %dma_start3A_1277 : memref<1x16x2048xf32, #tpu.memory_space<vmem>> -> memref<16x2048xf32, #tpu.memory_space<vmem>>
    tpu.enqueue_dma source(%dma_start3A_1278 : memref<16x2048xf32, #tpu.memory_space<vmem>>) target(%dma_start3A_1274 : memref<16x2048xf32, #tpu.memory_space<hbm>>) target_semaphore(%dma_start3A_1271 : memref<!tpu.dma_semaphore, #tpu.memory_space<semaphore_mem>>)
    %dma_wait3A_1279 = arith.constant 1 : i32
    %dma_wait3A_1280 = arith.constant 1 : i32
    %dma_wait3A_1281 = arith.constant 0 : i32
    %dma_wait3A_1282 = arith.constant 0 : i32
    %dma_wait3A_1283 = tpu.memref_slice %arg6[%dma_wait3A_1279, %dma_wait3A_1281, %dma_wait3A_1282] : memref<2x16x2048xf32, #tpu.memory_space<vmem>> -> memref<1x16x2048xf32, #tpu.memory_space<vmem>>
    %dma_wait3A_1284 = tpu.memref_squeeze %dma_wait3A_1283 : memref<1x16x2048xf32, #tpu.memory_space<vmem>> -> memref<16x2048xf32, #tpu.memory_space<vmem>>
    %dma_wait3A_1285 = arith.constant 0 : i32
    %dma_wait3A_1286 = tpu.memref_slice %arg4[%select_n3A, %add3A_1260, %dma_wait3A_1285] : memref<4x2048x2048xf32, #tpu.memory_space<hbm>> -> memref<1x16x2048xf32, #tpu.memory_space<hbm>>
    %dma_wait3A_1287 = tpu.memref_squeeze %dma_wait3A_1286 : memref<1x16x2048xf32, #tpu.memory_space<hbm>> -> memref<16x2048xf32, #tpu.memory_space<hbm>>
    %dma_wait3A_1288 = tpu.memref_slice %arg8[%dma_wait3A_1280] : memref<2x!tpu.dma_semaphore, #tpu.memory_space<semaphore_mem>> -> memref<1x!tpu.dma_semaphore, #tpu.memory_space<semaphore_mem>>
    %dma_wait3A_1289 = tpu.memref_squeeze %dma_wait3A_1288 : memref<1x!tpu.dma_semaphore, #tpu.memory_space<semaphore_mem>> -> memref<!tpu.dma_semaphore, #tpu.memory_space<semaphore_mem>>
    %dma_wait3A_1290 = arith.constant 0 : i32
    %dma_wait3A_1291 = tpu.memref_slice %arg4[%select_n3A, %add3A_1260, %dma_wait3A_1290] : memref<4x2048x2048xf32, #tpu.memory_space<hbm>> -> memref<1x16x2048xf32, #tpu.memory_space<hbm>>
    %dma_wait3A_1292 = tpu.memref_squeeze %dma_wait3A_1291 : memref<1x16x2048xf32, #tpu.memory_space<hbm>> -> memref<16x2048xf32, #tpu.memory_space<hbm>>
    %dma_wait3A_1293 = arith.constant 0 : i32
    %dma_wait3A_1294 = arith.constant 0 : i32
    %dma_wait3A_1295 = tpu.memref_slice %arg6[%dma_wait3A_1279, %dma_wait3A_1293, %dma_wait3A_1294] : memref<2x16x2048xf32, #tpu.memory_space<vmem>> -> memref<1x16x2048xf32, #tpu.memory_space<vmem>>
    %dma_wait3A_1296 = tpu.memref_squeeze %dma_wait3A_1295 : memref<1x16x2048xf32, #tpu.memory_space<vmem>> -> memref<16x2048xf32, #tpu.memory_space<vmem>>
    tpu.wait_dma2 semaphore(%dma_wait3A_1289 : memref<!tpu.dma_semaphore, #tpu.memory_space<semaphore_mem>>) src(%dma_wait3A_1296 : memref<16x2048xf32, #tpu.memory_space<vmem>>) dst(%dma_wait3A_1292 : memref<16x2048xf32, #tpu.memory_space<hbm>>)
    %dma_start3A_1297 = arith.constant 7 : i32
    %dma_start3A_1298 = arith.constant 0 : i32
    %dma_start3A_1299 = arith.constant 1 : i32
    %dma_start3A_1300 = arith.constant 1 : i32
    %dma_start3A_1301 = arith.constant 0 : i32
    %dma_start3A_1302 = arith.constant 0 : i32
    %dma_start3A_1303 = tpu.memref_slice %arg6[%dma_start3A_1299, %dma_start3A_1301, %dma_start3A_1302] : memref<2x16x2048xf32, #tpu.memory_space<vmem>> -> memref<1x16x2048xf32, #tpu.memory_space<vmem>>
    %dma_start3A_1304 = tpu.memref_squeeze %dma_start3A_1303 : memref<1x16x2048xf32, #tpu.memory_space<vmem>> -> memref<16x2048xf32, #tpu.memory_space<vmem>>
    %dma_start3A_1305 = arith.constant 0 : i32
    %dma_start3A_1306 = arith.constant 0 : i32
    %dma_start3A_1307 = tpu.memref_slice %dma_start3A_1304[%dma_start3A_1305, %dma_start3A_1306] : memref<16x2048xf32, #tpu.memory_space<vmem>> -> memref<16x1024xf32, #tpu.memory_space<vmem>>
    %dma_start3A_1308 = arith.constant 0 : i32
    %dma_start3A_1309 = tpu.memref_slice %arg5[%dma_start3A_1297, %dma_start3A_1298, %dma_start3A_1308] : memref<16x2x16xi32, #tpu.memory_space<vmem>> -> memref<1x1x16xi32, #tpu.memory_space<vmem>>
    %dma_start3A_1310 = tpu.memref_squeeze %dma_start3A_1309 : memref<1x1x16xi32, #tpu.memory_space<vmem>> -> memref<16xi32, #tpu.memory_space<vmem>>
    %dma_start3A_1311 = arith.constant 0 : i32
    %dma_start3A_1312 = arith.constant 0 : i32
    %dma_start3A_1313 = tpu.memref_slice %arg2[%dma_start3A_1311, %dma_start3A_1312] : memref<8192x1024xf32, #tpu.memory_space<hbm>> -> memref<8192x1024xf32, #tpu.memory_space<hbm>>
    %dma_start3A_1314 = tpu.memref_slice %arg7[%dma_start3A_1300] : memref<2x!tpu.dma_semaphore, #tpu.memory_space<semaphore_mem>> -> memref<1x!tpu.dma_semaphore, #tpu.memory_space<semaphore_mem>>
    %dma_start3A_1315 = tpu.memref_squeeze %dma_start3A_1314 : memref<1x!tpu.dma_semaphore, #tpu.memory_space<semaphore_mem>> -> memref<!tpu.dma_semaphore, #tpu.memory_space<semaphore_mem>>
    tpu.enqueue_indirect_dma source(%dma_start3A_1313 : memref<8192x1024xf32, #tpu.memory_space<hbm>>) target(%dma_start3A_1307 : memref<16x1024xf32, #tpu.memory_space<vmem>>) offsets(%dma_start3A_1310 : memref<16xi32, #tpu.memory_space<vmem>>) semaphore(%dma_start3A_1315 : memref<!tpu.dma_semaphore, #tpu.memory_space<semaphore_mem>>)
    %dma_start3A_1316 = arith.constant 7 : i32
    %dma_start3A_1317 = arith.constant 1 : i32
    %dma_start3A_1318 = arith.constant 1 : i32
    %dma_start3A_1319 = arith.constant 1 : i32
    %dma_start3A_1320 = arith.constant 0 : i32
    %dma_start3A_1321 = arith.constant 0 : i32
    %dma_start3A_1322 = tpu.memref_slice %arg6[%dma_start3A_1318, %dma_start3A_1320, %dma_start3A_1321] : memref<2x16x2048xf32, #tpu.memory_space<vmem>> -> memref<1x16x2048xf32, #tpu.memory_space<vmem>>
    %dma_start3A_1323 = tpu.memref_squeeze %dma_start3A_1322 : memref<1x16x2048xf32, #tpu.memory_space<vmem>> -> memref<16x2048xf32, #tpu.memory_space<vmem>>
    %dma_start3A_1324 = arith.constant 0 : i32
    %dma_start3A_1325 = arith.constant 1024 : i32
    %dma_start3A_1326 = tpu.memref_slice %dma_start3A_1323[%dma_start3A_1324, %dma_start3A_1325] : memref<16x2048xf32, #tpu.memory_space<vmem>> -> memref<16x1024xf32, #tpu.memory_space<vmem>>
    %dma_start3A_1327 = arith.constant 0 : i32
    %dma_start3A_1328 = tpu.memref_slice %arg5[%dma_start3A_1316, %dma_start3A_1317, %dma_start3A_1327] : memref<16x2x16xi32, #tpu.memory_space<vmem>> -> memref<1x1x16xi32, #tpu.memory_space<vmem>>
    %dma_start3A_1329 = tpu.memref_squeeze %dma_start3A_1328 : memref<1x1x16xi32, #tpu.memory_space<vmem>> -> memref<16xi32, #tpu.memory_space<vmem>>
    %dma_start3A_1330 = arith.constant 0 : i32
    %dma_start3A_1331 = arith.constant 0 : i32
    %dma_start3A_1332 = tpu.memref_slice %arg2[%dma_start3A_1330, %dma_start3A_1331] : memref<8192x1024xf32, #tpu.memory_space<hbm>> -> memref<8192x1024xf32, #tpu.memory_space<hbm>>
    %dma_start3A_1333 = tpu.memref_slice %arg7[%dma_start3A_1319] : memref<2x!tpu.dma_semaphore, #tpu.memory_space<semaphore_mem>> -> memref<1x!tpu.dma_semaphore, #tpu.memory_space<semaphore_mem>>
    %dma_start3A_1334 = tpu.memref_squeeze %dma_start3A_1333 : memref<1x!tpu.dma_semaphore, #tpu.memory_space<semaphore_mem>> -> memref<!tpu.dma_semaphore, #tpu.memory_space<semaphore_mem>>
    tpu.enqueue_indirect_dma source(%dma_start3A_1332 : memref<8192x1024xf32, #tpu.memory_space<hbm>>) target(%dma_start3A_1326 : memref<16x1024xf32, #tpu.memory_space<vmem>>) offsets(%dma_start3A_1329 : memref<16xi32, #tpu.memory_space<vmem>>) semaphore(%dma_start3A_1334 : memref<!tpu.dma_semaphore, #tpu.memory_space<semaphore_mem>>)
    %dma_wait3A_1335 = arith.constant 6 : i32
    %dma_wait3A_1336 = arith.constant 0 : i32
    %dma_wait3A_1337 = arith.constant 0 : i32
    %dma_wait3A_1338 = arith.constant 0 : i32
    %dma_wait3A_1339 = arith.constant 0 : i32
    %dma_wait3A_1340 = arith.constant 0 : i32
    %dma_wait3A_1341 = tpu.memref_slice %arg6[%dma_wait3A_1337, %dma_wait3A_1339, %dma_wait3A_1340] : memref<2x16x2048xf32, #tpu.memory_space<vmem>> -> memref<1x16x2048xf32, #tpu.memory_space<vmem>>
    %dma_wait3A_1342 = tpu.memref_squeeze %dma_wait3A_1341 : memref<1x16x2048xf32, #tpu.memory_space<vmem>> -> memref<16x2048xf32, #tpu.memory_space<vmem>>
    %dma_wait3A_1343 = arith.constant 0 : i32
    %dma_wait3A_1344 = arith.constant 0 : i32
    %dma_wait3A_1345 = tpu.memref_slice %dma_wait3A_1342[%dma_wait3A_1343, %dma_wait3A_1344] : memref<16x2048xf32, #tpu.memory_space<vmem>> -> memref<16x1024xf32, #tpu.memory_space<vmem>>
    %dma_wait3A_1346 = arith.constant 0 : i32
    %dma_wait3A_1347 = tpu.memref_slice %arg5[%dma_wait3A_1335, %dma_wait3A_1336, %dma_wait3A_1346] : memref<16x2x16xi32, #tpu.memory_space<vmem>> -> memref<1x1x16xi32, #tpu.memory_space<vmem>>
    %dma_wait3A_1348 = tpu.memref_squeeze %dma_wait3A_1347 : memref<1x1x16xi32, #tpu.memory_space<vmem>> -> memref<16xi32, #tpu.memory_space<vmem>>
    %dma_wait3A_1349 = arith.constant 0 : i32
    %dma_wait3A_1350 = arith.constant 0 : i32
    %dma_wait3A_1351 = tpu.memref_slice %arg2[%dma_wait3A_1349, %dma_wait3A_1350] : memref<8192x1024xf32, #tpu.memory_space<hbm>> -> memref<8192x1024xf32, #tpu.memory_space<hbm>>
    %dma_wait3A_1352 = tpu.memref_slice %arg7[%dma_wait3A_1338] : memref<2x!tpu.dma_semaphore, #tpu.memory_space<semaphore_mem>> -> memref<1x!tpu.dma_semaphore, #tpu.memory_space<semaphore_mem>>
    %dma_wait3A_1353 = tpu.memref_squeeze %dma_wait3A_1352 : memref<1x!tpu.dma_semaphore, #tpu.memory_space<semaphore_mem>> -> memref<!tpu.dma_semaphore, #tpu.memory_space<semaphore_mem>>
    tpu.wait_indirect_dma semaphore(%dma_wait3A_1353 : memref<!tpu.dma_semaphore, #tpu.memory_space<semaphore_mem>>) src(%dma_wait3A_1351 : memref<8192x1024xf32, #tpu.memory_space<hbm>>) dst(%dma_wait3A_1345 : memref<16x1024xf32, #tpu.memory_space<vmem>>)
    %dma_wait3A_1354 = arith.constant 6 : i32
    %dma_wait3A_1355 = arith.constant 1 : i32
    %dma_wait3A_1356 = arith.constant 0 : i32
    %dma_wait3A_1357 = arith.constant 0 : i32
    %dma_wait3A_1358 = arith.constant 0 : i32
    %dma_wait3A_1359 = arith.constant 0 : i32
    %dma_wait3A_1360 = tpu.memref_slice %arg6[%dma_wait3A_1356, %dma_wait3A_1358, %dma_wait3A_1359] : memref<2x16x2048xf32, #tpu.memory_space<vmem>> -> memref<1x16x2048xf32, #tpu.memory_space<vmem>>
    %dma_wait3A_1361 = tpu.memref_squeeze %dma_wait3A_1360 : memref<1x16x2048xf32, #tpu.memory_space<vmem>> -> memref<16x2048xf32, #tpu.memory_space<vmem>>
    %dma_wait3A_1362 = arith.constant 0 : i32
    %dma_wait3A_1363 = arith.constant 1024 : i32
    %dma_wait3A_1364 = tpu.memref_slice %dma_wait3A_1361[%dma_wait3A_1362, %dma_wait3A_1363] : memref<16x2048xf32, #tpu.memory_space<vmem>> -> memref<16x1024xf32, #tpu.memory_space<vmem>>
    %dma_wait3A_1365 = arith.constant 0 : i32
    %dma_wait3A_1366 = tpu.memref_slice %arg5[%dma_wait3A_1354, %dma_wait3A_1355, %dma_wait3A_1365] : memref<16x2x16xi32, #tpu.memory_space<vmem>> -> memref<1x1x16xi32, #tpu.memory_space<vmem>>
    %dma_wait3A_1367 = tpu.memref_squeeze %dma_wait3A_1366 : memref<1x1x16xi32, #tpu.memory_space<vmem>> -> memref<16xi32, #tpu.memory_space<vmem>>
    %dma_wait3A_1368 = arith.constant 0 : i32
    %dma_wait3A_1369 = arith.constant 0 : i32
    %dma_wait3A_1370 = tpu.memref_slice %arg2[%dma_wait3A_1368, %dma_wait3A_1369] : memref<8192x1024xf32, #tpu.memory_space<hbm>> -> memref<8192x1024xf32, #tpu.memory_space<hbm>>
    %dma_wait3A_1371 = tpu.memref_slice %arg7[%dma_wait3A_1357] : memref<2x!tpu.dma_semaphore, #tpu.memory_space<semaphore_mem>> -> memref<1x!tpu.dma_semaphore, #tpu.memory_space<semaphore_mem>>
    %dma_wait3A_1372 = tpu.memref_squeeze %dma_wait3A_1371 : memref<1x!tpu.dma_semaphore, #tpu.memory_space<semaphore_mem>> -> memref<!tpu.dma_semaphore, #tpu.memory_space<semaphore_mem>>
    tpu.wait_indirect_dma semaphore(%dma_wait3A_1372 : memref<!tpu.dma_semaphore, #tpu.memory_space<semaphore_mem>>) src(%dma_wait3A_1370 : memref<8192x1024xf32, #tpu.memory_space<hbm>>) dst(%dma_wait3A_1364 : memref<16x1024xf32, #tpu.memory_space<vmem>>)
    %add3A_1373 = arith.constant 96 : i32
    %add3A_1374 = arith.addi %mul3A_32, %add3A_1373 : i32
    %dma_start3A_1375 = arith.constant 0 : i32
    %dma_start3A_1376 = arith.constant 0 : i32
    %dma_start3A_1377 = arith.constant 0 : i32
    %dma_start3A_1378 = arith.constant 0 : i32
    %dma_start3A_1379 = tpu.memref_slice %arg6[%dma_start3A_1375, %dma_start3A_1377, %dma_start3A_1378] : memref<2x16x2048xf32, #tpu.memory_space<vmem>> -> memref<1x16x2048xf32, #tpu.memory_space<vmem>>
    %dma_start3A_1380 = tpu.memref_squeeze %dma_start3A_1379 : memref<1x16x2048xf32, #tpu.memory_space<vmem>> -> memref<16x2048xf32, #tpu.memory_space<vmem>>
    %dma_start3A_1381 = arith.constant 0 : i32
    %dma_start3A_1382 = tpu.memref_slice %arg4[%select_n3A, %add3A_1374, %dma_start3A_1381] : memref<4x2048x2048xf32, #tpu.memory_space<hbm>> -> memref<1x16x2048xf32, #tpu.memory_space<hbm>>
    %dma_start3A_1383 = tpu.memref_squeeze %dma_start3A_1382 : memref<1x16x2048xf32, #tpu.memory_space<hbm>> -> memref<16x2048xf32, #tpu.memory_space<hbm>>
    %dma_start3A_1384 = tpu.memref_slice %arg8[%dma_start3A_1376] : memref<2x!tpu.dma_semaphore, #tpu.memory_space<semaphore_mem>> -> memref<1x!tpu.dma_semaphore, #tpu.memory_space<semaphore_mem>>
    %dma_start3A_1385 = tpu.memref_squeeze %dma_start3A_1384 : memref<1x!tpu.dma_semaphore, #tpu.memory_space<semaphore_mem>> -> memref<!tpu.dma_semaphore, #tpu.memory_space<semaphore_mem>>
    %dma_start3A_1386 = arith.constant 0 : i32
    %dma_start3A_1387 = tpu.memref_slice %arg4[%select_n3A, %add3A_1374, %dma_start3A_1386] : memref<4x2048x2048xf32, #tpu.memory_space<hbm>> -> memref<1x16x2048xf32, #tpu.memory_space<hbm>>
    %dma_start3A_1388 = tpu.memref_squeeze %dma_start3A_1387 : memref<1x16x2048xf32, #tpu.memory_space<hbm>> -> memref<16x2048xf32, #tpu.memory_space<hbm>>
    %dma_start3A_1389 = arith.constant 0 : i32
    %dma_start3A_1390 = arith.constant 0 : i32
    %dma_start3A_1391 = tpu.memref_slice %arg6[%dma_start3A_1375, %dma_start3A_1389, %dma_start3A_1390] : memref<2x16x2048xf32, #tpu.memory_space<vmem>> -> memref<1x16x2048xf32, #tpu.memory_space<vmem>>
    %dma_start3A_1392 = tpu.memref_squeeze %dma_start3A_1391 : memref<1x16x2048xf32, #tpu.memory_space<vmem>> -> memref<16x2048xf32, #tpu.memory_space<vmem>>
    tpu.enqueue_dma source(%dma_start3A_1392 : memref<16x2048xf32, #tpu.memory_space<vmem>>) target(%dma_start3A_1388 : memref<16x2048xf32, #tpu.memory_space<hbm>>) target_semaphore(%dma_start3A_1385 : memref<!tpu.dma_semaphore, #tpu.memory_space<semaphore_mem>>)
    %dma_wait3A_1393 = arith.constant 0 : i32
    %dma_wait3A_1394 = arith.constant 0 : i32
    %dma_wait3A_1395 = arith.constant 0 : i32
    %dma_wait3A_1396 = arith.constant 0 : i32
    %dma_wait3A_1397 = tpu.memref_slice %arg6[%dma_wait3A_1393, %dma_wait3A_1395, %dma_wait3A_1396] : memref<2x16x2048xf32, #tpu.memory_space<vmem>> -> memref<1x16x2048xf32, #tpu.memory_space<vmem>>
    %dma_wait3A_1398 = tpu.memref_squeeze %dma_wait3A_1397 : memref<1x16x2048xf32, #tpu.memory_space<vmem>> -> memref<16x2048xf32, #tpu.memory_space<vmem>>
    %dma_wait3A_1399 = arith.constant 0 : i32
    %dma_wait3A_1400 = tpu.memref_slice %arg4[%select_n3A, %add3A_1374, %dma_wait3A_1399] : memref<4x2048x2048xf32, #tpu.memory_space<hbm>> -> memref<1x16x2048xf32, #tpu.memory_space<hbm>>
    %dma_wait3A_1401 = tpu.memref_squeeze %dma_wait3A_1400 : memref<1x16x2048xf32, #tpu.memory_space<hbm>> -> memref<16x2048xf32, #tpu.memory_space<hbm>>
    %dma_wait3A_1402 = tpu.memref_slice %arg8[%dma_wait3A_1394] : memref<2x!tpu.dma_semaphore, #tpu.memory_space<semaphore_mem>> -> memref<1x!tpu.dma_semaphore, #tpu.memory_space<semaphore_mem>>
    %dma_wait3A_1403 = tpu.memref_squeeze %dma_wait3A_1402 : memref<1x!tpu.dma_semaphore, #tpu.memory_space<semaphore_mem>> -> memref<!tpu.dma_semaphore, #tpu.memory_space<semaphore_mem>>
    %dma_wait3A_1404 = arith.constant 0 : i32
    %dma_wait3A_1405 = tpu.memref_slice %arg4[%select_n3A, %add3A_1374, %dma_wait3A_1404] : memref<4x2048x2048xf32, #tpu.memory_space<hbm>> -> memref<1x16x2048xf32, #tpu.memory_space<hbm>>
    %dma_wait3A_1406 = tpu.memref_squeeze %dma_wait3A_1405 : memref<1x16x2048xf32, #tpu.memory_space<hbm>> -> memref<16x2048xf32, #tpu.memory_space<hbm>>
    %dma_wait3A_1407 = arith.constant 0 : i32
    %dma_wait3A_1408 = arith.constant 0 : i32
    %dma_wait3A_1409 = tpu.memref_slice %arg6[%dma_wait3A_1393, %dma_wait3A_1407, %dma_wait3A_1408] : memref<2x16x2048xf32, #tpu.memory_space<vmem>> -> memref<1x16x2048xf32, #tpu.memory_space<vmem>>
    %dma_wait3A_1410 = tpu.memref_squeeze %dma_wait3A_1409 : memref<1x16x2048xf32, #tpu.memory_space<vmem>> -> memref<16x2048xf32, #tpu.memory_space<vmem>>
    tpu.wait_dma2 semaphore(%dma_wait3A_1403 : memref<!tpu.dma_semaphore, #tpu.memory_space<semaphore_mem>>) src(%dma_wait3A_1410 : memref<16x2048xf32, #tpu.memory_space<vmem>>) dst(%dma_wait3A_1406 : memref<16x2048xf32, #tpu.memory_space<hbm>>)
    %dma_start3A_1411 = arith.constant 8 : i32
    %dma_start3A_1412 = arith.constant 0 : i32
    %dma_start3A_1413 = arith.constant 0 : i32
    %dma_start3A_1414 = arith.constant 0 : i32
    %dma_start3A_1415 = arith.constant 0 : i32
    %dma_start3A_1416 = arith.constant 0 : i32
    %dma_start3A_1417 = tpu.memref_slice %arg6[%dma_start3A_1413, %dma_start3A_1415, %dma_start3A_1416] : memref<2x16x2048xf32, #tpu.memory_space<vmem>> -> memref<1x16x2048xf32, #tpu.memory_space<vmem>>
    %dma_start3A_1418 = tpu.memref_squeeze %dma_start3A_1417 : memref<1x16x2048xf32, #tpu.memory_space<vmem>> -> memref<16x2048xf32, #tpu.memory_space<vmem>>
    %dma_start3A_1419 = arith.constant 0 : i32
    %dma_start3A_1420 = arith.constant 0 : i32
    %dma_start3A_1421 = tpu.memref_slice %dma_start3A_1418[%dma_start3A_1419, %dma_start3A_1420] : memref<16x2048xf32, #tpu.memory_space<vmem>> -> memref<16x1024xf32, #tpu.memory_space<vmem>>
    %dma_start3A_1422 = arith.constant 0 : i32
    %dma_start3A_1423 = tpu.memref_slice %arg5[%dma_start3A_1411, %dma_start3A_1412, %dma_start3A_1422] : memref<16x2x16xi32, #tpu.memory_space<vmem>> -> memref<1x1x16xi32, #tpu.memory_space<vmem>>
    %dma_start3A_1424 = tpu.memref_squeeze %dma_start3A_1423 : memref<1x1x16xi32, #tpu.memory_space<vmem>> -> memref<16xi32, #tpu.memory_space<vmem>>
    %dma_start3A_1425 = arith.constant 0 : i32
    %dma_start3A_1426 = arith.constant 0 : i32
    %dma_start3A_1427 = tpu.memref_slice %arg2[%dma_start3A_1425, %dma_start3A_1426] : memref<8192x1024xf32, #tpu.memory_space<hbm>> -> memref<8192x1024xf32, #tpu.memory_space<hbm>>
    %dma_start3A_1428 = tpu.memref_slice %arg7[%dma_start3A_1414] : memref<2x!tpu.dma_semaphore, #tpu.memory_space<semaphore_mem>> -> memref<1x!tpu.dma_semaphore, #tpu.memory_space<semaphore_mem>>
    %dma_start3A_1429 = tpu.memref_squeeze %dma_start3A_1428 : memref<1x!tpu.dma_semaphore, #tpu.memory_space<semaphore_mem>> -> memref<!tpu.dma_semaphore, #tpu.memory_space<semaphore_mem>>
    tpu.enqueue_indirect_dma source(%dma_start3A_1427 : memref<8192x1024xf32, #tpu.memory_space<hbm>>) target(%dma_start3A_1421 : memref<16x1024xf32, #tpu.memory_space<vmem>>) offsets(%dma_start3A_1424 : memref<16xi32, #tpu.memory_space<vmem>>) semaphore(%dma_start3A_1429 : memref<!tpu.dma_semaphore, #tpu.memory_space<semaphore_mem>>)
    %dma_start3A_1430 = arith.constant 8 : i32
    %dma_start3A_1431 = arith.constant 1 : i32
    %dma_start3A_1432 = arith.constant 0 : i32
    %dma_start3A_1433 = arith.constant 0 : i32
    %dma_start3A_1434 = arith.constant 0 : i32
    %dma_start3A_1435 = arith.constant 0 : i32
    %dma_start3A_1436 = tpu.memref_slice %arg6[%dma_start3A_1432, %dma_start3A_1434, %dma_start3A_1435] : memref<2x16x2048xf32, #tpu.memory_space<vmem>> -> memref<1x16x2048xf32, #tpu.memory_space<vmem>>
    %dma_start3A_1437 = tpu.memref_squeeze %dma_start3A_1436 : memref<1x16x2048xf32, #tpu.memory_space<vmem>> -> memref<16x2048xf32, #tpu.memory_space<vmem>>
    %dma_start3A_1438 = arith.constant 0 : i32
    %dma_start3A_1439 = arith.constant 1024 : i32
    %dma_start3A_1440 = tpu.memref_slice %dma_start3A_1437[%dma_start3A_1438, %dma_start3A_1439] : memref<16x2048xf32, #tpu.memory_space<vmem>> -> memref<16x1024xf32, #tpu.memory_space<vmem>>
    %dma_start3A_1441 = arith.constant 0 : i32
    %dma_start3A_1442 = tpu.memref_slice %arg5[%dma_start3A_1430, %dma_start3A_1431, %dma_start3A_1441] : memref<16x2x16xi32, #tpu.memory_space<vmem>> -> memref<1x1x16xi32, #tpu.memory_space<vmem>>
    %dma_start3A_1443 = tpu.memref_squeeze %dma_start3A_1442 : memref<1x1x16xi32, #tpu.memory_space<vmem>> -> memref<16xi32, #tpu.memory_space<vmem>>
    %dma_start3A_1444 = arith.constant 0 : i32
    %dma_start3A_1445 = arith.constant 0 : i32
    %dma_start3A_1446 = tpu.memref_slice %arg2[%dma_start3A_1444, %dma_start3A_1445] : memref<8192x1024xf32, #tpu.memory_space<hbm>> -> memref<8192x1024xf32, #tpu.memory_space<hbm>>
    %dma_start3A_1447 = tpu.memref_slice %arg7[%dma_start3A_1433] : memref<2x!tpu.dma_semaphore, #tpu.memory_space<semaphore_mem>> -> memref<1x!tpu.dma_semaphore, #tpu.memory_space<semaphore_mem>>
    %dma_start3A_1448 = tpu.memref_squeeze %dma_start3A_1447 : memref<1x!tpu.dma_semaphore, #tpu.memory_space<semaphore_mem>> -> memref<!tpu.dma_semaphore, #tpu.memory_space<semaphore_mem>>
    tpu.enqueue_indirect_dma source(%dma_start3A_1446 : memref<8192x1024xf32, #tpu.memory_space<hbm>>) target(%dma_start3A_1440 : memref<16x1024xf32, #tpu.memory_space<vmem>>) offsets(%dma_start3A_1443 : memref<16xi32, #tpu.memory_space<vmem>>) semaphore(%dma_start3A_1448 : memref<!tpu.dma_semaphore, #tpu.memory_space<semaphore_mem>>)
    %dma_wait3A_1449 = arith.constant 7 : i32
    %dma_wait3A_1450 = arith.constant 0 : i32
    %dma_wait3A_1451 = arith.constant 1 : i32
    %dma_wait3A_1452 = arith.constant 1 : i32
    %dma_wait3A_1453 = arith.constant 0 : i32
    %dma_wait3A_1454 = arith.constant 0 : i32
    %dma_wait3A_1455 = tpu.memref_slice %arg6[%dma_wait3A_1451, %dma_wait3A_1453, %dma_wait3A_1454] : memref<2x16x2048xf32, #tpu.memory_space<vmem>> -> memref<1x16x2048xf32, #tpu.memory_space<vmem>>
    %dma_wait3A_1456 = tpu.memref_squeeze %dma_wait3A_1455 : memref<1x16x2048xf32, #tpu.memory_space<vmem>> -> memref<16x2048xf32, #tpu.memory_space<vmem>>
    %dma_wait3A_1457 = arith.constant 0 : i32
    %dma_wait3A_1458 = arith.constant 0 : i32
    %dma_wait3A_1459 = tpu.memref_slice %dma_wait3A_1456[%dma_wait3A_1457, %dma_wait3A_1458] : memref<16x2048xf32, #tpu.memory_space<vmem>> -> memref<16x1024xf32, #tpu.memory_space<vmem>>
    %dma_wait3A_1460 = arith.constant 0 : i32
    %dma_wait3A_1461 = tpu.memref_slice %arg5[%dma_wait3A_1449, %dma_wait3A_1450, %dma_wait3A_1460] : memref<16x2x16xi32, #tpu.memory_space<vmem>> -> memref<1x1x16xi32, #tpu.memory_space<vmem>>
    %dma_wait3A_1462 = tpu.memref_squeeze %dma_wait3A_1461 : memref<1x1x16xi32, #tpu.memory_space<vmem>> -> memref<16xi32, #tpu.memory_space<vmem>>
    %dma_wait3A_1463 = arith.constant 0 : i32
    %dma_wait3A_1464 = arith.constant 0 : i32
    %dma_wait3A_1465 = tpu.memref_slice %arg2[%dma_wait3A_1463, %dma_wait3A_1464] : memref<8192x1024xf32, #tpu.memory_space<hbm>> -> memref<8192x1024xf32, #tpu.memory_space<hbm>>
    %dma_wait3A_1466 = tpu.memref_slice %arg7[%dma_wait3A_1452] : memref<2x!tpu.dma_semaphore, #tpu.memory_space<semaphore_mem>> -> memref<1x!tpu.dma_semaphore, #tpu.memory_space<semaphore_mem>>
    %dma_wait3A_1467 = tpu.memref_squeeze %dma_wait3A_1466 : memref<1x!tpu.dma_semaphore, #tpu.memory_space<semaphore_mem>> -> memref<!tpu.dma_semaphore, #tpu.memory_space<semaphore_mem>>
    tpu.wait_indirect_dma semaphore(%dma_wait3A_1467 : memref<!tpu.dma_semaphore, #tpu.memory_space<semaphore_mem>>) src(%dma_wait3A_1465 : memref<8192x1024xf32, #tpu.memory_space<hbm>>) dst(%dma_wait3A_1459 : memref<16x1024xf32, #tpu.memory_space<vmem>>)
    %dma_wait3A_1468 = arith.constant 7 : i32
    %dma_wait3A_1469 = arith.constant 1 : i32
    %dma_wait3A_1470 = arith.constant 1 : i32
    %dma_wait3A_1471 = arith.constant 1 : i32
    %dma_wait3A_1472 = arith.constant 0 : i32
    %dma_wait3A_1473 = arith.constant 0 : i32
    %dma_wait3A_1474 = tpu.memref_slice %arg6[%dma_wait3A_1470, %dma_wait3A_1472, %dma_wait3A_1473] : memref<2x16x2048xf32, #tpu.memory_space<vmem>> -> memref<1x16x2048xf32, #tpu.memory_space<vmem>>
    %dma_wait3A_1475 = tpu.memref_squeeze %dma_wait3A_1474 : memref<1x16x2048xf32, #tpu.memory_space<vmem>> -> memref<16x2048xf32, #tpu.memory_space<vmem>>
    %dma_wait3A_1476 = arith.constant 0 : i32
    %dma_wait3A_1477 = arith.constant 1024 : i32
    %dma_wait3A_1478 = tpu.memref_slice %dma_wait3A_1475[%dma_wait3A_1476, %dma_wait3A_1477] : memref<16x2048xf32, #tpu.memory_space<vmem>> -> memref<16x1024xf32, #tpu.memory_space<vmem>>
    %dma_wait3A_1479 = arith.constant 0 : i32
    %dma_wait3A_1480 = tpu.memref_slice %arg5[%dma_wait3A_1468, %dma_wait3A_1469, %dma_wait3A_1479] : memref<16x2x16xi32, #tpu.memory_space<vmem>> -> memref<1x1x16xi32, #tpu.memory_space<vmem>>
    %dma_wait3A_1481 = tpu.memref_squeeze %dma_wait3A_1480 : memref<1x1x16xi32, #tpu.memory_space<vmem>> -> memref<16xi32, #tpu.memory_space<vmem>>
    %dma_wait3A_1482 = arith.constant 0 : i32
    %dma_wait3A_1483 = arith.constant 0 : i32
    %dma_wait3A_1484 = tpu.memref_slice %arg2[%dma_wait3A_1482, %dma_wait3A_1483] : memref<8192x1024xf32, #tpu.memory_space<hbm>> -> memref<8192x1024xf32, #tpu.memory_space<hbm>>
    %dma_wait3A_1485 = tpu.memref_slice %arg7[%dma_wait3A_1471] : memref<2x!tpu.dma_semaphore, #tpu.memory_space<semaphore_mem>> -> memref<1x!tpu.dma_semaphore, #tpu.memory_space<semaphore_mem>>
    %dma_wait3A_1486 = tpu.memref_squeeze %dma_wait3A_1485 : memref<1x!tpu.dma_semaphore, #tpu.memory_space<semaphore_mem>> -> memref<!tpu.dma_semaphore, #tpu.memory_space<semaphore_mem>>
    tpu.wait_indirect_dma semaphore(%dma_wait3A_1486 : memref<!tpu.dma_semaphore, #tpu.memory_space<semaphore_mem>>) src(%dma_wait3A_1484 : memref<8192x1024xf32, #tpu.memory_space<hbm>>) dst(%dma_wait3A_1478 : memref<16x1024xf32, #tpu.memory_space<vmem>>)
    %add3A_1487 = arith.constant 112 : i32
    %add3A_1488 = arith.addi %mul3A_32, %add3A_1487 : i32
    %dma_start3A_1489 = arith.constant 1 : i32
    %dma_start3A_1490 = arith.constant 1 : i32
    %dma_start3A_1491 = arith.constant 0 : i32
    %dma_start3A_1492 = arith.constant 0 : i32
    %dma_start3A_1493 = tpu.memref_slice %arg6[%dma_start3A_1489, %dma_start3A_1491, %dma_start3A_1492] : memref<2x16x2048xf32, #tpu.memory_space<vmem>> -> memref<1x16x2048xf32, #tpu.memory_space<vmem>>
    %dma_start3A_1494 = tpu.memref_squeeze %dma_start3A_1493 : memref<1x16x2048xf32, #tpu.memory_space<vmem>> -> memref<16x2048xf32, #tpu.memory_space<vmem>>
    %dma_start3A_1495 = arith.constant 0 : i32
    %dma_start3A_1496 = tpu.memref_slice %arg4[%select_n3A, %add3A_1488, %dma_start3A_1495] : memref<4x2048x2048xf32, #tpu.memory_space<hbm>> -> memref<1x16x2048xf32, #tpu.memory_space<hbm>>
    %dma_start3A_1497 = tpu.memref_squeeze %dma_start3A_1496 : memref<1x16x2048xf32, #tpu.memory_space<hbm>> -> memref<16x2048xf32, #tpu.memory_space<hbm>>
    %dma_start3A_1498 = tpu.memref_slice %arg8[%dma_start3A_1490] : memref<2x!tpu.dma_semaphore, #tpu.memory_space<semaphore_mem>> -> memref<1x!tpu.dma_semaphore, #tpu.memory_space<semaphore_mem>>
    %dma_start3A_1499 = tpu.memref_squeeze %dma_start3A_1498 : memref<1x!tpu.dma_semaphore, #tpu.memory_space<semaphore_mem>> -> memref<!tpu.dma_semaphore, #tpu.memory_space<semaphore_mem>>
    %dma_start3A_1500 = arith.constant 0 : i32
    %dma_start3A_1501 = tpu.memref_slice %arg4[%select_n3A, %add3A_1488, %dma_start3A_1500] : memref<4x2048x2048xf32, #tpu.memory_space<hbm>> -> memref<1x16x2048xf32, #tpu.memory_space<hbm>>
    %dma_start3A_1502 = tpu.memref_squeeze %dma_start3A_1501 : memref<1x16x2048xf32, #tpu.memory_space<hbm>> -> memref<16x2048xf32, #tpu.memory_space<hbm>>
    %dma_start3A_1503 = arith.constant 0 : i32
    %dma_start3A_1504 = arith.constant 0 : i32
    %dma_start3A_1505 = tpu.memref_slice %arg6[%dma_start3A_1489, %dma_start3A_1503, %dma_start3A_1504] : memref<2x16x2048xf32, #tpu.memory_space<vmem>> -> memref<1x16x2048xf32, #tpu.memory_space<vmem>>
    %dma_start3A_1506 = tpu.memref_squeeze %dma_start3A_1505 : memref<1x16x2048xf32, #tpu.memory_space<vmem>> -> memref<16x2048xf32, #tpu.memory_space<vmem>>
    tpu.enqueue_dma source(%dma_start3A_1506 : memref<16x2048xf32, #tpu.memory_space<vmem>>) target(%dma_start3A_1502 : memref<16x2048xf32, #tpu.memory_space<hbm>>) target_semaphore(%dma_start3A_1499 : memref<!tpu.dma_semaphore, #tpu.memory_space<semaphore_mem>>)
    %dma_wait3A_1507 = arith.constant 1 : i32
    %dma_wait3A_1508 = arith.constant 1 : i32
    %dma_wait3A_1509 = arith.constant 0 : i32
    %dma_wait3A_1510 = arith.constant 0 : i32
    %dma_wait3A_1511 = tpu.memref_slice %arg6[%dma_wait3A_1507, %dma_wait3A_1509, %dma_wait3A_1510] : memref<2x16x2048xf32, #tpu.memory_space<vmem>> -> memref<1x16x2048xf32, #tpu.memory_space<vmem>>
    %dma_wait3A_1512 = tpu.memref_squeeze %dma_wait3A_1511 : memref<1x16x2048xf32, #tpu.memory_space<vmem>> -> memref<16x2048xf32, #tpu.memory_space<vmem>>
    %dma_wait3A_1513 = arith.constant 0 : i32
    %dma_wait3A_1514 = tpu.memref_slice %arg4[%select_n3A, %add3A_1488, %dma_wait3A_1513] : memref<4x2048x2048xf32, #tpu.memory_space<hbm>> -> memref<1x16x2048xf32, #tpu.memory_space<hbm>>
    %dma_wait3A_1515 = tpu.memref_squeeze %dma_wait3A_1514 : memref<1x16x2048xf32, #tpu.memory_space<hbm>> -> memref<16x2048xf32, #tpu.memory_space<hbm>>
    %dma_wait3A_1516 = tpu.memref_slice %arg8[%dma_wait3A_1508] : memref<2x!tpu.dma_semaphore, #tpu.memory_space<semaphore_mem>> -> memref<1x!tpu.dma_semaphore, #tpu.memory_space<semaphore_mem>>
    %dma_wait3A_1517 = tpu.memref_squeeze %dma_wait3A_1516 : memref<1x!tpu.dma_semaphore, #tpu.memory_space<semaphore_mem>> -> memref<!tpu.dma_semaphore, #tpu.memory_space<semaphore_mem>>
    %dma_wait3A_1518 = arith.constant 0 : i32
    %dma_wait3A_1519 = tpu.memref_slice %arg4[%select_n3A, %add3A_1488, %dma_wait3A_1518] : memref<4x2048x2048xf32, #tpu.memory_space<hbm>> -> memref<1x16x2048xf32, #tpu.memory_space<hbm>>
    %dma_wait3A_1520 = tpu.memref_squeeze %dma_wait3A_1519 : memref<1x16x2048xf32, #tpu.memory_space<hbm>> -> memref<16x2048xf32, #tpu.memory_space<hbm>>
    %dma_wait3A_1521 = arith.constant 0 : i32
    %dma_wait3A_1522 = arith.constant 0 : i32
    %dma_wait3A_1523 = tpu.memref_slice %arg6[%dma_wait3A_1507, %dma_wait3A_1521, %dma_wait3A_1522] : memref<2x16x2048xf32, #tpu.memory_space<vmem>> -> memref<1x16x2048xf32, #tpu.memory_space<vmem>>
    %dma_wait3A_1524 = tpu.memref_squeeze %dma_wait3A_1523 : memref<1x16x2048xf32, #tpu.memory_space<vmem>> -> memref<16x2048xf32, #tpu.memory_space<vmem>>
    tpu.wait_dma2 semaphore(%dma_wait3A_1517 : memref<!tpu.dma_semaphore, #tpu.memory_space<semaphore_mem>>) src(%dma_wait3A_1524 : memref<16x2048xf32, #tpu.memory_space<vmem>>) dst(%dma_wait3A_1520 : memref<16x2048xf32, #tpu.memory_space<hbm>>)
    %dma_start3A_1525 = arith.constant 9 : i32
    %dma_start3A_1526 = arith.constant 0 : i32
    %dma_start3A_1527 = arith.constant 1 : i32
    %dma_start3A_1528 = arith.constant 1 : i32
    %dma_start3A_1529 = arith.constant 0 : i32
    %dma_start3A_1530 = arith.constant 0 : i32
    %dma_start3A_1531 = tpu.memref_slice %arg6[%dma_start3A_1527, %dma_start3A_1529, %dma_start3A_1530] : memref<2x16x2048xf32, #tpu.memory_space<vmem>> -> memref<1x16x2048xf32, #tpu.memory_space<vmem>>
    %dma_start3A_1532 = tpu.memref_squeeze %dma_start3A_1531 : memref<1x16x2048xf32, #tpu.memory_space<vmem>> -> memref<16x2048xf32, #tpu.memory_space<vmem>>
    %dma_start3A_1533 = arith.constant 0 : i32
    %dma_start3A_1534 = arith.constant 0 : i32
    %dma_start3A_1535 = tpu.memref_slice %dma_start3A_1532[%dma_start3A_1533, %dma_start3A_1534] : memref<16x2048xf32, #tpu.memory_space<vmem>> -> memref<16x1024xf32, #tpu.memory_space<vmem>>
    %dma_start3A_1536 = arith.constant 0 : i32
    %dma_start3A_1537 = tpu.memref_slice %arg5[%dma_start3A_1525, %dma_start3A_1526, %dma_start3A_1536] : memref<16x2x16xi32, #tpu.memory_space<vmem>> -> memref<1x1x16xi32, #tpu.memory_space<vmem>>
    %dma_start3A_1538 = tpu.memref_squeeze %dma_start3A_1537 : memref<1x1x16xi32, #tpu.memory_space<vmem>> -> memref<16xi32, #tpu.memory_space<vmem>>
    %dma_start3A_1539 = arith.constant 0 : i32
    %dma_start3A_1540 = arith.constant 0 : i32
    %dma_start3A_1541 = tpu.memref_slice %arg2[%dma_start3A_1539, %dma_start3A_1540] : memref<8192x1024xf32, #tpu.memory_space<hbm>> -> memref<8192x1024xf32, #tpu.memory_space<hbm>>
    %dma_start3A_1542 = tpu.memref_slice %arg7[%dma_start3A_1528] : memref<2x!tpu.dma_semaphore, #tpu.memory_space<semaphore_mem>> -> memref<1x!tpu.dma_semaphore, #tpu.memory_space<semaphore_mem>>
    %dma_start3A_1543 = tpu.memref_squeeze %dma_start3A_1542 : memref<1x!tpu.dma_semaphore, #tpu.memory_space<semaphore_mem>> -> memref<!tpu.dma_semaphore, #tpu.memory_space<semaphore_mem>>
    tpu.enqueue_indirect_dma source(%dma_start3A_1541 : memref<8192x1024xf32, #tpu.memory_space<hbm>>) target(%dma_start3A_1535 : memref<16x1024xf32, #tpu.memory_space<vmem>>) offsets(%dma_start3A_1538 : memref<16xi32, #tpu.memory_space<vmem>>) semaphore(%dma_start3A_1543 : memref<!tpu.dma_semaphore, #tpu.memory_space<semaphore_mem>>)
    %dma_start3A_1544 = arith.constant 9 : i32
    %dma_start3A_1545 = arith.constant 1 : i32
    %dma_start3A_1546 = arith.constant 1 : i32
    %dma_start3A_1547 = arith.constant 1 : i32
    %dma_start3A_1548 = arith.constant 0 : i32
    %dma_start3A_1549 = arith.constant 0 : i32
    %dma_start3A_1550 = tpu.memref_slice %arg6[%dma_start3A_1546, %dma_start3A_1548, %dma_start3A_1549] : memref<2x16x2048xf32, #tpu.memory_space<vmem>> -> memref<1x16x2048xf32, #tpu.memory_space<vmem>>
    %dma_start3A_1551 = tpu.memref_squeeze %dma_start3A_1550 : memref<1x16x2048xf32, #tpu.memory_space<vmem>> -> memref<16x2048xf32, #tpu.memory_space<vmem>>
    %dma_start3A_1552 = arith.constant 0 : i32
    %dma_start3A_1553 = arith.constant 1024 : i32
    %dma_start3A_1554 = tpu.memref_slice %dma_start3A_1551[%dma_start3A_1552, %dma_start3A_1553] : memref<16x2048xf32, #tpu.memory_space<vmem>> -> memref<16x1024xf32, #tpu.memory_space<vmem>>
    %dma_start3A_1555 = arith.constant 0 : i32
    %dma_start3A_1556 = tpu.memref_slice %arg5[%dma_start3A_1544, %dma_start3A_1545, %dma_start3A_1555] : memref<16x2x16xi32, #tpu.memory_space<vmem>> -> memref<1x1x16xi32, #tpu.memory_space<vmem>>
    %dma_start3A_1557 = tpu.memref_squeeze %dma_start3A_1556 : memref<1x1x16xi32, #tpu.memory_space<vmem>> -> memref<16xi32, #tpu.memory_space<vmem>>
    %dma_start3A_1558 = arith.constant 0 : i32
    %dma_start3A_1559 = arith.constant 0 : i32
    %dma_start3A_1560 = tpu.memref_slice %arg2[%dma_start3A_1558, %dma_start3A_1559] : memref<8192x1024xf32, #tpu.memory_space<hbm>> -> memref<8192x1024xf32, #tpu.memory_space<hbm>>
    %dma_start3A_1561 = tpu.memref_slice %arg7[%dma_start3A_1547] : memref<2x!tpu.dma_semaphore, #tpu.memory_space<semaphore_mem>> -> memref<1x!tpu.dma_semaphore, #tpu.memory_space<semaphore_mem>>
    %dma_start3A_1562 = tpu.memref_squeeze %dma_start3A_1561 : memref<1x!tpu.dma_semaphore, #tpu.memory_space<semaphore_mem>> -> memref<!tpu.dma_semaphore, #tpu.memory_space<semaphore_mem>>
    tpu.enqueue_indirect_dma source(%dma_start3A_1560 : memref<8192x1024xf32, #tpu.memory_space<hbm>>) target(%dma_start3A_1554 : memref<16x1024xf32, #tpu.memory_space<vmem>>) offsets(%dma_start3A_1557 : memref<16xi32, #tpu.memory_space<vmem>>) semaphore(%dma_start3A_1562 : memref<!tpu.dma_semaphore, #tpu.memory_space<semaphore_mem>>)
    %dma_wait3A_1563 = arith.constant 8 : i32
    %dma_wait3A_1564 = arith.constant 0 : i32
    %dma_wait3A_1565 = arith.constant 0 : i32
    %dma_wait3A_1566 = arith.constant 0 : i32
    %dma_wait3A_1567 = arith.constant 0 : i32
    %dma_wait3A_1568 = arith.constant 0 : i32
    %dma_wait3A_1569 = tpu.memref_slice %arg6[%dma_wait3A_1565, %dma_wait3A_1567, %dma_wait3A_1568] : memref<2x16x2048xf32, #tpu.memory_space<vmem>> -> memref<1x16x2048xf32, #tpu.memory_space<vmem>>
    %dma_wait3A_1570 = tpu.memref_squeeze %dma_wait3A_1569 : memref<1x16x2048xf32, #tpu.memory_space<vmem>> -> memref<16x2048xf32, #tpu.memory_space<vmem>>
    %dma_wait3A_1571 = arith.constant 0 : i32
    %dma_wait3A_1572 = arith.constant 0 : i32
    %dma_wait3A_1573 = tpu.memref_slice %dma_wait3A_1570[%dma_wait3A_1571, %dma_wait3A_1572] : memref<16x2048xf32, #tpu.memory_space<vmem>> -> memref<16x1024xf32, #tpu.memory_space<vmem>>
    %dma_wait3A_1574 = arith.constant 0 : i32
    %dma_wait3A_1575 = tpu.memref_slice %arg5[%dma_wait3A_1563, %dma_wait3A_1564, %dma_wait3A_1574] : memref<16x2x16xi32, #tpu.memory_space<vmem>> -> memref<1x1x16xi32, #tpu.memory_space<vmem>>
    %dma_wait3A_1576 = tpu.memref_squeeze %dma_wait3A_1575 : memref<1x1x16xi32, #tpu.memory_space<vmem>> -> memref<16xi32, #tpu.memory_space<vmem>>
    %dma_wait3A_1577 = arith.constant 0 : i32
    %dma_wait3A_1578 = arith.constant 0 : i32
    %dma_wait3A_1579 = tpu.memref_slice %arg2[%dma_wait3A_1577, %dma_wait3A_1578] : memref<8192x1024xf32, #tpu.memory_space<hbm>> -> memref<8192x1024xf32, #tpu.memory_space<hbm>>
    %dma_wait3A_1580 = tpu.memref_slice %arg7[%dma_wait3A_1566] : memref<2x!tpu.dma_semaphore, #tpu.memory_space<semaphore_mem>> -> memref<1x!tpu.dma_semaphore, #tpu.memory_space<semaphore_mem>>
    %dma_wait3A_1581 = tpu.memref_squeeze %dma_wait3A_1580 : memref<1x!tpu.dma_semaphore, #tpu.memory_space<semaphore_mem>> -> memref<!tpu.dma_semaphore, #tpu.memory_space<semaphore_mem>>
    tpu.wait_indirect_dma semaphore(%dma_wait3A_1581 : memref<!tpu.dma_semaphore, #tpu.memory_space<semaphore_mem>>) src(%dma_wait3A_1579 : memref<8192x1024xf32, #tpu.memory_space<hbm>>) dst(%dma_wait3A_1573 : memref<16x1024xf32, #tpu.memory_space<vmem>>)
    %dma_wait3A_1582 = arith.constant 8 : i32
    %dma_wait3A_1583 = arith.constant 1 : i32
    %dma_wait3A_1584 = arith.constant 0 : i32
    %dma_wait3A_1585 = arith.constant 0 : i32
    %dma_wait3A_1586 = arith.constant 0 : i32
    %dma_wait3A_1587 = arith.constant 0 : i32
    %dma_wait3A_1588 = tpu.memref_slice %arg6[%dma_wait3A_1584, %dma_wait3A_1586, %dma_wait3A_1587] : memref<2x16x2048xf32, #tpu.memory_space<vmem>> -> memref<1x16x2048xf32, #tpu.memory_space<vmem>>
    %dma_wait3A_1589 = tpu.memref_squeeze %dma_wait3A_1588 : memref<1x16x2048xf32, #tpu.memory_space<vmem>> -> memref<16x2048xf32, #tpu.memory_space<vmem>>
    %dma_wait3A_1590 = arith.constant 0 : i32
    %dma_wait3A_1591 = arith.constant 1024 : i32
    %dma_wait3A_1592 = tpu.memref_slice %dma_wait3A_1589[%dma_wait3A_1590, %dma_wait3A_1591] : memref<16x2048xf32, #tpu.memory_space<vmem>> -> memref<16x1024xf32, #tpu.memory_space<vmem>>
    %dma_wait3A_1593 = arith.constant 0 : i32
    %dma_wait3A_1594 = tpu.memref_slice %arg5[%dma_wait3A_1582, %dma_wait3A_1583, %dma_wait3A_1593] : memref<16x2x16xi32, #tpu.memory_space<vmem>> -> memref<1x1x16xi32, #tpu.memory_space<vmem>>
    %dma_wait3A_1595 = tpu.memref_squeeze %dma_wait3A_1594 : memref<1x1x16xi32, #tpu.memory_space<vmem>> -> memref<16xi32, #tpu.memory_space<vmem>>
    %dma_wait3A_1596 = arith.constant 0 : i32
    %dma_wait3A_1597 = arith.constant 0 : i32
    %dma_wait3A_1598 = tpu.memref_slice %arg2[%dma_wait3A_1596, %dma_wait3A_1597] : memref<8192x1024xf32, #tpu.memory_space<hbm>> -> memref<8192x1024xf32, #tpu.memory_space<hbm>>
    %dma_wait3A_1599 = tpu.memref_slice %arg7[%dma_wait3A_1585] : memref<2x!tpu.dma_semaphore, #tpu.memory_space<semaphore_mem>> -> memref<1x!tpu.dma_semaphore, #tpu.memory_space<semaphore_mem>>
    %dma_wait3A_1600 = tpu.memref_squeeze %dma_wait3A_1599 : memref<1x!tpu.dma_semaphore, #tpu.memory_space<semaphore_mem>> -> memref<!tpu.dma_semaphore, #tpu.memory_space<semaphore_mem>>
    tpu.wait_indirect_dma semaphore(%dma_wait3A_1600 : memref<!tpu.dma_semaphore, #tpu.memory_space<semaphore_mem>>) src(%dma_wait3A_1598 : memref<8192x1024xf32, #tpu.memory_space<hbm>>) dst(%dma_wait3A_1592 : memref<16x1024xf32, #tpu.memory_space<vmem>>)
    %add3A_1601 = arith.constant 128 : i32
    %add3A_1602 = arith.addi %mul3A_32, %add3A_1601 : i32
    %dma_start3A_1603 = arith.constant 0 : i32
    %dma_start3A_1604 = arith.constant 0 : i32
    %dma_start3A_1605 = arith.constant 0 : i32
    %dma_start3A_1606 = arith.constant 0 : i32
    %dma_start3A_1607 = tpu.memref_slice %arg6[%dma_start3A_1603, %dma_start3A_1605, %dma_start3A_1606] : memref<2x16x2048xf32, #tpu.memory_space<vmem>> -> memref<1x16x2048xf32, #tpu.memory_space<vmem>>
    %dma_start3A_1608 = tpu.memref_squeeze %dma_start3A_1607 : memref<1x16x2048xf32, #tpu.memory_space<vmem>> -> memref<16x2048xf32, #tpu.memory_space<vmem>>
    %dma_start3A_1609 = arith.constant 0 : i32
    %dma_start3A_1610 = tpu.memref_slice %arg4[%select_n3A, %add3A_1602, %dma_start3A_1609] : memref<4x2048x2048xf32, #tpu.memory_space<hbm>> -> memref<1x16x2048xf32, #tpu.memory_space<hbm>>
    %dma_start3A_1611 = tpu.memref_squeeze %dma_start3A_1610 : memref<1x16x2048xf32, #tpu.memory_space<hbm>> -> memref<16x2048xf32, #tpu.memory_space<hbm>>
    %dma_start3A_1612 = tpu.memref_slice %arg8[%dma_start3A_1604] : memref<2x!tpu.dma_semaphore, #tpu.memory_space<semaphore_mem>> -> memref<1x!tpu.dma_semaphore, #tpu.memory_space<semaphore_mem>>
    %dma_start3A_1613 = tpu.memref_squeeze %dma_start3A_1612 : memref<1x!tpu.dma_semaphore, #tpu.memory_space<semaphore_mem>> -> memref<!tpu.dma_semaphore, #tpu.memory_space<semaphore_mem>>
    %dma_start3A_1614 = arith.constant 0 : i32
    %dma_start3A_1615 = tpu.memref_slice %arg4[%select_n3A, %add3A_1602, %dma_start3A_1614] : memref<4x2048x2048xf32, #tpu.memory_space<hbm>> -> memref<1x16x2048xf32, #tpu.memory_space<hbm>>
    %dma_start3A_1616 = tpu.memref_squeeze %dma_start3A_1615 : memref<1x16x2048xf32, #tpu.memory_space<hbm>> -> memref<16x2048xf32, #tpu.memory_space<hbm>>
    %dma_start3A_1617 = arith.constant 0 : i32
    %dma_start3A_1618 = arith.constant 0 : i32
    %dma_start3A_1619 = tpu.memref_slice %arg6[%dma_start3A_1603, %dma_start3A_1617, %dma_start3A_1618] : memref<2x16x2048xf32, #tpu.memory_space<vmem>> -> memref<1x16x2048xf32, #tpu.memory_space<vmem>>
    %dma_start3A_1620 = tpu.memref_squeeze %dma_start3A_1619 : memref<1x16x2048xf32, #tpu.memory_space<vmem>> -> memref<16x2048xf32, #tpu.memory_space<vmem>>
    tpu.enqueue_dma source(%dma_start3A_1620 : memref<16x2048xf32, #tpu.memory_space<vmem>>) target(%dma_start3A_1616 : memref<16x2048xf32, #tpu.memory_space<hbm>>) target_semaphore(%dma_start3A_1613 : memref<!tpu.dma_semaphore, #tpu.memory_space<semaphore_mem>>)
    %dma_wait3A_1621 = arith.constant 0 : i32
    %dma_wait3A_1622 = arith.constant 0 : i32
    %dma_wait3A_1623 = arith.constant 0 : i32
    %dma_wait3A_1624 = arith.constant 0 : i32
    %dma_wait3A_1625 = tpu.memref_slice %arg6[%dma_wait3A_1621, %dma_wait3A_1623, %dma_wait3A_1624] : memref<2x16x2048xf32, #tpu.memory_space<vmem>> -> memref<1x16x2048xf32, #tpu.memory_space<vmem>>
    %dma_wait3A_1626 = tpu.memref_squeeze %dma_wait3A_1625 : memref<1x16x2048xf32, #tpu.memory_space<vmem>> -> memref<16x2048xf32, #tpu.memory_space<vmem>>
    %dma_wait3A_1627 = arith.constant 0 : i32
    %dma_wait3A_1628 = tpu.memref_slice %arg4[%select_n3A, %add3A_1602, %dma_wait3A_1627] : memref<4x2048x2048xf32, #tpu.memory_space<hbm>> -> memref<1x16x2048xf32, #tpu.memory_space<hbm>>
    %dma_wait3A_1629 = tpu.memref_squeeze %dma_wait3A_1628 : memref<1x16x2048xf32, #tpu.memory_space<hbm>> -> memref<16x2048xf32, #tpu.memory_space<hbm>>
    %dma_wait3A_1630 = tpu.memref_slice %arg8[%dma_wait3A_1622] : memref<2x!tpu.dma_semaphore, #tpu.memory_space<semaphore_mem>> -> memref<1x!tpu.dma_semaphore, #tpu.memory_space<semaphore_mem>>
    %dma_wait3A_1631 = tpu.memref_squeeze %dma_wait3A_1630 : memref<1x!tpu.dma_semaphore, #tpu.memory_space<semaphore_mem>> -> memref<!tpu.dma_semaphore, #tpu.memory_space<semaphore_mem>>
    %dma_wait3A_1632 = arith.constant 0 : i32
    %dma_wait3A_1633 = tpu.memref_slice %arg4[%select_n3A, %add3A_1602, %dma_wait3A_1632] : memref<4x2048x2048xf32, #tpu.memory_space<hbm>> -> memref<1x16x2048xf32, #tpu.memory_space<hbm>>
    %dma_wait3A_1634 = tpu.memref_squeeze %dma_wait3A_1633 : memref<1x16x2048xf32, #tpu.memory_space<hbm>> -> memref<16x2048xf32, #tpu.memory_space<hbm>>
    %dma_wait3A_1635 = arith.constant 0 : i32
    %dma_wait3A_1636 = arith.constant 0 : i32
    %dma_wait3A_1637 = tpu.memref_slice %arg6[%dma_wait3A_1621, %dma_wait3A_1635, %dma_wait3A_1636] : memref<2x16x2048xf32, #tpu.memory_space<vmem>> -> memref<1x16x2048xf32, #tpu.memory_space<vmem>>
    %dma_wait3A_1638 = tpu.memref_squeeze %dma_wait3A_1637 : memref<1x16x2048xf32, #tpu.memory_space<vmem>> -> memref<16x2048xf32, #tpu.memory_space<vmem>>
    tpu.wait_dma2 semaphore(%dma_wait3A_1631 : memref<!tpu.dma_semaphore, #tpu.memory_space<semaphore_mem>>) src(%dma_wait3A_1638 : memref<16x2048xf32, #tpu.memory_space<vmem>>) dst(%dma_wait3A_1634 : memref<16x2048xf32, #tpu.memory_space<hbm>>)
    %dma_start3A_1639 = arith.constant 10 : i32
    %dma_start3A_1640 = arith.constant 0 : i32
    %dma_start3A_1641 = arith.constant 0 : i32
    %dma_start3A_1642 = arith.constant 0 : i32
    %dma_start3A_1643 = arith.constant 0 : i32
    %dma_start3A_1644 = arith.constant 0 : i32
    %dma_start3A_1645 = tpu.memref_slice %arg6[%dma_start3A_1641, %dma_start3A_1643, %dma_start3A_1644] : memref<2x16x2048xf32, #tpu.memory_space<vmem>> -> memref<1x16x2048xf32, #tpu.memory_space<vmem>>
    %dma_start3A_1646 = tpu.memref_squeeze %dma_start3A_1645 : memref<1x16x2048xf32, #tpu.memory_space<vmem>> -> memref<16x2048xf32, #tpu.memory_space<vmem>>
    %dma_start3A_1647 = arith.constant 0 : i32
    %dma_start3A_1648 = arith.constant 0 : i32
    %dma_start3A_1649 = tpu.memref_slice %dma_start3A_1646[%dma_start3A_1647, %dma_start3A_1648] : memref<16x2048xf32, #tpu.memory_space<vmem>> -> memref<16x1024xf32, #tpu.memory_space<vmem>>
    %dma_start3A_1650 = arith.constant 0 : i32
    %dma_start3A_1651 = tpu.memref_slice %arg5[%dma_start3A_1639, %dma_start3A_1640, %dma_start3A_1650] : memref<16x2x16xi32, #tpu.memory_space<vmem>> -> memref<1x1x16xi32, #tpu.memory_space<vmem>>
    %dma_start3A_1652 = tpu.memref_squeeze %dma_start3A_1651 : memref<1x1x16xi32, #tpu.memory_space<vmem>> -> memref<16xi32, #tpu.memory_space<vmem>>
    %dma_start3A_1653 = arith.constant 0 : i32
    %dma_start3A_1654 = arith.constant 0 : i32
    %dma_start3A_1655 = tpu.memref_slice %arg2[%dma_start3A_1653, %dma_start3A_1654] : memref<8192x1024xf32, #tpu.memory_space<hbm>> -> memref<8192x1024xf32, #tpu.memory_space<hbm>>
    %dma_start3A_1656 = tpu.memref_slice %arg7[%dma_start3A_1642] : memref<2x!tpu.dma_semaphore, #tpu.memory_space<semaphore_mem>> -> memref<1x!tpu.dma_semaphore, #tpu.memory_space<semaphore_mem>>
    %dma_start3A_1657 = tpu.memref_squeeze %dma_start3A_1656 : memref<1x!tpu.dma_semaphore, #tpu.memory_space<semaphore_mem>> -> memref<!tpu.dma_semaphore, #tpu.memory_space<semaphore_mem>>
    tpu.enqueue_indirect_dma source(%dma_start3A_1655 : memref<8192x1024xf32, #tpu.memory_space<hbm>>) target(%dma_start3A_1649 : memref<16x1024xf32, #tpu.memory_space<vmem>>) offsets(%dma_start3A_1652 : memref<16xi32, #tpu.memory_space<vmem>>) semaphore(%dma_start3A_1657 : memref<!tpu.dma_semaphore, #tpu.memory_space<semaphore_mem>>)
    %dma_start3A_1658 = arith.constant 10 : i32
    %dma_start3A_1659 = arith.constant 1 : i32
    %dma_start3A_1660 = arith.constant 0 : i32
    %dma_start3A_1661 = arith.constant 0 : i32
    %dma_start3A_1662 = arith.constant 0 : i32
    %dma_start3A_1663 = arith.constant 0 : i32
    %dma_start3A_1664 = tpu.memref_slice %arg6[%dma_start3A_1660, %dma_start3A_1662, %dma_start3A_1663] : memref<2x16x2048xf32, #tpu.memory_space<vmem>> -> memref<1x16x2048xf32, #tpu.memory_space<vmem>>
    %dma_start3A_1665 = tpu.memref_squeeze %dma_start3A_1664 : memref<1x16x2048xf32, #tpu.memory_space<vmem>> -> memref<16x2048xf32, #tpu.memory_space<vmem>>
    %dma_start3A_1666 = arith.constant 0 : i32
    %dma_start3A_1667 = arith.constant 1024 : i32
    %dma_start3A_1668 = tpu.memref_slice %dma_start3A_1665[%dma_start3A_1666, %dma_start3A_1667] : memref<16x2048xf32, #tpu.memory_space<vmem>> -> memref<16x1024xf32, #tpu.memory_space<vmem>>
    %dma_start3A_1669 = arith.constant 0 : i32
    %dma_start3A_1670 = tpu.memref_slice %arg5[%dma_start3A_1658, %dma_start3A_1659, %dma_start3A_1669] : memref<16x2x16xi32, #tpu.memory_space<vmem>> -> memref<1x1x16xi32, #tpu.memory_space<vmem>>
    %dma_start3A_1671 = tpu.memref_squeeze %dma_start3A_1670 : memref<1x1x16xi32, #tpu.memory_space<vmem>> -> memref<16xi32, #tpu.memory_space<vmem>>
    %dma_start3A_1672 = arith.constant 0 : i32
    %dma_start3A_1673 = arith.constant 0 : i32
    %dma_start3A_1674 = tpu.memref_slice %arg2[%dma_start3A_1672, %dma_start3A_1673] : memref<8192x1024xf32, #tpu.memory_space<hbm>> -> memref<8192x1024xf32, #tpu.memory_space<hbm>>
    %dma_start3A_1675 = tpu.memref_slice %arg7[%dma_start3A_1661] : memref<2x!tpu.dma_semaphore, #tpu.memory_space<semaphore_mem>> -> memref<1x!tpu.dma_semaphore, #tpu.memory_space<semaphore_mem>>
    %dma_start3A_1676 = tpu.memref_squeeze %dma_start3A_1675 : memref<1x!tpu.dma_semaphore, #tpu.memory_space<semaphore_mem>> -> memref<!tpu.dma_semaphore, #tpu.memory_space<semaphore_mem>>
    tpu.enqueue_indirect_dma source(%dma_start3A_1674 : memref<8192x1024xf32, #tpu.memory_space<hbm>>) target(%dma_start3A_1668 : memref<16x1024xf32, #tpu.memory_space<vmem>>) offsets(%dma_start3A_1671 : memref<16xi32, #tpu.memory_space<vmem>>) semaphore(%dma_start3A_1676 : memref<!tpu.dma_semaphore, #tpu.memory_space<semaphore_mem>>)
    %dma_wait3A_1677 = arith.constant 9 : i32
    %dma_wait3A_1678 = arith.constant 0 : i32
    %dma_wait3A_1679 = arith.constant 1 : i32
    %dma_wait3A_1680 = arith.constant 1 : i32
    %dma_wait3A_1681 = arith.constant 0 : i32
    %dma_wait3A_1682 = arith.constant 0 : i32
    %dma_wait3A_1683 = tpu.memref_slice %arg6[%dma_wait3A_1679, %dma_wait3A_1681, %dma_wait3A_1682] : memref<2x16x2048xf32, #tpu.memory_space<vmem>> -> memref<1x16x2048xf32, #tpu.memory_space<vmem>>
    %dma_wait3A_1684 = tpu.memref_squeeze %dma_wait3A_1683 : memref<1x16x2048xf32, #tpu.memory_space<vmem>> -> memref<16x2048xf32, #tpu.memory_space<vmem>>
    %dma_wait3A_1685 = arith.constant 0 : i32
    %dma_wait3A_1686 = arith.constant 0 : i32
    %dma_wait3A_1687 = tpu.memref_slice %dma_wait3A_1684[%dma_wait3A_1685, %dma_wait3A_1686] : memref<16x2048xf32, #tpu.memory_space<vmem>> -> memref<16x1024xf32, #tpu.memory_space<vmem>>
    %dma_wait3A_1688 = arith.constant 0 : i32
    %dma_wait3A_1689 = tpu.memref_slice %arg5[%dma_wait3A_1677, %dma_wait3A_1678, %dma_wait3A_1688] : memref<16x2x16xi32, #tpu.memory_space<vmem>> -> memref<1x1x16xi32, #tpu.memory_space<vmem>>
    %dma_wait3A_1690 = tpu.memref_squeeze %dma_wait3A_1689 : memref<1x1x16xi32, #tpu.memory_space<vmem>> -> memref<16xi32, #tpu.memory_space<vmem>>
    %dma_wait3A_1691 = arith.constant 0 : i32
    %dma_wait3A_1692 = arith.constant 0 : i32
    %dma_wait3A_1693 = tpu.memref_slice %arg2[%dma_wait3A_1691, %dma_wait3A_1692] : memref<8192x1024xf32, #tpu.memory_space<hbm>> -> memref<8192x1024xf32, #tpu.memory_space<hbm>>
    %dma_wait3A_1694 = tpu.memref_slice %arg7[%dma_wait3A_1680] : memref<2x!tpu.dma_semaphore, #tpu.memory_space<semaphore_mem>> -> memref<1x!tpu.dma_semaphore, #tpu.memory_space<semaphore_mem>>
    %dma_wait3A_1695 = tpu.memref_squeeze %dma_wait3A_1694 : memref<1x!tpu.dma_semaphore, #tpu.memory_space<semaphore_mem>> -> memref<!tpu.dma_semaphore, #tpu.memory_space<semaphore_mem>>
    tpu.wait_indirect_dma semaphore(%dma_wait3A_1695 : memref<!tpu.dma_semaphore, #tpu.memory_space<semaphore_mem>>) src(%dma_wait3A_1693 : memref<8192x1024xf32, #tpu.memory_space<hbm>>) dst(%dma_wait3A_1687 : memref<16x1024xf32, #tpu.memory_space<vmem>>)
    %dma_wait3A_1696 = arith.constant 9 : i32
    %dma_wait3A_1697 = arith.constant 1 : i32
    %dma_wait3A_1698 = arith.constant 1 : i32
    %dma_wait3A_1699 = arith.constant 1 : i32
    %dma_wait3A_1700 = arith.constant 0 : i32
    %dma_wait3A_1701 = arith.constant 0 : i32
    %dma_wait3A_1702 = tpu.memref_slice %arg6[%dma_wait3A_1698, %dma_wait3A_1700, %dma_wait3A_1701] : memref<2x16x2048xf32, #tpu.memory_space<vmem>> -> memref<1x16x2048xf32, #tpu.memory_space<vmem>>
    %dma_wait3A_1703 = tpu.memref_squeeze %dma_wait3A_1702 : memref<1x16x2048xf32, #tpu.memory_space<vmem>> -> memref<16x2048xf32, #tpu.memory_space<vmem>>
    %dma_wait3A_1704 = arith.constant 0 : i32
    %dma_wait3A_1705 = arith.constant 1024 : i32
    %dma_wait3A_1706 = tpu.memref_slice %dma_wait3A_1703[%dma_wait3A_1704, %dma_wait3A_1705] : memref<16x2048xf32, #tpu.memory_space<vmem>> -> memref<16x1024xf32, #tpu.memory_space<vmem>>
    %dma_wait3A_1707 = arith.constant 0 : i32
    %dma_wait3A_1708 = tpu.memref_slice %arg5[%dma_wait3A_1696, %dma_wait3A_1697, %dma_wait3A_1707] : memref<16x2x16xi32, #tpu.memory_space<vmem>> -> memref<1x1x16xi32, #tpu.memory_space<vmem>>
    %dma_wait3A_1709 = tpu.memref_squeeze %dma_wait3A_1708 : memref<1x1x16xi32, #tpu.memory_space<vmem>> -> memref<16xi32, #tpu.memory_space<vmem>>
    %dma_wait3A_1710 = arith.constant 0 : i32
    %dma_wait3A_1711 = arith.constant 0 : i32
    %dma_wait3A_1712 = tpu.memref_slice %arg2[%dma_wait3A_1710, %dma_wait3A_1711] : memref<8192x1024xf32, #tpu.memory_space<hbm>> -> memref<8192x1024xf32, #tpu.memory_space<hbm>>
    %dma_wait3A_1713 = tpu.memref_slice %arg7[%dma_wait3A_1699] : memref<2x!tpu.dma_semaphore, #tpu.memory_space<semaphore_mem>> -> memref<1x!tpu.dma_semaphore, #tpu.memory_space<semaphore_mem>>
    %dma_wait3A_1714 = tpu.memref_squeeze %dma_wait3A_1713 : memref<1x!tpu.dma_semaphore, #tpu.memory_space<semaphore_mem>> -> memref<!tpu.dma_semaphore, #tpu.memory_space<semaphore_mem>>
    tpu.wait_indirect_dma semaphore(%dma_wait3A_1714 : memref<!tpu.dma_semaphore, #tpu.memory_space<semaphore_mem>>) src(%dma_wait3A_1712 : memref<8192x1024xf32, #tpu.memory_space<hbm>>) dst(%dma_wait3A_1706 : memref<16x1024xf32, #tpu.memory_space<vmem>>)
    %add3A_1715 = arith.constant 144 : i32
    %add3A_1716 = arith.addi %mul3A_32, %add3A_1715 : i32
    %dma_start3A_1717 = arith.constant 1 : i32
    %dma_start3A_1718 = arith.constant 1 : i32
    %dma_start3A_1719 = arith.constant 0 : i32
    %dma_start3A_1720 = arith.constant 0 : i32
    %dma_start3A_1721 = tpu.memref_slice %arg6[%dma_start3A_1717, %dma_start3A_1719, %dma_start3A_1720] : memref<2x16x2048xf32, #tpu.memory_space<vmem>> -> memref<1x16x2048xf32, #tpu.memory_space<vmem>>
    %dma_start3A_1722 = tpu.memref_squeeze %dma_start3A_1721 : memref<1x16x2048xf32, #tpu.memory_space<vmem>> -> memref<16x2048xf32, #tpu.memory_space<vmem>>
    %dma_start3A_1723 = arith.constant 0 : i32
    %dma_start3A_1724 = tpu.memref_slice %arg4[%select_n3A, %add3A_1716, %dma_start3A_1723] : memref<4x2048x2048xf32, #tpu.memory_space<hbm>> -> memref<1x16x2048xf32, #tpu.memory_space<hbm>>
    %dma_start3A_1725 = tpu.memref_squeeze %dma_start3A_1724 : memref<1x16x2048xf32, #tpu.memory_space<hbm>> -> memref<16x2048xf32, #tpu.memory_space<hbm>>
    %dma_start3A_1726 = tpu.memref_slice %arg8[%dma_start3A_1718] : memref<2x!tpu.dma_semaphore, #tpu.memory_space<semaphore_mem>> -> memref<1x!tpu.dma_semaphore, #tpu.memory_space<semaphore_mem>>
    %dma_start3A_1727 = tpu.memref_squeeze %dma_start3A_1726 : memref<1x!tpu.dma_semaphore, #tpu.memory_space<semaphore_mem>> -> memref<!tpu.dma_semaphore, #tpu.memory_space<semaphore_mem>>
    %dma_start3A_1728 = arith.constant 0 : i32
    %dma_start3A_1729 = tpu.memref_slice %arg4[%select_n3A, %add3A_1716, %dma_start3A_1728] : memref<4x2048x2048xf32, #tpu.memory_space<hbm>> -> memref<1x16x2048xf32, #tpu.memory_space<hbm>>
    %dma_start3A_1730 = tpu.memref_squeeze %dma_start3A_1729 : memref<1x16x2048xf32, #tpu.memory_space<hbm>> -> memref<16x2048xf32, #tpu.memory_space<hbm>>
    %dma_start3A_1731 = arith.constant 0 : i32
    %dma_start3A_1732 = arith.constant 0 : i32
    %dma_start3A_1733 = tpu.memref_slice %arg6[%dma_start3A_1717, %dma_start3A_1731, %dma_start3A_1732] : memref<2x16x2048xf32, #tpu.memory_space<vmem>> -> memref<1x16x2048xf32, #tpu.memory_space<vmem>>
    %dma_start3A_1734 = tpu.memref_squeeze %dma_start3A_1733 : memref<1x16x2048xf32, #tpu.memory_space<vmem>> -> memref<16x2048xf32, #tpu.memory_space<vmem>>
    tpu.enqueue_dma source(%dma_start3A_1734 : memref<16x2048xf32, #tpu.memory_space<vmem>>) target(%dma_start3A_1730 : memref<16x2048xf32, #tpu.memory_space<hbm>>) target_semaphore(%dma_start3A_1727 : memref<!tpu.dma_semaphore, #tpu.memory_space<semaphore_mem>>)
    %dma_wait3A_1735 = arith.constant 1 : i32
    %dma_wait3A_1736 = arith.constant 1 : i32
    %dma_wait3A_1737 = arith.constant 0 : i32
    %dma_wait3A_1738 = arith.constant 0 : i32
    %dma_wait3A_1739 = tpu.memref_slice %arg6[%dma_wait3A_1735, %dma_wait3A_1737, %dma_wait3A_1738] : memref<2x16x2048xf32, #tpu.memory_space<vmem>> -> memref<1x16x2048xf32, #tpu.memory_space<vmem>>
    %dma_wait3A_1740 = tpu.memref_squeeze %dma_wait3A_1739 : memref<1x16x2048xf32, #tpu.memory_space<vmem>> -> memref<16x2048xf32, #tpu.memory_space<vmem>>
    %dma_wait3A_1741 = arith.constant 0 : i32
    %dma_wait3A_1742 = tpu.memref_slice %arg4[%select_n3A, %add3A_1716, %dma_wait3A_1741] : memref<4x2048x2048xf32, #tpu.memory_space<hbm>> -> memref<1x16x2048xf32, #tpu.memory_space<hbm>>
    %dma_wait3A_1743 = tpu.memref_squeeze %dma_wait3A_1742 : memref<1x16x2048xf32, #tpu.memory_space<hbm>> -> memref<16x2048xf32, #tpu.memory_space<hbm>>
    %dma_wait3A_1744 = tpu.memref_slice %arg8[%dma_wait3A_1736] : memref<2x!tpu.dma_semaphore, #tpu.memory_space<semaphore_mem>> -> memref<1x!tpu.dma_semaphore, #tpu.memory_space<semaphore_mem>>
    %dma_wait3A_1745 = tpu.memref_squeeze %dma_wait3A_1744 : memref<1x!tpu.dma_semaphore, #tpu.memory_space<semaphore_mem>> -> memref<!tpu.dma_semaphore, #tpu.memory_space<semaphore_mem>>
    %dma_wait3A_1746 = arith.constant 0 : i32
    %dma_wait3A_1747 = tpu.memref_slice %arg4[%select_n3A, %add3A_1716, %dma_wait3A_1746] : memref<4x2048x2048xf32, #tpu.memory_space<hbm>> -> memref<1x16x2048xf32, #tpu.memory_space<hbm>>
    %dma_wait3A_1748 = tpu.memref_squeeze %dma_wait3A_1747 : memref<1x16x2048xf32, #tpu.memory_space<hbm>> -> memref<16x2048xf32, #tpu.memory_space<hbm>>
    %dma_wait3A_1749 = arith.constant 0 : i32
    %dma_wait3A_1750 = arith.constant 0 : i32
    %dma_wait3A_1751 = tpu.memref_slice %arg6[%dma_wait3A_1735, %dma_wait3A_1749, %dma_wait3A_1750] : memref<2x16x2048xf32, #tpu.memory_space<vmem>> -> memref<1x16x2048xf32, #tpu.memory_space<vmem>>
    %dma_wait3A_1752 = tpu.memref_squeeze %dma_wait3A_1751 : memref<1x16x2048xf32, #tpu.memory_space<vmem>> -> memref<16x2048xf32, #tpu.memory_space<vmem>>
    tpu.wait_dma2 semaphore(%dma_wait3A_1745 : memref<!tpu.dma_semaphore, #tpu.memory_space<semaphore_mem>>) src(%dma_wait3A_1752 : memref<16x2048xf32, #tpu.memory_space<vmem>>) dst(%dma_wait3A_1748 : memref<16x2048xf32, #tpu.memory_space<hbm>>)
    %dma_start3A_1753 = arith.constant 11 : i32
    %dma_start3A_1754 = arith.constant 0 : i32
    %dma_start3A_1755 = arith.constant 1 : i32
    %dma_start3A_1756 = arith.constant 1 : i32
    %dma_start3A_1757 = arith.constant 0 : i32
    %dma_start3A_1758 = arith.constant 0 : i32
    %dma_start3A_1759 = tpu.memref_slice %arg6[%dma_start3A_1755, %dma_start3A_1757, %dma_start3A_1758] : memref<2x16x2048xf32, #tpu.memory_space<vmem>> -> memref<1x16x2048xf32, #tpu.memory_space<vmem>>
    %dma_start3A_1760 = tpu.memref_squeeze %dma_start3A_1759 : memref<1x16x2048xf32, #tpu.memory_space<vmem>> -> memref<16x2048xf32, #tpu.memory_space<vmem>>
    %dma_start3A_1761 = arith.constant 0 : i32
    %dma_start3A_1762 = arith.constant 0 : i32
    %dma_start3A_1763 = tpu.memref_slice %dma_start3A_1760[%dma_start3A_1761, %dma_start3A_1762] : memref<16x2048xf32, #tpu.memory_space<vmem>> -> memref<16x1024xf32, #tpu.memory_space<vmem>>
    %dma_start3A_1764 = arith.constant 0 : i32
    %dma_start3A_1765 = tpu.memref_slice %arg5[%dma_start3A_1753, %dma_start3A_1754, %dma_start3A_1764] : memref<16x2x16xi32, #tpu.memory_space<vmem>> -> memref<1x1x16xi32, #tpu.memory_space<vmem>>
    %dma_start3A_1766 = tpu.memref_squeeze %dma_start3A_1765 : memref<1x1x16xi32, #tpu.memory_space<vmem>> -> memref<16xi32, #tpu.memory_space<vmem>>
    %dma_start3A_1767 = arith.constant 0 : i32
    %dma_start3A_1768 = arith.constant 0 : i32
    %dma_start3A_1769 = tpu.memref_slice %arg2[%dma_start3A_1767, %dma_start3A_1768] : memref<8192x1024xf32, #tpu.memory_space<hbm>> -> memref<8192x1024xf32, #tpu.memory_space<hbm>>
    %dma_start3A_1770 = tpu.memref_slice %arg7[%dma_start3A_1756] : memref<2x!tpu.dma_semaphore, #tpu.memory_space<semaphore_mem>> -> memref<1x!tpu.dma_semaphore, #tpu.memory_space<semaphore_mem>>
    %dma_start3A_1771 = tpu.memref_squeeze %dma_start3A_1770 : memref<1x!tpu.dma_semaphore, #tpu.memory_space<semaphore_mem>> -> memref<!tpu.dma_semaphore, #tpu.memory_space<semaphore_mem>>
    tpu.enqueue_indirect_dma source(%dma_start3A_1769 : memref<8192x1024xf32, #tpu.memory_space<hbm>>) target(%dma_start3A_1763 : memref<16x1024xf32, #tpu.memory_space<vmem>>) offsets(%dma_start3A_1766 : memref<16xi32, #tpu.memory_space<vmem>>) semaphore(%dma_start3A_1771 : memref<!tpu.dma_semaphore, #tpu.memory_space<semaphore_mem>>)
    %dma_start3A_1772 = arith.constant 11 : i32
    %dma_start3A_1773 = arith.constant 1 : i32
    %dma_start3A_1774 = arith.constant 1 : i32
    %dma_start3A_1775 = arith.constant 1 : i32
    %dma_start3A_1776 = arith.constant 0 : i32
    %dma_start3A_1777 = arith.constant 0 : i32
    %dma_start3A_1778 = tpu.memref_slice %arg6[%dma_start3A_1774, %dma_start3A_1776, %dma_start3A_1777] : memref<2x16x2048xf32, #tpu.memory_space<vmem>> -> memref<1x16x2048xf32, #tpu.memory_space<vmem>>
    %dma_start3A_1779 = tpu.memref_squeeze %dma_start3A_1778 : memref<1x16x2048xf32, #tpu.memory_space<vmem>> -> memref<16x2048xf32, #tpu.memory_space<vmem>>
    %dma_start3A_1780 = arith.constant 0 : i32
    %dma_start3A_1781 = arith.constant 1024 : i32
    %dma_start3A_1782 = tpu.memref_slice %dma_start3A_1779[%dma_start3A_1780, %dma_start3A_1781] : memref<16x2048xf32, #tpu.memory_space<vmem>> -> memref<16x1024xf32, #tpu.memory_space<vmem>>
    %dma_start3A_1783 = arith.constant 0 : i32
    %dma_start3A_1784 = tpu.memref_slice %arg5[%dma_start3A_1772, %dma_start3A_1773, %dma_start3A_1783] : memref<16x2x16xi32, #tpu.memory_space<vmem>> -> memref<1x1x16xi32, #tpu.memory_space<vmem>>
    %dma_start3A_1785 = tpu.memref_squeeze %dma_start3A_1784 : memref<1x1x16xi32, #tpu.memory_space<vmem>> -> memref<16xi32, #tpu.memory_space<vmem>>
    %dma_start3A_1786 = arith.constant 0 : i32
    %dma_start3A_1787 = arith.constant 0 : i32
    %dma_start3A_1788 = tpu.memref_slice %arg2[%dma_start3A_1786, %dma_start3A_1787] : memref<8192x1024xf32, #tpu.memory_space<hbm>> -> memref<8192x1024xf32, #tpu.memory_space<hbm>>
    %dma_start3A_1789 = tpu.memref_slice %arg7[%dma_start3A_1775] : memref<2x!tpu.dma_semaphore, #tpu.memory_space<semaphore_mem>> -> memref<1x!tpu.dma_semaphore, #tpu.memory_space<semaphore_mem>>
    %dma_start3A_1790 = tpu.memref_squeeze %dma_start3A_1789 : memref<1x!tpu.dma_semaphore, #tpu.memory_space<semaphore_mem>> -> memref<!tpu.dma_semaphore, #tpu.memory_space<semaphore_mem>>
    tpu.enqueue_indirect_dma source(%dma_start3A_1788 : memref<8192x1024xf32, #tpu.memory_space<hbm>>) target(%dma_start3A_1782 : memref<16x1024xf32, #tpu.memory_space<vmem>>) offsets(%dma_start3A_1785 : memref<16xi32, #tpu.memory_space<vmem>>) semaphore(%dma_start3A_1790 : memref<!tpu.dma_semaphore, #tpu.memory_space<semaphore_mem>>)
    %dma_wait3A_1791 = arith.constant 10 : i32
    %dma_wait3A_1792 = arith.constant 0 : i32
    %dma_wait3A_1793 = arith.constant 0 : i32
    %dma_wait3A_1794 = arith.constant 0 : i32
    %dma_wait3A_1795 = arith.constant 0 : i32
    %dma_wait3A_1796 = arith.constant 0 : i32
    %dma_wait3A_1797 = tpu.memref_slice %arg6[%dma_wait3A_1793, %dma_wait3A_1795, %dma_wait3A_1796] : memref<2x16x2048xf32, #tpu.memory_space<vmem>> -> memref<1x16x2048xf32, #tpu.memory_space<vmem>>
    %dma_wait3A_1798 = tpu.memref_squeeze %dma_wait3A_1797 : memref<1x16x2048xf32, #tpu.memory_space<vmem>> -> memref<16x2048xf32, #tpu.memory_space<vmem>>
    %dma_wait3A_1799 = arith.constant 0 : i32
    %dma_wait3A_1800 = arith.constant 0 : i32
    %dma_wait3A_1801 = tpu.memref_slice %dma_wait3A_1798[%dma_wait3A_1799, %dma_wait3A_1800] : memref<16x2048xf32, #tpu.memory_space<vmem>> -> memref<16x1024xf32, #tpu.memory_space<vmem>>
    %dma_wait3A_1802 = arith.constant 0 : i32
    %dma_wait3A_1803 = tpu.memref_slice %arg5[%dma_wait3A_1791, %dma_wait3A_1792, %dma_wait3A_1802] : memref<16x2x16xi32, #tpu.memory_space<vmem>> -> memref<1x1x16xi32, #tpu.memory_space<vmem>>
    %dma_wait3A_1804 = tpu.memref_squeeze %dma_wait3A_1803 : memref<1x1x16xi32, #tpu.memory_space<vmem>> -> memref<16xi32, #tpu.memory_space<vmem>>
    %dma_wait3A_1805 = arith.constant 0 : i32
    %dma_wait3A_1806 = arith.constant 0 : i32
    %dma_wait3A_1807 = tpu.memref_slice %arg2[%dma_wait3A_1805, %dma_wait3A_1806] : memref<8192x1024xf32, #tpu.memory_space<hbm>> -> memref<8192x1024xf32, #tpu.memory_space<hbm>>
    %dma_wait3A_1808 = tpu.memref_slice %arg7[%dma_wait3A_1794] : memref<2x!tpu.dma_semaphore, #tpu.memory_space<semaphore_mem>> -> memref<1x!tpu.dma_semaphore, #tpu.memory_space<semaphore_mem>>
    %dma_wait3A_1809 = tpu.memref_squeeze %dma_wait3A_1808 : memref<1x!tpu.dma_semaphore, #tpu.memory_space<semaphore_mem>> -> memref<!tpu.dma_semaphore, #tpu.memory_space<semaphore_mem>>
    tpu.wait_indirect_dma semaphore(%dma_wait3A_1809 : memref<!tpu.dma_semaphore, #tpu.memory_space<semaphore_mem>>) src(%dma_wait3A_1807 : memref<8192x1024xf32, #tpu.memory_space<hbm>>) dst(%dma_wait3A_1801 : memref<16x1024xf32, #tpu.memory_space<vmem>>)
    %dma_wait3A_1810 = arith.constant 10 : i32
    %dma_wait3A_1811 = arith.constant 1 : i32
    %dma_wait3A_1812 = arith.constant 0 : i32
    %dma_wait3A_1813 = arith.constant 0 : i32
    %dma_wait3A_1814 = arith.constant 0 : i32
    %dma_wait3A_1815 = arith.constant 0 : i32
    %dma_wait3A_1816 = tpu.memref_slice %arg6[%dma_wait3A_1812, %dma_wait3A_1814, %dma_wait3A_1815] : memref<2x16x2048xf32, #tpu.memory_space<vmem>> -> memref<1x16x2048xf32, #tpu.memory_space<vmem>>
    %dma_wait3A_1817 = tpu.memref_squeeze %dma_wait3A_1816 : memref<1x16x2048xf32, #tpu.memory_space<vmem>> -> memref<16x2048xf32, #tpu.memory_space<vmem>>
    %dma_wait3A_1818 = arith.constant 0 : i32
    %dma_wait3A_1819 = arith.constant 1024 : i32
    %dma_wait3A_1820 = tpu.memref_slice %dma_wait3A_1817[%dma_wait3A_1818, %dma_wait3A_1819] : memref<16x2048xf32, #tpu.memory_space<vmem>> -> memref<16x1024xf32, #tpu.memory_space<vmem>>
    %dma_wait3A_1821 = arith.constant 0 : i32
    %dma_wait3A_1822 = tpu.memref_slice %arg5[%dma_wait3A_1810, %dma_wait3A_1811, %dma_wait3A_1821] : memref<16x2x16xi32, #tpu.memory_space<vmem>> -> memref<1x1x16xi32, #tpu.memory_space<vmem>>
    %dma_wait3A_1823 = tpu.memref_squeeze %dma_wait3A_1822 : memref<1x1x16xi32, #tpu.memory_space<vmem>> -> memref<16xi32, #tpu.memory_space<vmem>>
    %dma_wait3A_1824 = arith.constant 0 : i32
    %dma_wait3A_1825 = arith.constant 0 : i32
    %dma_wait3A_1826 = tpu.memref_slice %arg2[%dma_wait3A_1824, %dma_wait3A_1825] : memref<8192x1024xf32, #tpu.memory_space<hbm>> -> memref<8192x1024xf32, #tpu.memory_space<hbm>>
    %dma_wait3A_1827 = tpu.memref_slice %arg7[%dma_wait3A_1813] : memref<2x!tpu.dma_semaphore, #tpu.memory_space<semaphore_mem>> -> memref<1x!tpu.dma_semaphore, #tpu.memory_space<semaphore_mem>>
    %dma_wait3A_1828 = tpu.memref_squeeze %dma_wait3A_1827 : memref<1x!tpu.dma_semaphore, #tpu.memory_space<semaphore_mem>> -> memref<!tpu.dma_semaphore, #tpu.memory_space<semaphore_mem>>
    tpu.wait_indirect_dma semaphore(%dma_wait3A_1828 : memref<!tpu.dma_semaphore, #tpu.memory_space<semaphore_mem>>) src(%dma_wait3A_1826 : memref<8192x1024xf32, #tpu.memory_space<hbm>>) dst(%dma_wait3A_1820 : memref<16x1024xf32, #tpu.memory_space<vmem>>)
    %add3A_1829 = arith.constant 160 : i32
    %add3A_1830 = arith.addi %mul3A_32, %add3A_1829 : i32
    %dma_start3A_1831 = arith.constant 0 : i32
    %dma_start3A_1832 = arith.constant 0 : i32
    %dma_start3A_1833 = arith.constant 0 : i32
    %dma_start3A_1834 = arith.constant 0 : i32
    %dma_start3A_1835 = tpu.memref_slice %arg6[%dma_start3A_1831, %dma_start3A_1833, %dma_start3A_1834] : memref<2x16x2048xf32, #tpu.memory_space<vmem>> -> memref<1x16x2048xf32, #tpu.memory_space<vmem>>
    %dma_start3A_1836 = tpu.memref_squeeze %dma_start3A_1835 : memref<1x16x2048xf32, #tpu.memory_space<vmem>> -> memref<16x2048xf32, #tpu.memory_space<vmem>>
    %dma_start3A_1837 = arith.constant 0 : i32
    %dma_start3A_1838 = tpu.memref_slice %arg4[%select_n3A, %add3A_1830, %dma_start3A_1837] : memref<4x2048x2048xf32, #tpu.memory_space<hbm>> -> memref<1x16x2048xf32, #tpu.memory_space<hbm>>
    %dma_start3A_1839 = tpu.memref_squeeze %dma_start3A_1838 : memref<1x16x2048xf32, #tpu.memory_space<hbm>> -> memref<16x2048xf32, #tpu.memory_space<hbm>>
    %dma_start3A_1840 = tpu.memref_slice %arg8[%dma_start3A_1832] : memref<2x!tpu.dma_semaphore, #tpu.memory_space<semaphore_mem>> -> memref<1x!tpu.dma_semaphore, #tpu.memory_space<semaphore_mem>>
    %dma_start3A_1841 = tpu.memref_squeeze %dma_start3A_1840 : memref<1x!tpu.dma_semaphore, #tpu.memory_space<semaphore_mem>> -> memref<!tpu.dma_semaphore, #tpu.memory_space<semaphore_mem>>
    %dma_start3A_1842 = arith.constant 0 : i32
    %dma_start3A_1843 = tpu.memref_slice %arg4[%select_n3A, %add3A_1830, %dma_start3A_1842] : memref<4x2048x2048xf32, #tpu.memory_space<hbm>> -> memref<1x16x2048xf32, #tpu.memory_space<hbm>>
    %dma_start3A_1844 = tpu.memref_squeeze %dma_start3A_1843 : memref<1x16x2048xf32, #tpu.memory_space<hbm>> -> memref<16x2048xf32, #tpu.memory_space<hbm>>
    %dma_start3A_1845 = arith.constant 0 : i32
    %dma_start3A_1846 = arith.constant 0 : i32
    %dma_start3A_1847 = tpu.memref_slice %arg6[%dma_start3A_1831, %dma_start3A_1845, %dma_start3A_1846] : memref<2x16x2048xf32, #tpu.memory_space<vmem>> -> memref<1x16x2048xf32, #tpu.memory_space<vmem>>
    %dma_start3A_1848 = tpu.memref_squeeze %dma_start3A_1847 : memref<1x16x2048xf32, #tpu.memory_space<vmem>> -> memref<16x2048xf32, #tpu.memory_space<vmem>>
    tpu.enqueue_dma source(%dma_start3A_1848 : memref<16x2048xf32, #tpu.memory_space<vmem>>) target(%dma_start3A_1844 : memref<16x2048xf32, #tpu.memory_space<hbm>>) target_semaphore(%dma_start3A_1841 : memref<!tpu.dma_semaphore, #tpu.memory_space<semaphore_mem>>)
    %dma_wait3A_1849 = arith.constant 0 : i32
    %dma_wait3A_1850 = arith.constant 0 : i32
    %dma_wait3A_1851 = arith.constant 0 : i32
    %dma_wait3A_1852 = arith.constant 0 : i32
    %dma_wait3A_1853 = tpu.memref_slice %arg6[%dma_wait3A_1849, %dma_wait3A_1851, %dma_wait3A_1852] : memref<2x16x2048xf32, #tpu.memory_space<vmem>> -> memref<1x16x2048xf32, #tpu.memory_space<vmem>>
    %dma_wait3A_1854 = tpu.memref_squeeze %dma_wait3A_1853 : memref<1x16x2048xf32, #tpu.memory_space<vmem>> -> memref<16x2048xf32, #tpu.memory_space<vmem>>
    %dma_wait3A_1855 = arith.constant 0 : i32
    %dma_wait3A_1856 = tpu.memref_slice %arg4[%select_n3A, %add3A_1830, %dma_wait3A_1855] : memref<4x2048x2048xf32, #tpu.memory_space<hbm>> -> memref<1x16x2048xf32, #tpu.memory_space<hbm>>
    %dma_wait3A_1857 = tpu.memref_squeeze %dma_wait3A_1856 : memref<1x16x2048xf32, #tpu.memory_space<hbm>> -> memref<16x2048xf32, #tpu.memory_space<hbm>>
    %dma_wait3A_1858 = tpu.memref_slice %arg8[%dma_wait3A_1850] : memref<2x!tpu.dma_semaphore, #tpu.memory_space<semaphore_mem>> -> memref<1x!tpu.dma_semaphore, #tpu.memory_space<semaphore_mem>>
    %dma_wait3A_1859 = tpu.memref_squeeze %dma_wait3A_1858 : memref<1x!tpu.dma_semaphore, #tpu.memory_space<semaphore_mem>> -> memref<!tpu.dma_semaphore, #tpu.memory_space<semaphore_mem>>
    %dma_wait3A_1860 = arith.constant 0 : i32
    %dma_wait3A_1861 = tpu.memref_slice %arg4[%select_n3A, %add3A_1830, %dma_wait3A_1860] : memref<4x2048x2048xf32, #tpu.memory_space<hbm>> -> memref<1x16x2048xf32, #tpu.memory_space<hbm>>
    %dma_wait3A_1862 = tpu.memref_squeeze %dma_wait3A_1861 : memref<1x16x2048xf32, #tpu.memory_space<hbm>> -> memref<16x2048xf32, #tpu.memory_space<hbm>>
    %dma_wait3A_1863 = arith.constant 0 : i32
    %dma_wait3A_1864 = arith.constant 0 : i32
    %dma_wait3A_1865 = tpu.memref_slice %arg6[%dma_wait3A_1849, %dma_wait3A_1863, %dma_wait3A_1864] : memref<2x16x2048xf32, #tpu.memory_space<vmem>> -> memref<1x16x2048xf32, #tpu.memory_space<vmem>>
    %dma_wait3A_1866 = tpu.memref_squeeze %dma_wait3A_1865 : memref<1x16x2048xf32, #tpu.memory_space<vmem>> -> memref<16x2048xf32, #tpu.memory_space<vmem>>
    tpu.wait_dma2 semaphore(%dma_wait3A_1859 : memref<!tpu.dma_semaphore, #tpu.memory_space<semaphore_mem>>) src(%dma_wait3A_1866 : memref<16x2048xf32, #tpu.memory_space<vmem>>) dst(%dma_wait3A_1862 : memref<16x2048xf32, #tpu.memory_space<hbm>>)
    %dma_start3A_1867 = arith.constant 12 : i32
    %dma_start3A_1868 = arith.constant 0 : i32
    %dma_start3A_1869 = arith.constant 0 : i32
    %dma_start3A_1870 = arith.constant 0 : i32
    %dma_start3A_1871 = arith.constant 0 : i32
    %dma_start3A_1872 = arith.constant 0 : i32
    %dma_start3A_1873 = tpu.memref_slice %arg6[%dma_start3A_1869, %dma_start3A_1871, %dma_start3A_1872] : memref<2x16x2048xf32, #tpu.memory_space<vmem>> -> memref<1x16x2048xf32, #tpu.memory_space<vmem>>
    %dma_start3A_1874 = tpu.memref_squeeze %dma_start3A_1873 : memref<1x16x2048xf32, #tpu.memory_space<vmem>> -> memref<16x2048xf32, #tpu.memory_space<vmem>>
    %dma_start3A_1875 = arith.constant 0 : i32
    %dma_start3A_1876 = arith.constant 0 : i32
    %dma_start3A_1877 = tpu.memref_slice %dma_start3A_1874[%dma_start3A_1875, %dma_start3A_1876] : memref<16x2048xf32, #tpu.memory_space<vmem>> -> memref<16x1024xf32, #tpu.memory_space<vmem>>
    %dma_start3A_1878 = arith.constant 0 : i32
    %dma_start3A_1879 = tpu.memref_slice %arg5[%dma_start3A_1867, %dma_start3A_1868, %dma_start3A_1878] : memref<16x2x16xi32, #tpu.memory_space<vmem>> -> memref<1x1x16xi32, #tpu.memory_space<vmem>>
    %dma_start3A_1880 = tpu.memref_squeeze %dma_start3A_1879 : memref<1x1x16xi32, #tpu.memory_space<vmem>> -> memref<16xi32, #tpu.memory_space<vmem>>
    %dma_start3A_1881 = arith.constant 0 : i32
    %dma_start3A_1882 = arith.constant 0 : i32
    %dma_start3A_1883 = tpu.memref_slice %arg2[%dma_start3A_1881, %dma_start3A_1882] : memref<8192x1024xf32, #tpu.memory_space<hbm>> -> memref<8192x1024xf32, #tpu.memory_space<hbm>>
    %dma_start3A_1884 = tpu.memref_slice %arg7[%dma_start3A_1870] : memref<2x!tpu.dma_semaphore, #tpu.memory_space<semaphore_mem>> -> memref<1x!tpu.dma_semaphore, #tpu.memory_space<semaphore_mem>>
    %dma_start3A_1885 = tpu.memref_squeeze %dma_start3A_1884 : memref<1x!tpu.dma_semaphore, #tpu.memory_space<semaphore_mem>> -> memref<!tpu.dma_semaphore, #tpu.memory_space<semaphore_mem>>
    tpu.enqueue_indirect_dma source(%dma_start3A_1883 : memref<8192x1024xf32, #tpu.memory_space<hbm>>) target(%dma_start3A_1877 : memref<16x1024xf32, #tpu.memory_space<vmem>>) offsets(%dma_start3A_1880 : memref<16xi32, #tpu.memory_space<vmem>>) semaphore(%dma_start3A_1885 : memref<!tpu.dma_semaphore, #tpu.memory_space<semaphore_mem>>)
    %dma_start3A_1886 = arith.constant 12 : i32
    %dma_start3A_1887 = arith.constant 1 : i32
    %dma_start3A_1888 = arith.constant 0 : i32
    %dma_start3A_1889 = arith.constant 0 : i32
    %dma_start3A_1890 = arith.constant 0 : i32
    %dma_start3A_1891 = arith.constant 0 : i32
    %dma_start3A_1892 = tpu.memref_slice %arg6[%dma_start3A_1888, %dma_start3A_1890, %dma_start3A_1891] : memref<2x16x2048xf32, #tpu.memory_space<vmem>> -> memref<1x16x2048xf32, #tpu.memory_space<vmem>>
    %dma_start3A_1893 = tpu.memref_squeeze %dma_start3A_1892 : memref<1x16x2048xf32, #tpu.memory_space<vmem>> -> memref<16x2048xf32, #tpu.memory_space<vmem>>
    %dma_start3A_1894 = arith.constant 0 : i32
    %dma_start3A_1895 = arith.constant 1024 : i32
    %dma_start3A_1896 = tpu.memref_slice %dma_start3A_1893[%dma_start3A_1894, %dma_start3A_1895] : memref<16x2048xf32, #tpu.memory_space<vmem>> -> memref<16x1024xf32, #tpu.memory_space<vmem>>
    %dma_start3A_1897 = arith.constant 0 : i32
    %dma_start3A_1898 = tpu.memref_slice %arg5[%dma_start3A_1886, %dma_start3A_1887, %dma_start3A_1897] : memref<16x2x16xi32, #tpu.memory_space<vmem>> -> memref<1x1x16xi32, #tpu.memory_space<vmem>>
    %dma_start3A_1899 = tpu.memref_squeeze %dma_start3A_1898 : memref<1x1x16xi32, #tpu.memory_space<vmem>> -> memref<16xi32, #tpu.memory_space<vmem>>
    %dma_start3A_1900 = arith.constant 0 : i32
    %dma_start3A_1901 = arith.constant 0 : i32
    %dma_start3A_1902 = tpu.memref_slice %arg2[%dma_start3A_1900, %dma_start3A_1901] : memref<8192x1024xf32, #tpu.memory_space<hbm>> -> memref<8192x1024xf32, #tpu.memory_space<hbm>>
    %dma_start3A_1903 = tpu.memref_slice %arg7[%dma_start3A_1889] : memref<2x!tpu.dma_semaphore, #tpu.memory_space<semaphore_mem>> -> memref<1x!tpu.dma_semaphore, #tpu.memory_space<semaphore_mem>>
    %dma_start3A_1904 = tpu.memref_squeeze %dma_start3A_1903 : memref<1x!tpu.dma_semaphore, #tpu.memory_space<semaphore_mem>> -> memref<!tpu.dma_semaphore, #tpu.memory_space<semaphore_mem>>
    tpu.enqueue_indirect_dma source(%dma_start3A_1902 : memref<8192x1024xf32, #tpu.memory_space<hbm>>) target(%dma_start3A_1896 : memref<16x1024xf32, #tpu.memory_space<vmem>>) offsets(%dma_start3A_1899 : memref<16xi32, #tpu.memory_space<vmem>>) semaphore(%dma_start3A_1904 : memref<!tpu.dma_semaphore, #tpu.memory_space<semaphore_mem>>)
    %dma_wait3A_1905 = arith.constant 11 : i32
    %dma_wait3A_1906 = arith.constant 0 : i32
    %dma_wait3A_1907 = arith.constant 1 : i32
    %dma_wait3A_1908 = arith.constant 1 : i32
    %dma_wait3A_1909 = arith.constant 0 : i32
    %dma_wait3A_1910 = arith.constant 0 : i32
    %dma_wait3A_1911 = tpu.memref_slice %arg6[%dma_wait3A_1907, %dma_wait3A_1909, %dma_wait3A_1910] : memref<2x16x2048xf32, #tpu.memory_space<vmem>> -> memref<1x16x2048xf32, #tpu.memory_space<vmem>>
    %dma_wait3A_1912 = tpu.memref_squeeze %dma_wait3A_1911 : memref<1x16x2048xf32, #tpu.memory_space<vmem>> -> memref<16x2048xf32, #tpu.memory_space<vmem>>
    %dma_wait3A_1913 = arith.constant 0 : i32
    %dma_wait3A_1914 = arith.constant 0 : i32
    %dma_wait3A_1915 = tpu.memref_slice %dma_wait3A_1912[%dma_wait3A_1913, %dma_wait3A_1914] : memref<16x2048xf32, #tpu.memory_space<vmem>> -> memref<16x1024xf32, #tpu.memory_space<vmem>>
    %dma_wait3A_1916 = arith.constant 0 : i32
    %dma_wait3A_1917 = tpu.memref_slice %arg5[%dma_wait3A_1905, %dma_wait3A_1906, %dma_wait3A_1916] : memref<16x2x16xi32, #tpu.memory_space<vmem>> -> memref<1x1x16xi32, #tpu.memory_space<vmem>>
    %dma_wait3A_1918 = tpu.memref_squeeze %dma_wait3A_1917 : memref<1x1x16xi32, #tpu.memory_space<vmem>> -> memref<16xi32, #tpu.memory_space<vmem>>
    %dma_wait3A_1919 = arith.constant 0 : i32
    %dma_wait3A_1920 = arith.constant 0 : i32
    %dma_wait3A_1921 = tpu.memref_slice %arg2[%dma_wait3A_1919, %dma_wait3A_1920] : memref<8192x1024xf32, #tpu.memory_space<hbm>> -> memref<8192x1024xf32, #tpu.memory_space<hbm>>
    %dma_wait3A_1922 = tpu.memref_slice %arg7[%dma_wait3A_1908] : memref<2x!tpu.dma_semaphore, #tpu.memory_space<semaphore_mem>> -> memref<1x!tpu.dma_semaphore, #tpu.memory_space<semaphore_mem>>
    %dma_wait3A_1923 = tpu.memref_squeeze %dma_wait3A_1922 : memref<1x!tpu.dma_semaphore, #tpu.memory_space<semaphore_mem>> -> memref<!tpu.dma_semaphore, #tpu.memory_space<semaphore_mem>>
    tpu.wait_indirect_dma semaphore(%dma_wait3A_1923 : memref<!tpu.dma_semaphore, #tpu.memory_space<semaphore_mem>>) src(%dma_wait3A_1921 : memref<8192x1024xf32, #tpu.memory_space<hbm>>) dst(%dma_wait3A_1915 : memref<16x1024xf32, #tpu.memory_space<vmem>>)
    %dma_wait3A_1924 = arith.constant 11 : i32
    %dma_wait3A_1925 = arith.constant 1 : i32
    %dma_wait3A_1926 = arith.constant 1 : i32
    %dma_wait3A_1927 = arith.constant 1 : i32
    %dma_wait3A_1928 = arith.constant 0 : i32
    %dma_wait3A_1929 = arith.constant 0 : i32
    %dma_wait3A_1930 = tpu.memref_slice %arg6[%dma_wait3A_1926, %dma_wait3A_1928, %dma_wait3A_1929] : memref<2x16x2048xf32, #tpu.memory_space<vmem>> -> memref<1x16x2048xf32, #tpu.memory_space<vmem>>
    %dma_wait3A_1931 = tpu.memref_squeeze %dma_wait3A_1930 : memref<1x16x2048xf32, #tpu.memory_space<vmem>> -> memref<16x2048xf32, #tpu.memory_space<vmem>>
    %dma_wait3A_1932 = arith.constant 0 : i32
    %dma_wait3A_1933 = arith.constant 1024 : i32
    %dma_wait3A_1934 = tpu.memref_slice %dma_wait3A_1931[%dma_wait3A_1932, %dma_wait3A_1933] : memref<16x2048xf32, #tpu.memory_space<vmem>> -> memref<16x1024xf32, #tpu.memory_space<vmem>>
    %dma_wait3A_1935 = arith.constant 0 : i32
    %dma_wait3A_1936 = tpu.memref_slice %arg5[%dma_wait3A_1924, %dma_wait3A_1925, %dma_wait3A_1935] : memref<16x2x16xi32, #tpu.memory_space<vmem>> -> memref<1x1x16xi32, #tpu.memory_space<vmem>>
    %dma_wait3A_1937 = tpu.memref_squeeze %dma_wait3A_1936 : memref<1x1x16xi32, #tpu.memory_space<vmem>> -> memref<16xi32, #tpu.memory_space<vmem>>
    %dma_wait3A_1938 = arith.constant 0 : i32
    %dma_wait3A_1939 = arith.constant 0 : i32
    %dma_wait3A_1940 = tpu.memref_slice %arg2[%dma_wait3A_1938, %dma_wait3A_1939] : memref<8192x1024xf32, #tpu.memory_space<hbm>> -> memref<8192x1024xf32, #tpu.memory_space<hbm>>
    %dma_wait3A_1941 = tpu.memref_slice %arg7[%dma_wait3A_1927] : memref<2x!tpu.dma_semaphore, #tpu.memory_space<semaphore_mem>> -> memref<1x!tpu.dma_semaphore, #tpu.memory_space<semaphore_mem>>
    %dma_wait3A_1942 = tpu.memref_squeeze %dma_wait3A_1941 : memref<1x!tpu.dma_semaphore, #tpu.memory_space<semaphore_mem>> -> memref<!tpu.dma_semaphore, #tpu.memory_space<semaphore_mem>>
    tpu.wait_indirect_dma semaphore(%dma_wait3A_1942 : memref<!tpu.dma_semaphore, #tpu.memory_space<semaphore_mem>>) src(%dma_wait3A_1940 : memref<8192x1024xf32, #tpu.memory_space<hbm>>) dst(%dma_wait3A_1934 : memref<16x1024xf32, #tpu.memory_space<vmem>>)
    %add3A_1943 = arith.constant 176 : i32
    %add3A_1944 = arith.addi %mul3A_32, %add3A_1943 : i32
    %dma_start3A_1945 = arith.constant 1 : i32
    %dma_start3A_1946 = arith.constant 1 : i32
    %dma_start3A_1947 = arith.constant 0 : i32
    %dma_start3A_1948 = arith.constant 0 : i32
    %dma_start3A_1949 = tpu.memref_slice %arg6[%dma_start3A_1945, %dma_start3A_1947, %dma_start3A_1948] : memref<2x16x2048xf32, #tpu.memory_space<vmem>> -> memref<1x16x2048xf32, #tpu.memory_space<vmem>>
    %dma_start3A_1950 = tpu.memref_squeeze %dma_start3A_1949 : memref<1x16x2048xf32, #tpu.memory_space<vmem>> -> memref<16x2048xf32, #tpu.memory_space<vmem>>
    %dma_start3A_1951 = arith.constant 0 : i32
    %dma_start3A_1952 = tpu.memref_slice %arg4[%select_n3A, %add3A_1944, %dma_start3A_1951] : memref<4x2048x2048xf32, #tpu.memory_space<hbm>> -> memref<1x16x2048xf32, #tpu.memory_space<hbm>>
    %dma_start3A_1953 = tpu.memref_squeeze %dma_start3A_1952 : memref<1x16x2048xf32, #tpu.memory_space<hbm>> -> memref<16x2048xf32, #tpu.memory_space<hbm>>
    %dma_start3A_1954 = tpu.memref_slice %arg8[%dma_start3A_1946] : memref<2x!tpu.dma_semaphore, #tpu.memory_space<semaphore_mem>> -> memref<1x!tpu.dma_semaphore, #tpu.memory_space<semaphore_mem>>
    %dma_start3A_1955 = tpu.memref_squeeze %dma_start3A_1954 : memref<1x!tpu.dma_semaphore, #tpu.memory_space<semaphore_mem>> -> memref<!tpu.dma_semaphore, #tpu.memory_space<semaphore_mem>>
    %dma_start3A_1956 = arith.constant 0 : i32
    %dma_start3A_1957 = tpu.memref_slice %arg4[%select_n3A, %add3A_1944, %dma_start3A_1956] : memref<4x2048x2048xf32, #tpu.memory_space<hbm>> -> memref<1x16x2048xf32, #tpu.memory_space<hbm>>
    %dma_start3A_1958 = tpu.memref_squeeze %dma_start3A_1957 : memref<1x16x2048xf32, #tpu.memory_space<hbm>> -> memref<16x2048xf32, #tpu.memory_space<hbm>>
    %dma_start3A_1959 = arith.constant 0 : i32
    %dma_start3A_1960 = arith.constant 0 : i32
    %dma_start3A_1961 = tpu.memref_slice %arg6[%dma_start3A_1945, %dma_start3A_1959, %dma_start3A_1960] : memref<2x16x2048xf32, #tpu.memory_space<vmem>> -> memref<1x16x2048xf32, #tpu.memory_space<vmem>>
    %dma_start3A_1962 = tpu.memref_squeeze %dma_start3A_1961 : memref<1x16x2048xf32, #tpu.memory_space<vmem>> -> memref<16x2048xf32, #tpu.memory_space<vmem>>
    tpu.enqueue_dma source(%dma_start3A_1962 : memref<16x2048xf32, #tpu.memory_space<vmem>>) target(%dma_start3A_1958 : memref<16x2048xf32, #tpu.memory_space<hbm>>) target_semaphore(%dma_start3A_1955 : memref<!tpu.dma_semaphore, #tpu.memory_space<semaphore_mem>>)
    %dma_wait3A_1963 = arith.constant 1 : i32
    %dma_wait3A_1964 = arith.constant 1 : i32
    %dma_wait3A_1965 = arith.constant 0 : i32
    %dma_wait3A_1966 = arith.constant 0 : i32
    %dma_wait3A_1967 = tpu.memref_slice %arg6[%dma_wait3A_1963, %dma_wait3A_1965, %dma_wait3A_1966] : memref<2x16x2048xf32, #tpu.memory_space<vmem>> -> memref<1x16x2048xf32, #tpu.memory_space<vmem>>
    %dma_wait3A_1968 = tpu.memref_squeeze %dma_wait3A_1967 : memref<1x16x2048xf32, #tpu.memory_space<vmem>> -> memref<16x2048xf32, #tpu.memory_space<vmem>>
    %dma_wait3A_1969 = arith.constant 0 : i32
    %dma_wait3A_1970 = tpu.memref_slice %arg4[%select_n3A, %add3A_1944, %dma_wait3A_1969] : memref<4x2048x2048xf32, #tpu.memory_space<hbm>> -> memref<1x16x2048xf32, #tpu.memory_space<hbm>>
    %dma_wait3A_1971 = tpu.memref_squeeze %dma_wait3A_1970 : memref<1x16x2048xf32, #tpu.memory_space<hbm>> -> memref<16x2048xf32, #tpu.memory_space<hbm>>
    %dma_wait3A_1972 = tpu.memref_slice %arg8[%dma_wait3A_1964] : memref<2x!tpu.dma_semaphore, #tpu.memory_space<semaphore_mem>> -> memref<1x!tpu.dma_semaphore, #tpu.memory_space<semaphore_mem>>
    %dma_wait3A_1973 = tpu.memref_squeeze %dma_wait3A_1972 : memref<1x!tpu.dma_semaphore, #tpu.memory_space<semaphore_mem>> -> memref<!tpu.dma_semaphore, #tpu.memory_space<semaphore_mem>>
    %dma_wait3A_1974 = arith.constant 0 : i32
    %dma_wait3A_1975 = tpu.memref_slice %arg4[%select_n3A, %add3A_1944, %dma_wait3A_1974] : memref<4x2048x2048xf32, #tpu.memory_space<hbm>> -> memref<1x16x2048xf32, #tpu.memory_space<hbm>>
    %dma_wait3A_1976 = tpu.memref_squeeze %dma_wait3A_1975 : memref<1x16x2048xf32, #tpu.memory_space<hbm>> -> memref<16x2048xf32, #tpu.memory_space<hbm>>
    %dma_wait3A_1977 = arith.constant 0 : i32
    %dma_wait3A_1978 = arith.constant 0 : i32
    %dma_wait3A_1979 = tpu.memref_slice %arg6[%dma_wait3A_1963, %dma_wait3A_1977, %dma_wait3A_1978] : memref<2x16x2048xf32, #tpu.memory_space<vmem>> -> memref<1x16x2048xf32, #tpu.memory_space<vmem>>
    %dma_wait3A_1980 = tpu.memref_squeeze %dma_wait3A_1979 : memref<1x16x2048xf32, #tpu.memory_space<vmem>> -> memref<16x2048xf32, #tpu.memory_space<vmem>>
    tpu.wait_dma2 semaphore(%dma_wait3A_1973 : memref<!tpu.dma_semaphore, #tpu.memory_space<semaphore_mem>>) src(%dma_wait3A_1980 : memref<16x2048xf32, #tpu.memory_space<vmem>>) dst(%dma_wait3A_1976 : memref<16x2048xf32, #tpu.memory_space<hbm>>)
    %dma_start3A_1981 = arith.constant 13 : i32
    %dma_start3A_1982 = arith.constant 0 : i32
    %dma_start3A_1983 = arith.constant 1 : i32
    %dma_start3A_1984 = arith.constant 1 : i32
    %dma_start3A_1985 = arith.constant 0 : i32
    %dma_start3A_1986 = arith.constant 0 : i32
    %dma_start3A_1987 = tpu.memref_slice %arg6[%dma_start3A_1983, %dma_start3A_1985, %dma_start3A_1986] : memref<2x16x2048xf32, #tpu.memory_space<vmem>> -> memref<1x16x2048xf32, #tpu.memory_space<vmem>>
    %dma_start3A_1988 = tpu.memref_squeeze %dma_start3A_1987 : memref<1x16x2048xf32, #tpu.memory_space<vmem>> -> memref<16x2048xf32, #tpu.memory_space<vmem>>
    %dma_start3A_1989 = arith.constant 0 : i32
    %dma_start3A_1990 = arith.constant 0 : i32
    %dma_start3A_1991 = tpu.memref_slice %dma_start3A_1988[%dma_start3A_1989, %dma_start3A_1990] : memref<16x2048xf32, #tpu.memory_space<vmem>> -> memref<16x1024xf32, #tpu.memory_space<vmem>>
    %dma_start3A_1992 = arith.constant 0 : i32
    %dma_start3A_1993 = tpu.memref_slice %arg5[%dma_start3A_1981, %dma_start3A_1982, %dma_start3A_1992] : memref<16x2x16xi32, #tpu.memory_space<vmem>> -> memref<1x1x16xi32, #tpu.memory_space<vmem>>
    %dma_start3A_1994 = tpu.memref_squeeze %dma_start3A_1993 : memref<1x1x16xi32, #tpu.memory_space<vmem>> -> memref<16xi32, #tpu.memory_space<vmem>>
    %dma_start3A_1995 = arith.constant 0 : i32
    %dma_start3A_1996 = arith.constant 0 : i32
    %dma_start3A_1997 = tpu.memref_slice %arg2[%dma_start3A_1995, %dma_start3A_1996] : memref<8192x1024xf32, #tpu.memory_space<hbm>> -> memref<8192x1024xf32, #tpu.memory_space<hbm>>
    %dma_start3A_1998 = tpu.memref_slice %arg7[%dma_start3A_1984] : memref<2x!tpu.dma_semaphore, #tpu.memory_space<semaphore_mem>> -> memref<1x!tpu.dma_semaphore, #tpu.memory_space<semaphore_mem>>
    %dma_start3A_1999 = tpu.memref_squeeze %dma_start3A_1998 : memref<1x!tpu.dma_semaphore, #tpu.memory_space<semaphore_mem>> -> memref<!tpu.dma_semaphore, #tpu.memory_space<semaphore_mem>>
    tpu.enqueue_indirect_dma source(%dma_start3A_1997 : memref<8192x1024xf32, #tpu.memory_space<hbm>>) target(%dma_start3A_1991 : memref<16x1024xf32, #tpu.memory_space<vmem>>) offsets(%dma_start3A_1994 : memref<16xi32, #tpu.memory_space<vmem>>) semaphore(%dma_start3A_1999 : memref<!tpu.dma_semaphore, #tpu.memory_space<semaphore_mem>>)
    %dma_start3A_2000 = arith.constant 13 : i32
    %dma_start3A_2001 = arith.constant 1 : i32
    %dma_start3A_2002 = arith.constant 1 : i32
    %dma_start3A_2003 = arith.constant 1 : i32
    %dma_start3A_2004 = arith.constant 0 : i32
    %dma_start3A_2005 = arith.constant 0 : i32
    %dma_start3A_2006 = tpu.memref_slice %arg6[%dma_start3A_2002, %dma_start3A_2004, %dma_start3A_2005] : memref<2x16x2048xf32, #tpu.memory_space<vmem>> -> memref<1x16x2048xf32, #tpu.memory_space<vmem>>
    %dma_start3A_2007 = tpu.memref_squeeze %dma_start3A_2006 : memref<1x16x2048xf32, #tpu.memory_space<vmem>> -> memref<16x2048xf32, #tpu.memory_space<vmem>>
    %dma_start3A_2008 = arith.constant 0 : i32
    %dma_start3A_2009 = arith.constant 1024 : i32
    %dma_start3A_2010 = tpu.memref_slice %dma_start3A_2007[%dma_start3A_2008, %dma_start3A_2009] : memref<16x2048xf32, #tpu.memory_space<vmem>> -> memref<16x1024xf32, #tpu.memory_space<vmem>>
    %dma_start3A_2011 = arith.constant 0 : i32
    %dma_start3A_2012 = tpu.memref_slice %arg5[%dma_start3A_2000, %dma_start3A_2001, %dma_start3A_2011] : memref<16x2x16xi32, #tpu.memory_space<vmem>> -> memref<1x1x16xi32, #tpu.memory_space<vmem>>
    %dma_start3A_2013 = tpu.memref_squeeze %dma_start3A_2012 : memref<1x1x16xi32, #tpu.memory_space<vmem>> -> memref<16xi32, #tpu.memory_space<vmem>>
    %dma_start3A_2014 = arith.constant 0 : i32
    %dma_start3A_2015 = arith.constant 0 : i32
    %dma_start3A_2016 = tpu.memref_slice %arg2[%dma_start3A_2014, %dma_start3A_2015] : memref<8192x1024xf32, #tpu.memory_space<hbm>> -> memref<8192x1024xf32, #tpu.memory_space<hbm>>
    %dma_start3A_2017 = tpu.memref_slice %arg7[%dma_start3A_2003] : memref<2x!tpu.dma_semaphore, #tpu.memory_space<semaphore_mem>> -> memref<1x!tpu.dma_semaphore, #tpu.memory_space<semaphore_mem>>
    %dma_start3A_2018 = tpu.memref_squeeze %dma_start3A_2017 : memref<1x!tpu.dma_semaphore, #tpu.memory_space<semaphore_mem>> -> memref<!tpu.dma_semaphore, #tpu.memory_space<semaphore_mem>>
    tpu.enqueue_indirect_dma source(%dma_start3A_2016 : memref<8192x1024xf32, #tpu.memory_space<hbm>>) target(%dma_start3A_2010 : memref<16x1024xf32, #tpu.memory_space<vmem>>) offsets(%dma_start3A_2013 : memref<16xi32, #tpu.memory_space<vmem>>) semaphore(%dma_start3A_2018 : memref<!tpu.dma_semaphore, #tpu.memory_space<semaphore_mem>>)
    %dma_wait3A_2019 = arith.constant 12 : i32
    %dma_wait3A_2020 = arith.constant 0 : i32
    %dma_wait3A_2021 = arith.constant 0 : i32
    %dma_wait3A_2022 = arith.constant 0 : i32
    %dma_wait3A_2023 = arith.constant 0 : i32
    %dma_wait3A_2024 = arith.constant 0 : i32
    %dma_wait3A_2025 = tpu.memref_slice %arg6[%dma_wait3A_2021, %dma_wait3A_2023, %dma_wait3A_2024] : memref<2x16x2048xf32, #tpu.memory_space<vmem>> -> memref<1x16x2048xf32, #tpu.memory_space<vmem>>
    %dma_wait3A_2026 = tpu.memref_squeeze %dma_wait3A_2025 : memref<1x16x2048xf32, #tpu.memory_space<vmem>> -> memref<16x2048xf32, #tpu.memory_space<vmem>>
    %dma_wait3A_2027 = arith.constant 0 : i32
    %dma_wait3A_2028 = arith.constant 0 : i32
    %dma_wait3A_2029 = tpu.memref_slice %dma_wait3A_2026[%dma_wait3A_2027, %dma_wait3A_2028] : memref<16x2048xf32, #tpu.memory_space<vmem>> -> memref<16x1024xf32, #tpu.memory_space<vmem>>
    %dma_wait3A_2030 = arith.constant 0 : i32
    %dma_wait3A_2031 = tpu.memref_slice %arg5[%dma_wait3A_2019, %dma_wait3A_2020, %dma_wait3A_2030] : memref<16x2x16xi32, #tpu.memory_space<vmem>> -> memref<1x1x16xi32, #tpu.memory_space<vmem>>
    %dma_wait3A_2032 = tpu.memref_squeeze %dma_wait3A_2031 : memref<1x1x16xi32, #tpu.memory_space<vmem>> -> memref<16xi32, #tpu.memory_space<vmem>>
    %dma_wait3A_2033 = arith.constant 0 : i32
    %dma_wait3A_2034 = arith.constant 0 : i32
    %dma_wait3A_2035 = tpu.memref_slice %arg2[%dma_wait3A_2033, %dma_wait3A_2034] : memref<8192x1024xf32, #tpu.memory_space<hbm>> -> memref<8192x1024xf32, #tpu.memory_space<hbm>>
    %dma_wait3A_2036 = tpu.memref_slice %arg7[%dma_wait3A_2022] : memref<2x!tpu.dma_semaphore, #tpu.memory_space<semaphore_mem>> -> memref<1x!tpu.dma_semaphore, #tpu.memory_space<semaphore_mem>>
    %dma_wait3A_2037 = tpu.memref_squeeze %dma_wait3A_2036 : memref<1x!tpu.dma_semaphore, #tpu.memory_space<semaphore_mem>> -> memref<!tpu.dma_semaphore, #tpu.memory_space<semaphore_mem>>
    tpu.wait_indirect_dma semaphore(%dma_wait3A_2037 : memref<!tpu.dma_semaphore, #tpu.memory_space<semaphore_mem>>) src(%dma_wait3A_2035 : memref<8192x1024xf32, #tpu.memory_space<hbm>>) dst(%dma_wait3A_2029 : memref<16x1024xf32, #tpu.memory_space<vmem>>)
    %dma_wait3A_2038 = arith.constant 12 : i32
    %dma_wait3A_2039 = arith.constant 1 : i32
    %dma_wait3A_2040 = arith.constant 0 : i32
    %dma_wait3A_2041 = arith.constant 0 : i32
    %dma_wait3A_2042 = arith.constant 0 : i32
    %dma_wait3A_2043 = arith.constant 0 : i32
    %dma_wait3A_2044 = tpu.memref_slice %arg6[%dma_wait3A_2040, %dma_wait3A_2042, %dma_wait3A_2043] : memref<2x16x2048xf32, #tpu.memory_space<vmem>> -> memref<1x16x2048xf32, #tpu.memory_space<vmem>>
    %dma_wait3A_2045 = tpu.memref_squeeze %dma_wait3A_2044 : memref<1x16x2048xf32, #tpu.memory_space<vmem>> -> memref<16x2048xf32, #tpu.memory_space<vmem>>
    %dma_wait3A_2046 = arith.constant 0 : i32
    %dma_wait3A_2047 = arith.constant 1024 : i32
    %dma_wait3A_2048 = tpu.memref_slice %dma_wait3A_2045[%dma_wait3A_2046, %dma_wait3A_2047] : memref<16x2048xf32, #tpu.memory_space<vmem>> -> memref<16x1024xf32, #tpu.memory_space<vmem>>
    %dma_wait3A_2049 = arith.constant 0 : i32
    %dma_wait3A_2050 = tpu.memref_slice %arg5[%dma_wait3A_2038, %dma_wait3A_2039, %dma_wait3A_2049] : memref<16x2x16xi32, #tpu.memory_space<vmem>> -> memref<1x1x16xi32, #tpu.memory_space<vmem>>
    %dma_wait3A_2051 = tpu.memref_squeeze %dma_wait3A_2050 : memref<1x1x16xi32, #tpu.memory_space<vmem>> -> memref<16xi32, #tpu.memory_space<vmem>>
    %dma_wait3A_2052 = arith.constant 0 : i32
    %dma_wait3A_2053 = arith.constant 0 : i32
    %dma_wait3A_2054 = tpu.memref_slice %arg2[%dma_wait3A_2052, %dma_wait3A_2053] : memref<8192x1024xf32, #tpu.memory_space<hbm>> -> memref<8192x1024xf32, #tpu.memory_space<hbm>>
    %dma_wait3A_2055 = tpu.memref_slice %arg7[%dma_wait3A_2041] : memref<2x!tpu.dma_semaphore, #tpu.memory_space<semaphore_mem>> -> memref<1x!tpu.dma_semaphore, #tpu.memory_space<semaphore_mem>>
    %dma_wait3A_2056 = tpu.memref_squeeze %dma_wait3A_2055 : memref<1x!tpu.dma_semaphore, #tpu.memory_space<semaphore_mem>> -> memref<!tpu.dma_semaphore, #tpu.memory_space<semaphore_mem>>
    tpu.wait_indirect_dma semaphore(%dma_wait3A_2056 : memref<!tpu.dma_semaphore, #tpu.memory_space<semaphore_mem>>) src(%dma_wait3A_2054 : memref<8192x1024xf32, #tpu.memory_space<hbm>>) dst(%dma_wait3A_2048 : memref<16x1024xf32, #tpu.memory_space<vmem>>)
    %add3A_2057 = arith.constant 192 : i32
    %add3A_2058 = arith.addi %mul3A_32, %add3A_2057 : i32
    %dma_start3A_2059 = arith.constant 0 : i32
    %dma_start3A_2060 = arith.constant 0 : i32
    %dma_start3A_2061 = arith.constant 0 : i32
    %dma_start3A_2062 = arith.constant 0 : i32
    %dma_start3A_2063 = tpu.memref_slice %arg6[%dma_start3A_2059, %dma_start3A_2061, %dma_start3A_2062] : memref<2x16x2048xf32, #tpu.memory_space<vmem>> -> memref<1x16x2048xf32, #tpu.memory_space<vmem>>
    %dma_start3A_2064 = tpu.memref_squeeze %dma_start3A_2063 : memref<1x16x2048xf32, #tpu.memory_space<vmem>> -> memref<16x2048xf32, #tpu.memory_space<vmem>>
    %dma_start3A_2065 = arith.constant 0 : i32
    %dma_start3A_2066 = tpu.memref_slice %arg4[%select_n3A, %add3A_2058, %dma_start3A_2065] : memref<4x2048x2048xf32, #tpu.memory_space<hbm>> -> memref<1x16x2048xf32, #tpu.memory_space<hbm>>
    %dma_start3A_2067 = tpu.memref_squeeze %dma_start3A_2066 : memref<1x16x2048xf32, #tpu.memory_space<hbm>> -> memref<16x2048xf32, #tpu.memory_space<hbm>>
    %dma_start3A_2068 = tpu.memref_slice %arg8[%dma_start3A_2060] : memref<2x!tpu.dma_semaphore, #tpu.memory_space<semaphore_mem>> -> memref<1x!tpu.dma_semaphore, #tpu.memory_space<semaphore_mem>>
    %dma_start3A_2069 = tpu.memref_squeeze %dma_start3A_2068 : memref<1x!tpu.dma_semaphore, #tpu.memory_space<semaphore_mem>> -> memref<!tpu.dma_semaphore, #tpu.memory_space<semaphore_mem>>
    %dma_start3A_2070 = arith.constant 0 : i32
    %dma_start3A_2071 = tpu.memref_slice %arg4[%select_n3A, %add3A_2058, %dma_start3A_2070] : memref<4x2048x2048xf32, #tpu.memory_space<hbm>> -> memref<1x16x2048xf32, #tpu.memory_space<hbm>>
    %dma_start3A_2072 = tpu.memref_squeeze %dma_start3A_2071 : memref<1x16x2048xf32, #tpu.memory_space<hbm>> -> memref<16x2048xf32, #tpu.memory_space<hbm>>
    %dma_start3A_2073 = arith.constant 0 : i32
    %dma_start3A_2074 = arith.constant 0 : i32
    %dma_start3A_2075 = tpu.memref_slice %arg6[%dma_start3A_2059, %dma_start3A_2073, %dma_start3A_2074] : memref<2x16x2048xf32, #tpu.memory_space<vmem>> -> memref<1x16x2048xf32, #tpu.memory_space<vmem>>
    %dma_start3A_2076 = tpu.memref_squeeze %dma_start3A_2075 : memref<1x16x2048xf32, #tpu.memory_space<vmem>> -> memref<16x2048xf32, #tpu.memory_space<vmem>>
    tpu.enqueue_dma source(%dma_start3A_2076 : memref<16x2048xf32, #tpu.memory_space<vmem>>) target(%dma_start3A_2072 : memref<16x2048xf32, #tpu.memory_space<hbm>>) target_semaphore(%dma_start3A_2069 : memref<!tpu.dma_semaphore, #tpu.memory_space<semaphore_mem>>)
    %dma_wait3A_2077 = arith.constant 0 : i32
    %dma_wait3A_2078 = arith.constant 0 : i32
    %dma_wait3A_2079 = arith.constant 0 : i32
    %dma_wait3A_2080 = arith.constant 0 : i32
    %dma_wait3A_2081 = tpu.memref_slice %arg6[%dma_wait3A_2077, %dma_wait3A_2079, %dma_wait3A_2080] : memref<2x16x2048xf32, #tpu.memory_space<vmem>> -> memref<1x16x2048xf32, #tpu.memory_space<vmem>>
    %dma_wait3A_2082 = tpu.memref_squeeze %dma_wait3A_2081 : memref<1x16x2048xf32, #tpu.memory_space<vmem>> -> memref<16x2048xf32, #tpu.memory_space<vmem>>
    %dma_wait3A_2083 = arith.constant 0 : i32
    %dma_wait3A_2084 = tpu.memref_slice %arg4[%select_n3A, %add3A_2058, %dma_wait3A_2083] : memref<4x2048x2048xf32, #tpu.memory_space<hbm>> -> memref<1x16x2048xf32, #tpu.memory_space<hbm>>
    %dma_wait3A_2085 = tpu.memref_squeeze %dma_wait3A_2084 : memref<1x16x2048xf32, #tpu.memory_space<hbm>> -> memref<16x2048xf32, #tpu.memory_space<hbm>>
    %dma_wait3A_2086 = tpu.memref_slice %arg8[%dma_wait3A_2078] : memref<2x!tpu.dma_semaphore, #tpu.memory_space<semaphore_mem>> -> memref<1x!tpu.dma_semaphore, #tpu.memory_space<semaphore_mem>>
    %dma_wait3A_2087 = tpu.memref_squeeze %dma_wait3A_2086 : memref<1x!tpu.dma_semaphore, #tpu.memory_space<semaphore_mem>> -> memref<!tpu.dma_semaphore, #tpu.memory_space<semaphore_mem>>
    %dma_wait3A_2088 = arith.constant 0 : i32
    %dma_wait3A_2089 = tpu.memref_slice %arg4[%select_n3A, %add3A_2058, %dma_wait3A_2088] : memref<4x2048x2048xf32, #tpu.memory_space<hbm>> -> memref<1x16x2048xf32, #tpu.memory_space<hbm>>
    %dma_wait3A_2090 = tpu.memref_squeeze %dma_wait3A_2089 : memref<1x16x2048xf32, #tpu.memory_space<hbm>> -> memref<16x2048xf32, #tpu.memory_space<hbm>>
    %dma_wait3A_2091 = arith.constant 0 : i32
    %dma_wait3A_2092 = arith.constant 0 : i32
    %dma_wait3A_2093 = tpu.memref_slice %arg6[%dma_wait3A_2077, %dma_wait3A_2091, %dma_wait3A_2092] : memref<2x16x2048xf32, #tpu.memory_space<vmem>> -> memref<1x16x2048xf32, #tpu.memory_space<vmem>>
    %dma_wait3A_2094 = tpu.memref_squeeze %dma_wait3A_2093 : memref<1x16x2048xf32, #tpu.memory_space<vmem>> -> memref<16x2048xf32, #tpu.memory_space<vmem>>
    tpu.wait_dma2 semaphore(%dma_wait3A_2087 : memref<!tpu.dma_semaphore, #tpu.memory_space<semaphore_mem>>) src(%dma_wait3A_2094 : memref<16x2048xf32, #tpu.memory_space<vmem>>) dst(%dma_wait3A_2090 : memref<16x2048xf32, #tpu.memory_space<hbm>>)
    %dma_start3A_2095 = arith.constant 14 : i32
    %dma_start3A_2096 = arith.constant 0 : i32
    %dma_start3A_2097 = arith.constant 0 : i32
    %dma_start3A_2098 = arith.constant 0 : i32
    %dma_start3A_2099 = arith.constant 0 : i32
    %dma_start3A_2100 = arith.constant 0 : i32
    %dma_start3A_2101 = tpu.memref_slice %arg6[%dma_start3A_2097, %dma_start3A_2099, %dma_start3A_2100] : memref<2x16x2048xf32, #tpu.memory_space<vmem>> -> memref<1x16x2048xf32, #tpu.memory_space<vmem>>
    %dma_start3A_2102 = tpu.memref_squeeze %dma_start3A_2101 : memref<1x16x2048xf32, #tpu.memory_space<vmem>> -> memref<16x2048xf32, #tpu.memory_space<vmem>>
    %dma_start3A_2103 = arith.constant 0 : i32
    %dma_start3A_2104 = arith.constant 0 : i32
    %dma_start3A_2105 = tpu.memref_slice %dma_start3A_2102[%dma_start3A_2103, %dma_start3A_2104] : memref<16x2048xf32, #tpu.memory_space<vmem>> -> memref<16x1024xf32, #tpu.memory_space<vmem>>
    %dma_start3A_2106 = arith.constant 0 : i32
    %dma_start3A_2107 = tpu.memref_slice %arg5[%dma_start3A_2095, %dma_start3A_2096, %dma_start3A_2106] : memref<16x2x16xi32, #tpu.memory_space<vmem>> -> memref<1x1x16xi32, #tpu.memory_space<vmem>>
    %dma_start3A_2108 = tpu.memref_squeeze %dma_start3A_2107 : memref<1x1x16xi32, #tpu.memory_space<vmem>> -> memref<16xi32, #tpu.memory_space<vmem>>
    %dma_start3A_2109 = arith.constant 0 : i32
    %dma_start3A_2110 = arith.constant 0 : i32
    %dma_start3A_2111 = tpu.memref_slice %arg2[%dma_start3A_2109, %dma_start3A_2110] : memref<8192x1024xf32, #tpu.memory_space<hbm>> -> memref<8192x1024xf32, #tpu.memory_space<hbm>>
    %dma_start3A_2112 = tpu.memref_slice %arg7[%dma_start3A_2098] : memref<2x!tpu.dma_semaphore, #tpu.memory_space<semaphore_mem>> -> memref<1x!tpu.dma_semaphore, #tpu.memory_space<semaphore_mem>>
    %dma_start3A_2113 = tpu.memref_squeeze %dma_start3A_2112 : memref<1x!tpu.dma_semaphore, #tpu.memory_space<semaphore_mem>> -> memref<!tpu.dma_semaphore, #tpu.memory_space<semaphore_mem>>
    tpu.enqueue_indirect_dma source(%dma_start3A_2111 : memref<8192x1024xf32, #tpu.memory_space<hbm>>) target(%dma_start3A_2105 : memref<16x1024xf32, #tpu.memory_space<vmem>>) offsets(%dma_start3A_2108 : memref<16xi32, #tpu.memory_space<vmem>>) semaphore(%dma_start3A_2113 : memref<!tpu.dma_semaphore, #tpu.memory_space<semaphore_mem>>)
    %dma_start3A_2114 = arith.constant 14 : i32
    %dma_start3A_2115 = arith.constant 1 : i32
    %dma_start3A_2116 = arith.constant 0 : i32
    %dma_start3A_2117 = arith.constant 0 : i32
    %dma_start3A_2118 = arith.constant 0 : i32
    %dma_start3A_2119 = arith.constant 0 : i32
    %dma_start3A_2120 = tpu.memref_slice %arg6[%dma_start3A_2116, %dma_start3A_2118, %dma_start3A_2119] : memref<2x16x2048xf32, #tpu.memory_space<vmem>> -> memref<1x16x2048xf32, #tpu.memory_space<vmem>>
    %dma_start3A_2121 = tpu.memref_squeeze %dma_start3A_2120 : memref<1x16x2048xf32, #tpu.memory_space<vmem>> -> memref<16x2048xf32, #tpu.memory_space<vmem>>
    %dma_start3A_2122 = arith.constant 0 : i32
    %dma_start3A_2123 = arith.constant 1024 : i32
    %dma_start3A_2124 = tpu.memref_slice %dma_start3A_2121[%dma_start3A_2122, %dma_start3A_2123] : memref<16x2048xf32, #tpu.memory_space<vmem>> -> memref<16x1024xf32, #tpu.memory_space<vmem>>
    %dma_start3A_2125 = arith.constant 0 : i32
    %dma_start3A_2126 = tpu.memref_slice %arg5[%dma_start3A_2114, %dma_start3A_2115, %dma_start3A_2125] : memref<16x2x16xi32, #tpu.memory_space<vmem>> -> memref<1x1x16xi32, #tpu.memory_space<vmem>>
    %dma_start3A_2127 = tpu.memref_squeeze %dma_start3A_2126 : memref<1x1x16xi32, #tpu.memory_space<vmem>> -> memref<16xi32, #tpu.memory_space<vmem>>
    %dma_start3A_2128 = arith.constant 0 : i32
    %dma_start3A_2129 = arith.constant 0 : i32
    %dma_start3A_2130 = tpu.memref_slice %arg2[%dma_start3A_2128, %dma_start3A_2129] : memref<8192x1024xf32, #tpu.memory_space<hbm>> -> memref<8192x1024xf32, #tpu.memory_space<hbm>>
    %dma_start3A_2131 = tpu.memref_slice %arg7[%dma_start3A_2117] : memref<2x!tpu.dma_semaphore, #tpu.memory_space<semaphore_mem>> -> memref<1x!tpu.dma_semaphore, #tpu.memory_space<semaphore_mem>>
    %dma_start3A_2132 = tpu.memref_squeeze %dma_start3A_2131 : memref<1x!tpu.dma_semaphore, #tpu.memory_space<semaphore_mem>> -> memref<!tpu.dma_semaphore, #tpu.memory_space<semaphore_mem>>
    tpu.enqueue_indirect_dma source(%dma_start3A_2130 : memref<8192x1024xf32, #tpu.memory_space<hbm>>) target(%dma_start3A_2124 : memref<16x1024xf32, #tpu.memory_space<vmem>>) offsets(%dma_start3A_2127 : memref<16xi32, #tpu.memory_space<vmem>>) semaphore(%dma_start3A_2132 : memref<!tpu.dma_semaphore, #tpu.memory_space<semaphore_mem>>)
    %dma_wait3A_2133 = arith.constant 13 : i32
    %dma_wait3A_2134 = arith.constant 0 : i32
    %dma_wait3A_2135 = arith.constant 1 : i32
    %dma_wait3A_2136 = arith.constant 1 : i32
    %dma_wait3A_2137 = arith.constant 0 : i32
    %dma_wait3A_2138 = arith.constant 0 : i32
    %dma_wait3A_2139 = tpu.memref_slice %arg6[%dma_wait3A_2135, %dma_wait3A_2137, %dma_wait3A_2138] : memref<2x16x2048xf32, #tpu.memory_space<vmem>> -> memref<1x16x2048xf32, #tpu.memory_space<vmem>>
    %dma_wait3A_2140 = tpu.memref_squeeze %dma_wait3A_2139 : memref<1x16x2048xf32, #tpu.memory_space<vmem>> -> memref<16x2048xf32, #tpu.memory_space<vmem>>
    %dma_wait3A_2141 = arith.constant 0 : i32
    %dma_wait3A_2142 = arith.constant 0 : i32
    %dma_wait3A_2143 = tpu.memref_slice %dma_wait3A_2140[%dma_wait3A_2141, %dma_wait3A_2142] : memref<16x2048xf32, #tpu.memory_space<vmem>> -> memref<16x1024xf32, #tpu.memory_space<vmem>>
    %dma_wait3A_2144 = arith.constant 0 : i32
    %dma_wait3A_2145 = tpu.memref_slice %arg5[%dma_wait3A_2133, %dma_wait3A_2134, %dma_wait3A_2144] : memref<16x2x16xi32, #tpu.memory_space<vmem>> -> memref<1x1x16xi32, #tpu.memory_space<vmem>>
    %dma_wait3A_2146 = tpu.memref_squeeze %dma_wait3A_2145 : memref<1x1x16xi32, #tpu.memory_space<vmem>> -> memref<16xi32, #tpu.memory_space<vmem>>
    %dma_wait3A_2147 = arith.constant 0 : i32
    %dma_wait3A_2148 = arith.constant 0 : i32
    %dma_wait3A_2149 = tpu.memref_slice %arg2[%dma_wait3A_2147, %dma_wait3A_2148] : memref<8192x1024xf32, #tpu.memory_space<hbm>> -> memref<8192x1024xf32, #tpu.memory_space<hbm>>
    %dma_wait3A_2150 = tpu.memref_slice %arg7[%dma_wait3A_2136] : memref<2x!tpu.dma_semaphore, #tpu.memory_space<semaphore_mem>> -> memref<1x!tpu.dma_semaphore, #tpu.memory_space<semaphore_mem>>
    %dma_wait3A_2151 = tpu.memref_squeeze %dma_wait3A_2150 : memref<1x!tpu.dma_semaphore, #tpu.memory_space<semaphore_mem>> -> memref<!tpu.dma_semaphore, #tpu.memory_space<semaphore_mem>>
    tpu.wait_indirect_dma semaphore(%dma_wait3A_2151 : memref<!tpu.dma_semaphore, #tpu.memory_space<semaphore_mem>>) src(%dma_wait3A_2149 : memref<8192x1024xf32, #tpu.memory_space<hbm>>) dst(%dma_wait3A_2143 : memref<16x1024xf32, #tpu.memory_space<vmem>>)
    %dma_wait3A_2152 = arith.constant 13 : i32
    %dma_wait3A_2153 = arith.constant 1 : i32
    %dma_wait3A_2154 = arith.constant 1 : i32
    %dma_wait3A_2155 = arith.constant 1 : i32
    %dma_wait3A_2156 = arith.constant 0 : i32
    %dma_wait3A_2157 = arith.constant 0 : i32
    %dma_wait3A_2158 = tpu.memref_slice %arg6[%dma_wait3A_2154, %dma_wait3A_2156, %dma_wait3A_2157] : memref<2x16x2048xf32, #tpu.memory_space<vmem>> -> memref<1x16x2048xf32, #tpu.memory_space<vmem>>
    %dma_wait3A_2159 = tpu.memref_squeeze %dma_wait3A_2158 : memref<1x16x2048xf32, #tpu.memory_space<vmem>> -> memref<16x2048xf32, #tpu.memory_space<vmem>>
    %dma_wait3A_2160 = arith.constant 0 : i32
    %dma_wait3A_2161 = arith.constant 1024 : i32
    %dma_wait3A_2162 = tpu.memref_slice %dma_wait3A_2159[%dma_wait3A_2160, %dma_wait3A_2161] : memref<16x2048xf32, #tpu.memory_space<vmem>> -> memref<16x1024xf32, #tpu.memory_space<vmem>>
    %dma_wait3A_2163 = arith.constant 0 : i32
    %dma_wait3A_2164 = tpu.memref_slice %arg5[%dma_wait3A_2152, %dma_wait3A_2153, %dma_wait3A_2163] : memref<16x2x16xi32, #tpu.memory_space<vmem>> -> memref<1x1x16xi32, #tpu.memory_space<vmem>>
    %dma_wait3A_2165 = tpu.memref_squeeze %dma_wait3A_2164 : memref<1x1x16xi32, #tpu.memory_space<vmem>> -> memref<16xi32, #tpu.memory_space<vmem>>
    %dma_wait3A_2166 = arith.constant 0 : i32
    %dma_wait3A_2167 = arith.constant 0 : i32
    %dma_wait3A_2168 = tpu.memref_slice %arg2[%dma_wait3A_2166, %dma_wait3A_2167] : memref<8192x1024xf32, #tpu.memory_space<hbm>> -> memref<8192x1024xf32, #tpu.memory_space<hbm>>
    %dma_wait3A_2169 = tpu.memref_slice %arg7[%dma_wait3A_2155] : memref<2x!tpu.dma_semaphore, #tpu.memory_space<semaphore_mem>> -> memref<1x!tpu.dma_semaphore, #tpu.memory_space<semaphore_mem>>
    %dma_wait3A_2170 = tpu.memref_squeeze %dma_wait3A_2169 : memref<1x!tpu.dma_semaphore, #tpu.memory_space<semaphore_mem>> -> memref<!tpu.dma_semaphore, #tpu.memory_space<semaphore_mem>>
    tpu.wait_indirect_dma semaphore(%dma_wait3A_2170 : memref<!tpu.dma_semaphore, #tpu.memory_space<semaphore_mem>>) src(%dma_wait3A_2168 : memref<8192x1024xf32, #tpu.memory_space<hbm>>) dst(%dma_wait3A_2162 : memref<16x1024xf32, #tpu.memory_space<vmem>>)
    %add3A_2171 = arith.constant 208 : i32
    %add3A_2172 = arith.addi %mul3A_32, %add3A_2171 : i32
    %dma_start3A_2173 = arith.constant 1 : i32
    %dma_start3A_2174 = arith.constant 1 : i32
    %dma_start3A_2175 = arith.constant 0 : i32
    %dma_start3A_2176 = arith.constant 0 : i32
    %dma_start3A_2177 = tpu.memref_slice %arg6[%dma_start3A_2173, %dma_start3A_2175, %dma_start3A_2176] : memref<2x16x2048xf32, #tpu.memory_space<vmem>> -> memref<1x16x2048xf32, #tpu.memory_space<vmem>>
    %dma_start3A_2178 = tpu.memref_squeeze %dma_start3A_2177 : memref<1x16x2048xf32, #tpu.memory_space<vmem>> -> memref<16x2048xf32, #tpu.memory_space<vmem>>
    %dma_start3A_2179 = arith.constant 0 : i32
    %dma_start3A_2180 = tpu.memref_slice %arg4[%select_n3A, %add3A_2172, %dma_start3A_2179] : memref<4x2048x2048xf32, #tpu.memory_space<hbm>> -> memref<1x16x2048xf32, #tpu.memory_space<hbm>>
    %dma_start3A_2181 = tpu.memref_squeeze %dma_start3A_2180 : memref<1x16x2048xf32, #tpu.memory_space<hbm>> -> memref<16x2048xf32, #tpu.memory_space<hbm>>
    %dma_start3A_2182 = tpu.memref_slice %arg8[%dma_start3A_2174] : memref<2x!tpu.dma_semaphore, #tpu.memory_space<semaphore_mem>> -> memref<1x!tpu.dma_semaphore, #tpu.memory_space<semaphore_mem>>
    %dma_start3A_2183 = tpu.memref_squeeze %dma_start3A_2182 : memref<1x!tpu.dma_semaphore, #tpu.memory_space<semaphore_mem>> -> memref<!tpu.dma_semaphore, #tpu.memory_space<semaphore_mem>>
    %dma_start3A_2184 = arith.constant 0 : i32
    %dma_start3A_2185 = tpu.memref_slice %arg4[%select_n3A, %add3A_2172, %dma_start3A_2184] : memref<4x2048x2048xf32, #tpu.memory_space<hbm>> -> memref<1x16x2048xf32, #tpu.memory_space<hbm>>
    %dma_start3A_2186 = tpu.memref_squeeze %dma_start3A_2185 : memref<1x16x2048xf32, #tpu.memory_space<hbm>> -> memref<16x2048xf32, #tpu.memory_space<hbm>>
    %dma_start3A_2187 = arith.constant 0 : i32
    %dma_start3A_2188 = arith.constant 0 : i32
    %dma_start3A_2189 = tpu.memref_slice %arg6[%dma_start3A_2173, %dma_start3A_2187, %dma_start3A_2188] : memref<2x16x2048xf32, #tpu.memory_space<vmem>> -> memref<1x16x2048xf32, #tpu.memory_space<vmem>>
    %dma_start3A_2190 = tpu.memref_squeeze %dma_start3A_2189 : memref<1x16x2048xf32, #tpu.memory_space<vmem>> -> memref<16x2048xf32, #tpu.memory_space<vmem>>
    tpu.enqueue_dma source(%dma_start3A_2190 : memref<16x2048xf32, #tpu.memory_space<vmem>>) target(%dma_start3A_2186 : memref<16x2048xf32, #tpu.memory_space<hbm>>) target_semaphore(%dma_start3A_2183 : memref<!tpu.dma_semaphore, #tpu.memory_space<semaphore_mem>>)
    %dma_wait3A_2191 = arith.constant 1 : i32
    %dma_wait3A_2192 = arith.constant 1 : i32
    %dma_wait3A_2193 = arith.constant 0 : i32
    %dma_wait3A_2194 = arith.constant 0 : i32
    %dma_wait3A_2195 = tpu.memref_slice %arg6[%dma_wait3A_2191, %dma_wait3A_2193, %dma_wait3A_2194] : memref<2x16x2048xf32, #tpu.memory_space<vmem>> -> memref<1x16x2048xf32, #tpu.memory_space<vmem>>
    %dma_wait3A_2196 = tpu.memref_squeeze %dma_wait3A_2195 : memref<1x16x2048xf32, #tpu.memory_space<vmem>> -> memref<16x2048xf32, #tpu.memory_space<vmem>>
    %dma_wait3A_2197 = arith.constant 0 : i32
    %dma_wait3A_2198 = tpu.memref_slice %arg4[%select_n3A, %add3A_2172, %dma_wait3A_2197] : memref<4x2048x2048xf32, #tpu.memory_space<hbm>> -> memref<1x16x2048xf32, #tpu.memory_space<hbm>>
    %dma_wait3A_2199 = tpu.memref_squeeze %dma_wait3A_2198 : memref<1x16x2048xf32, #tpu.memory_space<hbm>> -> memref<16x2048xf32, #tpu.memory_space<hbm>>
    %dma_wait3A_2200 = tpu.memref_slice %arg8[%dma_wait3A_2192] : memref<2x!tpu.dma_semaphore, #tpu.memory_space<semaphore_mem>> -> memref<1x!tpu.dma_semaphore, #tpu.memory_space<semaphore_mem>>
    %dma_wait3A_2201 = tpu.memref_squeeze %dma_wait3A_2200 : memref<1x!tpu.dma_semaphore, #tpu.memory_space<semaphore_mem>> -> memref<!tpu.dma_semaphore, #tpu.memory_space<semaphore_mem>>
    %dma_wait3A_2202 = arith.constant 0 : i32
    %dma_wait3A_2203 = tpu.memref_slice %arg4[%select_n3A, %add3A_2172, %dma_wait3A_2202] : memref<4x2048x2048xf32, #tpu.memory_space<hbm>> -> memref<1x16x2048xf32, #tpu.memory_space<hbm>>
    %dma_wait3A_2204 = tpu.memref_squeeze %dma_wait3A_2203 : memref<1x16x2048xf32, #tpu.memory_space<hbm>> -> memref<16x2048xf32, #tpu.memory_space<hbm>>
    %dma_wait3A_2205 = arith.constant 0 : i32
    %dma_wait3A_2206 = arith.constant 0 : i32
    %dma_wait3A_2207 = tpu.memref_slice %arg6[%dma_wait3A_2191, %dma_wait3A_2205, %dma_wait3A_2206] : memref<2x16x2048xf32, #tpu.memory_space<vmem>> -> memref<1x16x2048xf32, #tpu.memory_space<vmem>>
    %dma_wait3A_2208 = tpu.memref_squeeze %dma_wait3A_2207 : memref<1x16x2048xf32, #tpu.memory_space<vmem>> -> memref<16x2048xf32, #tpu.memory_space<vmem>>
    tpu.wait_dma2 semaphore(%dma_wait3A_2201 : memref<!tpu.dma_semaphore, #tpu.memory_space<semaphore_mem>>) src(%dma_wait3A_2208 : memref<16x2048xf32, #tpu.memory_space<vmem>>) dst(%dma_wait3A_2204 : memref<16x2048xf32, #tpu.memory_space<hbm>>)
    %dma_start3A_2209 = arith.constant 15 : i32
    %dma_start3A_2210 = arith.constant 0 : i32
    %dma_start3A_2211 = arith.constant 1 : i32
    %dma_start3A_2212 = arith.constant 1 : i32
    %dma_start3A_2213 = arith.constant 0 : i32
    %dma_start3A_2214 = arith.constant 0 : i32
    %dma_start3A_2215 = tpu.memref_slice %arg6[%dma_start3A_2211, %dma_start3A_2213, %dma_start3A_2214] : memref<2x16x2048xf32, #tpu.memory_space<vmem>> -> memref<1x16x2048xf32, #tpu.memory_space<vmem>>
    %dma_start3A_2216 = tpu.memref_squeeze %dma_start3A_2215 : memref<1x16x2048xf32, #tpu.memory_space<vmem>> -> memref<16x2048xf32, #tpu.memory_space<vmem>>
    %dma_start3A_2217 = arith.constant 0 : i32
    %dma_start3A_2218 = arith.constant 0 : i32
    %dma_start3A_2219 = tpu.memref_slice %dma_start3A_2216[%dma_start3A_2217, %dma_start3A_2218] : memref<16x2048xf32, #tpu.memory_space<vmem>> -> memref<16x1024xf32, #tpu.memory_space<vmem>>
    %dma_start3A_2220 = arith.constant 0 : i32
    %dma_start3A_2221 = tpu.memref_slice %arg5[%dma_start3A_2209, %dma_start3A_2210, %dma_start3A_2220] : memref<16x2x16xi32, #tpu.memory_space<vmem>> -> memref<1x1x16xi32, #tpu.memory_space<vmem>>
    %dma_start3A_2222 = tpu.memref_squeeze %dma_start3A_2221 : memref<1x1x16xi32, #tpu.memory_space<vmem>> -> memref<16xi32, #tpu.memory_space<vmem>>
    %dma_start3A_2223 = arith.constant 0 : i32
    %dma_start3A_2224 = arith.constant 0 : i32
    %dma_start3A_2225 = tpu.memref_slice %arg2[%dma_start3A_2223, %dma_start3A_2224] : memref<8192x1024xf32, #tpu.memory_space<hbm>> -> memref<8192x1024xf32, #tpu.memory_space<hbm>>
    %dma_start3A_2226 = tpu.memref_slice %arg7[%dma_start3A_2212] : memref<2x!tpu.dma_semaphore, #tpu.memory_space<semaphore_mem>> -> memref<1x!tpu.dma_semaphore, #tpu.memory_space<semaphore_mem>>
    %dma_start3A_2227 = tpu.memref_squeeze %dma_start3A_2226 : memref<1x!tpu.dma_semaphore, #tpu.memory_space<semaphore_mem>> -> memref<!tpu.dma_semaphore, #tpu.memory_space<semaphore_mem>>
    tpu.enqueue_indirect_dma source(%dma_start3A_2225 : memref<8192x1024xf32, #tpu.memory_space<hbm>>) target(%dma_start3A_2219 : memref<16x1024xf32, #tpu.memory_space<vmem>>) offsets(%dma_start3A_2222 : memref<16xi32, #tpu.memory_space<vmem>>) semaphore(%dma_start3A_2227 : memref<!tpu.dma_semaphore, #tpu.memory_space<semaphore_mem>>)
    %dma_start3A_2228 = arith.constant 15 : i32
    %dma_start3A_2229 = arith.constant 1 : i32
    %dma_start3A_2230 = arith.constant 1 : i32
    %dma_start3A_2231 = arith.constant 1 : i32
    %dma_start3A_2232 = arith.constant 0 : i32
    %dma_start3A_2233 = arith.constant 0 : i32
    %dma_start3A_2234 = tpu.memref_slice %arg6[%dma_start3A_2230, %dma_start3A_2232, %dma_start3A_2233] : memref<2x16x2048xf32, #tpu.memory_space<vmem>> -> memref<1x16x2048xf32, #tpu.memory_space<vmem>>
    %dma_start3A_2235 = tpu.memref_squeeze %dma_start3A_2234 : memref<1x16x2048xf32, #tpu.memory_space<vmem>> -> memref<16x2048xf32, #tpu.memory_space<vmem>>
    %dma_start3A_2236 = arith.constant 0 : i32
    %dma_start3A_2237 = arith.constant 1024 : i32
    %dma_start3A_2238 = tpu.memref_slice %dma_start3A_2235[%dma_start3A_2236, %dma_start3A_2237] : memref<16x2048xf32, #tpu.memory_space<vmem>> -> memref<16x1024xf32, #tpu.memory_space<vmem>>
    %dma_start3A_2239 = arith.constant 0 : i32
    %dma_start3A_2240 = tpu.memref_slice %arg5[%dma_start3A_2228, %dma_start3A_2229, %dma_start3A_2239] : memref<16x2x16xi32, #tpu.memory_space<vmem>> -> memref<1x1x16xi32, #tpu.memory_space<vmem>>
    %dma_start3A_2241 = tpu.memref_squeeze %dma_start3A_2240 : memref<1x1x16xi32, #tpu.memory_space<vmem>> -> memref<16xi32, #tpu.memory_space<vmem>>
    %dma_start3A_2242 = arith.constant 0 : i32
    %dma_start3A_2243 = arith.constant 0 : i32
    %dma_start3A_2244 = tpu.memref_slice %arg2[%dma_start3A_2242, %dma_start3A_2243] : memref<8192x1024xf32, #tpu.memory_space<hbm>> -> memref<8192x1024xf32, #tpu.memory_space<hbm>>
    %dma_start3A_2245 = tpu.memref_slice %arg7[%dma_start3A_2231] : memref<2x!tpu.dma_semaphore, #tpu.memory_space<semaphore_mem>> -> memref<1x!tpu.dma_semaphore, #tpu.memory_space<semaphore_mem>>
    %dma_start3A_2246 = tpu.memref_squeeze %dma_start3A_2245 : memref<1x!tpu.dma_semaphore, #tpu.memory_space<semaphore_mem>> -> memref<!tpu.dma_semaphore, #tpu.memory_space<semaphore_mem>>
    tpu.enqueue_indirect_dma source(%dma_start3A_2244 : memref<8192x1024xf32, #tpu.memory_space<hbm>>) target(%dma_start3A_2238 : memref<16x1024xf32, #tpu.memory_space<vmem>>) offsets(%dma_start3A_2241 : memref<16xi32, #tpu.memory_space<vmem>>) semaphore(%dma_start3A_2246 : memref<!tpu.dma_semaphore, #tpu.memory_space<semaphore_mem>>)
    %dma_wait3A_2247 = arith.constant 14 : i32
    %dma_wait3A_2248 = arith.constant 0 : i32
    %dma_wait3A_2249 = arith.constant 0 : i32
    %dma_wait3A_2250 = arith.constant 0 : i32
    %dma_wait3A_2251 = arith.constant 0 : i32
    %dma_wait3A_2252 = arith.constant 0 : i32
    %dma_wait3A_2253 = tpu.memref_slice %arg6[%dma_wait3A_2249, %dma_wait3A_2251, %dma_wait3A_2252] : memref<2x16x2048xf32, #tpu.memory_space<vmem>> -> memref<1x16x2048xf32, #tpu.memory_space<vmem>>
    %dma_wait3A_2254 = tpu.memref_squeeze %dma_wait3A_2253 : memref<1x16x2048xf32, #tpu.memory_space<vmem>> -> memref<16x2048xf32, #tpu.memory_space<vmem>>
    %dma_wait3A_2255 = arith.constant 0 : i32
    %dma_wait3A_2256 = arith.constant 0 : i32
    %dma_wait3A_2257 = tpu.memref_slice %dma_wait3A_2254[%dma_wait3A_2255, %dma_wait3A_2256] : memref<16x2048xf32, #tpu.memory_space<vmem>> -> memref<16x1024xf32, #tpu.memory_space<vmem>>
    %dma_wait3A_2258 = arith.constant 0 : i32
    %dma_wait3A_2259 = tpu.memref_slice %arg5[%dma_wait3A_2247, %dma_wait3A_2248, %dma_wait3A_2258] : memref<16x2x16xi32, #tpu.memory_space<vmem>> -> memref<1x1x16xi32, #tpu.memory_space<vmem>>
    %dma_wait3A_2260 = tpu.memref_squeeze %dma_wait3A_2259 : memref<1x1x16xi32, #tpu.memory_space<vmem>> -> memref<16xi32, #tpu.memory_space<vmem>>
    %dma_wait3A_2261 = arith.constant 0 : i32
    %dma_wait3A_2262 = arith.constant 0 : i32
    %dma_wait3A_2263 = tpu.memref_slice %arg2[%dma_wait3A_2261, %dma_wait3A_2262] : memref<8192x1024xf32, #tpu.memory_space<hbm>> -> memref<8192x1024xf32, #tpu.memory_space<hbm>>
    %dma_wait3A_2264 = tpu.memref_slice %arg7[%dma_wait3A_2250] : memref<2x!tpu.dma_semaphore, #tpu.memory_space<semaphore_mem>> -> memref<1x!tpu.dma_semaphore, #tpu.memory_space<semaphore_mem>>
    %dma_wait3A_2265 = tpu.memref_squeeze %dma_wait3A_2264 : memref<1x!tpu.dma_semaphore, #tpu.memory_space<semaphore_mem>> -> memref<!tpu.dma_semaphore, #tpu.memory_space<semaphore_mem>>
    tpu.wait_indirect_dma semaphore(%dma_wait3A_2265 : memref<!tpu.dma_semaphore, #tpu.memory_space<semaphore_mem>>) src(%dma_wait3A_2263 : memref<8192x1024xf32, #tpu.memory_space<hbm>>) dst(%dma_wait3A_2257 : memref<16x1024xf32, #tpu.memory_space<vmem>>)
    %dma_wait3A_2266 = arith.constant 14 : i32
    %dma_wait3A_2267 = arith.constant 1 : i32
    %dma_wait3A_2268 = arith.constant 0 : i32
    %dma_wait3A_2269 = arith.constant 0 : i32
    %dma_wait3A_2270 = arith.constant 0 : i32
    %dma_wait3A_2271 = arith.constant 0 : i32
    %dma_wait3A_2272 = tpu.memref_slice %arg6[%dma_wait3A_2268, %dma_wait3A_2270, %dma_wait3A_2271] : memref<2x16x2048xf32, #tpu.memory_space<vmem>> -> memref<1x16x2048xf32, #tpu.memory_space<vmem>>
    %dma_wait3A_2273 = tpu.memref_squeeze %dma_wait3A_2272 : memref<1x16x2048xf32, #tpu.memory_space<vmem>> -> memref<16x2048xf32, #tpu.memory_space<vmem>>
    %dma_wait3A_2274 = arith.constant 0 : i32
    %dma_wait3A_2275 = arith.constant 1024 : i32
    %dma_wait3A_2276 = tpu.memref_slice %dma_wait3A_2273[%dma_wait3A_2274, %dma_wait3A_2275] : memref<16x2048xf32, #tpu.memory_space<vmem>> -> memref<16x1024xf32, #tpu.memory_space<vmem>>
    %dma_wait3A_2277 = arith.constant 0 : i32
    %dma_wait3A_2278 = tpu.memref_slice %arg5[%dma_wait3A_2266, %dma_wait3A_2267, %dma_wait3A_2277] : memref<16x2x16xi32, #tpu.memory_space<vmem>> -> memref<1x1x16xi32, #tpu.memory_space<vmem>>
    %dma_wait3A_2279 = tpu.memref_squeeze %dma_wait3A_2278 : memref<1x1x16xi32, #tpu.memory_space<vmem>> -> memref<16xi32, #tpu.memory_space<vmem>>
    %dma_wait3A_2280 = arith.constant 0 : i32
    %dma_wait3A_2281 = arith.constant 0 : i32
    %dma_wait3A_2282 = tpu.memref_slice %arg2[%dma_wait3A_2280, %dma_wait3A_2281] : memref<8192x1024xf32, #tpu.memory_space<hbm>> -> memref<8192x1024xf32, #tpu.memory_space<hbm>>
    %dma_wait3A_2283 = tpu.memref_slice %arg7[%dma_wait3A_2269] : memref<2x!tpu.dma_semaphore, #tpu.memory_space<semaphore_mem>> -> memref<1x!tpu.dma_semaphore, #tpu.memory_space<semaphore_mem>>
    %dma_wait3A_2284 = tpu.memref_squeeze %dma_wait3A_2283 : memref<1x!tpu.dma_semaphore, #tpu.memory_space<semaphore_mem>> -> memref<!tpu.dma_semaphore, #tpu.memory_space<semaphore_mem>>
    tpu.wait_indirect_dma semaphore(%dma_wait3A_2284 : memref<!tpu.dma_semaphore, #tpu.memory_space<semaphore_mem>>) src(%dma_wait3A_2282 : memref<8192x1024xf32, #tpu.memory_space<hbm>>) dst(%dma_wait3A_2276 : memref<16x1024xf32, #tpu.memory_space<vmem>>)
    %add3A_2285 = arith.constant 224 : i32
    %add3A_2286 = arith.addi %mul3A_32, %add3A_2285 : i32
    %dma_start3A_2287 = arith.constant 0 : i32
    %dma_start3A_2288 = arith.constant 0 : i32
    %dma_start3A_2289 = arith.constant 0 : i32
    %dma_start3A_2290 = arith.constant 0 : i32
    %dma_start3A_2291 = tpu.memref_slice %arg6[%dma_start3A_2287, %dma_start3A_2289, %dma_start3A_2290] : memref<2x16x2048xf32, #tpu.memory_space<vmem>> -> memref<1x16x2048xf32, #tpu.memory_space<vmem>>
    %dma_start3A_2292 = tpu.memref_squeeze %dma_start3A_2291 : memref<1x16x2048xf32, #tpu.memory_space<vmem>> -> memref<16x2048xf32, #tpu.memory_space<vmem>>
    %dma_start3A_2293 = arith.constant 0 : i32
    %dma_start3A_2294 = tpu.memref_slice %arg4[%select_n3A, %add3A_2286, %dma_start3A_2293] : memref<4x2048x2048xf32, #tpu.memory_space<hbm>> -> memref<1x16x2048xf32, #tpu.memory_space<hbm>>
    %dma_start3A_2295 = tpu.memref_squeeze %dma_start3A_2294 : memref<1x16x2048xf32, #tpu.memory_space<hbm>> -> memref<16x2048xf32, #tpu.memory_space<hbm>>
    %dma_start3A_2296 = tpu.memref_slice %arg8[%dma_start3A_2288] : memref<2x!tpu.dma_semaphore, #tpu.memory_space<semaphore_mem>> -> memref<1x!tpu.dma_semaphore, #tpu.memory_space<semaphore_mem>>
    %dma_start3A_2297 = tpu.memref_squeeze %dma_start3A_2296 : memref<1x!tpu.dma_semaphore, #tpu.memory_space<semaphore_mem>> -> memref<!tpu.dma_semaphore, #tpu.memory_space<semaphore_mem>>
    %dma_start3A_2298 = arith.constant 0 : i32
    %dma_start3A_2299 = tpu.memref_slice %arg4[%select_n3A, %add3A_2286, %dma_start3A_2298] : memref<4x2048x2048xf32, #tpu.memory_space<hbm>> -> memref<1x16x2048xf32, #tpu.memory_space<hbm>>
    %dma_start3A_2300 = tpu.memref_squeeze %dma_start3A_2299 : memref<1x16x2048xf32, #tpu.memory_space<hbm>> -> memref<16x2048xf32, #tpu.memory_space<hbm>>
    %dma_start3A_2301 = arith.constant 0 : i32
    %dma_start3A_2302 = arith.constant 0 : i32
    %dma_start3A_2303 = tpu.memref_slice %arg6[%dma_start3A_2287, %dma_start3A_2301, %dma_start3A_2302] : memref<2x16x2048xf32, #tpu.memory_space<vmem>> -> memref<1x16x2048xf32, #tpu.memory_space<vmem>>
    %dma_start3A_2304 = tpu.memref_squeeze %dma_start3A_2303 : memref<1x16x2048xf32, #tpu.memory_space<vmem>> -> memref<16x2048xf32, #tpu.memory_space<vmem>>
    tpu.enqueue_dma source(%dma_start3A_2304 : memref<16x2048xf32, #tpu.memory_space<vmem>>) target(%dma_start3A_2300 : memref<16x2048xf32, #tpu.memory_space<hbm>>) target_semaphore(%dma_start3A_2297 : memref<!tpu.dma_semaphore, #tpu.memory_space<semaphore_mem>>)
    %dma_wait3A_2305 = arith.constant 15 : i32
    %dma_wait3A_2306 = arith.constant 0 : i32
    %dma_wait3A_2307 = arith.constant 1 : i32
    %dma_wait3A_2308 = arith.constant 1 : i32
    %dma_wait3A_2309 = arith.constant 0 : i32
    %dma_wait3A_2310 = arith.constant 0 : i32
    %dma_wait3A_2311 = tpu.memref_slice %arg6[%dma_wait3A_2307, %dma_wait3A_2309, %dma_wait3A_2310] : memref<2x16x2048xf32, #tpu.memory_space<vmem>> -> memref<1x16x2048xf32, #tpu.memory_space<vmem>>
    %dma_wait3A_2312 = tpu.memref_squeeze %dma_wait3A_2311 : memref<1x16x2048xf32, #tpu.memory_space<vmem>> -> memref<16x2048xf32, #tpu.memory_space<vmem>>
    %dma_wait3A_2313 = arith.constant 0 : i32
    %dma_wait3A_2314 = arith.constant 0 : i32
    %dma_wait3A_2315 = tpu.memref_slice %dma_wait3A_2312[%dma_wait3A_2313, %dma_wait3A_2314] : memref<16x2048xf32, #tpu.memory_space<vmem>> -> memref<16x1024xf32, #tpu.memory_space<vmem>>
    %dma_wait3A_2316 = arith.constant 0 : i32
    %dma_wait3A_2317 = tpu.memref_slice %arg5[%dma_wait3A_2305, %dma_wait3A_2306, %dma_wait3A_2316] : memref<16x2x16xi32, #tpu.memory_space<vmem>> -> memref<1x1x16xi32, #tpu.memory_space<vmem>>
    %dma_wait3A_2318 = tpu.memref_squeeze %dma_wait3A_2317 : memref<1x1x16xi32, #tpu.memory_space<vmem>> -> memref<16xi32, #tpu.memory_space<vmem>>
    %dma_wait3A_2319 = arith.constant 0 : i32
    %dma_wait3A_2320 = arith.constant 0 : i32
    %dma_wait3A_2321 = tpu.memref_slice %arg2[%dma_wait3A_2319, %dma_wait3A_2320] : memref<8192x1024xf32, #tpu.memory_space<hbm>> -> memref<8192x1024xf32, #tpu.memory_space<hbm>>
    %dma_wait3A_2322 = tpu.memref_slice %arg7[%dma_wait3A_2308] : memref<2x!tpu.dma_semaphore, #tpu.memory_space<semaphore_mem>> -> memref<1x!tpu.dma_semaphore, #tpu.memory_space<semaphore_mem>>
    %dma_wait3A_2323 = tpu.memref_squeeze %dma_wait3A_2322 : memref<1x!tpu.dma_semaphore, #tpu.memory_space<semaphore_mem>> -> memref<!tpu.dma_semaphore, #tpu.memory_space<semaphore_mem>>
    tpu.wait_indirect_dma semaphore(%dma_wait3A_2323 : memref<!tpu.dma_semaphore, #tpu.memory_space<semaphore_mem>>) src(%dma_wait3A_2321 : memref<8192x1024xf32, #tpu.memory_space<hbm>>) dst(%dma_wait3A_2315 : memref<16x1024xf32, #tpu.memory_space<vmem>>)
    %dma_wait3A_2324 = arith.constant 15 : i32
    %dma_wait3A_2325 = arith.constant 1 : i32
    %dma_wait3A_2326 = arith.constant 1 : i32
    %dma_wait3A_2327 = arith.constant 1 : i32
    %dma_wait3A_2328 = arith.constant 0 : i32
    %dma_wait3A_2329 = arith.constant 0 : i32
    %dma_wait3A_2330 = tpu.memref_slice %arg6[%dma_wait3A_2326, %dma_wait3A_2328, %dma_wait3A_2329] : memref<2x16x2048xf32, #tpu.memory_space<vmem>> -> memref<1x16x2048xf32, #tpu.memory_space<vmem>>
    %dma_wait3A_2331 = tpu.memref_squeeze %dma_wait3A_2330 : memref<1x16x2048xf32, #tpu.memory_space<vmem>> -> memref<16x2048xf32, #tpu.memory_space<vmem>>
    %dma_wait3A_2332 = arith.constant 0 : i32
    %dma_wait3A_2333 = arith.constant 1024 : i32
    %dma_wait3A_2334 = tpu.memref_slice %dma_wait3A_2331[%dma_wait3A_2332, %dma_wait3A_2333] : memref<16x2048xf32, #tpu.memory_space<vmem>> -> memref<16x1024xf32, #tpu.memory_space<vmem>>
    %dma_wait3A_2335 = arith.constant 0 : i32
    %dma_wait3A_2336 = tpu.memref_slice %arg5[%dma_wait3A_2324, %dma_wait3A_2325, %dma_wait3A_2335] : memref<16x2x16xi32, #tpu.memory_space<vmem>> -> memref<1x1x16xi32, #tpu.memory_space<vmem>>
    %dma_wait3A_2337 = tpu.memref_squeeze %dma_wait3A_2336 : memref<1x1x16xi32, #tpu.memory_space<vmem>> -> memref<16xi32, #tpu.memory_space<vmem>>
    %dma_wait3A_2338 = arith.constant 0 : i32
    %dma_wait3A_2339 = arith.constant 0 : i32
    %dma_wait3A_2340 = tpu.memref_slice %arg2[%dma_wait3A_2338, %dma_wait3A_2339] : memref<8192x1024xf32, #tpu.memory_space<hbm>> -> memref<8192x1024xf32, #tpu.memory_space<hbm>>
    %dma_wait3A_2341 = tpu.memref_slice %arg7[%dma_wait3A_2327] : memref<2x!tpu.dma_semaphore, #tpu.memory_space<semaphore_mem>> -> memref<1x!tpu.dma_semaphore, #tpu.memory_space<semaphore_mem>>
    %dma_wait3A_2342 = tpu.memref_squeeze %dma_wait3A_2341 : memref<1x!tpu.dma_semaphore, #tpu.memory_space<semaphore_mem>> -> memref<!tpu.dma_semaphore, #tpu.memory_space<semaphore_mem>>
    tpu.wait_indirect_dma semaphore(%dma_wait3A_2342 : memref<!tpu.dma_semaphore, #tpu.memory_space<semaphore_mem>>) src(%dma_wait3A_2340 : memref<8192x1024xf32, #tpu.memory_space<hbm>>) dst(%dma_wait3A_2334 : memref<16x1024xf32, #tpu.memory_space<vmem>>)
    %add3A_2343 = arith.constant 240 : i32
    %add3A_2344 = arith.addi %mul3A_32, %add3A_2343 : i32
    %dma_start3A_2345 = arith.constant 1 : i32
    %dma_start3A_2346 = arith.constant 1 : i32
    %dma_start3A_2347 = arith.constant 0 : i32
    %dma_start3A_2348 = arith.constant 0 : i32
    %dma_start3A_2349 = tpu.memref_slice %arg6[%dma_start3A_2345, %dma_start3A_2347, %dma_start3A_2348] : memref<2x16x2048xf32, #tpu.memory_space<vmem>> -> memref<1x16x2048xf32, #tpu.memory_space<vmem>>
    %dma_start3A_2350 = tpu.memref_squeeze %dma_start3A_2349 : memref<1x16x2048xf32, #tpu.memory_space<vmem>> -> memref<16x2048xf32, #tpu.memory_space<vmem>>
    %dma_start3A_2351 = arith.constant 0 : i32
    %dma_start3A_2352 = tpu.memref_slice %arg4[%select_n3A, %add3A_2344, %dma_start3A_2351] : memref<4x2048x2048xf32, #tpu.memory_space<hbm>> -> memref<1x16x2048xf32, #tpu.memory_space<hbm>>
    %dma_start3A_2353 = tpu.memref_squeeze %dma_start3A_2352 : memref<1x16x2048xf32, #tpu.memory_space<hbm>> -> memref<16x2048xf32, #tpu.memory_space<hbm>>
    %dma_start3A_2354 = tpu.memref_slice %arg8[%dma_start3A_2346] : memref<2x!tpu.dma_semaphore, #tpu.memory_space<semaphore_mem>> -> memref<1x!tpu.dma_semaphore, #tpu.memory_space<semaphore_mem>>
    %dma_start3A_2355 = tpu.memref_squeeze %dma_start3A_2354 : memref<1x!tpu.dma_semaphore, #tpu.memory_space<semaphore_mem>> -> memref<!tpu.dma_semaphore, #tpu.memory_space<semaphore_mem>>
    %dma_start3A_2356 = arith.constant 0 : i32
    %dma_start3A_2357 = tpu.memref_slice %arg4[%select_n3A, %add3A_2344, %dma_start3A_2356] : memref<4x2048x2048xf32, #tpu.memory_space<hbm>> -> memref<1x16x2048xf32, #tpu.memory_space<hbm>>
    %dma_start3A_2358 = tpu.memref_squeeze %dma_start3A_2357 : memref<1x16x2048xf32, #tpu.memory_space<hbm>> -> memref<16x2048xf32, #tpu.memory_space<hbm>>
    %dma_start3A_2359 = arith.constant 0 : i32
    %dma_start3A_2360 = arith.constant 0 : i32
    %dma_start3A_2361 = tpu.memref_slice %arg6[%dma_start3A_2345, %dma_start3A_2359, %dma_start3A_2360] : memref<2x16x2048xf32, #tpu.memory_space<vmem>> -> memref<1x16x2048xf32, #tpu.memory_space<vmem>>
    %dma_start3A_2362 = tpu.memref_squeeze %dma_start3A_2361 : memref<1x16x2048xf32, #tpu.memory_space<vmem>> -> memref<16x2048xf32, #tpu.memory_space<vmem>>
    tpu.enqueue_dma source(%dma_start3A_2362 : memref<16x2048xf32, #tpu.memory_space<vmem>>) target(%dma_start3A_2358 : memref<16x2048xf32, #tpu.memory_space<hbm>>) target_semaphore(%dma_start3A_2355 : memref<!tpu.dma_semaphore, #tpu.memory_space<semaphore_mem>>)
    %dma_wait3A_2363 = arith.constant 0 : i32
    %dma_wait3A_2364 = arith.constant 0 : i32
    %dma_wait3A_2365 = arith.constant 0 : i32
    %dma_wait3A_2366 = arith.constant 0 : i32
    %dma_wait3A_2367 = tpu.memref_slice %arg6[%dma_wait3A_2363, %dma_wait3A_2365, %dma_wait3A_2366] : memref<2x16x2048xf32, #tpu.memory_space<vmem>> -> memref<1x16x2048xf32, #tpu.memory_space<vmem>>
    %dma_wait3A_2368 = tpu.memref_squeeze %dma_wait3A_2367 : memref<1x16x2048xf32, #tpu.memory_space<vmem>> -> memref<16x2048xf32, #tpu.memory_space<vmem>>
    %dma_wait3A_2369 = arith.constant 0 : i32
    %dma_wait3A_2370 = tpu.memref_slice %arg4[%select_n3A, %add3A_2286, %dma_wait3A_2369] : memref<4x2048x2048xf32, #tpu.memory_space<hbm>> -> memref<1x16x2048xf32, #tpu.memory_space<hbm>>
    %dma_wait3A_2371 = tpu.memref_squeeze %dma_wait3A_2370 : memref<1x16x2048xf32, #tpu.memory_space<hbm>> -> memref<16x2048xf32, #tpu.memory_space<hbm>>
    %dma_wait3A_2372 = tpu.memref_slice %arg8[%dma_wait3A_2364] : memref<2x!tpu.dma_semaphore, #tpu.memory_space<semaphore_mem>> -> memref<1x!tpu.dma_semaphore, #tpu.memory_space<semaphore_mem>>
    %dma_wait3A_2373 = tpu.memref_squeeze %dma_wait3A_2372 : memref<1x!tpu.dma_semaphore, #tpu.memory_space<semaphore_mem>> -> memref<!tpu.dma_semaphore, #tpu.memory_space<semaphore_mem>>
    %dma_wait3A_2374 = arith.constant 0 : i32
    %dma_wait3A_2375 = tpu.memref_slice %arg4[%select_n3A, %add3A_2286, %dma_wait3A_2374] : memref<4x2048x2048xf32, #tpu.memory_space<hbm>> -> memref<1x16x2048xf32, #tpu.memory_space<hbm>>
    %dma_wait3A_2376 = tpu.memref_squeeze %dma_wait3A_2375 : memref<1x16x2048xf32, #tpu.memory_space<hbm>> -> memref<16x2048xf32, #tpu.memory_space<hbm>>
    %dma_wait3A_2377 = arith.constant 0 : i32
    %dma_wait3A_2378 = arith.constant 0 : i32
    %dma_wait3A_2379 = tpu.memref_slice %arg6[%dma_wait3A_2363, %dma_wait3A_2377, %dma_wait3A_2378] : memref<2x16x2048xf32, #tpu.memory_space<vmem>> -> memref<1x16x2048xf32, #tpu.memory_space<vmem>>
    %dma_wait3A_2380 = tpu.memref_squeeze %dma_wait3A_2379 : memref<1x16x2048xf32, #tpu.memory_space<vmem>> -> memref<16x2048xf32, #tpu.memory_space<vmem>>
    tpu.wait_dma2 semaphore(%dma_wait3A_2373 : memref<!tpu.dma_semaphore, #tpu.memory_space<semaphore_mem>>) src(%dma_wait3A_2380 : memref<16x2048xf32, #tpu.memory_space<vmem>>) dst(%dma_wait3A_2376 : memref<16x2048xf32, #tpu.memory_space<hbm>>)
    %dma_wait3A_2381 = arith.constant 1 : i32
    %dma_wait3A_2382 = arith.constant 1 : i32
    %dma_wait3A_2383 = arith.constant 0 : i32
    %dma_wait3A_2384 = arith.constant 0 : i32
    %dma_wait3A_2385 = tpu.memref_slice %arg6[%dma_wait3A_2381, %dma_wait3A_2383, %dma_wait3A_2384] : memref<2x16x2048xf32, #tpu.memory_space<vmem>> -> memref<1x16x2048xf32, #tpu.memory_space<vmem>>
    %dma_wait3A_2386 = tpu.memref_squeeze %dma_wait3A_2385 : memref<1x16x2048xf32, #tpu.memory_space<vmem>> -> memref<16x2048xf32, #tpu.memory_space<vmem>>
    %dma_wait3A_2387 = arith.constant 0 : i32
    %dma_wait3A_2388 = tpu.memref_slice %arg4[%select_n3A, %add3A_2344, %dma_wait3A_2387] : memref<4x2048x2048xf32, #tpu.memory_space<hbm>> -> memref<1x16x2048xf32, #tpu.memory_space<hbm>>
    %dma_wait3A_2389 = tpu.memref_squeeze %dma_wait3A_2388 : memref<1x16x2048xf32, #tpu.memory_space<hbm>> -> memref<16x2048xf32, #tpu.memory_space<hbm>>
    %dma_wait3A_2390 = tpu.memref_slice %arg8[%dma_wait3A_2382] : memref<2x!tpu.dma_semaphore, #tpu.memory_space<semaphore_mem>> -> memref<1x!tpu.dma_semaphore, #tpu.memory_space<semaphore_mem>>
    %dma_wait3A_2391 = tpu.memref_squeeze %dma_wait3A_2390 : memref<1x!tpu.dma_semaphore, #tpu.memory_space<semaphore_mem>> -> memref<!tpu.dma_semaphore, #tpu.memory_space<semaphore_mem>>
    %dma_wait3A_2392 = arith.constant 0 : i32
    %dma_wait3A_2393 = tpu.memref_slice %arg4[%select_n3A, %add3A_2344, %dma_wait3A_2392] : memref<4x2048x2048xf32, #tpu.memory_space<hbm>> -> memref<1x16x2048xf32, #tpu.memory_space<hbm>>
    %dma_wait3A_2394 = tpu.memref_squeeze %dma_wait3A_2393 : memref<1x16x2048xf32, #tpu.memory_space<hbm>> -> memref<16x2048xf32, #tpu.memory_space<hbm>>
    %dma_wait3A_2395 = arith.constant 0 : i32
    %dma_wait3A_2396 = arith.constant 0 : i32
    %dma_wait3A_2397 = tpu.memref_slice %arg6[%dma_wait3A_2381, %dma_wait3A_2395, %dma_wait3A_2396] : memref<2x16x2048xf32, #tpu.memory_space<vmem>> -> memref<1x16x2048xf32, #tpu.memory_space<vmem>>
    %dma_wait3A_2398 = tpu.memref_squeeze %dma_wait3A_2397 : memref<1x16x2048xf32, #tpu.memory_space<vmem>> -> memref<16x2048xf32, #tpu.memory_space<vmem>>
    tpu.wait_dma2 semaphore(%dma_wait3A_2391 : memref<!tpu.dma_semaphore, #tpu.memory_space<semaphore_mem>>) src(%dma_wait3A_2398 : memref<16x2048xf32, #tpu.memory_space<vmem>>) dst(%dma_wait3A_2394 : memref<16x2048xf32, #tpu.memory_space<hbm>>)
    return
  }
}

</mosaic_0001>

<sc_bundles>
// kernel: kernel.3.cloned.1.call-start
scs
__scs_entry_jumppad:
0x0: {  	(pc) =	sbr.rel $0x88, $3  }
0x1: {  	(tag) =	ssettag $0x0;
	lr =	simm.s32 $0x1  }
0x2: {  	[smem:$0x3F9F] =	sst lr;
	_ =	strace $0xD0000000  }
0x3: {  	_ = 	snop  }
0x4: {  	_ = 	snop  }
0x5: {  	_ = 	snop  }
0x6: {  	_ = 	snop  }
0x7: {  	_ = 	snop  }
__scs_overlays_trampoline_lowered:
0x8: {  	[smem:$0x3FAE] =	sst s0  }
0x9: {  	[smem:$0x3FAF] =	sst s1  }
0xa: {  	[smem:$0x3FB0] =	sst s2  }
0xb: {  	[smem:$0x3FB1] =	sst s3  }
0xc: {  	[smem:$0x3FB2] =	sst s4  }
0xd: {  	[smem:$0x3FB3] =	sst s5  }
0xe: {  	[smem:$0x3FB4] =	sst s6  }
0xf: {  	[smem:$0x3FB5] =	sst s7  }
0x10: {  	[smem:$0x3FB6] =	sst s8  }
0x11: {  	[smem:$0x3FB7] =	sst s9;
	s0 =	simm.s32 @!p0 $0x0  }
0x12: {  	s1 =	sld [smem:$0x3F9D];
	s0 =	simm.s32 @p0 $0x1  }
0x13: {  	[smem:$0x3FB8] =	sst s0;
	s0 =	simm.s32 @!p1 $0x0  }
0x14: {  	s2 =	sld [smem:$0x3F9C];
	s0 =	simm.s32 @p1 $0x1  }
0x15: {  	[smem:$0x3FB9] =	sst s0;
	s0 =	simm.s32 @!p2 $0x0  }
0x16: {  	s3 =	sld [smem:$0x3FDB];
	s0 =	simm.s32 @p2 $0x1  }
0x17: {  	s4 =	simm.s32 $0x1BF5;
	[smem:$0x3FBB] =	sst s0  }
0x18: {  	s0 =	sld [smem:$0x3F9E];
	_ =	swait.ge [sflag:s4], $0x0  }
0x19: {  	s7 =	sld [smem:$0x3F9F]  }
0x1a: {  	s8 =	sadd.s32 $0xFFFFE003, lr  }
0x1b: {  	s9 =	sadd.s32 $0xFFFFFEF7, lr;
	s5 =	simm.s32 $0xFFFFFFFF;
	p2 =	slt.u32 s8, $0xFFFFF086  }
0x1c: {  	p1 =	slt.u32 s9, $0xF7A;
	s5 =	simm.s32 @!p2 $0x0  }
0x1d: {  	s5 =	simm.s32 @p1 $0x1;
	p0 =	seq.s32 s7, s2  }
0x1e: {  	s7 =	smul.u32 @!p0 $0xF7A, s2;
	p2 =	seq.s32 @!p0 s5, $0x0  }
0x1f: {  	s9 =	smul.u32 $0xF7A, s1;
	s8 =	simm.s32 @!p0 $0x1BF5;
	p2 =	por !p2, p0  }
0x20: {  	[sflag:s8] =	ssyncset.s32 @!p0 $0xFFFFF086;
	s6 =	sadd.s32 @!p0 s3, s7;
	s7 =	simm.s32 @!p0 $0x108  }
0x21: {  	s3 =	sadd.s32 s3, s9;
	s6 =	sadd.s32 @!p0 $0x88, s6;
	s7 =	simm.s32 @p2 $0x1082  }
0x22: {  	[simem:s7], [sflag:s8] =	dma.local @!p0 [hbm:s6], $0xF7A  }
0x23: {  	s9 =	sor.u32 $0xD0000000, s2;
	s6 =	simm.s32 $0x108;
	_ =	swait.ge @!p0 [sflag:s8], $0x0  }
0x24: {  	s3 =	sadd.s32 $0x88, s3;
	s6 =	simm.s32 @!p1 $0x1082;
	[sflag:s4] =	ssyncset.s32 $0xFFFFF086  }
0x25: {  	[simem:s6], [sflag:s4] =	dma.local [hbm:s3], $0xF7A  }
0x26: {  	[smem:$0x3F9F] =	sst s1;
	(tag) =	ssettag s2;
	_ =	strace s9  }
0x27: {  	s1 =	sld [smem:$0x3FAF]  }
0x28: {  	s2 =	sld [smem:$0x3FB0]  }
0x29: {  	s4 =	sld [smem:$0x3FB2]  }
0x2a: {  	p0 =	seq.s32 s5, $0x0;
	s5 =	sld [smem:$0x3FB3]  }
0x2b: {  	s6 =	sld [smem:$0x3FB4]  }
0x2c: {  	s7 =	sld [smem:$0x3FB5]  }
0x2d: {  	s3 =	simm.s32 $0x108;
	s8 =	sld [smem:$0x3FB6]  }
0x2e: {  	s3 =	simm.s32 @!p0 $0x1082;
	s9 =	sld [smem:$0x3FB7]  }
0x2f: {  	lr =	sadd.s32 s0, s3;
	s0 =	sld [smem:$0x3FAE]  }
0x30: {  	s3 =	sld [smem:$0x3FB1]  }
0x31: {  	[smem:$0x3FBA] =	sst s10  }
0x32: {  	s10 =	sld [smem:$0x3FB8];
	_ =	sdelay $0x3  }
0x33: {  	p0 =	seq.s32 s10, $0x1;
	s10 =	sld [smem:$0x3FBA];
	_ =	sdelay $0x3  }
0x34: {  	[smem:$0x3FBA] =	sst s10  }
0x35: {  	s10 =	sld [smem:$0x3FB9];
	_ =	sdelay $0x3  }
0x36: {  	p1 =	seq.s32 s10, $0x1;
	s10 =	sld [smem:$0x3FBA];
	_ =	sdelay $0x3  }
0x37: {  	[smem:$0x3FBA] =	sst s10  }
0x38: {  	s10 =	sld [smem:$0x3FBB]  }
0x39: {  	_ = 	snop;
	(pc) =	sbr.ind lr, $3  }
0x3a: {  	_ = 	snop  }
0x3b: {  	_ = 	snop  }
0x3c: {  	p2 =	seq.s32 s10, $0x1;
	s10 =	sld [smem:$0x3FBA]  }
0x3d: {  	_ =	shalt  }
0x3e: {  	_ =	shalt  }
0x3f: {  	_ =	shalt  }
0x40: {  	_ =	shalt  }
0x41: {  	_ =	shalt  }
0x42: {  	_ =	shalt  }
0x43: {  	_ =	shalt  }
0x44: {  	_ =	shalt  }
0x45: {  	_ =	shalt  }
0x46: {  	_ =	shalt  }
0x47: {  	_ =	shalt  }
0x48: {  	_ =	shalt  }
0x49: {  	_ =	shalt  }
0x4a: {  	_ =	shalt  }
0x4b: {  	_ =	shalt  }
0x4c: {  	_ =	shalt  }
0x4d: {  	_ =	shalt  }
0x4e: {  	_ =	shalt  }
0x4f: {  	_ =	shalt  }
0x50: {  	_ =	shalt  }
0x51: {  	_ =	shalt  }
0x52: {  	_ =	shalt  }
0x53: {  	_ =	shalt  }
0x54: {  	_ =	shalt  }
0x55: {  	_ =	shalt  }
0x56: {  	_ =	shalt  }
0x57: {  	_ =	shalt  }
0x58: {  	_ =	shalt  }
0x59: {  	_ =	shalt  }
0x5a: {  	_ =	shalt  }
0x5b: {  	_ =	shalt  }
0x5c: {  	_ =	shalt  }
0x5d: {  	_ =	shalt  }
0x5e: {  	_ =	shalt  }
0x5f: {  	_ =	shalt  }
0x60: {  	_ =	shalt  }
0x61: {  	_ =	shalt  }
0x62: {  	_ =	shalt  }
0x63: {  	_ =	shalt  }
0x64: {  	_ =	shalt  }
0x65: {  	_ =	shalt  }
0x66: {  	_ =	shalt  }
0x67: {  	_ =	shalt  }
0x68: {  	_ =	shalt  }
0x69: {  	_ =	shalt  }
0x6a: {  	_ =	shalt  }
0x6b: {  	_ =	shalt  }
0x6c: {  	_ =	shalt  }
0x6d: {  	_ =	shalt  }
0x6e: {  	_ =	shalt  }
0x6f: {  	_ =	shalt  }
0x70: {  	_ =	shalt  }
0x71: {  	_ =	shalt  }
0x72: {  	_ =	shalt  }
0x73: {  	_ =	shalt  }
0x74: {  	_ =	shalt  }
0x75: {  	_ =	shalt  }
0x76: {  	_ =	shalt  }
0x77: {  	_ =	shalt  }
0x78: {  	_ =	shalt  }
0x79: {  	_ =	shalt  }
0x7a: {  	_ =	shalt  }
0x7b: {  	_ =	shalt  }
0x7c: {  	_ =	shalt  }
0x7d: {  	_ =	shalt  }
0x7e: {  	_ =	shalt  }
0x7f: {  	_ =	shalt  }
0x80: {  	_ =	shalt  }
0x81: {  	_ =	shalt  }
0x82: {  	_ =	shalt  }
0x83: {  	_ =	shalt  }
0x84: {  	_ =	shalt  }
0x85: {  	_ =	shalt  }
0x86: {  	_ =	shalt  }
0x87: {  	_ =	shalt  }
.Lfunc_end0:
.L_simem_size_0:
called_computation_lowered:
.L_overlay_start_0:
0x88: {  	s2 =	sld [smem:$0x3FD9]  }
0x89: {  	s3 =	sld [smem:$0x3FFE];
	_ =	sdelay $0x1  }
0x8a: {  	s1 =	srdreg.scid  }
0x8b: {  	s0 =	sand.u32 $0x1, s1  }
0x8c: {  	s17 =	sshll.u32 s0, $0xA;
	s2 =	sadd.s32 s3, s2  }
0x8d: {  	s2 =	sadd.s32 s2, s17  }
0x8e: {  	[smem:$0x3FC6] =	sst s2  }
0x8f: {  	_ = 	snop  }
0x90: {  	s2 =	sld [smem:$0x3FC9]  }
0x91: {  	s18 =	sld [smem:$0x3FD0];
	(tm) =	ssettm $0x1  }
0x92: {  	s4 =	sld [smem:$0x3FFB];
	_ =	sdelay $0x3  }
0x93: {  	_ =	strace s4  }
0x94: {  	s4 =	sld [smem:$0x3FFC];
	_ =	sdelay $0x3  }
0x95: {  	_ =	strace s4  }
0x96: {  	s4 =	sld [smem:$0x3FFD];
	_ =	sdelay $0x3  }
0x97: {  	_ =	strace s4  }
0x98: {  	_ =	strace $0x8FFFFFFF  }
0x99: {  	s19 =	sld [smem:$0x3FDB];
	_ =	sdelay $0x1  }
0x9a: {  	s5 =	simm.s32 $_scs_section_size  }
0x9b: {  	s6 =	simm.s32 $_size__tile_overlayer_lowered;
	s7 =	simm.s32 $_tile_overlayer_lowered  }
0x9c: {  	s22 =	simm.s32 $0x1BFF;
	s21 =	sshll.u32 s7, $0x1;
	s4 =	sadd.s32 s5, s19  }
0x9d: {  	s8 =	simm.s32 $0x0;
	s20 =	sshll.u32 s6, $0x1;
	s6 =	sadd.s32 s21, s4  }
0x9e: {  	[timem:s8], [sflag:s22] =	dma.local [hbm:s6], s20  }
0x9f: {  	_ =	swait.ge [sflag:s22], s20  }
0xa0: {  	s5 =	ssub.s32 $0x0, s20;
	[sflag:s22] =	ssyncset.done $0x0  }
0xa1: {  	[sflag:s22] =	ssyncadd.s32 s5;
	_ =	sdelay $0x1  }
0xa2: {  	s23 =	simm.s32 $0x1B8B  }
0xa3: {  	_ =	swait.ge [sflag:s23], $0x1  }
0xa4: {  	[sflag:s23] =	ssyncset.done $0x0  }
0xa5: {  	s25 =	simm.s32 $0x1B8E;
	s24 =	sld [smem:$0x3FFE];
	[sflag:s23] =	ssyncadd.s32 $0xFFFFFFFF  }
0xa6: {  	s26 =	simm.s32 $execute0_lowered;
	[smem:$0x3FD2] =	sst s25  }
0xa7: {  	s6 =	sshll.u32 s26, $0x1;
	_ =	strace $0x80000046;
	[dreg:$0x1] =	wrdreg $0xFFFFFFFF  }
0xa8: {  	s28 =	simm.s32 $_size_execute0_lowered;
	s4 =	sadd.s32 s4, s6;
	[dreg:$0x0] =	wrdreg $0x0  }
0xa9: {  	s6 =	sshll.u32 s28, $0x1;
	[dreg:$0x2] =	wrdreg s4  }
0xaa: {  	[dreg:$0x3] =	wrdreg s6  }
0xab: {  	[dreg:$0x4] =	wrdreg $0xC0  }
0xac: {  	_ =	task [dreg:s8], $0x5FFFF  }
0xad: {  	[dreg:$0x1] =	wrdreg $0xFFFFFFFF  }
0xae: {  	[dreg:$0x0] =	wrdreg $0x60  }
0xaf: {  	[dreg:$0x2] =	wrdreg s2  }
0xb0: {  	[dreg:$0x3] =	wrdreg s24  }
0xb1: {  	[dreg:$0x4] =	wrdreg s18  }
0xb2: {  	[dreg:$0x5] =	wrdreg $0x9  }
0xb3: {  	_ =	task.clear_ibuf [dreg:s8], $0x6FFFF;
	_ =	strace $0x90000046  }
0xb4: {  	s29 =	simm.s32 $0x9;
	_ =	strace $0x80000048  }
0xb5: {  	_ =	swait.ge [sflag:s29], $0x1  }
0xb6: {  	[sflag:s29] =	ssyncadd.s32 $0xFFFFFFFF  }
0xb7: {  	_ =	strace $0x90000048  }
0xb8: {  	_ =	sfence  }
0xb9: {  	s30 =	sld [smem:$0x0];
	_ =	sdelay $0x2  }
0xba: {  	s31 =	sshll.u32 s1, $0xD;
	s1 =	sshrl.u32 s1, $0x2  }
0xbb: {  	s3 =	sand.u32 $0x4000, s31;
	s1 =	sadd.s32 s1, s30  }
0xbc: {  	s0 =	sor.u32 s3, s0;
	s1 =	sshll.u32 s1, $0x11  }
0xbd: {  	s0 =	sor.u32 s1, s0  }
0xbe: {  	s0 =	sadd.s32 $0x8F2B, s0  }
0xbf: {  	[sflag:s0] =	ssyncadd.remote.s32 $0x1  }
0xc0: {  	_ =	sfence.sel $0xFFFF  }
0xc1: {  	[dreg:$0x0] =	wrdreg $0xFFFFFFFF;
	(pc) =	sbr.abs _section_cstart, $3  }
0xc2: {  	[dreg:$0x1] =	wrdreg $0xFFFFFFFF  }
0xc3: {  	_ =	task.clear_ibuf [dreg:s8], $0x2FFFF;
	_ =	strace $0x9FFFFFFF  }
0xc4: {  	(tm) =	ssettm $0x7FFFFFFF  }
0xc5: {  	_ =	shalt  }
tec
execute0_lowered:
.L_overlay_start_1:
0x0: {  	(tag) =	ssettag $0x1  }
0x1: {  	s1 =	rddreg [dreg:$0x0]  }
0x2: {  	s2 =	srdreg.scid;
	s7 =	stileid.u32  }
0x3: {  	s0 =	rddreg [dreg:$0x1];
	s2 =	sand.u32 $0x1, s2;
	s3 =	sshll.u32 s7, $0x1  }
0x4: {  	s4 =	rddreg [dreg:$0x2];
	s7 =	sshrl.u32 s7, $0x2;
	s5 =	sor.u32 s2, s3  }
0x5: {  	s3 =	simm.s32 $0x0;
	s6 =	sshll.u32 s5, $0x10;
	s5 =	sshll.u32 s5, $0x9  }
0x6: {  	s8 =	sshll.u32 s7, $0x13;
	s6 =	sand.u32 $0x70000, s6;
	s0 =	sadd.s32 s5, s0  }
0x7: {  	[smem:$0x7FF] =	sst s3;
	s12 =	sor.u32 s8, s6;
	s0 =	sadd.s32 $0x400, s0  }
0x8: {  	_ =	strace $0x80000047;
	s8 =	sadd.s32 s4, s12;
	[dreg:$0x4] =	wrdreg s0  }
0x9: {  	s13 =	sadd.s32 $0x1000, s8;
	[dreg:$0x14] =	wrdreg s8  }
0xa: {  	s14 =	sadd.s32 $0x2000, s8;
	[dreg:$0x5] =	wrdreg s13  }
0xb: {  	s15 =	sadd.s32 $0x3000, s8;
	[dreg:$0x6] =	wrdreg s14  }
0xc: {  	s16 =	sadd.s32 $0x4000, s8;
	[dreg:$0x7] =	wrdreg s15  }
0xd: {  	s17 =	sadd.s32 $0x5000, s8;
	[dreg:$0x8] =	wrdreg s16  }
0xe: {  	s18 =	sadd.s32 $0x6000, s8;
	[dreg:$0x9] =	wrdreg s17  }
0xf: {  	s10 =	simm.s32 $0x1000;
	s19 =	sadd.s32 $0x7000, s8;
	[dreg:$0xa] =	wrdreg s18  }
0x10: {  	s26 =	simm.s32 $0x9000;
	s20 =	sadd.s32 $0x8000, s8;
	[dreg:$0xb] =	wrdreg s19  }
0x11: {  	s2 =	ssub.s32 $0x2, s2;
	s21 =	sadd.s32 $0x9000, s8;
	[dreg:$0xc] =	wrdreg s20  }
0x12: {  	s25 =	sshll.u32 s7, $0xB;
	s23 =	sadd.s32 $0xA000, s8;
	[dreg:$0xd] =	wrdreg s21  }
0x13: {  	s7 =	sadd.s32 $0x300, s1;
	s24 =	sadd.s32 $0xB000, s8;
	[dreg:$0xe] =	wrdreg s23  }
0x14: {  	s22 =	sshrl.u32 s2, $0x1;
	s28 =	sadd.s32 $0xC000, s8;
	[dreg:$0xf] =	wrdreg s24  }
0x15: {  	s2 =	ssub.s32 s2, s22;
	s29 =	sadd.s32 $0xD000, s8;
	[dreg:$0x10] =	wrdreg s28  }
0x16: {  	s5 =	sadd.s32 $0x100, s1;
	s30 =	sadd.s32 $0xE000, s8;
	[dreg:$0x11] =	wrdreg s29  }
0x17: {  	v3 =	vlaneseq.u32;
	s6 =	sadd.s32 $0x200, s1;
	s31 =	sadd.s32 $0xF000, s8;
	[dreg:$0x12] =	wrdreg s30  }
0x18: {  	vm0 =	vmmov $0xffff;
	v1 =	vand.u32 $0x7, v3;
	v2 =	vshrl.u32 v3, $0x3;
	s0 =	smax.u32 s2, $0x1;
	[dreg:$0x13] =	wrdreg s31;
	s18 =	simm.s32 $0x1  }
0x19: {  	v3 =	vor.u32 $0x8, v3;
	v2 =	vmul.u32 $0x8, v2;
	v0 =	vmov s25;
	s19 =	simm.s32 $0x3;
	s20 =	simm.s32 $0x2;
	s21 =	simm.s32 $0x4  }
.LBB2_1:
0x1a: {  	[dreg:$0x15] =	wrdreg s0  }
0x1b: {  	s22 =	rddreg [dreg:$0x4];
	s14 =	simm.s32 $0x5  }
0x1c: {  	[tilespmem:s3], [sflag:$0x5] =	stream.linear.gather [hbm4b:s22+s3], $0x1000, $0x38;
	[tilespmem:$0x11000] =	vst v63  }
0x1d: {  	_ =	swait.ge [sflag:s14], $0x1000  }
0x1e: {  	[sflag:s14] =	ssyncset.done $0x0  }
0x1f: {  	[sflag:s14] =	ssyncadd.s32 $0xFFFFF000  }
0x20: {  	v4 =	vld [tilespmem:$0x0]  }
0x21: {  	v5 =	vld [tilespmem:$0x80]  }
0x22: {  	v6 =	vld [tilespmem:$0x100]  }
0x23: {  	v7 =	vld [tilespmem:$0x180]  }
0x24: {  	v8 =	vld [tilespmem:$0x200]  }
0x25: {  	v10 =	vld [tilespmem:$0x280];
	v9 =	vadd.s32 v0, v4  }
0x26: {  	v11 =	vld [tilespmem:$0x300];
	v5 =	vadd.s32 v0, v5;
	[tilespmem:$0x0] =	vst v9  }
0x27: {  	v37 =	vld [tilespmem:$0x380];
	[tilespmem:$0x80] =	vst v5;
	v5 =	vadd.s32 v0, v6  }
0x28: {  	v38 =	vld [tilespmem:$0x400];
	[tilespmem:$0x100] =	vst v5;
	v5 =	vadd.s32 v0, v7  }
0x29: {  	v39 =	vld [tilespmem:$0x480];
	[tilespmem:$0x180] =	vst v5;
	v5 =	vadd.s32 v0, v8  }
0x2a: {  	v40 =	vld [tilespmem:$0x500];
	[tilespmem:$0x200] =	vst v5;
	v5 =	vadd.s32 v0, v10  }
0x2b: {  	v41 =	vld [tilespmem:$0x580];
	[tilespmem:$0x280] =	vst v5;
	v5 =	vadd.s32 v0, v11  }
0x2c: {  	v42 =	vld [tilespmem:$0x600];
	[tilespmem:$0x300] =	vst v5;
	v5 =	vadd.s32 v0, v37  }
0x2d: {  	v43 =	vld [tilespmem:$0x680];
	[tilespmem:$0x380] =	vst v5;
	v5 =	vadd.s32 v0, v38  }
0x2e: {  	v44 =	vld [tilespmem:$0x700];
	[tilespmem:$0x400] =	vst v5;
	v5 =	vadd.s32 v0, v39  }
0x2f: {  	v45 =	vld [tilespmem:$0x780];
	[tilespmem:$0x480] =	vst v5;
	v5 =	vadd.s32 v0, v40  }
0x30: {  	v46 =	vld [tilespmem:$0x800];
	[tilespmem:$0x500] =	vst v5;
	v5 =	vadd.s32 v0, v41  }
0x31: {  	v47 =	vld [tilespmem:$0x880];
	[tilespmem:$0x580] =	vst v5;
	v5 =	vadd.s32 v0, v42  }
0x32: {  	v48 =	vld [tilespmem:$0x900];
	[tilespmem:$0x600] =	vst v5;
	v5 =	vadd.s32 v0, v43  }
0x33: {  	v49 =	vld [tilespmem:$0x980];
	[tilespmem:$0x680] =	vst v5;
	v5 =	vadd.s32 v0, v44  }
0x34: {  	v50 =	vld [tilespmem:$0xA00];
	[tilespmem:$0x700] =	vst v5;
	v5 =	vadd.s32 v0, v45  }
0x35: {  	v51 =	vld [tilespmem:$0xA80];
	[tilespmem:$0x780] =	vst v5;
	v5 =	vadd.s32 v0, v46  }
0x36: {  	v52 =	vld [tilespmem:$0xB00];
	[tilespmem:$0x800] =	vst v5;
	v5 =	vadd.s32 v0, v47  }
0x37: {  	v53 =	vld [tilespmem:$0xB80];
	[tilespmem:$0x880] =	vst v5;
	v5 =	vadd.s32 v0, v48  }
0x38: {  	v54 =	vld [tilespmem:$0xC00];
	[tilespmem:$0x900] =	vst v5;
	v5 =	vadd.s32 v0, v49  }
0x39: {  	v55 =	vld [tilespmem:$0xC80];
	[tilespmem:$0x980] =	vst v5;
	v5 =	vadd.s32 v0, v50  }
0x3a: {  	v56 =	vld [tilespmem:$0xD00];
	[tilespmem:$0xA00] =	vst v5;
	v5 =	vadd.s32 v0, v51  }
0x3b: {  	v57 =	vld [tilespmem:$0xD80];
	[tilespmem:$0xA80] =	vst v5;
	v5 =	vadd.s32 v0, v52  }
0x3c: {  	v58 =	vld [tilespmem:$0xE00];
	v9 =	vshll.u32 v9, $0x3;
	[tilespmem:$0xB00] =	vst v5;
	v5 =	vadd.s32 v0, v53  }
0x3d: {  	v59 =	vld [tilespmem:$0xE80];
	v4 =	vand.u32 $0x7, v4;
	v9 =	vand.u32 $0xFFFFFFC0, v9;
	[tilespmem:$0xB80] =	vst v5;
	v5 =	vadd.s32 v0, v54  }
0x3e: {  	v60 =	vld [tilespmem:$0xF00];
	v4 =	vor.u32 v4, v9;
	[tilespmem:$0xC00] =	vst v5;
	v5 =	vadd.s32 v0, v55  }
0x3f: {  	v61 =	vld [tilespmem:$0xF80];
	v62 =	vperm.xlane v4, v1;
	[tilespmem:$0xC80] =	vst v5;
	v5 =	vadd.s32 v0, v56  }
0x40: {  	[tilespmem:$0xD00] =	vst v5;
	v5 =	vadd.s32 v0, v57  }
0x41: {  	v63 =	vadd.s32 v2, v62;
	[tilespmem:$0xD80] =	vst v5;
	v5 =	vadd.s32 v0, v58  }
0x42: {  	[tilespmem:$0xE00] =	vst v5;
	v5 =	vadd.s32 v0, v59  }
0x43: {  	[tilespmem:$0xE80] =	vst v5;
	v5 =	vadd.s32 v0, v60  }
0x44: {  	[tilespmem:$0xF00] =	vst v5;
	v5 =	vadd.s32 v0, v61  }
0x45: {  	[tilespmem:$0xF80] =	vst v5  }
0x46: {  	[tilespmem:s10], [sflag:$0x1] =	stream.indirect_vreg.gather [hbm4b:s1+s3], $0x80, v63, vm0, $0xb8;
	[tilespmem:$0x11000] =	vst v63  }
0x47: {  	s15 =	simm.s32 $0x1800;
	v4 =	vperm.xlane v4, v3  }
0x48: {  	[tilespmem:s15], [sflag:$0x1] =	stream.indirect_vreg.gather [hbm4b:s5+s3], $0x80, v63, vm0, $0xb8;
	[tilespmem:$0x11000] =	vst v63  }
0x49: {  	s16 =	simm.s32 $0x2000;
	v4 =	vadd.s32 v2, v4  }
0x4a: {  	[tilespmem:s16], [sflag:$0x1] =	stream.indirect_vreg.gather [hbm4b:s6+s3], $0x80, v63, vm0, $0xb8;
	[tilespmem:$0x11000] =	vst v63  }
0x4b: {  	s17 =	simm.s32 $0x2800  }
0x4c: {  	[tilespmem:s17], [sflag:$0x1] =	stream.indirect_vreg.gather [hbm4b:s7+s3], $0x80, v63, vm0, $0xb8;
	[tilespmem:$0x11000] =	vst v63  }
0x4d: {  	s22 =	simm.s32 $0x5000  }
0x4e: {  	[tilespmem:s22], [sflag:$0x1] =	stream.indirect_vreg.gather [hbm4b:s1+s3], $0x80, v4, vm0, $0xb8;
	[tilespmem:$0x11000] =	vst v63  }
0x4f: {  	s23 =	simm.s32 $0x5800  }
0x50: {  	[tilespmem:s23], [sflag:$0x1] =	stream.indirect_vreg.gather [hbm4b:s5+s3], $0x80, v4, vm0, $0xb8;
	[tilespmem:$0x11000] =	vst v63  }
0x51: {  	s24 =	simm.s32 $0x6000  }
0x52: {  	[tilespmem:s24], [sflag:$0x1] =	stream.indirect_vreg.gather [hbm4b:s6+s3], $0x80, v4, vm0, $0xb8;
	[tilespmem:$0x11000] =	vst v63  }
0x53: {  	s28 =	simm.s32 $0x6800  }
0x54: {  	[tilespmem:s28], [sflag:$0x1] =	stream.indirect_vreg.gather [hbm4b:s7+s3], $0x80, v4, vm0, $0xb8;
	[tilespmem:$0x11000] =	vst v63  }
0x55: {  	v4 =	vld [tilespmem:$0x80];
	_ =	sdelay $0x4  }
0x56: {  	v5 =	vshll.u32 v4, $0x3  }
0x57: {  	v4 =	vand.u32 $0x7, v4;
	v5 =	vand.u32 $0xFFFFFFC0, v5  }
0x58: {  	v4 =	vor.u32 v4, v5  }
0x59: {  	v5 =	vperm.xlane v4, v1;
	_ =	sdelay $0x1  }
0x5a: {  	v5 =	vadd.s32 v2, v5;
	_ =	sdelay $0x3  }
0x5b: {  	s31 =	simm.s32 $0x3000  }
0x5c: {  	[tilespmem:s31], [sflag:$0x1] =	stream.indirect_vreg.gather [hbm4b:s1+s3], $0x80, v5, vm0, $0xb8;
	[tilespmem:$0x11000] =	vst v63  }
0x5d: {  	s8 =	simm.s32 $0x3800;
	v4 =	vperm.xlane v4, v3  }
0x5e: {  	[tilespmem:s8], [sflag:$0x1] =	stream.indirect_vreg.gather [hbm4b:s5+s3], $0x80, v5, vm0, $0xb8;
	[tilespmem:$0x11000] =	vst v63  }
0x5f: {  	s9 =	simm.s32 $0x4000;
	v4 =	vadd.s32 v2, v4  }
0x60: {  	[tilespmem:s9], [sflag:$0x1] =	stream.indirect_vreg.gather [hbm4b:s6+s3], $0x80, v5, vm0, $0xb8;
	[tilespmem:$0x11000] =	vst v63  }
0x61: {  	s11 =	simm.s32 $0x4800  }
0x62: {  	[tilespmem:s11], [sflag:$0x1] =	stream.indirect_vreg.gather [hbm4b:s7+s3], $0x80, v5, vm0, $0xb8;
	[tilespmem:$0x11000] =	vst v63  }
0x63: {  	s12 =	simm.s32 $0x7000  }
0x64: {  	[tilespmem:s12], [sflag:$0x1] =	stream.indirect_vreg.gather [hbm4b:s1+s3], $0x80, v4, vm0, $0xb8;
	[tilespmem:$0x11000] =	vst v63  }
0x65: {  	s13 =	simm.s32 $0x7800  }
0x66: {  	[tilespmem:s13], [sflag:$0x1] =	stream.indirect_vreg.gather [hbm4b:s5+s3], $0x80, v4, vm0, $0xb8;
	[tilespmem:$0x11000] =	vst v63  }
0x67: {  	s14 =	simm.s32 $0x8000  }
0x68: {  	[tilespmem:s14], [sflag:$0x1] =	stream.indirect_vreg.gather [hbm4b:s6+s3], $0x80, v4, vm0, $0xb8;
	[tilespmem:$0x11000] =	vst v63  }
0x69: {  	s15 =	simm.s32 $0x8800  }
0x6a: {  	[tilespmem:s15], [sflag:$0x1] =	stream.indirect_vreg.gather [hbm4b:s7+s3], $0x80, v4, vm0, $0xb8;
	[tilespmem:$0x11000] =	vst v63  }
0x6b: {  	v4 =	vld [tilespmem:$0x100];
	_ =	sdelay $0x4  }
0x6c: {  	v5 =	vshll.u32 v4, $0x3  }
0x6d: {  	v4 =	vand.u32 $0x7, v4;
	v5 =	vand.u32 $0xFFFFFFC0, v5  }
0x6e: {  	v4 =	vor.u32 v4, v5  }
0x6f: {  	v5 =	vperm.xlane v4, v1;
	_ =	sdelay $0x1  }
0x70: {  	v5 =	vadd.s32 v2, v5;
	_ =	sdelay $0x4  }
0x71: {  	[tilespmem:s26], [sflag:$0x2] =	stream.indirect_vreg.gather [hbm4b:s1+s3], $0x80, v5, vm0, $0xb8;
	[tilespmem:$0x11000] =	vst v63  }
0x72: {  	s16 =	simm.s32 $0x9800;
	v4 =	vperm.xlane v4, v3  }
0x73: {  	[tilespmem:s16], [sflag:$0x2] =	stream.indirect_vreg.gather [hbm4b:s5+s3], $0x80, v5, vm0, $0xb8;
	[tilespmem:$0x11000] =	vst v63  }
0x74: {  	s17 =	simm.s32 $0xA000;
	v4 =	vadd.s32 v2, v4  }
0x75: {  	[tilespmem:s17], [sflag:$0x2] =	stream.indirect_vreg.gather [hbm4b:s6+s3], $0x80, v5, vm0, $0xb8;
	[tilespmem:$0x11000] =	vst v63  }
0x76: {  	s22 =	simm.s32 $0xA800  }
0x77: {  	[tilespmem:s22], [sflag:$0x2] =	stream.indirect_vreg.gather [hbm4b:s7+s3], $0x80, v5, vm0, $0xb8;
	[tilespmem:$0x11000] =	vst v63  }
0x78: {  	s23 =	simm.s32 $0xD000  }
0x79: {  	[tilespmem:s23], [sflag:$0x2] =	stream.indirect_vreg.gather [hbm4b:s1+s3], $0x80, v4, vm0, $0xb8;
	[tilespmem:$0x11000] =	vst v63  }
0x7a: {  	s24 =	simm.s32 $0xD800  }
0x7b: {  	[tilespmem:s24], [sflag:$0x2] =	stream.indirect_vreg.gather [hbm4b:s5+s3], $0x80, v4, vm0, $0xb8;
	[tilespmem:$0x11000] =	vst v63  }
0x7c: {  	s28 =	simm.s32 $0xE000  }
0x7d: {  	[tilespmem:s28], [sflag:$0x2] =	stream.indirect_vreg.gather [hbm4b:s6+s3], $0x80, v4, vm0, $0xb8;
	[tilespmem:$0x11000] =	vst v63  }
0x7e: {  	s0 =	simm.s32 $0xE800  }
0x7f: {  	[tilespmem:s0], [sflag:$0x2] =	stream.indirect_vreg.gather [hbm4b:s7+s3], $0x80, v4, vm0, $0xb8;
	[tilespmem:$0x11000] =	vst v63  }
0x80: {  	v4 =	vld [tilespmem:$0x180];
	_ =	sdelay $0x4  }
0x81: {  	v5 =	vshll.u32 v4, $0x3  }
0x82: {  	v4 =	vand.u32 $0x7, v4;
	v5 =	vand.u32 $0xFFFFFFC0, v5  }
0x83: {  	v4 =	vor.u32 v4, v5  }
0x84: {  	v5 =	vperm.xlane v4, v1;
	_ =	sdelay $0x1  }
0x85: {  	v5 =	vadd.s32 v2, v5;
	_ =	sdelay $0x3  }
0x86: {  	s8 =	simm.s32 $0xB000  }
0x87: {  	[tilespmem:s8], [sflag:$0x2] =	stream.indirect_vreg.gather [hbm4b:s1+s3], $0x80, v5, vm0, $0xb8;
	[tilespmem:$0x11000] =	vst v63  }
0x88: {  	s9 =	simm.s32 $0xB800;
	v4 =	vperm.xlane v4, v3  }
0x89: {  	[tilespmem:s9], [sflag:$0x2] =	stream.indirect_vreg.gather [hbm4b:s5+s3], $0x80, v5, vm0, $0xb8;
	[tilespmem:$0x11000] =	vst v63  }
0x8a: {  	s11 =	simm.s32 $0xC000;
	v4 =	vadd.s32 v2, v4  }
0x8b: {  	[tilespmem:s11], [sflag:$0x2] =	stream.indirect_vreg.gather [hbm4b:s6+s3], $0x80, v5, vm0, $0xb8;
	[tilespmem:$0x11000] =	vst v63  }
0x8c: {  	s12 =	simm.s32 $0xC800  }
0x8d: {  	[tilespmem:s12], [sflag:$0x2] =	stream.indirect_vreg.gather [hbm4b:s7+s3], $0x80, v5, vm0, $0xb8;
	[tilespmem:$0x11000] =	vst v63  }
0x8e: {  	s13 =	simm.s32 $0xF000  }
0x8f: {  	[tilespmem:s13], [sflag:$0x2] =	stream.indirect_vreg.gather [hbm4b:s1+s3], $0x80, v4, vm0, $0xb8;
	[tilespmem:$0x11000] =	vst v63  }
0x90: {  	s24 =	simm.s32 $0xF800  }
0x91: {  	[tilespmem:s24], [sflag:$0x2] =	stream.indirect_vreg.gather [hbm4b:s5+s3], $0x80, v4, vm0, $0xb8;
	[tilespmem:$0x11000] =	vst v63  }
0x92: {  	s28 =	simm.s32 $0x10000  }
0x93: {  	[tilespmem:s28], [sflag:$0x2] =	stream.indirect_vreg.gather [hbm4b:s6+s3], $0x80, v4, vm0, $0xb8;
	[tilespmem:$0x11000] =	vst v63  }
0x94: {  	s0 =	simm.s32 $0x10800  }
0x95: {  	[tilespmem:s0], [sflag:$0x2] =	stream.indirect_vreg.gather [hbm4b:s7+s3], $0x80, v4, vm0, $0xb8;
	[tilespmem:$0x11000] =	vst v63  }
0x96: {  	_ =	swait.ge [sflag:s18], $0x4000  }
0x97: {  	[sflag:s18] =	ssyncset.done $0x0  }
0x98: {  	[sflag:s18] =	ssyncadd.s32 $0xFFFFC000  }
0x99: {  	_ =	swait.ge [sflag:s18], $0x4000  }
0x9a: {  	[sflag:s18] =	ssyncset.done $0x0  }
0x9b: {  	s8 =	rddreg [dreg:$0x14];
	[sflag:s18] =	ssyncadd.s32 $0xFFFFC000  }
0x9c: {  	[hbm4b:s8+s3] =	stream.linear.scatter [tilespmem:s10], [sflag:$0x3], $0x8000, $0x38;
	[tilespmem:$0x11000] =	vst v63  }
0x9d: {  	_ =	swait.ge [sflag:s19], $0x8000  }
0x9e: {  	[sflag:s19] =	ssyncset.done $0x0  }
0x9f: {  	[sflag:s19] =	ssyncadd.s32 $0xFFFF8000  }
0xa0: {  	v4 =	vld [tilespmem:$0x200];
	_ =	sdelay $0x4  }
0xa1: {  	v5 =	vshll.u32 v4, $0x3  }
0xa2: {  	v4 =	vand.u32 $0x7, v4;
	v5 =	vand.u32 $0xFFFFFFC0, v5  }
0xa3: {  	v4 =	vor.u32 v4, v5  }
0xa4: {  	v5 =	vperm.xlane v4, v1;
	_ =	sdelay $0x1  }
0xa5: {  	v5 =	vadd.s32 v2, v5;
	_ =	sdelay $0x4  }
0xa6: {  	[tilespmem:s10], [sflag:$0x1] =	stream.indirect_vreg.gather [hbm4b:s1+s3], $0x80, v5, vm0, $0xb8;
	[tilespmem:$0x11000] =	vst v63  }
0xa7: {  	s25 =	simm.s32 $0x1800;
	v4 =	vperm.xlane v4, v3  }
0xa8: {  	[tilespmem:s25], [sflag:$0x1] =	stream.indirect_vreg.gather [hbm4b:s5+s3], $0x80, v5, vm0, $0xb8;
	[tilespmem:$0x11000] =	vst v63  }
0xa9: {  	v4 =	vadd.s32 v2, v4;
	s25 =	simm.s32 $0x2000  }
0xaa: {  	[tilespmem:s25], [sflag:$0x1] =	stream.indirect_vreg.gather [hbm4b:s6+s3], $0x80, v5, vm0, $0xb8;
	[tilespmem:$0x11000] =	vst v63  }
0xab: {  	s28 =	simm.s32 $0x2800  }
0xac: {  	[tilespmem:s28], [sflag:$0x1] =	stream.indirect_vreg.gather [hbm4b:s7+s3], $0x80, v5, vm0, $0xb8;
	[tilespmem:$0x11000] =	vst v63  }
0xad: {  	s2 =	simm.s32 $0x5000  }
0xae: {  	[tilespmem:s2], [sflag:$0x1] =	stream.indirect_vreg.gather [hbm4b:s1+s3], $0x80, v4, vm0, $0xb8;
	[tilespmem:$0x11000] =	vst v63  }
0xaf: {  	s29 =	simm.s32 $0x5800  }
0xb0: {  	[tilespmem:s29], [sflag:$0x1] =	stream.indirect_vreg.gather [hbm4b:s5+s3], $0x80, v4, vm0, $0xb8;
	[tilespmem:$0x11000] =	vst v63  }
0xb1: {  	s30 =	simm.s32 $0x6000  }
0xb2: {  	[tilespmem:s30], [sflag:$0x1] =	stream.indirect_vreg.gather [hbm4b:s6+s3], $0x80, v4, vm0, $0xb8;
	[tilespmem:$0x11000] =	vst v63  }
0xb3: {  	s4 =	simm.s32 $0x6800  }
0xb4: {  	[tilespmem:s4], [sflag:$0x1] =	stream.indirect_vreg.gather [hbm4b:s7+s3], $0x80, v4, vm0, $0xb8;
	[tilespmem:$0x11000] =	vst v63  }
0xb5: {  	v4 =	vld [tilespmem:$0x280];
	_ =	sdelay $0x4  }
0xb6: {  	v5 =	vshll.u32 v4, $0x3  }
0xb7: {  	v4 =	vand.u32 $0x7, v4;
	v5 =	vand.u32 $0xFFFFFFC0, v5  }
0xb8: {  	v4 =	vor.u32 v4, v5  }
0xb9: {  	v5 =	vperm.xlane v4, v1;
	_ =	sdelay $0x1  }
0xba: {  	v5 =	vadd.s32 v2, v5;
	_ =	sdelay $0x3  }
0xbb: {  	s31 =	simm.s32 $0x3000  }
0xbc: {  	[tilespmem:s31], [sflag:$0x1] =	stream.indirect_vreg.gather [hbm4b:s1+s3], $0x80, v5, vm0, $0xb8;
	[tilespmem:$0x11000] =	vst v63  }
0xbd: {  	s4 =	simm.s32 $0x3800;
	v4 =	vperm.xlane v4, v3  }
0xbe: {  	[tilespmem:s4], [sflag:$0x1] =	stream.indirect_vreg.gather [hbm4b:s5+s3], $0x80, v5, vm0, $0xb8;
	[tilespmem:$0x11000] =	vst v63  }
0xbf: {  	s29 =	simm.s32 $0x4000;
	v4 =	vadd.s32 v2, v4  }
0xc0: {  	[tilespmem:s29], [sflag:$0x1] =	stream.indirect_vreg.gather [hbm4b:s6+s3], $0x80, v5, vm0, $0xb8;
	[tilespmem:$0x11000] =	vst v63  }
0xc1: {  	s30 =	simm.s32 $0x4800  }
0xc2: {  	[tilespmem:s30], [sflag:$0x1] =	stream.indirect_vreg.gather [hbm4b:s7+s3], $0x80, v5, vm0, $0xb8;
	[tilespmem:$0x11000] =	vst v63  }
0xc3: {  	s31 =	simm.s32 $0x7000  }
0xc4: {  	[tilespmem:s31], [sflag:$0x1] =	stream.indirect_vreg.gather [hbm4b:s1+s3], $0x80, v4, vm0, $0xb8;
	[tilespmem:$0x11000] =	vst v63  }
0xc5: {  	s0 =	simm.s32 $0x7800  }
0xc6: {  	[tilespmem:s0], [sflag:$0x1] =	stream.indirect_vreg.gather [hbm4b:s5+s3], $0x80, v4, vm0, $0xb8;
	[tilespmem:$0x11000] =	vst v63  }
0xc7: {  	s2 =	simm.s32 $0x8000  }
0xc8: {  	[tilespmem:s2], [sflag:$0x1] =	stream.indirect_vreg.gather [hbm4b:s6+s3], $0x80, v4, vm0, $0xb8;
	[tilespmem:$0x11000] =	vst v63  }
0xc9: {  	s8 =	simm.s32 $0x8800  }
0xca: {  	[tilespmem:s8], [sflag:$0x1] =	stream.indirect_vreg.gather [hbm4b:s7+s3], $0x80, v4, vm0, $0xb8;
	[tilespmem:$0x11000] =	vst v63  }
0xcb: {  	_ =	swait.ge [sflag:s20], $0x4000  }
0xcc: {  	[sflag:s20] =	ssyncset.done $0x0  }
0xcd: {  	[sflag:s20] =	ssyncadd.s32 $0xFFFFC000  }
0xce: {  	_ =	swait.ge [sflag:s20], $0x4000  }
0xcf: {  	[sflag:s20] =	ssyncset.done $0x0  }
0xd0: {  	s22 =	rddreg [dreg:$0x5];
	[sflag:s20] =	ssyncadd.s32 $0xFFFFC000  }
0xd1: {  	[hbm4b:s22+s3] =	stream.linear.scatter [tilespmem:s26], [sflag:$0x4], $0x8000, $0x38;
	[tilespmem:$0x11000] =	vst v63  }
0xd2: {  	_ =	swait.ge [sflag:s21], $0x8000  }
0xd3: {  	[sflag:s21] =	ssyncset.done $0x0  }
0xd4: {  	[sflag:s21] =	ssyncadd.s32 $0xFFFF8000  }
0xd5: {  	v4 =	vld [tilespmem:$0x300];
	_ =	sdelay $0x4  }
0xd6: {  	v5 =	vshll.u32 v4, $0x3  }
0xd7: {  	v4 =	vand.u32 $0x7, v4;
	v5 =	vand.u32 $0xFFFFFFC0, v5  }
0xd8: {  	v4 =	vor.u32 v4, v5  }
0xd9: {  	v5 =	vperm.xlane v4, v1;
	_ =	sdelay $0x1  }
0xda: {  	v5 =	vadd.s32 v2, v5;
	_ =	sdelay $0x4  }
0xdb: {  	[tilespmem:s26], [sflag:$0x2] =	stream.indirect_vreg.gather [hbm4b:s1+s3], $0x80, v5, vm0, $0xb8;
	[tilespmem:$0x11000] =	vst v63  }
0xdc: {  	s14 =	simm.s32 $0x9800;
	v4 =	vperm.xlane v4, v3  }
0xdd: {  	[tilespmem:s14], [sflag:$0x2] =	stream.indirect_vreg.gather [hbm4b:s5+s3], $0x80, v5, vm0, $0xb8;
	[tilespmem:$0x11000] =	vst v63  }
0xde: {  	v4 =	vadd.s32 v2, v4;
	s14 =	simm.s32 $0xA000  }
0xdf: {  	[tilespmem:s14], [sflag:$0x2] =	stream.indirect_vreg.gather [hbm4b:s6+s3], $0x80, v5, vm0, $0xb8;
	[tilespmem:$0x11000] =	vst v63  }
0xe0: {  	s15 =	simm.s32 $0xA800  }
0xe1: {  	[tilespmem:s15], [sflag:$0x2] =	stream.indirect_vreg.gather [hbm4b:s7+s3], $0x80, v5, vm0, $0xb8;
	[tilespmem:$0x11000] =	vst v63  }
0xe2: {  	s22 =	simm.s32 $0xD000  }
0xe3: {  	[tilespmem:s22], [sflag:$0x2] =	stream.indirect_vreg.gather [hbm4b:s1+s3], $0x80, v4, vm0, $0xb8;
	[tilespmem:$0x11000] =	vst v63  }
0xe4: {  	s22 =	simm.s32 $0xD800  }
0xe5: {  	[tilespmem:s22], [sflag:$0x2] =	stream.indirect_vreg.gather [hbm4b:s5+s3], $0x80, v4, vm0, $0xb8;
	[tilespmem:$0x11000] =	vst v63  }
0xe6: {  	s22 =	simm.s32 $0xE000  }
0xe7: {  	[tilespmem:s22], [sflag:$0x2] =	stream.indirect_vreg.gather [hbm4b:s6+s3], $0x80, v4, vm0, $0xb8;
	[tilespmem:$0x11000] =	vst v63  }
0xe8: {  	s16 =	simm.s32 $0xE800  }
0xe9: {  	[tilespmem:s16], [sflag:$0x2] =	stream.indirect_vreg.gather [hbm4b:s7+s3], $0x80, v4, vm0, $0xb8;
	[tilespmem:$0x11000] =	vst v63  }
0xea: {  	v4 =	vld [tilespmem:$0x380];
	_ =	sdelay $0x4  }
0xeb: {  	v5 =	vshll.u32 v4, $0x3  }
0xec: {  	v4 =	vand.u32 $0x7, v4;
	v5 =	vand.u32 $0xFFFFFFC0, v5  }
0xed: {  	v4 =	vor.u32 v4, v5  }
0xee: {  	v5 =	vperm.xlane v4, v1;
	_ =	sdelay $0x1  }
0xef: {  	v5 =	vadd.s32 v2, v5;
	_ =	sdelay $0x3  }
0xf0: {  	s17 =	simm.s32 $0xB000  }
0xf1: {  	[tilespmem:s17], [sflag:$0x2] =	stream.indirect_vreg.gather [hbm4b:s1+s3], $0x80, v5, vm0, $0xb8;
	[tilespmem:$0x11000] =	vst v63  }
0xf2: {  	s23 =	simm.s32 $0xB800;
	v4 =	vperm.xlane v4, v3  }
0xf3: {  	[tilespmem:s23], [sflag:$0x2] =	stream.indirect_vreg.gather [hbm4b:s5+s3], $0x80, v5, vm0, $0xb8;
	[tilespmem:$0x11000] =	vst v63  }
0xf4: {  	s22 =	simm.s32 $0xC000;
	v4 =	vadd.s32 v2, v4  }
0xf5: {  	[tilespmem:s22], [sflag:$0x2] =	stream.indirect_vreg.gather [hbm4b:s6+s3], $0x80, v5, vm0, $0xb8;
	[tilespmem:$0x11000] =	vst v63  }
0xf6: {  	s9 =	simm.s32 $0xC800  }
0xf7: {  	[tilespmem:s9], [sflag:$0x2] =	stream.indirect_vreg.gather [hbm4b:s7+s3], $0x80, v5, vm0, $0xb8;
	[tilespmem:$0x11000] =	vst v63  }
0xf8: {  	s11 =	simm.s32 $0xF000  }
0xf9: {  	[tilespmem:s11], [sflag:$0x2] =	stream.indirect_vreg.gather [hbm4b:s1+s3], $0x80, v4, vm0, $0xb8;
	[tilespmem:$0x11000] =	vst v63  }
0xfa: {  	s12 =	simm.s32 $0xF800  }
0xfb: {  	[tilespmem:s12], [sflag:$0x2] =	stream.indirect_vreg.gather [hbm4b:s5+s3], $0x80, v4, vm0, $0xb8;
	[tilespmem:$0x11000] =	vst v63  }
0xfc: {  	s13 =	simm.s32 $0x10000  }
0xfd: {  	[tilespmem:s13], [sflag:$0x2] =	stream.indirect_vreg.gather [hbm4b:s6+s3], $0x80, v4, vm0, $0xb8;
	[tilespmem:$0x11000] =	vst v63  }
0xfe: {  	s24 =	simm.s32 $0x10800  }
0xff: {  	[tilespmem:s24], [sflag:$0x2] =	stream.indirect_vreg.gather [hbm4b:s7+s3], $0x80, v4, vm0, $0xb8;
	[tilespmem:$0x11000] =	vst v63  }
0x100: {  	_ =	swait.ge [sflag:s18], $0x4000  }
0x101: {  	[sflag:s18] =	ssyncset.done $0x0  }
0x102: {  	[sflag:s18] =	ssyncadd.s32 $0xFFFFC000  }
0x103: {  	_ =	swait.ge [sflag:s18], $0x4000  }
0x104: {  	[sflag:s18] =	ssyncset.done $0x0  }
0x105: {  	s22 =	rddreg [dreg:$0x6];
	[sflag:s18] =	ssyncadd.s32 $0xFFFFC000  }
0x106: {  	[hbm4b:s22+s3] =	stream.linear.scatter [tilespmem:s10], [sflag:$0x3], $0x8000, $0x38;
	[tilespmem:$0x11000] =	vst v63  }
0x107: {  	_ =	swait.ge [sflag:s19], $0x8000  }
0x108: {  	[sflag:s19] =	ssyncset.done $0x0  }
0x109: {  	[sflag:s19] =	ssyncadd.s32 $0xFFFF8000  }
0x10a: {  	v4 =	vld [tilespmem:$0x400];
	_ =	sdelay $0x4  }
0x10b: {  	v5 =	vshll.u32 v4, $0x3  }
0x10c: {  	v4 =	vand.u32 $0x7, v4;
	v5 =	vand.u32 $0xFFFFFFC0, v5  }
0x10d: {  	v4 =	vor.u32 v4, v5  }
0x10e: {  	v5 =	vperm.xlane v4, v1;
	_ =	sdelay $0x1  }
0x10f: {  	v5 =	vadd.s32 v2, v5;
	_ =	sdelay $0x4  }
0x110: {  	[tilespmem:s10], [sflag:$0x1] =	stream.indirect_vreg.gather [hbm4b:s1+s3], $0x80, v5, vm0, $0xb8;
	[tilespmem:$0x11000] =	vst v63  }
0x111: {  	s22 =	simm.s32 $0x1800;
	v4 =	vperm.xlane v4, v3  }
0x112: {  	[tilespmem:s22], [sflag:$0x1] =	stream.indirect_vreg.gather [hbm4b:s5+s3], $0x80, v5, vm0, $0xb8;
	[tilespmem:$0x11000] =	vst v63  }
0x113: {  	v4 =	vadd.s32 v2, v4  }
0x114: {  	[tilespmem:s25], [sflag:$0x1] =	stream.indirect_vreg.gather [hbm4b:s6+s3], $0x80, v5, vm0, $0xb8;
	[tilespmem:$0x11000] =	vst v63  }
0x115: {  	_ = 	snop  }
0x116: {  	[tilespmem:s28], [sflag:$0x1] =	stream.indirect_vreg.gather [hbm4b:s7+s3], $0x80, v5, vm0, $0xb8;
	[tilespmem:$0x11000] =	vst v63  }
0x117: {  	s22 =	simm.s32 $0x5000  }
0x118: {  	[tilespmem:s22], [sflag:$0x1] =	stream.indirect_vreg.gather [hbm4b:s1+s3], $0x80, v4, vm0, $0xb8;
	[tilespmem:$0x11000] =	vst v63  }
0x119: {  	s22 =	simm.s32 $0x5800  }
0x11a: {  	[tilespmem:s22], [sflag:$0x1] =	stream.indirect_vreg.gather [hbm4b:s5+s3], $0x80, v4, vm0, $0xb8;
	[tilespmem:$0x11000] =	vst v63  }
0x11b: {  	s22 =	simm.s32 $0x6000  }
0x11c: {  	[tilespmem:s22], [sflag:$0x1] =	stream.indirect_vreg.gather [hbm4b:s6+s3], $0x80, v4, vm0, $0xb8;
	[tilespmem:$0x11000] =	vst v63  }
0x11d: {  	s22 =	simm.s32 $0x6800  }
0x11e: {  	[tilespmem:s22], [sflag:$0x1] =	stream.indirect_vreg.gather [hbm4b:s7+s3], $0x80, v4, vm0, $0xb8;
	[tilespmem:$0x11000] =	vst v63  }
0x11f: {  	v4 =	vld [tilespmem:$0x480];
	_ =	sdelay $0x4  }
0x120: {  	v5 =	vshll.u32 v4, $0x3  }
0x121: {  	v4 =	vand.u32 $0x7, v4;
	v5 =	vand.u32 $0xFFFFFFC0, v5  }
0x122: {  	v4 =	vor.u32 v4, v5  }
0x123: {  	v5 =	vperm.xlane v4, v1;
	_ =	sdelay $0x1  }
0x124: {  	v5 =	vadd.s32 v2, v5;
	_ =	sdelay $0x3  }
0x125: {  	s22 =	simm.s32 $0x3000  }
0x126: {  	[tilespmem:s22], [sflag:$0x1] =	stream.indirect_vreg.gather [hbm4b:s1+s3], $0x80, v5, vm0, $0xb8;
	[tilespmem:$0x11000] =	vst v63  }
0x127: {  	v4 =	vperm.xlane v4, v3  }
0x128: {  	[tilespmem:s4], [sflag:$0x1] =	stream.indirect_vreg.gather [hbm4b:s5+s3], $0x80, v5, vm0, $0xb8;
	[tilespmem:$0x11000] =	vst v63  }
0x129: {  	v4 =	vadd.s32 v2, v4  }
0x12a: {  	[tilespmem:s29], [sflag:$0x1] =	stream.indirect_vreg.gather [hbm4b:s6+s3], $0x80, v5, vm0, $0xb8;
	[tilespmem:$0x11000] =	vst v63  }
0x12b: {  	_ = 	snop  }
0x12c: {  	[tilespmem:s30], [sflag:$0x1] =	stream.indirect_vreg.gather [hbm4b:s7+s3], $0x80, v5, vm0, $0xb8;
	[tilespmem:$0x11000] =	vst v63  }
0x12d: {  	_ = 	snop  }
0x12e: {  	[tilespmem:s31], [sflag:$0x1] =	stream.indirect_vreg.gather [hbm4b:s1+s3], $0x80, v4, vm0, $0xb8;
	[tilespmem:$0x11000] =	vst v63  }
0x12f: {  	_ = 	snop  }
0x130: {  	[tilespmem:s0], [sflag:$0x1] =	stream.indirect_vreg.gather [hbm4b:s5+s3], $0x80, v4, vm0, $0xb8;
	[tilespmem:$0x11000] =	vst v63  }
0x131: {  	_ = 	snop  }
0x132: {  	[tilespmem:s2], [sflag:$0x1] =	stream.indirect_vreg.gather [hbm4b:s6+s3], $0x80, v4, vm0, $0xb8;
	[tilespmem:$0x11000] =	vst v63  }
0x133: {  	_ = 	snop  }
0x134: {  	[tilespmem:s8], [sflag:$0x1] =	stream.indirect_vreg.gather [hbm4b:s7+s3], $0x80, v4, vm0, $0xb8;
	[tilespmem:$0x11000] =	vst v63  }
0x135: {  	_ =	swait.ge [sflag:s20], $0x4000  }
0x136: {  	[sflag:s20] =	ssyncset.done $0x0  }
0x137: {  	[sflag:s20] =	ssyncadd.s32 $0xFFFFC000  }
0x138: {  	_ =	swait.ge [sflag:s20], $0x4000  }
0x139: {  	[sflag:s20] =	ssyncset.done $0x0  }
0x13a: {  	s0 =	rddreg [dreg:$0x7];
	[sflag:s20] =	ssyncadd.s32 $0xFFFFC000  }
0x13b: {  	[hbm4b:s0+s3] =	stream.linear.scatter [tilespmem:s26], [sflag:$0x4], $0x8000, $0x38;
	[tilespmem:$0x11000] =	vst v63  }
0x13c: {  	_ =	swait.ge [sflag:s21], $0x8000  }
0x13d: {  	[sflag:s21] =	ssyncset.done $0x0  }
0x13e: {  	[sflag:s21] =	ssyncadd.s32 $0xFFFF8000  }
0x13f: {  	v4 =	vld [tilespmem:$0x500];
	_ =	sdelay $0x4  }
0x140: {  	v5 =	vshll.u32 v4, $0x3  }
0x141: {  	v4 =	vand.u32 $0x7, v4;
	v5 =	vand.u32 $0xFFFFFFC0, v5  }
0x142: {  	v4 =	vor.u32 v4, v5  }
0x143: {  	v5 =	vperm.xlane v4, v1;
	_ =	sdelay $0x1  }
0x144: {  	v5 =	vadd.s32 v2, v5;
	_ =	sdelay $0x4  }
0x145: {  	[tilespmem:s26], [sflag:$0x2] =	stream.indirect_vreg.gather [hbm4b:s1+s3], $0x80, v5, vm0, $0xb8;
	[tilespmem:$0x11000] =	vst v63  }
0x146: {  	s22 =	simm.s32 $0x9800;
	v4 =	vperm.xlane v4, v3  }
0x147: {  	[tilespmem:s22], [sflag:$0x2] =	stream.indirect_vreg.gather [hbm4b:s5+s3], $0x80, v5, vm0, $0xb8;
	[tilespmem:$0x11000] =	vst v63  }
0x148: {  	v4 =	vadd.s32 v2, v4  }
0x149: {  	[tilespmem:s14], [sflag:$0x2] =	stream.indirect_vreg.gather [hbm4b:s6+s3], $0x80, v5, vm0, $0xb8;
	[tilespmem:$0x11000] =	vst v63  }
0x14a: {  	s29 =	simm.s32 $0xA800  }
0x14b: {  	[tilespmem:s29], [sflag:$0x2] =	stream.indirect_vreg.gather [hbm4b:s7+s3], $0x80, v5, vm0, $0xb8;
	[tilespmem:$0x11000] =	vst v63  }
0x14c: {  	s15 =	simm.s32 $0xD000  }
0x14d: {  	[tilespmem:s15], [sflag:$0x2] =	stream.indirect_vreg.gather [hbm4b:s1+s3], $0x80, v4, vm0, $0xb8;
	[tilespmem:$0x11000] =	vst v63  }
0x14e: {  	s22 =	simm.s32 $0xD800  }
0x14f: {  	[tilespmem:s22], [sflag:$0x2] =	stream.indirect_vreg.gather [hbm4b:s5+s3], $0x80, v4, vm0, $0xb8;
	[tilespmem:$0x11000] =	vst v63  }
0x150: {  	s29 =	simm.s32 $0xE000  }
0x151: {  	[tilespmem:s29], [sflag:$0x2] =	stream.indirect_vreg.gather [hbm4b:s6+s3], $0x80, v4, vm0, $0xb8;
	[tilespmem:$0x11000] =	vst v63  }
0x152: {  	s22 =	simm.s32 $0xE800  }
0x153: {  	[tilespmem:s22], [sflag:$0x2] =	stream.indirect_vreg.gather [hbm4b:s7+s3], $0x80, v4, vm0, $0xb8;
	[tilespmem:$0x11000] =	vst v63  }
0x154: {  	v4 =	vld [tilespmem:$0x580];
	_ =	sdelay $0x4  }
0x155: {  	v5 =	vshll.u32 v4, $0x3  }
0x156: {  	v4 =	vand.u32 $0x7, v4;
	v5 =	vand.u32 $0xFFFFFFC0, v5  }
0x157: {  	v4 =	vor.u32 v4, v5  }
0x158: {  	v5 =	vperm.xlane v4, v1;
	_ =	sdelay $0x1  }
0x159: {  	v5 =	vadd.s32 v2, v5;
	_ =	sdelay $0x3  }
0x15a: {  	s17 =	simm.s32 $0xB000  }
0x15b: {  	[tilespmem:s17], [sflag:$0x2] =	stream.indirect_vreg.gather [hbm4b:s1+s3], $0x80, v5, vm0, $0xb8;
	[tilespmem:$0x11000] =	vst v63  }
0x15c: {  	s23 =	simm.s32 $0xB800;
	v4 =	vperm.xlane v4, v3  }
0x15d: {  	[tilespmem:s23], [sflag:$0x2] =	stream.indirect_vreg.gather [hbm4b:s5+s3], $0x80, v5, vm0, $0xb8;
	[tilespmem:$0x11000] =	vst v63  }
0x15e: {  	s16 =	simm.s32 $0xC000;
	v4 =	vadd.s32 v2, v4  }
0x15f: {  	[tilespmem:s16], [sflag:$0x2] =	stream.indirect_vreg.gather [hbm4b:s6+s3], $0x80, v5, vm0, $0xb8;
	[tilespmem:$0x11000] =	vst v63  }
0x160: {  	s9 =	simm.s32 $0xC800  }
0x161: {  	[tilespmem:s9], [sflag:$0x2] =	stream.indirect_vreg.gather [hbm4b:s7+s3], $0x80, v5, vm0, $0xb8;
	[tilespmem:$0x11000] =	vst v63  }
0x162: {  	s11 =	simm.s32 $0xF000  }
0x163: {  	[tilespmem:s11], [sflag:$0x2] =	stream.indirect_vreg.gather [hbm4b:s1+s3], $0x80, v4, vm0, $0xb8;
	[tilespmem:$0x11000] =	vst v63  }
0x164: {  	s12 =	simm.s32 $0xF800  }
0x165: {  	[tilespmem:s12], [sflag:$0x2] =	stream.indirect_vreg.gather [hbm4b:s5+s3], $0x80, v4, vm0, $0xb8;
	[tilespmem:$0x11000] =	vst v63  }
0x166: {  	s13 =	simm.s32 $0x10000  }
0x167: {  	[tilespmem:s13], [sflag:$0x2] =	stream.indirect_vreg.gather [hbm4b:s6+s3], $0x80, v4, vm0, $0xb8;
	[tilespmem:$0x11000] =	vst v63  }
0x168: {  	s24 =	simm.s32 $0x10800  }
0x169: {  	[tilespmem:s24], [sflag:$0x2] =	stream.indirect_vreg.gather [hbm4b:s7+s3], $0x80, v4, vm0, $0xb8;
	[tilespmem:$0x11000] =	vst v63  }
0x16a: {  	_ =	swait.ge [sflag:s18], $0x4000  }
0x16b: {  	[sflag:s18] =	ssyncset.done $0x0  }
0x16c: {  	[sflag:s18] =	ssyncadd.s32 $0xFFFFC000  }
0x16d: {  	_ =	swait.ge [sflag:s18], $0x4000  }
0x16e: {  	[sflag:s18] =	ssyncset.done $0x0  }
0x16f: {  	s24 =	rddreg [dreg:$0x8];
	[sflag:s18] =	ssyncadd.s32 $0xFFFFC000  }
0x170: {  	[hbm4b:s24+s3] =	stream.linear.scatter [tilespmem:s10], [sflag:$0x3], $0x8000, $0x38;
	[tilespmem:$0x11000] =	vst v63  }
0x171: {  	_ =	swait.ge [sflag:s19], $0x8000  }
0x172: {  	[sflag:s19] =	ssyncset.done $0x0  }
0x173: {  	[sflag:s19] =	ssyncadd.s32 $0xFFFF8000  }
0x174: {  	v4 =	vld [tilespmem:$0x600];
	_ =	sdelay $0x4  }
0x175: {  	v5 =	vshll.u32 v4, $0x3  }
0x176: {  	v4 =	vand.u32 $0x7, v4;
	v5 =	vand.u32 $0xFFFFFFC0, v5  }
0x177: {  	v4 =	vor.u32 v4, v5  }
0x178: {  	v5 =	vperm.xlane v4, v1;
	_ =	sdelay $0x1  }
0x179: {  	v5 =	vadd.s32 v2, v5;
	_ =	sdelay $0x4  }
0x17a: {  	[tilespmem:s10], [sflag:$0x1] =	stream.indirect_vreg.gather [hbm4b:s1+s3], $0x80, v5, vm0, $0xb8;
	[tilespmem:$0x11000] =	vst v63  }
0x17b: {  	s24 =	simm.s32 $0x1800;
	v4 =	vperm.xlane v4, v3  }
0x17c: {  	[tilespmem:s24], [sflag:$0x1] =	stream.indirect_vreg.gather [hbm4b:s5+s3], $0x80, v5, vm0, $0xb8;
	[tilespmem:$0x11000] =	vst v63  }
0x17d: {  	s25 =	simm.s32 $0x2000;
	v4 =	vadd.s32 v2, v4  }
0x17e: {  	[tilespmem:s25], [sflag:$0x1] =	stream.indirect_vreg.gather [hbm4b:s6+s3], $0x80, v5, vm0, $0xb8;
	[tilespmem:$0x11000] =	vst v63  }
0x17f: {  	s28 =	simm.s32 $0x2800  }
0x180: {  	[tilespmem:s28], [sflag:$0x1] =	stream.indirect_vreg.gather [hbm4b:s7+s3], $0x80, v5, vm0, $0xb8;
	[tilespmem:$0x11000] =	vst v63  }
0x181: {  	s24 =	simm.s32 $0x5000  }
0x182: {  	[tilespmem:s24], [sflag:$0x1] =	stream.indirect_vreg.gather [hbm4b:s1+s3], $0x80, v4, vm0, $0xb8;
	[tilespmem:$0x11000] =	vst v63  }
0x183: {  	s24 =	simm.s32 $0x5800  }
0x184: {  	[tilespmem:s24], [sflag:$0x1] =	stream.indirect_vreg.gather [hbm4b:s5+s3], $0x80, v4, vm0, $0xb8;
	[tilespmem:$0x11000] =	vst v63  }
0x185: {  	s24 =	simm.s32 $0x6000  }
0x186: {  	[tilespmem:s24], [sflag:$0x1] =	stream.indirect_vreg.gather [hbm4b:s6+s3], $0x80, v4, vm0, $0xb8;
	[tilespmem:$0x11000] =	vst v63  }
0x187: {  	s24 =	simm.s32 $0x6800  }
0x188: {  	[tilespmem:s24], [sflag:$0x1] =	stream.indirect_vreg.gather [hbm4b:s7+s3], $0x80, v4, vm0, $0xb8;
	[tilespmem:$0x11000] =	vst v63  }
0x189: {  	v4 =	vld [tilespmem:$0x680];
	_ =	sdelay $0x4  }
0x18a: {  	v5 =	vshll.u32 v4, $0x3  }
0x18b: {  	v4 =	vand.u32 $0x7, v4;
	v5 =	vand.u32 $0xFFFFFFC0, v5  }
0x18c: {  	v4 =	vor.u32 v4, v5  }
0x18d: {  	v5 =	vperm.xlane v4, v1;
	_ =	sdelay $0x1  }
0x18e: {  	v5 =	vadd.s32 v2, v5;
	_ =	sdelay $0x3  }
0x18f: {  	s24 =	simm.s32 $0x3000  }
0x190: {  	[tilespmem:s24], [sflag:$0x1] =	stream.indirect_vreg.gather [hbm4b:s1+s3], $0x80, v5, vm0, $0xb8;
	[tilespmem:$0x11000] =	vst v63  }
0x191: {  	v4 =	vperm.xlane v4, v3;
	s24 =	simm.s32 $0x3800  }
0x192: {  	[tilespmem:s24], [sflag:$0x1] =	stream.indirect_vreg.gather [hbm4b:s5+s3], $0x80, v5, vm0, $0xb8;
	[tilespmem:$0x11000] =	vst v63  }
0x193: {  	s4 =	simm.s32 $0x4000;
	v4 =	vadd.s32 v2, v4  }
0x194: {  	[tilespmem:s4], [sflag:$0x1] =	stream.indirect_vreg.gather [hbm4b:s6+s3], $0x80, v5, vm0, $0xb8;
	[tilespmem:$0x11000] =	vst v63  }
0x195: {  	s30 =	simm.s32 $0x4800  }
0x196: {  	[tilespmem:s30], [sflag:$0x1] =	stream.indirect_vreg.gather [hbm4b:s7+s3], $0x80, v5, vm0, $0xb8;
	[tilespmem:$0x11000] =	vst v63  }
0x197: {  	s31 =	simm.s32 $0x7000  }
0x198: {  	[tilespmem:s31], [sflag:$0x1] =	stream.indirect_vreg.gather [hbm4b:s1+s3], $0x80, v4, vm0, $0xb8;
	[tilespmem:$0x11000] =	vst v63  }
0x199: {  	s22 =	simm.s32 $0x7800  }
0x19a: {  	[tilespmem:s22], [sflag:$0x1] =	stream.indirect_vreg.gather [hbm4b:s5+s3], $0x80, v4, vm0, $0xb8;
	[tilespmem:$0x11000] =	vst v63  }
0x19b: {  	s2 =	simm.s32 $0x8000  }
0x19c: {  	[tilespmem:s2], [sflag:$0x1] =	stream.indirect_vreg.gather [hbm4b:s6+s3], $0x80, v4, vm0, $0xb8;
	[tilespmem:$0x11000] =	vst v63  }
0x19d: {  	s8 =	simm.s32 $0x8800  }
0x19e: {  	[tilespmem:s8], [sflag:$0x1] =	stream.indirect_vreg.gather [hbm4b:s7+s3], $0x80, v4, vm0, $0xb8;
	[tilespmem:$0x11000] =	vst v63  }
0x19f: {  	_ =	swait.ge [sflag:s20], $0x4000  }
0x1a0: {  	[sflag:s20] =	ssyncset.done $0x0  }
0x1a1: {  	[sflag:s20] =	ssyncadd.s32 $0xFFFFC000  }
0x1a2: {  	_ =	swait.ge [sflag:s20], $0x4000  }
0x1a3: {  	[sflag:s20] =	ssyncset.done $0x0  }
0x1a4: {  	s22 =	rddreg [dreg:$0x9];
	[sflag:s20] =	ssyncadd.s32 $0xFFFFC000  }
0x1a5: {  	[hbm4b:s22+s3] =	stream.linear.scatter [tilespmem:s26], [sflag:$0x4], $0x8000, $0x38;
	[tilespmem:$0x11000] =	vst v63  }
0x1a6: {  	_ =	swait.ge [sflag:s21], $0x8000  }
0x1a7: {  	[sflag:s21] =	ssyncset.done $0x0  }
0x1a8: {  	[sflag:s21] =	ssyncadd.s32 $0xFFFF8000  }
0x1a9: {  	v4 =	vld [tilespmem:$0x700];
	_ =	sdelay $0x4  }
0x1aa: {  	v5 =	vshll.u32 v4, $0x3  }
0x1ab: {  	v4 =	vand.u32 $0x7, v4;
	v5 =	vand.u32 $0xFFFFFFC0, v5  }
0x1ac: {  	v4 =	vor.u32 v4, v5  }
0x1ad: {  	v5 =	vperm.xlane v4, v1;
	_ =	sdelay $0x1  }
0x1ae: {  	v5 =	vadd.s32 v2, v5;
	_ =	sdelay $0x4  }
0x1af: {  	[tilespmem:s26], [sflag:$0x2] =	stream.indirect_vreg.gather [hbm4b:s1+s3], $0x80, v5, vm0, $0xb8;
	[tilespmem:$0x11000] =	vst v63  }
0x1b0: {  	s22 =	simm.s32 $0x9800;
	v4 =	vperm.xlane v4, v3  }
0x1b1: {  	[tilespmem:s22], [sflag:$0x2] =	stream.indirect_vreg.gather [hbm4b:s5+s3], $0x80, v5, vm0, $0xb8;
	[tilespmem:$0x11000] =	vst v63  }
0x1b2: {  	s0 =	simm.s32 $0xA000;
	v4 =	vadd.s32 v2, v4  }
0x1b3: {  	[tilespmem:s0], [sflag:$0x2] =	stream.indirect_vreg.gather [hbm4b:s6+s3], $0x80, v5, vm0, $0xb8;
	[tilespmem:$0x11000] =	vst v63  }
0x1b4: {  	s22 =	simm.s32 $0xA800  }
0x1b5: {  	[tilespmem:s22], [sflag:$0x2] =	stream.indirect_vreg.gather [hbm4b:s7+s3], $0x80, v5, vm0, $0xb8;
	[tilespmem:$0x11000] =	vst v63  }
0x1b6: {  	s14 =	simm.s32 $0xD000  }
0x1b7: {  	[tilespmem:s14], [sflag:$0x2] =	stream.indirect_vreg.gather [hbm4b:s1+s3], $0x80, v4, vm0, $0xb8;
	[tilespmem:$0x11000] =	vst v63  }
0x1b8: {  	s15 =	simm.s32 $0xD800  }
0x1b9: {  	[tilespmem:s15], [sflag:$0x2] =	stream.indirect_vreg.gather [hbm4b:s5+s3], $0x80, v4, vm0, $0xb8;
	[tilespmem:$0x11000] =	vst v63  }
0x1ba: {  	s29 =	simm.s32 $0xE000  }
0x1bb: {  	[tilespmem:s29], [sflag:$0x2] =	stream.indirect_vreg.gather [hbm4b:s6+s3], $0x80, v4, vm0, $0xb8;
	[tilespmem:$0x11000] =	vst v63  }
0x1bc: {  	s22 =	simm.s32 $0xE800  }
0x1bd: {  	[tilespmem:s22], [sflag:$0x2] =	stream.indirect_vreg.gather [hbm4b:s7+s3], $0x80, v4, vm0, $0xb8;
	[tilespmem:$0x11000] =	vst v63  }
0x1be: {  	v4 =	vld [tilespmem:$0x780];
	_ =	sdelay $0x4  }
0x1bf: {  	v5 =	vshll.u32 v4, $0x3  }
0x1c0: {  	v4 =	vand.u32 $0x7, v4;
	v5 =	vand.u32 $0xFFFFFFC0, v5  }
0x1c1: {  	v4 =	vor.u32 v4, v5  }
0x1c2: {  	v5 =	vperm.xlane v4, v1;
	_ =	sdelay $0x1  }
0x1c3: {  	v5 =	vadd.s32 v2, v5;
	_ =	sdelay $0x3  }
0x1c4: {  	s22 =	simm.s32 $0xB000  }
0x1c5: {  	[tilespmem:s22], [sflag:$0x2] =	stream.indirect_vreg.gather [hbm4b:s1+s3], $0x80, v5, vm0, $0xb8;
	[tilespmem:$0x11000] =	vst v63  }
0x1c6: {  	s23 =	simm.s32 $0xB800;
	v4 =	vperm.xlane v4, v3  }
0x1c7: {  	[tilespmem:s23], [sflag:$0x2] =	stream.indirect_vreg.gather [hbm4b:s5+s3], $0x80, v5, vm0, $0xb8;
	[tilespmem:$0x11000] =	vst v63  }
0x1c8: {  	s17 =	simm.s32 $0xC000;
	v4 =	vadd.s32 v2, v4  }
0x1c9: {  	[tilespmem:s17], [sflag:$0x2] =	stream.indirect_vreg.gather [hbm4b:s6+s3], $0x80, v5, vm0, $0xb8;
	[tilespmem:$0x11000] =	vst v63  }
0x1ca: {  	s16 =	simm.s32 $0xC800  }
0x1cb: {  	[tilespmem:s16], [sflag:$0x2] =	stream.indirect_vreg.gather [hbm4b:s7+s3], $0x80, v5, vm0, $0xb8;
	[tilespmem:$0x11000] =	vst v63  }
0x1cc: {  	s9 =	simm.s32 $0xF000  }
0x1cd: {  	[tilespmem:s9], [sflag:$0x2] =	stream.indirect_vreg.gather [hbm4b:s1+s3], $0x80, v4, vm0, $0xb8;
	[tilespmem:$0x11000] =	vst v63  }
0x1ce: {  	s11 =	simm.s32 $0xF800  }
0x1cf: {  	[tilespmem:s11], [sflag:$0x2] =	stream.indirect_vreg.gather [hbm4b:s5+s3], $0x80, v4, vm0, $0xb8;
	[tilespmem:$0x11000] =	vst v63  }
0x1d0: {  	s12 =	simm.s32 $0x10000  }
0x1d1: {  	[tilespmem:s12], [sflag:$0x2] =	stream.indirect_vreg.gather [hbm4b:s6+s3], $0x80, v4, vm0, $0xb8;
	[tilespmem:$0x11000] =	vst v63  }
0x1d2: {  	s13 =	simm.s32 $0x10800  }
0x1d3: {  	[tilespmem:s13], [sflag:$0x2] =	stream.indirect_vreg.gather [hbm4b:s7+s3], $0x80, v4, vm0, $0xb8;
	[tilespmem:$0x11000] =	vst v63  }
0x1d4: {  	_ =	swait.ge [sflag:s18], $0x4000  }
0x1d5: {  	[sflag:s18] =	ssyncset.done $0x0  }
0x1d6: {  	[sflag:s18] =	ssyncadd.s32 $0xFFFFC000  }
0x1d7: {  	_ =	swait.ge [sflag:s18], $0x4000  }
0x1d8: {  	[sflag:s18] =	ssyncset.done $0x0  }
0x1d9: {  	s22 =	rddreg [dreg:$0xa];
	[sflag:s18] =	ssyncadd.s32 $0xFFFFC000  }
0x1da: {  	[hbm4b:s22+s3] =	stream.linear.scatter [tilespmem:s10], [sflag:$0x3], $0x8000, $0x38;
	[tilespmem:$0x11000] =	vst v63  }
0x1db: {  	_ =	swait.ge [sflag:s19], $0x8000  }
0x1dc: {  	[sflag:s19] =	ssyncset.done $0x0  }
0x1dd: {  	[sflag:s19] =	ssyncadd.s32 $0xFFFF8000  }
0x1de: {  	v4 =	vld [tilespmem:$0x800];
	_ =	sdelay $0x4  }
0x1df: {  	v5 =	vshll.u32 v4, $0x3  }
0x1e0: {  	v4 =	vand.u32 $0x7, v4;
	v5 =	vand.u32 $0xFFFFFFC0, v5  }
0x1e1: {  	v4 =	vor.u32 v4, v5  }
0x1e2: {  	v5 =	vperm.xlane v4, v1;
	_ =	sdelay $0x1  }
0x1e3: {  	v5 =	vadd.s32 v2, v5;
	_ =	sdelay $0x4  }
0x1e4: {  	[tilespmem:s10], [sflag:$0x1] =	stream.indirect_vreg.gather [hbm4b:s1+s3], $0x80, v5, vm0, $0xb8;
	[tilespmem:$0x11000] =	vst v63  }
0x1e5: {  	s22 =	simm.s32 $0x1800;
	v4 =	vperm.xlane v4, v3  }
0x1e6: {  	[tilespmem:s22], [sflag:$0x1] =	stream.indirect_vreg.gather [hbm4b:s5+s3], $0x80, v5, vm0, $0xb8;
	[tilespmem:$0x11000] =	vst v63  }
0x1e7: {  	s25 =	simm.s32 $0x2000;
	v4 =	vadd.s32 v2, v4  }
0x1e8: {  	[tilespmem:s25], [sflag:$0x1] =	stream.indirect_vreg.gather [hbm4b:s6+s3], $0x80, v5, vm0, $0xb8;
	[tilespmem:$0x11000] =	vst v63  }
0x1e9: {  	s28 =	simm.s32 $0x2800  }
0x1ea: {  	[tilespmem:s28], [sflag:$0x1] =	stream.indirect_vreg.gather [hbm4b:s7+s3], $0x80, v5, vm0, $0xb8;
	[tilespmem:$0x11000] =	vst v63  }
0x1eb: {  	s22 =	simm.s32 $0x5000  }
0x1ec: {  	[tilespmem:s22], [sflag:$0x1] =	stream.indirect_vreg.gather [hbm4b:s1+s3], $0x80, v4, vm0, $0xb8;
	[tilespmem:$0x11000] =	vst v63  }
0x1ed: {  	s22 =	simm.s32 $0x5800  }
0x1ee: {  	[tilespmem:s22], [sflag:$0x1] =	stream.indirect_vreg.gather [hbm4b:s5+s3], $0x80, v4, vm0, $0xb8;
	[tilespmem:$0x11000] =	vst v63  }
0x1ef: {  	s22 =	simm.s32 $0x6000  }
0x1f0: {  	[tilespmem:s22], [sflag:$0x1] =	stream.indirect_vreg.gather [hbm4b:s6+s3], $0x80, v4, vm0, $0xb8;
	[tilespmem:$0x11000] =	vst v63  }
0x1f1: {  	s22 =	simm.s32 $0x6800  }
0x1f2: {  	[tilespmem:s22], [sflag:$0x1] =	stream.indirect_vreg.gather [hbm4b:s7+s3], $0x80, v4, vm0, $0xb8;
	[tilespmem:$0x11000] =	vst v63  }
0x1f3: {  	v4 =	vld [tilespmem:$0x880];
	_ =	sdelay $0x4  }
0x1f4: {  	v5 =	vshll.u32 v4, $0x3  }
0x1f5: {  	v4 =	vand.u32 $0x7, v4;
	v5 =	vand.u32 $0xFFFFFFC0, v5  }
0x1f6: {  	v4 =	vor.u32 v4, v5  }
0x1f7: {  	v5 =	vperm.xlane v4, v1;
	_ =	sdelay $0x1  }
0x1f8: {  	v5 =	vadd.s32 v2, v5;
	_ =	sdelay $0x3  }
0x1f9: {  	s22 =	simm.s32 $0x3000  }
0x1fa: {  	[tilespmem:s22], [sflag:$0x1] =	stream.indirect_vreg.gather [hbm4b:s1+s3], $0x80, v5, vm0, $0xb8;
	[tilespmem:$0x11000] =	vst v63  }
0x1fb: {  	s24 =	simm.s32 $0x3800;
	v4 =	vperm.xlane v4, v3  }
0x1fc: {  	[tilespmem:s24], [sflag:$0x1] =	stream.indirect_vreg.gather [hbm4b:s5+s3], $0x80, v5, vm0, $0xb8;
	[tilespmem:$0x11000] =	vst v63  }
0x1fd: {  	s4 =	simm.s32 $0x4000;
	v4 =	vadd.s32 v2, v4  }
0x1fe: {  	[tilespmem:s4], [sflag:$0x1] =	stream.indirect_vreg.gather [hbm4b:s6+s3], $0x80, v5, vm0, $0xb8;
	[tilespmem:$0x11000] =	vst v63  }
0x1ff: {  	s30 =	simm.s32 $0x4800  }
0x200: {  	[tilespmem:s30], [sflag:$0x1] =	stream.indirect_vreg.gather [hbm4b:s7+s3], $0x80, v5, vm0, $0xb8;
	[tilespmem:$0x11000] =	vst v63  }
0x201: {  	s31 =	simm.s32 $0x7000  }
0x202: {  	[tilespmem:s31], [sflag:$0x1] =	stream.indirect_vreg.gather [hbm4b:s1+s3], $0x80, v4, vm0, $0xb8;
	[tilespmem:$0x11000] =	vst v63  }
0x203: {  	s22 =	simm.s32 $0x7800  }
0x204: {  	[tilespmem:s22], [sflag:$0x1] =	stream.indirect_vreg.gather [hbm4b:s5+s3], $0x80, v4, vm0, $0xb8;
	[tilespmem:$0x11000] =	vst v63  }
0x205: {  	s2 =	simm.s32 $0x8000  }
0x206: {  	[tilespmem:s2], [sflag:$0x1] =	stream.indirect_vreg.gather [hbm4b:s6+s3], $0x80, v4, vm0, $0xb8;
	[tilespmem:$0x11000] =	vst v63  }
0x207: {  	s8 =	simm.s32 $0x8800  }
0x208: {  	[tilespmem:s8], [sflag:$0x1] =	stream.indirect_vreg.gather [hbm4b:s7+s3], $0x80, v4, vm0, $0xb8;
	[tilespmem:$0x11000] =	vst v63  }
0x209: {  	_ =	swait.ge [sflag:s20], $0x4000  }
0x20a: {  	[sflag:s20] =	ssyncset.done $0x0  }
0x20b: {  	[sflag:s20] =	ssyncadd.s32 $0xFFFFC000  }
0x20c: {  	_ =	swait.ge [sflag:s20], $0x4000  }
0x20d: {  	[sflag:s20] =	ssyncset.done $0x0  }
0x20e: {  	s22 =	rddreg [dreg:$0xb];
	[sflag:s20] =	ssyncadd.s32 $0xFFFFC000  }
0x20f: {  	[hbm4b:s22+s3] =	stream.linear.scatter [tilespmem:s26], [sflag:$0x4], $0x8000, $0x38;
	[tilespmem:$0x11000] =	vst v63  }
0x210: {  	_ =	swait.ge [sflag:s21], $0x8000  }
0x211: {  	[sflag:s21] =	ssyncset.done $0x0  }
0x212: {  	[sflag:s21] =	ssyncadd.s32 $0xFFFF8000  }
0x213: {  	v4 =	vld [tilespmem:$0x900];
	_ =	sdelay $0x4  }
0x214: {  	v5 =	vshll.u32 v4, $0x3  }
0x215: {  	v4 =	vand.u32 $0x7, v4;
	v5 =	vand.u32 $0xFFFFFFC0, v5  }
0x216: {  	v4 =	vor.u32 v4, v5  }
0x217: {  	v5 =	vperm.xlane v4, v1;
	_ =	sdelay $0x1  }
0x218: {  	v5 =	vadd.s32 v2, v5;
	_ =	sdelay $0x4  }
0x219: {  	[tilespmem:s26], [sflag:$0x2] =	stream.indirect_vreg.gather [hbm4b:s1+s3], $0x80, v5, vm0, $0xb8;
	[tilespmem:$0x11000] =	vst v63  }
0x21a: {  	s22 =	simm.s32 $0x9800;
	v4 =	vperm.xlane v4, v3  }
0x21b: {  	[tilespmem:s22], [sflag:$0x2] =	stream.indirect_vreg.gather [hbm4b:s5+s3], $0x80, v5, vm0, $0xb8;
	[tilespmem:$0x11000] =	vst v63  }
0x21c: {  	s0 =	simm.s32 $0xA000;
	v4 =	vadd.s32 v2, v4  }
0x21d: {  	[tilespmem:s0], [sflag:$0x2] =	stream.indirect_vreg.gather [hbm4b:s6+s3], $0x80, v5, vm0, $0xb8;
	[tilespmem:$0x11000] =	vst v63  }
0x21e: {  	s22 =	simm.s32 $0xA800  }
0x21f: {  	[tilespmem:s22], [sflag:$0x2] =	stream.indirect_vreg.gather [hbm4b:s7+s3], $0x80, v5, vm0, $0xb8;
	[tilespmem:$0x11000] =	vst v63  }
0x220: {  	s14 =	simm.s32 $0xD000  }
0x221: {  	[tilespmem:s14], [sflag:$0x2] =	stream.indirect_vreg.gather [hbm4b:s1+s3], $0x80, v4, vm0, $0xb8;
	[tilespmem:$0x11000] =	vst v63  }
0x222: {  	s15 =	simm.s32 $0xD800  }
0x223: {  	[tilespmem:s15], [sflag:$0x2] =	stream.indirect_vreg.gather [hbm4b:s5+s3], $0x80, v4, vm0, $0xb8;
	[tilespmem:$0x11000] =	vst v63  }
0x224: {  	s29 =	simm.s32 $0xE000  }
0x225: {  	[tilespmem:s29], [sflag:$0x2] =	stream.indirect_vreg.gather [hbm4b:s6+s3], $0x80, v4, vm0, $0xb8;
	[tilespmem:$0x11000] =	vst v63  }
0x226: {  	s22 =	simm.s32 $0xE800  }
0x227: {  	[tilespmem:s22], [sflag:$0x2] =	stream.indirect_vreg.gather [hbm4b:s7+s3], $0x80, v4, vm0, $0xb8;
	[tilespmem:$0x11000] =	vst v63  }
0x228: {  	v4 =	vld [tilespmem:$0x980];
	_ =	sdelay $0x4  }
0x229: {  	v5 =	vshll.u32 v4, $0x3  }
0x22a: {  	v4 =	vand.u32 $0x7, v4;
	v5 =	vand.u32 $0xFFFFFFC0, v5  }
0x22b: {  	v4 =	vor.u32 v4, v5  }
0x22c: {  	v5 =	vperm.xlane v4, v1;
	_ =	sdelay $0x1  }
0x22d: {  	v5 =	vadd.s32 v2, v5;
	_ =	sdelay $0x3  }
0x22e: {  	s22 =	simm.s32 $0xB000  }
0x22f: {  	[tilespmem:s22], [sflag:$0x2] =	stream.indirect_vreg.gather [hbm4b:s1+s3], $0x80, v5, vm0, $0xb8;
	[tilespmem:$0x11000] =	vst v63  }
0x230: {  	s23 =	simm.s32 $0xB800;
	v4 =	vperm.xlane v4, v3  }
0x231: {  	[tilespmem:s23], [sflag:$0x2] =	stream.indirect_vreg.gather [hbm4b:s5+s3], $0x80, v5, vm0, $0xb8;
	[tilespmem:$0x11000] =	vst v63  }
0x232: {  	s17 =	simm.s32 $0xC000;
	v4 =	vadd.s32 v2, v4  }
0x233: {  	[tilespmem:s17], [sflag:$0x2] =	stream.indirect_vreg.gather [hbm4b:s6+s3], $0x80, v5, vm0, $0xb8;
	[tilespmem:$0x11000] =	vst v63  }
0x234: {  	s16 =	simm.s32 $0xC800  }
0x235: {  	[tilespmem:s16], [sflag:$0x2] =	stream.indirect_vreg.gather [hbm4b:s7+s3], $0x80, v5, vm0, $0xb8;
	[tilespmem:$0x11000] =	vst v63  }
0x236: {  	s9 =	simm.s32 $0xF000  }
0x237: {  	[tilespmem:s9], [sflag:$0x2] =	stream.indirect_vreg.gather [hbm4b:s1+s3], $0x80, v4, vm0, $0xb8;
	[tilespmem:$0x11000] =	vst v63  }
0x238: {  	s11 =	simm.s32 $0xF800  }
0x239: {  	[tilespmem:s11], [sflag:$0x2] =	stream.indirect_vreg.gather [hbm4b:s5+s3], $0x80, v4, vm0, $0xb8;
	[tilespmem:$0x11000] =	vst v63  }
0x23a: {  	s12 =	simm.s32 $0x10000  }
0x23b: {  	[tilespmem:s12], [sflag:$0x2] =	stream.indirect_vreg.gather [hbm4b:s6+s3], $0x80, v4, vm0, $0xb8;
	[tilespmem:$0x11000] =	vst v63  }
0x23c: {  	s13 =	simm.s32 $0x10800  }
0x23d: {  	[tilespmem:s13], [sflag:$0x2] =	stream.indirect_vreg.gather [hbm4b:s7+s3], $0x80, v4, vm0, $0xb8;
	[tilespmem:$0x11000] =	vst v63  }
0x23e: {  	_ =	swait.ge [sflag:s18], $0x4000  }
0x23f: {  	[sflag:s18] =	ssyncset.done $0x0  }
0x240: {  	[sflag:s18] =	ssyncadd.s32 $0xFFFFC000  }
0x241: {  	_ =	swait.ge [sflag:s18], $0x4000  }
0x242: {  	[sflag:s18] =	ssyncset.done $0x0  }
0x243: {  	s22 =	rddreg [dreg:$0xc];
	[sflag:s18] =	ssyncadd.s32 $0xFFFFC000  }
0x244: {  	[hbm4b:s22+s3] =	stream.linear.scatter [tilespmem:s10], [sflag:$0x3], $0x8000, $0x38;
	[tilespmem:$0x11000] =	vst v63  }
0x245: {  	_ =	swait.ge [sflag:s19], $0x8000  }
0x246: {  	[sflag:s19] =	ssyncset.done $0x0  }
0x247: {  	[sflag:s19] =	ssyncadd.s32 $0xFFFF8000  }
0x248: {  	v4 =	vld [tilespmem:$0xA00];
	_ =	sdelay $0x4  }
0x249: {  	v5 =	vshll.u32 v4, $0x3  }
0x24a: {  	v4 =	vand.u32 $0x7, v4;
	v5 =	vand.u32 $0xFFFFFFC0, v5  }
0x24b: {  	v4 =	vor.u32 v4, v5  }
0x24c: {  	v5 =	vperm.xlane v4, v1;
	_ =	sdelay $0x1  }
0x24d: {  	v5 =	vadd.s32 v2, v5;
	_ =	sdelay $0x4  }
0x24e: {  	[tilespmem:s10], [sflag:$0x1] =	stream.indirect_vreg.gather [hbm4b:s1+s3], $0x80, v5, vm0, $0xb8;
	[tilespmem:$0x11000] =	vst v63  }
0x24f: {  	s22 =	simm.s32 $0x1800;
	v4 =	vperm.xlane v4, v3  }
0x250: {  	[tilespmem:s22], [sflag:$0x1] =	stream.indirect_vreg.gather [hbm4b:s5+s3], $0x80, v5, vm0, $0xb8;
	[tilespmem:$0x11000] =	vst v63  }
0x251: {  	s25 =	simm.s32 $0x2000;
	v4 =	vadd.s32 v2, v4  }
0x252: {  	[tilespmem:s25], [sflag:$0x1] =	stream.indirect_vreg.gather [hbm4b:s6+s3], $0x80, v5, vm0, $0xb8;
	[tilespmem:$0x11000] =	vst v63  }
0x253: {  	s28 =	simm.s32 $0x2800  }
0x254: {  	[tilespmem:s28], [sflag:$0x1] =	stream.indirect_vreg.gather [hbm4b:s7+s3], $0x80, v5, vm0, $0xb8;
	[tilespmem:$0x11000] =	vst v63  }
0x255: {  	s22 =	simm.s32 $0x5000  }
0x256: {  	[tilespmem:s22], [sflag:$0x1] =	stream.indirect_vreg.gather [hbm4b:s1+s3], $0x80, v4, vm0, $0xb8;
	[tilespmem:$0x11000] =	vst v63  }
0x257: {  	s22 =	simm.s32 $0x5800  }
0x258: {  	[tilespmem:s22], [sflag:$0x1] =	stream.indirect_vreg.gather [hbm4b:s5+s3], $0x80, v4, vm0, $0xb8;
	[tilespmem:$0x11000] =	vst v63  }
0x259: {  	s22 =	simm.s32 $0x6000  }
0x25a: {  	[tilespmem:s22], [sflag:$0x1] =	stream.indirect_vreg.gather [hbm4b:s6+s3], $0x80, v4, vm0, $0xb8;
	[tilespmem:$0x11000] =	vst v63  }
0x25b: {  	s22 =	simm.s32 $0x6800  }
0x25c: {  	[tilespmem:s22], [sflag:$0x1] =	stream.indirect_vreg.gather [hbm4b:s7+s3], $0x80, v4, vm0, $0xb8;
	[tilespmem:$0x11000] =	vst v63  }
0x25d: {  	v4 =	vld [tilespmem:$0xA80];
	_ =	sdelay $0x4  }
0x25e: {  	v5 =	vshll.u32 v4, $0x3  }
0x25f: {  	v4 =	vand.u32 $0x7, v4;
	v5 =	vand.u32 $0xFFFFFFC0, v5  }
0x260: {  	v4 =	vor.u32 v4, v5  }
0x261: {  	v5 =	vperm.xlane v4, v1;
	_ =	sdelay $0x1  }
0x262: {  	v5 =	vadd.s32 v2, v5;
	_ =	sdelay $0x3  }
0x263: {  	s22 =	simm.s32 $0x3000  }
0x264: {  	[tilespmem:s22], [sflag:$0x1] =	stream.indirect_vreg.gather [hbm4b:s1+s3], $0x80, v5, vm0, $0xb8;
	[tilespmem:$0x11000] =	vst v63  }
0x265: {  	s24 =	simm.s32 $0x3800;
	v4 =	vperm.xlane v4, v3  }
0x266: {  	[tilespmem:s24], [sflag:$0x1] =	stream.indirect_vreg.gather [hbm4b:s5+s3], $0x80, v5, vm0, $0xb8;
	[tilespmem:$0x11000] =	vst v63  }
0x267: {  	s4 =	simm.s32 $0x4000;
	v4 =	vadd.s32 v2, v4  }
0x268: {  	[tilespmem:s4], [sflag:$0x1] =	stream.indirect_vreg.gather [hbm4b:s6+s3], $0x80, v5, vm0, $0xb8;
	[tilespmem:$0x11000] =	vst v63  }
0x269: {  	s30 =	simm.s32 $0x4800  }
0x26a: {  	[tilespmem:s30], [sflag:$0x1] =	stream.indirect_vreg.gather [hbm4b:s7+s3], $0x80, v5, vm0, $0xb8;
	[tilespmem:$0x11000] =	vst v63  }
0x26b: {  	s31 =	simm.s32 $0x7000  }
0x26c: {  	[tilespmem:s31], [sflag:$0x1] =	stream.indirect_vreg.gather [hbm4b:s1+s3], $0x80, v4, vm0, $0xb8;
	[tilespmem:$0x11000] =	vst v63  }
0x26d: {  	s22 =	simm.s32 $0x7800  }
0x26e: {  	[tilespmem:s22], [sflag:$0x1] =	stream.indirect_vreg.gather [hbm4b:s5+s3], $0x80, v4, vm0, $0xb8;
	[tilespmem:$0x11000] =	vst v63  }
0x26f: {  	s2 =	simm.s32 $0x8000  }
0x270: {  	[tilespmem:s2], [sflag:$0x1] =	stream.indirect_vreg.gather [hbm4b:s6+s3], $0x80, v4, vm0, $0xb8;
	[tilespmem:$0x11000] =	vst v63  }
0x271: {  	s8 =	simm.s32 $0x8800  }
0x272: {  	[tilespmem:s8], [sflag:$0x1] =	stream.indirect_vreg.gather [hbm4b:s7+s3], $0x80, v4, vm0, $0xb8;
	[tilespmem:$0x11000] =	vst v63  }
0x273: {  	_ =	swait.ge [sflag:s20], $0x4000  }
0x274: {  	[sflag:s20] =	ssyncset.done $0x0  }
0x275: {  	[sflag:s20] =	ssyncadd.s32 $0xFFFFC000  }
0x276: {  	_ =	swait.ge [sflag:s20], $0x4000  }
0x277: {  	[sflag:s20] =	ssyncset.done $0x0  }
0x278: {  	s22 =	rddreg [dreg:$0xd];
	[sflag:s20] =	ssyncadd.s32 $0xFFFFC000  }
0x279: {  	[hbm4b:s22+s3] =	stream.linear.scatter [tilespmem:s26], [sflag:$0x4], $0x8000, $0x38;
	[tilespmem:$0x11000] =	vst v63  }
0x27a: {  	_ =	swait.ge [sflag:s21], $0x8000  }
0x27b: {  	[sflag:s21] =	ssyncset.done $0x0  }
0x27c: {  	[sflag:s21] =	ssyncadd.s32 $0xFFFF8000  }
0x27d: {  	v4 =	vld [tilespmem:$0xB00];
	_ =	sdelay $0x4  }
0x27e: {  	v5 =	vshll.u32 v4, $0x3  }
0x27f: {  	v4 =	vand.u32 $0x7, v4;
	v5 =	vand.u32 $0xFFFFFFC0, v5  }
0x280: {  	v4 =	vor.u32 v4, v5  }
0x281: {  	v5 =	vperm.xlane v4, v1;
	_ =	sdelay $0x1  }
0x282: {  	v5 =	vadd.s32 v2, v5;
	_ =	sdelay $0x4  }
0x283: {  	[tilespmem:s26], [sflag:$0x2] =	stream.indirect_vreg.gather [hbm4b:s1+s3], $0x80, v5, vm0, $0xb8;
	[tilespmem:$0x11000] =	vst v63  }
0x284: {  	s22 =	simm.s32 $0x9800;
	v4 =	vperm.xlane v4, v3  }
0x285: {  	[tilespmem:s22], [sflag:$0x2] =	stream.indirect_vreg.gather [hbm4b:s5+s3], $0x80, v5, vm0, $0xb8;
	[tilespmem:$0x11000] =	vst v63  }
0x286: {  	s0 =	simm.s32 $0xA000;
	v4 =	vadd.s32 v2, v4  }
0x287: {  	[tilespmem:s0], [sflag:$0x2] =	stream.indirect_vreg.gather [hbm4b:s6+s3], $0x80, v5, vm0, $0xb8;
	[tilespmem:$0x11000] =	vst v63  }
0x288: {  	s22 =	simm.s32 $0xA800  }
0x289: {  	[tilespmem:s22], [sflag:$0x2] =	stream.indirect_vreg.gather [hbm4b:s7+s3], $0x80, v5, vm0, $0xb8;
	[tilespmem:$0x11000] =	vst v63  }
0x28a: {  	s14 =	simm.s32 $0xD000  }
0x28b: {  	[tilespmem:s14], [sflag:$0x2] =	stream.indirect_vreg.gather [hbm4b:s1+s3], $0x80, v4, vm0, $0xb8;
	[tilespmem:$0x11000] =	vst v63  }
0x28c: {  	s15 =	simm.s32 $0xD800  }
0x28d: {  	[tilespmem:s15], [sflag:$0x2] =	stream.indirect_vreg.gather [hbm4b:s5+s3], $0x80, v4, vm0, $0xb8;
	[tilespmem:$0x11000] =	vst v63  }
0x28e: {  	s29 =	simm.s32 $0xE000  }
0x28f: {  	[tilespmem:s29], [sflag:$0x2] =	stream.indirect_vreg.gather [hbm4b:s6+s3], $0x80, v4, vm0, $0xb8;
	[tilespmem:$0x11000] =	vst v63  }
0x290: {  	s22 =	simm.s32 $0xE800  }
0x291: {  	[tilespmem:s22], [sflag:$0x2] =	stream.indirect_vreg.gather [hbm4b:s7+s3], $0x80, v4, vm0, $0xb8;
	[tilespmem:$0x11000] =	vst v63  }
0x292: {  	v4 =	vld [tilespmem:$0xB80];
	_ =	sdelay $0x4  }
0x293: {  	v5 =	vshll.u32 v4, $0x3  }
0x294: {  	v4 =	vand.u32 $0x7, v4;
	v5 =	vand.u32 $0xFFFFFFC0, v5  }
0x295: {  	v4 =	vor.u32 v4, v5  }
0x296: {  	v5 =	vperm.xlane v4, v1;
	_ =	sdelay $0x1  }
0x297: {  	v5 =	vadd.s32 v2, v5;
	_ =	sdelay $0x3  }
0x298: {  	s22 =	simm.s32 $0xB000  }
0x299: {  	[tilespmem:s22], [sflag:$0x2] =	stream.indirect_vreg.gather [hbm4b:s1+s3], $0x80, v5, vm0, $0xb8;
	[tilespmem:$0x11000] =	vst v63  }
0x29a: {  	s23 =	simm.s32 $0xB800;
	v4 =	vperm.xlane v4, v3  }
0x29b: {  	[tilespmem:s23], [sflag:$0x2] =	stream.indirect_vreg.gather [hbm4b:s5+s3], $0x80, v5, vm0, $0xb8;
	[tilespmem:$0x11000] =	vst v63  }
0x29c: {  	s17 =	simm.s32 $0xC000;
	v4 =	vadd.s32 v2, v4  }
0x29d: {  	[tilespmem:s17], [sflag:$0x2] =	stream.indirect_vreg.gather [hbm4b:s6+s3], $0x80, v5, vm0, $0xb8;
	[tilespmem:$0x11000] =	vst v63  }
0x29e: {  	s16 =	simm.s32 $0xC800  }
0x29f: {  	[tilespmem:s16], [sflag:$0x2] =	stream.indirect_vreg.gather [hbm4b:s7+s3], $0x80, v5, vm0, $0xb8;
	[tilespmem:$0x11000] =	vst v63  }
0x2a0: {  	s9 =	simm.s32 $0xF000  }
0x2a1: {  	[tilespmem:s9], [sflag:$0x2] =	stream.indirect_vreg.gather [hbm4b:s1+s3], $0x80, v4, vm0, $0xb8;
	[tilespmem:$0x11000] =	vst v63  }
0x2a2: {  	s11 =	simm.s32 $0xF800  }
0x2a3: {  	[tilespmem:s11], [sflag:$0x2] =	stream.indirect_vreg.gather [hbm4b:s5+s3], $0x80, v4, vm0, $0xb8;
	[tilespmem:$0x11000] =	vst v63  }
0x2a4: {  	s12 =	simm.s32 $0x10000  }
0x2a5: {  	[tilespmem:s12], [sflag:$0x2] =	stream.indirect_vreg.gather [hbm4b:s6+s3], $0x80, v4, vm0, $0xb8;
	[tilespmem:$0x11000] =	vst v63  }
0x2a6: {  	s13 =	simm.s32 $0x10800  }
0x2a7: {  	[tilespmem:s13], [sflag:$0x2] =	stream.indirect_vreg.gather [hbm4b:s7+s3], $0x80, v4, vm0, $0xb8;
	[tilespmem:$0x11000] =	vst v63  }
0x2a8: {  	_ =	swait.ge [sflag:s18], $0x4000  }
0x2a9: {  	[sflag:s18] =	ssyncset.done $0x0  }
0x2aa: {  	[sflag:s18] =	ssyncadd.s32 $0xFFFFC000  }
0x2ab: {  	_ =	swait.ge [sflag:s18], $0x4000  }
0x2ac: {  	[sflag:s18] =	ssyncset.done $0x0  }
0x2ad: {  	s17 =	rddreg [dreg:$0xe];
	[sflag:s18] =	ssyncadd.s32 $0xFFFFC000  }
0x2ae: {  	[hbm4b:s17+s3] =	stream.linear.scatter [tilespmem:s10], [sflag:$0x3], $0x8000, $0x38;
	[tilespmem:$0x11000] =	vst v63  }
0x2af: {  	_ =	swait.ge [sflag:s19], $0x8000  }
0x2b0: {  	[sflag:s19] =	ssyncset.done $0x0  }
0x2b1: {  	[sflag:s19] =	ssyncadd.s32 $0xFFFF8000  }
0x2b2: {  	v4 =	vld [tilespmem:$0xC00];
	_ =	sdelay $0x4  }
0x2b3: {  	v5 =	vshll.u32 v4, $0x3  }
0x2b4: {  	v4 =	vand.u32 $0x7, v4;
	v5 =	vand.u32 $0xFFFFFFC0, v5  }
0x2b5: {  	v4 =	vor.u32 v4, v5  }
0x2b6: {  	v5 =	vperm.xlane v4, v1;
	_ =	sdelay $0x1  }
0x2b7: {  	v5 =	vadd.s32 v2, v5;
	_ =	sdelay $0x4  }
0x2b8: {  	[tilespmem:s10], [sflag:$0x1] =	stream.indirect_vreg.gather [hbm4b:s1+s3], $0x80, v5, vm0, $0xb8;
	[tilespmem:$0x11000] =	vst v63  }
0x2b9: {  	s23 =	simm.s32 $0x1800;
	v4 =	vperm.xlane v4, v3  }
0x2ba: {  	[tilespmem:s23], [sflag:$0x1] =	stream.indirect_vreg.gather [hbm4b:s5+s3], $0x80, v5, vm0, $0xb8;
	[tilespmem:$0x11000] =	vst v63  }
0x2bb: {  	s25 =	simm.s32 $0x2000;
	v4 =	vadd.s32 v2, v4  }
0x2bc: {  	[tilespmem:s25], [sflag:$0x1] =	stream.indirect_vreg.gather [hbm4b:s6+s3], $0x80, v5, vm0, $0xb8;
	[tilespmem:$0x11000] =	vst v63  }
0x2bd: {  	s28 =	simm.s32 $0x2800  }
0x2be: {  	[tilespmem:s28], [sflag:$0x1] =	stream.indirect_vreg.gather [hbm4b:s7+s3], $0x80, v5, vm0, $0xb8;
	[tilespmem:$0x11000] =	vst v63  }
0x2bf: {  	s28 =	simm.s32 $0x5000  }
0x2c0: {  	[tilespmem:s28], [sflag:$0x1] =	stream.indirect_vreg.gather [hbm4b:s1+s3], $0x80, v4, vm0, $0xb8;
	[tilespmem:$0x11000] =	vst v63  }
0x2c1: {  	s16 =	simm.s32 $0x5800  }
0x2c2: {  	[tilespmem:s16], [sflag:$0x1] =	stream.indirect_vreg.gather [hbm4b:s5+s3], $0x80, v4, vm0, $0xb8;
	[tilespmem:$0x11000] =	vst v63  }
0x2c3: {  	s22 =	simm.s32 $0x6000  }
0x2c4: {  	[tilespmem:s22], [sflag:$0x1] =	stream.indirect_vreg.gather [hbm4b:s6+s3], $0x80, v4, vm0, $0xb8;
	[tilespmem:$0x11000] =	vst v63  }
0x2c5: {  	s25 =	simm.s32 $0x6800  }
0x2c6: {  	[tilespmem:s25], [sflag:$0x1] =	stream.indirect_vreg.gather [hbm4b:s7+s3], $0x80, v4, vm0, $0xb8;
	[tilespmem:$0x11000] =	vst v63  }
0x2c7: {  	v4 =	vld [tilespmem:$0xC80];
	_ =	sdelay $0x4  }
0x2c8: {  	v5 =	vshll.u32 v4, $0x3  }
0x2c9: {  	v4 =	vand.u32 $0x7, v4;
	v5 =	vand.u32 $0xFFFFFFC0, v5  }
0x2ca: {  	v4 =	vor.u32 v4, v5  }
0x2cb: {  	v5 =	vperm.xlane v4, v1;
	_ =	sdelay $0x1  }
0x2cc: {  	v5 =	vadd.s32 v2, v5;
	_ =	sdelay $0x3  }
0x2cd: {  	s28 =	simm.s32 $0x3000  }
0x2ce: {  	[tilespmem:s28], [sflag:$0x1] =	stream.indirect_vreg.gather [hbm4b:s1+s3], $0x80, v5, vm0, $0xb8;
	[tilespmem:$0x11000] =	vst v63  }
0x2cf: {  	s24 =	simm.s32 $0x3800;
	v4 =	vperm.xlane v4, v3  }
0x2d0: {  	[tilespmem:s24], [sflag:$0x1] =	stream.indirect_vreg.gather [hbm4b:s5+s3], $0x80, v5, vm0, $0xb8;
	[tilespmem:$0x11000] =	vst v63  }
0x2d1: {  	s4 =	simm.s32 $0x4000;
	v4 =	vadd.s32 v2, v4  }
0x2d2: {  	[tilespmem:s4], [sflag:$0x1] =	stream.indirect_vreg.gather [hbm4b:s6+s3], $0x80, v5, vm0, $0xb8;
	[tilespmem:$0x11000] =	vst v63  }
0x2d3: {  	s30 =	simm.s32 $0x4800  }
0x2d4: {  	[tilespmem:s30], [sflag:$0x1] =	stream.indirect_vreg.gather [hbm4b:s7+s3], $0x80, v5, vm0, $0xb8;
	[tilespmem:$0x11000] =	vst v63  }
0x2d5: {  	s31 =	simm.s32 $0x7000  }
0x2d6: {  	[tilespmem:s31], [sflag:$0x1] =	stream.indirect_vreg.gather [hbm4b:s1+s3], $0x80, v4, vm0, $0xb8;
	[tilespmem:$0x11000] =	vst v63  }
0x2d7: {  	s31 =	simm.s32 $0x7800  }
0x2d8: {  	[tilespmem:s31], [sflag:$0x1] =	stream.indirect_vreg.gather [hbm4b:s5+s3], $0x80, v4, vm0, $0xb8;
	[tilespmem:$0x11000] =	vst v63  }
0x2d9: {  	s2 =	simm.s32 $0x8000  }
0x2da: {  	[tilespmem:s2], [sflag:$0x1] =	stream.indirect_vreg.gather [hbm4b:s6+s3], $0x80, v4, vm0, $0xb8;
	[tilespmem:$0x11000] =	vst v63  }
0x2db: {  	s8 =	simm.s32 $0x8800  }
0x2dc: {  	[tilespmem:s8], [sflag:$0x1] =	stream.indirect_vreg.gather [hbm4b:s7+s3], $0x80, v4, vm0, $0xb8;
	[tilespmem:$0x11000] =	vst v63  }
0x2dd: {  	_ =	swait.ge [sflag:s20], $0x4000  }
0x2de: {  	[sflag:s20] =	ssyncset.done $0x0  }
0x2df: {  	[sflag:s20] =	ssyncadd.s32 $0xFFFFC000  }
0x2e0: {  	_ =	swait.ge [sflag:s20], $0x4000  }
0x2e1: {  	[sflag:s20] =	ssyncset.done $0x0  }
0x2e2: {  	s8 =	rddreg [dreg:$0xf];
	[sflag:s20] =	ssyncadd.s32 $0xFFFFC000  }
0x2e3: {  	[hbm4b:s8+s3] =	stream.linear.scatter [tilespmem:s26], [sflag:$0x4], $0x8000, $0x38;
	[tilespmem:$0x11000] =	vst v63  }
0x2e4: {  	_ =	swait.ge [sflag:s21], $0x8000  }
0x2e5: {  	[sflag:s21] =	ssyncset.done $0x0  }
0x2e6: {  	[sflag:s21] =	ssyncadd.s32 $0xFFFF8000  }
0x2e7: {  	v4 =	vld [tilespmem:$0xD00];
	_ =	sdelay $0x4  }
0x2e8: {  	v5 =	vshll.u32 v4, $0x3  }
0x2e9: {  	v4 =	vand.u32 $0x7, v4;
	v5 =	vand.u32 $0xFFFFFFC0, v5  }
0x2ea: {  	v4 =	vor.u32 v4, v5  }
0x2eb: {  	v5 =	vperm.xlane v4, v1;
	_ =	sdelay $0x1  }
0x2ec: {  	v5 =	vadd.s32 v2, v5;
	_ =	sdelay $0x4  }
0x2ed: {  	[tilespmem:s26], [sflag:$0x2] =	stream.indirect_vreg.gather [hbm4b:s1+s3], $0x80, v5, vm0, $0xb8;
	[tilespmem:$0x11000] =	vst v63  }
0x2ee: {  	s13 =	simm.s32 $0x9800;
	v4 =	vperm.xlane v4, v3  }
0x2ef: {  	[tilespmem:s13], [sflag:$0x2] =	stream.indirect_vreg.gather [hbm4b:s5+s3], $0x80, v5, vm0, $0xb8;
	[tilespmem:$0x11000] =	vst v63  }
0x2f0: {  	s0 =	simm.s32 $0xA000;
	v4 =	vadd.s32 v2, v4  }
0x2f1: {  	[tilespmem:s0], [sflag:$0x2] =	stream.indirect_vreg.gather [hbm4b:s6+s3], $0x80, v5, vm0, $0xb8;
	[tilespmem:$0x11000] =	vst v63  }
0x2f2: {  	s22 =	simm.s32 $0xA800  }
0x2f3: {  	[tilespmem:s22], [sflag:$0x2] =	stream.indirect_vreg.gather [hbm4b:s7+s3], $0x80, v5, vm0, $0xb8;
	[tilespmem:$0x11000] =	vst v63  }
0x2f4: {  	s14 =	simm.s32 $0xD000  }
0x2f5: {  	[tilespmem:s14], [sflag:$0x2] =	stream.indirect_vreg.gather [hbm4b:s1+s3], $0x80, v4, vm0, $0xb8;
	[tilespmem:$0x11000] =	vst v63  }
0x2f6: {  	s15 =	simm.s32 $0xD800  }
0x2f7: {  	[tilespmem:s15], [sflag:$0x2] =	stream.indirect_vreg.gather [hbm4b:s5+s3], $0x80, v4, vm0, $0xb8;
	[tilespmem:$0x11000] =	vst v63  }
0x2f8: {  	s29 =	simm.s32 $0xE000  }
0x2f9: {  	[tilespmem:s29], [sflag:$0x2] =	stream.indirect_vreg.gather [hbm4b:s6+s3], $0x80, v4, vm0, $0xb8;
	[tilespmem:$0x11000] =	vst v63  }
0x2fa: {  	s29 =	simm.s32 $0xE800  }
0x2fb: {  	[tilespmem:s29], [sflag:$0x2] =	stream.indirect_vreg.gather [hbm4b:s7+s3], $0x80, v4, vm0, $0xb8;
	[tilespmem:$0x11000] =	vst v63  }
0x2fc: {  	v4 =	vld [tilespmem:$0xD80];
	_ =	sdelay $0x4  }
0x2fd: {  	v5 =	vshll.u32 v4, $0x3  }
0x2fe: {  	v4 =	vand.u32 $0x7, v4;
	v5 =	vand.u32 $0xFFFFFFC0, v5  }
0x2ff: {  	v4 =	vor.u32 v4, v5  }
0x300: {  	v5 =	vperm.xlane v4, v1;
	_ =	sdelay $0x1  }
0x301: {  	v5 =	vadd.s32 v2, v5;
	_ =	sdelay $0x3  }
0x302: {  	s22 =	simm.s32 $0xB000  }
0x303: {  	[tilespmem:s22], [sflag:$0x2] =	stream.indirect_vreg.gather [hbm4b:s1+s3], $0x80, v5, vm0, $0xb8;
	[tilespmem:$0x11000] =	vst v63  }
0x304: {  	s29 =	simm.s32 $0xB800;
	v4 =	vperm.xlane v4, v3  }
0x305: {  	[tilespmem:s29], [sflag:$0x2] =	stream.indirect_vreg.gather [hbm4b:s5+s3], $0x80, v5, vm0, $0xb8;
	[tilespmem:$0x11000] =	vst v63  }
0x306: {  	v4 =	vadd.s32 v2, v4;
	s22 =	simm.s32 $0xC000  }
0x307: {  	[tilespmem:s22], [sflag:$0x2] =	stream.indirect_vreg.gather [hbm4b:s6+s3], $0x80, v5, vm0, $0xb8;
	[tilespmem:$0x11000] =	vst v63  }
0x308: {  	s29 =	simm.s32 $0xC800  }
0x309: {  	[tilespmem:s29], [sflag:$0x2] =	stream.indirect_vreg.gather [hbm4b:s7+s3], $0x80, v5, vm0, $0xb8;
	[tilespmem:$0x11000] =	vst v63  }
0x30a: {  	s9 =	simm.s32 $0xF000  }
0x30b: {  	[tilespmem:s9], [sflag:$0x2] =	stream.indirect_vreg.gather [hbm4b:s1+s3], $0x80, v4, vm0, $0xb8;
	[tilespmem:$0x11000] =	vst v63  }
0x30c: {  	s11 =	simm.s32 $0xF800  }
0x30d: {  	[tilespmem:s11], [sflag:$0x2] =	stream.indirect_vreg.gather [hbm4b:s5+s3], $0x80, v4, vm0, $0xb8;
	[tilespmem:$0x11000] =	vst v63  }
0x30e: {  	s12 =	simm.s32 $0x10000  }
0x30f: {  	[tilespmem:s12], [sflag:$0x2] =	stream.indirect_vreg.gather [hbm4b:s6+s3], $0x80, v4, vm0, $0xb8;
	[tilespmem:$0x11000] =	vst v63  }
0x310: {  	s22 =	simm.s32 $0x10800  }
0x311: {  	[tilespmem:s22], [sflag:$0x2] =	stream.indirect_vreg.gather [hbm4b:s7+s3], $0x80, v4, vm0, $0xb8;
	[tilespmem:$0x11000] =	vst v63  }
0x312: {  	_ =	swait.ge [sflag:s18], $0x4000  }
0x313: {  	[sflag:s18] =	ssyncset.done $0x0  }
0x314: {  	[sflag:s18] =	ssyncadd.s32 $0xFFFFC000  }
0x315: {  	_ =	swait.ge [sflag:s18], $0x4000  }
0x316: {  	[sflag:s18] =	ssyncset.done $0x0  }
0x317: {  	s22 =	rddreg [dreg:$0x10];
	[sflag:s18] =	ssyncadd.s32 $0xFFFFC000  }
0x318: {  	[hbm4b:s22+s3] =	stream.linear.scatter [tilespmem:s10], [sflag:$0x3], $0x8000, $0x38;
	[tilespmem:$0x11000] =	vst v63  }
0x319: {  	_ =	swait.ge [sflag:s19], $0x8000  }
0x31a: {  	[sflag:s19] =	ssyncset.done $0x0  }
0x31b: {  	[sflag:s19] =	ssyncadd.s32 $0xFFFF8000  }
0x31c: {  	v4 =	vld [tilespmem:$0xE00];
	_ =	sdelay $0x4  }
0x31d: {  	v5 =	vshll.u32 v4, $0x3  }
0x31e: {  	v4 =	vand.u32 $0x7, v4;
	v5 =	vand.u32 $0xFFFFFFC0, v5  }
0x31f: {  	v4 =	vor.u32 v4, v5  }
0x320: {  	v5 =	vperm.xlane v4, v1;
	_ =	sdelay $0x1  }
0x321: {  	v5 =	vadd.s32 v2, v5;
	_ =	sdelay $0x4  }
0x322: {  	[tilespmem:s10], [sflag:$0x1] =	stream.indirect_vreg.gather [hbm4b:s1+s3], $0x80, v5, vm0, $0xb8;
	[tilespmem:$0x11000] =	vst v63  }
0x323: {  	s22 =	simm.s32 $0x1800;
	v4 =	vperm.xlane v4, v3  }
0x324: {  	[tilespmem:s22], [sflag:$0x1] =	stream.indirect_vreg.gather [hbm4b:s5+s3], $0x80, v5, vm0, $0xb8;
	[tilespmem:$0x11000] =	vst v63  }
0x325: {  	s17 =	simm.s32 $0x2000;
	v4 =	vadd.s32 v2, v4  }
0x326: {  	[tilespmem:s17], [sflag:$0x1] =	stream.indirect_vreg.gather [hbm4b:s6+s3], $0x80, v5, vm0, $0xb8;
	[tilespmem:$0x11000] =	vst v63  }
0x327: {  	s23 =	simm.s32 $0x2800  }
0x328: {  	[tilespmem:s23], [sflag:$0x1] =	stream.indirect_vreg.gather [hbm4b:s7+s3], $0x80, v5, vm0, $0xb8;
	[tilespmem:$0x11000] =	vst v63  }
0x329: {  	s23 =	simm.s32 $0x5000  }
0x32a: {  	[tilespmem:s23], [sflag:$0x1] =	stream.indirect_vreg.gather [hbm4b:s1+s3], $0x80, v4, vm0, $0xb8;
	[tilespmem:$0x11000] =	vst v63  }
0x32b: {  	s22 =	simm.s32 $0x5800  }
0x32c: {  	[tilespmem:s22], [sflag:$0x1] =	stream.indirect_vreg.gather [hbm4b:s5+s3], $0x80, v4, vm0, $0xb8;
	[tilespmem:$0x11000] =	vst v63  }
0x32d: {  	s23 =	simm.s32 $0x6000  }
0x32e: {  	[tilespmem:s23], [sflag:$0x1] =	stream.indirect_vreg.gather [hbm4b:s6+s3], $0x80, v4, vm0, $0xb8;
	[tilespmem:$0x11000] =	vst v63  }
0x32f: {  	s22 =	simm.s32 $0x6800  }
0x330: {  	[tilespmem:s22], [sflag:$0x1] =	stream.indirect_vreg.gather [hbm4b:s7+s3], $0x80, v4, vm0, $0xb8;
	[tilespmem:$0x11000] =	vst v63  }
0x331: {  	v4 =	vld [tilespmem:$0xE80];
	_ =	sdelay $0x4  }
0x332: {  	v5 =	vshll.u32 v4, $0x3  }
0x333: {  	v4 =	vand.u32 $0x7, v4;
	v5 =	vand.u32 $0xFFFFFFC0, v5  }
0x334: {  	v4 =	vor.u32 v4, v5  }
0x335: {  	v5 =	vperm.xlane v4, v1;
	_ =	sdelay $0x1  }
0x336: {  	v5 =	vadd.s32 v2, v5;
	_ =	sdelay $0x3  }
0x337: {  	s23 =	simm.s32 $0x3000  }
0x338: {  	[tilespmem:s23], [sflag:$0x1] =	stream.indirect_vreg.gather [hbm4b:s1+s3], $0x80, v5, vm0, $0xb8;
	[tilespmem:$0x11000] =	vst v63  }
0x339: {  	s16 =	simm.s32 $0x3800;
	v4 =	vperm.xlane v4, v3  }
0x33a: {  	[tilespmem:s16], [sflag:$0x1] =	stream.indirect_vreg.gather [hbm4b:s5+s3], $0x80, v5, vm0, $0xb8;
	[tilespmem:$0x11000] =	vst v63  }
0x33b: {  	s24 =	simm.s32 $0x4000;
	v4 =	vadd.s32 v2, v4  }
0x33c: {  	[tilespmem:s24], [sflag:$0x1] =	stream.indirect_vreg.gather [hbm4b:s6+s3], $0x80, v5, vm0, $0xb8;
	[tilespmem:$0x11000] =	vst v63  }
0x33d: {  	s25 =	simm.s32 $0x4800  }
0x33e: {  	[tilespmem:s25], [sflag:$0x1] =	stream.indirect_vreg.gather [hbm4b:s7+s3], $0x80, v5, vm0, $0xb8;
	[tilespmem:$0x11000] =	vst v63  }
0x33f: {  	s28 =	simm.s32 $0x7000  }
0x340: {  	[tilespmem:s28], [sflag:$0x1] =	stream.indirect_vreg.gather [hbm4b:s1+s3], $0x80, v4, vm0, $0xb8;
	[tilespmem:$0x11000] =	vst v63  }
0x341: {  	s30 =	simm.s32 $0x7800  }
0x342: {  	[tilespmem:s30], [sflag:$0x1] =	stream.indirect_vreg.gather [hbm4b:s5+s3], $0x80, v4, vm0, $0xb8;
	[tilespmem:$0x11000] =	vst v63  }
0x343: {  	s4 =	simm.s32 $0x8000  }
0x344: {  	[tilespmem:s4], [sflag:$0x1] =	stream.indirect_vreg.gather [hbm4b:s6+s3], $0x80, v4, vm0, $0xb8;
	[tilespmem:$0x11000] =	vst v63  }
0x345: {  	s2 =	simm.s32 $0x8800  }
0x346: {  	[tilespmem:s2], [sflag:$0x1] =	stream.indirect_vreg.gather [hbm4b:s7+s3], $0x80, v4, vm0, $0xb8;
	[tilespmem:$0x11000] =	vst v63  }
0x347: {  	_ =	swait.ge [sflag:s20], $0x4000  }
0x348: {  	[sflag:s20] =	ssyncset.done $0x0  }
0x349: {  	[sflag:s20] =	ssyncadd.s32 $0xFFFFC000  }
0x34a: {  	_ =	swait.ge [sflag:s20], $0x4000  }
0x34b: {  	[sflag:s20] =	ssyncset.done $0x0  }
0x34c: {  	s4 =	rddreg [dreg:$0x11];
	[sflag:s20] =	ssyncadd.s32 $0xFFFFC000  }
0x34d: {  	[hbm4b:s4+s3] =	stream.linear.scatter [tilespmem:s26], [sflag:$0x4], $0x8000, $0x38;
	[tilespmem:$0x11000] =	vst v63  }
0x34e: {  	_ =	swait.ge [sflag:s21], $0x8000  }
0x34f: {  	[sflag:s21] =	ssyncset.done $0x0  }
0x350: {  	[sflag:s21] =	ssyncadd.s32 $0xFFFF8000  }
0x351: {  	v4 =	vld [tilespmem:$0xF00];
	_ =	sdelay $0x4  }
0x352: {  	v5 =	vshll.u32 v4, $0x3  }
0x353: {  	v4 =	vand.u32 $0x7, v4;
	v5 =	vand.u32 $0xFFFFFFC0, v5  }
0x354: {  	v4 =	vor.u32 v4, v5  }
0x355: {  	v5 =	vperm.xlane v4, v1;
	_ =	sdelay $0x1  }
0x356: {  	v5 =	vadd.s32 v2, v5;
	_ =	sdelay $0x4  }
0x357: {  	[tilespmem:s26], [sflag:$0x2] =	stream.indirect_vreg.gather [hbm4b:s1+s3], $0x80, v5, vm0, $0xb8;
	[tilespmem:$0x11000] =	vst v63  }
0x358: {  	s16 =	simm.s32 $0x9800;
	v4 =	vperm.xlane v4, v3  }
0x359: {  	[tilespmem:s16], [sflag:$0x2] =	stream.indirect_vreg.gather [hbm4b:s5+s3], $0x80, v5, vm0, $0xb8;
	[tilespmem:$0x11000] =	vst v63  }
0x35a: {  	s13 =	simm.s32 $0xA000;
	v4 =	vadd.s32 v2, v4  }
0x35b: {  	[tilespmem:s13], [sflag:$0x2] =	stream.indirect_vreg.gather [hbm4b:s6+s3], $0x80, v5, vm0, $0xb8;
	[tilespmem:$0x11000] =	vst v63  }
0x35c: {  	s31 =	simm.s32 $0xA800  }
0x35d: {  	[tilespmem:s31], [sflag:$0x2] =	stream.indirect_vreg.gather [hbm4b:s7+s3], $0x80, v5, vm0, $0xb8;
	[tilespmem:$0x11000] =	vst v63  }
0x35e: {  	s0 =	simm.s32 $0xD000  }
0x35f: {  	[tilespmem:s0], [sflag:$0x2] =	stream.indirect_vreg.gather [hbm4b:s1+s3], $0x80, v4, vm0, $0xb8;
	[tilespmem:$0x11000] =	vst v63  }
0x360: {  	s8 =	simm.s32 $0xD800  }
0x361: {  	[tilespmem:s8], [sflag:$0x2] =	stream.indirect_vreg.gather [hbm4b:s5+s3], $0x80, v4, vm0, $0xb8;
	[tilespmem:$0x11000] =	vst v63  }
0x362: {  	s14 =	simm.s32 $0xE000  }
0x363: {  	[tilespmem:s14], [sflag:$0x2] =	stream.indirect_vreg.gather [hbm4b:s6+s3], $0x80, v4, vm0, $0xb8;
	[tilespmem:$0x11000] =	vst v63  }
0x364: {  	s23 =	simm.s32 $0xE800  }
0x365: {  	[tilespmem:s23], [sflag:$0x2] =	stream.indirect_vreg.gather [hbm4b:s7+s3], $0x80, v4, vm0, $0xb8;
	[tilespmem:$0x11000] =	vst v63  }
0x366: {  	v4 =	vld [tilespmem:$0xF80];
	_ =	sdelay $0x4  }
0x367: {  	v5 =	vshll.u32 v4, $0x3  }
0x368: {  	v4 =	vand.u32 $0x7, v4;
	v5 =	vand.u32 $0xFFFFFFC0, v5  }
0x369: {  	v4 =	vor.u32 v4, v5  }
0x36a: {  	v5 =	vperm.xlane v4, v1;
	_ =	sdelay $0x1  }
0x36b: {  	v5 =	vadd.s32 v2, v5;
	_ =	sdelay $0x3  }
0x36c: {  	s24 =	simm.s32 $0xB000  }
0x36d: {  	[tilespmem:s24], [sflag:$0x2] =	stream.indirect_vreg.gather [hbm4b:s1+s3], $0x80, v5, vm0, $0xb8;
	[tilespmem:$0x11000] =	vst v63  }
0x36e: {  	s25 =	simm.s32 $0xB800;
	v4 =	vperm.xlane v4, v3  }
0x36f: {  	[tilespmem:s25], [sflag:$0x2] =	stream.indirect_vreg.gather [hbm4b:s5+s3], $0x80, v5, vm0, $0xb8;
	[tilespmem:$0x11000] =	vst v63  }
0x370: {  	s28 =	simm.s32 $0xC000;
	v4 =	vadd.s32 v2, v4  }
0x371: {  	[tilespmem:s28], [sflag:$0x2] =	stream.indirect_vreg.gather [hbm4b:s6+s3], $0x80, v5, vm0, $0xb8;
	[tilespmem:$0x11000] =	vst v63  }
0x372: {  	s29 =	simm.s32 $0xC800  }
0x373: {  	[tilespmem:s29], [sflag:$0x2] =	stream.indirect_vreg.gather [hbm4b:s7+s3], $0x80, v5, vm0, $0xb8;
	[tilespmem:$0x11000] =	vst v63  }
0x374: {  	s15 =	simm.s32 $0xF000  }
0x375: {  	[tilespmem:s15], [sflag:$0x2] =	stream.indirect_vreg.gather [hbm4b:s1+s3], $0x80, v4, vm0, $0xb8;
	[tilespmem:$0x11000] =	vst v63  }
0x376: {  	s9 =	simm.s32 $0xF800  }
0x377: {  	[tilespmem:s9], [sflag:$0x2] =	stream.indirect_vreg.gather [hbm4b:s5+s3], $0x80, v4, vm0, $0xb8;
	[tilespmem:$0x11000] =	vst v63  }
0x378: {  	s11 =	simm.s32 $0x10000  }
0x379: {  	[tilespmem:s11], [sflag:$0x2] =	stream.indirect_vreg.gather [hbm4b:s6+s3], $0x80, v4, vm0, $0xb8;
	[tilespmem:$0x11000] =	vst v63  }
0x37a: {  	s12 =	simm.s32 $0x10800  }
0x37b: {  	[tilespmem:s12], [sflag:$0x2] =	stream.indirect_vreg.gather [hbm4b:s7+s3], $0x80, v4, vm0, $0xb8;
	[tilespmem:$0x11000] =	vst v63  }
0x37c: {  	s17 =	rddreg [dreg:$0x15];
	_ =	swait.ge [sflag:s18], $0x4000  }
0x37d: {  	[sflag:s18] =	ssyncset.done $0x0  }
0x37e: {  	[sflag:s18] =	ssyncadd.s32 $0xFFFFC000  }
0x37f: {  	_ =	swait.ge [sflag:s18], $0x4000  }
0x380: {  	[sflag:s18] =	ssyncset.done $0x0  }
0x381: {  	s30 =	rddreg [dreg:$0x12];
	[sflag:s18] =	ssyncadd.s32 $0xFFFFC000  }
0x382: {  	[hbm4b:s30+s3] =	stream.linear.scatter [tilespmem:s10], [sflag:$0x3], $0x8000, $0x38;
	[tilespmem:$0x11000] =	vst v63  }
0x383: {  	_ =	swait.ge [sflag:s20], $0x4000  }
0x384: {  	[sflag:s20] =	ssyncset.done $0x0  }
0x385: {  	[sflag:s20] =	ssyncadd.s32 $0xFFFFC000  }
0x386: {  	_ =	swait.ge [sflag:s20], $0x4000  }
0x387: {  	[sflag:s20] =	ssyncset.done $0x0  }
0x388: {  	s31 =	rddreg [dreg:$0x13];
	[sflag:s20] =	ssyncadd.s32 $0xFFFFC000  }
0x389: {  	[hbm4b:s31+s3] =	stream.linear.scatter [tilespmem:s26], [sflag:$0x4], $0x8000, $0x38;
	[tilespmem:$0x11000] =	vst v63  }
0x38a: {  	p0 =	sne.s32 s17, $0x1;
	_ =	swait.ge [sflag:s19], $0x8000  }
.Ltmp0:
0x38b: {  	[sflag:s19] =	ssyncset.done $0x0;
	(pc) =	sbr.rel @p0 .LBB2_1-.Ltmp0, $4  }
0x38c: {  	[sflag:s19] =	ssyncadd.s32 $0xFFFF8000  }
0x38d: {  	_ =	swait.ge [sflag:s21], $0x8000  }
0x38e: {  	[sflag:s21] =	ssyncset.done $0x0  }
0x38f: {  	s0 =	sadd.s32 $0xFFFFFFFF, s17;
	[sflag:s21] =	ssyncadd.s32 $0xFFFF8000  }
0x390: {  	_ =	sfence.sel $0x180000  }
0x391: {  	[bflag:$0x0] =	sbarrier.arrive $0xFFFF  }
0x392: {  	_ =	strace $0x90000047  }
0x393: {  	s0 =	stileid.u32;
	[bflag:$0x2] =	sbarrier.arrive $0xFFFF  }
0x394: {  	p0 =	sne.s32 s0, $0x0;
	s0 =	rddreg [dreg:$0x3]  }
0x395: {  	s0 =	sadd.s32 @!p0 $0x100000, s0  }
0x396: {  	[sflag:s0] =	ssyncadd.tile.s32 @!p0 $0x1;
	_ =	shalt  }
.Lfunc_end2:
_tile_overlayer_lowered:
.L_overlay_start_2:
0x397: {  	(tag) =	ssettag $0x2  }
0x398: {  	s0 =	rddreg [dreg:$0x0];
	s2 =	stileid.u32  }
0x399: {  	s1 =	rddreg [dreg:$0x1];
	p0 =	sne.s32 s2, $0x0  }
0x39a: {  	s3 =	rddreg [dreg:$0x2];
	[bflag:$0x3] =	sbarrier.arrive $0xFFFF;
	s2 =	simm.s32 @!p0 $0x1C05  }
0x39b: {  	[timem:s3], [sflag:s2] =	dma.local @!p0 [hbm:s0], s1  }
0x39c: {  	s0 =	simm.s32 @!p0 $0x5  }
0x39d: {  	_ =	swait.ge @!p0 [sflag:s0], s1  }
0x39e: {  	s1 =	ssub.s32 @!p0 $0x0, s1;
	[sflag:s0] =	ssyncset.done @!p0 $0x0  }
0x39f: {  	[sflag:s0] =	ssyncadd.s32 @!p0 s1  }
0x3a0: {  	[bflag:$0x3] =	sbarrier.arrive $0xFFFF  }
0x3a1: {  	_ =	shalt  }

</sc_bundles>
